<compile_context>
chip_gen: v7x
topology: tpu7x:2x2x1
jax: 0.10.2.dev20260603
libtpu: 0.0.44.dev20260713+nightly
codegen_flags: <defaults>
</compile_context>

<pallas_src>
import functools

import jax
import jax.numpy as jnp
from jax import lax
from jax.experimental import pallas as pl
from jax.experimental.pallas import tpu as pltpu
from jax.experimental.pallas import tpu_sc as plsc

N_WORKERS = 32
LANES = 16
IDX_CHUNK = 128
BLOCK_FACES = 640
ROW_W = 8


def _face_normals_sc(n_verts, n_faces):
  fpw0 = (n_faces // N_WORKERS) // 8 * 8
  fpw_last = n_faces - (N_WORKERS - 1) * fpw0
  n_blocks = -(-fpw_last // BLOCK_FACES)
  fpw_pad = n_blocks * BLOCK_FACES
  blk_idx = BLOCK_FACES * 3
  n_chunks = blk_idx // IDX_CHUNK
  n_iters = BLOCK_FACES // LANES
  tail = fpw_last - fpw0
  last_blk = fpw0 - (n_blocks - 1) * BLOCK_FACES

  mesh = plsc.VectorSubcoreMesh(core_axis_name="c", subcore_axis_name="s")

  @functools.partial(
      pl.kernel,
      mesh=mesh,
      compiler_params=pltpu.CompilerParams(
          needs_layout_passes=False, use_tc_tiling_on_sc=False),
      out_type=jax.ShapeDtypeStruct((n_faces, 3), jnp.float32),
      scratch_types=[
          pltpu.VMEM((fpw_pad * 3 + 272,), jnp.int32),
          pltpu.VMEM((blk_idx, ROW_W), jnp.float32),
          pltpu.VMEM((blk_idx, ROW_W), jnp.float32),
          pltpu.VMEM((BLOCK_FACES, 3), jnp.float32),
          pltpu.VMEM((BLOCK_FACES, 3), jnp.float32),
          pltpu.SemaphoreType.DMA,
          pltpu.SemaphoreType.DMA,
          pltpu.SemaphoreType.DMA,
          pltpu.SemaphoreType.DMA,
      ],
  )
  def k(vert_hbm, faces_hbm, out_hbm,
        idx_v, rows0, rows1, ob0, ob1, sem0, sem1, os0, os1):
    sid = lax.axis_index("s")
    cid = lax.axis_index("c")
    wid = sid * 2 + cid
    fbase = wid * fpw0
    shift = jnp.where(wid == N_WORKERS - 1,
                      (fpw_pad - fpw_last) * 3, 0)
    rows = (rows0, rows1)
    sems = (sem0, sem1)
    obufs = (ob0, ob1)
    osems = (os0, os1)

    pltpu.sync_copy(faces_hbm.at[pl.ds(fbase * 3 - shift, fpw_pad * 3)],
                    idx_v.at[pl.ds(0, fpw_pad * 3)])

    iota = lax.iota(jnp.int32, LANES)
    c0 = jnp.zeros((LANES,), jnp.int32)
    c1 = c0 + 1
    c2 = c0 + 2

    zeros16 = jnp.zeros((LANES,), jnp.int32)
    def zfill(i, _):
      plsc.store_scatter(idx_v, [fpw_pad * 3 + i * LANES + iota], zeros16)
      return _
    lax.fori_loop(0, 272 // LANES, zfill, None)

    def fire_block(b):
      buf, sem = rows[b % 2], sems[b % 2]
      def fire(c, _):
        src = vert_hbm.at[idx_v.at[pl.ds(shift + b * blk_idx + c * IDX_CHUNK,
                                         IDX_CHUNK)]]
        pltpu.async_copy(src, buf.at[pl.ds(c * IDX_CHUNK, IDX_CHUNK)], sem)
        return _
      lax.fori_loop(0, n_chunks, fire, None)

    def drain_block(b):
      buf, sem = rows[b % 2], sems[b % 2]
      def drain(c, _):
        src = vert_hbm.at[idx_v.at[pl.ds(shift + b * blk_idx + c * IDX_CHUNK,
                                         IDX_CHUNK)]]
        pltpu.make_async_copy(
            src, buf.at[pl.ds(c * IDX_CHUNK, IDX_CHUNK)], sem).wait()
        return _
      lax.fori_loop(0, n_chunks, drain, None)

    def compute_block(b):
      buf = rows[b % 2]
      obuf = obufs[b % 2]

      def body(i, _):
        lf = i * LANES + iota
        lf3 = lf * 3
        v0x = plsc.load_gather(buf, [lf3, c0])
        v0y = plsc.load_gather(buf, [lf3, c1])
        v0z = plsc.load_gather(buf, [lf3, c2])
        v1x = plsc.load_gather(buf, [lf3 + 1, c0])
        v1y = plsc.load_gather(buf, [lf3 + 1, c1])
        v1z = plsc.load_gather(buf, [lf3 + 1, c2])
        v2x = plsc.load_gather(buf, [lf3 + 2, c0])
        v2y = plsc.load_gather(buf, [lf3 + 2, c1])
        v2z = plsc.load_gather(buf, [lf3 + 2, c2])
        e1x, e1y, e1z = v1x - v0x, v1y - v0y, v1z - v0z
        e2x, e2y, e2z = v2x - v0x, v2y - v0y, v2z - v0z
        nx = e1y * e2z - e1z * e2y
        ny = e1z * e2x - e1x * e2z
        nz = e1x * e2y - e1y * e2x
        s = nx * nx + ny * ny + nz * nz
        bi = jnp.int32(0x5F3759DF) - lax.shift_right_logical(
            plsc.bitcast(s, jnp.int32), 1)
        y = plsc.bitcast(bi, jnp.float32)
        half_s = 0.5 * s
        y = y * (1.5 - half_s * y * y)
        y = y * (1.5 - half_s * y * y)
        y = y * (1.5 - half_s * y * y)
        norm = s * y
        r = 1.0 / jnp.maximum(norm, 1e-6)
        plsc.store_scatter(obuf, [lf, c0], nx * r)
        plsc.store_scatter(obuf, [lf, c1], ny * r)
        plsc.store_scatter(obuf, [lf, c2], nz * r)
        return _
      lax.fori_loop(0, n_iters, body, None)

    def out_copy(b):
      nrows = BLOCK_FACES if b < n_blocks - 1 else last_blk
      obuf = obufs[b % 2]
      return pltpu.make_async_copy(
          obuf.at[pl.ds(0, nrows)],
          out_hbm.at[pl.ds(fbase + b * BLOCK_FACES, nrows)],
          osems[b % 2])

    fire_block(0)
    for b in range(n_blocks):
      if b + 1 < n_blocks:
        fire_block(b + 1)
      drain_block(b)
      if b >= 2:
        out_copy(b - 2).wait()
      compute_block(b)
      out_copy(b).start()
    out_copy(n_blocks - 2).wait()
    out_copy(n_blocks - 1).wait()

    @pl.when(wid == N_WORKERS - 1)
    def _():
      obuf = obufs[(n_blocks - 1) % 2]
      pltpu.sync_copy(obuf.at[pl.ds(last_blk, tail)],
                      out_hbm.at[pl.ds(fbase + fpw0, tail)])

  return k


def kernel(vertices, faces):
  n_verts = vertices.shape[1]
  n_faces = faces.shape[0]
  k = _face_normals_sc(n_verts, n_faces)

  v = jnp.pad(vertices[0], ((0, 0), (0, ROW_W - 3)))
  return k(v, faces.reshape(-1))

# --- scband reference (transcript-rebuilt; emitter-appended) ---
"""Pipeline reference for scband-face-normals-28905129902874 (READ-ONLY COPY).

The authoritative reference and input builder live on the scoring server;
editing this copy changes nothing except your own understanding.
"""

import jax, jax.numpy as jnp
import numpy as np

N_VERTS = 100000
N_FACES = 200000

def setup_inputs(seed: int = 0) -> dict:
    key = jax.random.key(seed)
    k1, k2 = jax.random.split(key)
    vertices = jax.random.normal(k1, (1, N_VERTS, 3), dtype=jnp.float32)
    faces = jax.random.randint(k2, (N_FACES, 3), 0, N_VERTS, dtype=jnp.int32)
    return {"vertices": vertices, "faces": faces}

def reference(vertices, faces):
    # squeeze batch dim, as in the torch module
    v = jnp.squeeze(vertices, axis=0)                  # [N, 3]
    full_vertices = jnp.take(v, faces, axis=0)         # gather -> [F, 3, 3]
    v0 = full_vertices[:, 0, :]
    v1 = full_vertices[:, 1, :]
    v2 = full_vertices[:, 2, :]
    face_normals = jnp.cross(v1 - v0, v2 - v0, axis=1)  # [F, 3]
    # torch F.normalize: x / max(||x||_2, eps)
    norm = jnp.linalg.norm(face_normals, axis=1, keepdims=True)
    face_normals = face_normals / jnp.maximum(norm, 1e-06)
    return face_normals

if __name__ == "__main__":
    import jax
    _d = setup_inputs()
    print(jax.jit(kernel)(*tuple(_d.values())))

</pallas_src>

<mosaic_0001>
#map = affine_map<(d0, d1) -> (0, 0)>
#map1 = affine_map<(d0, d1) -> (0)>
module attributes {stable_mosaic.version = 14 : i64} {
  func.func @k(%arg0: i32, %arg1: i32, %arg2: memref<100000x8xf32, #tpu.memory_space<hbm>>, %arg3: memref<600000xi32, #tpu.memory_space<hbm>>, %arg4: memref<200000x3xf32, #tpu.memory_space<hbm>>, %arg5: memref<19472xi32, #tpu.memory_space<vmem>>, %arg6: memref<1920x8xf32, #tpu.memory_space<vmem>>, %arg7: memref<1920x8xf32, #tpu.memory_space<vmem>>, %arg8: memref<640x3xf32, #tpu.memory_space<vmem>>, %arg9: memref<640x3xf32, #tpu.memory_space<vmem>>, %arg10: memref<!tpu.dma_semaphore, #tpu.memory_space<semaphore_mem>>, %arg11: memref<!tpu.dma_semaphore, #tpu.memory_space<semaphore_mem>>, %arg12: memref<!tpu.dma_semaphore, #tpu.memory_space<semaphore_mem>>, %arg13: memref<!tpu.dma_semaphore, #tpu.memory_space<semaphore_mem>>) attributes {dimension_semantics = [#tpu.dimension_semantics<core_parallel>, #tpu.dimension_semantics<subcore_parallel>], iteration_bounds = array<i64: 2, 16>, scalar_prefetch = 0 : i64, scratch_operands = 9 : i64, tpu.core_type = #tpu.core_type<sc_vector_subcore>, window_params = [{transform_indices = #map}, {transform_indices = #map1}, {transform_indices = #map}]} {
    %mul3A = arith.constant 2 : i32
    %mul3A_0 = arith.muli %arg1, %mul3A : i32
    %add3A = arith.addi %mul3A_0, %arg0 : i32
    %mul3A_1 = arith.constant 6248 : i32
    %mul3A_2 = arith.muli %add3A, %mul3A_1 : i32
    %eq3A = arith.constant 31 : i32
    %eq3A_3 = arith.cmpi eq, %add3A, %eq3A : i32
    %jit3A = arith.constant 264 : i32
    %jit3A_4 = arith.constant 0 : i32
    %select_n3A = arith.select %eq3A_3, %jit3A, %jit3A_4 : i32
    %mul3A_5 = arith.constant 3 : i32
    %mul3A_6 = arith.muli %mul3A_2, %mul3A_5 : i32
    %sub3A = arith.subi %mul3A_6, %select_n3A : i32
    "tpu.region"() ({
      %run_scoped3A = tpu.sem_alloc : memref<!tpu.dma_semaphore, #tpu.memory_space<semaphore_mem>>
      %dma_start3A_411 = arith.constant 0 : i32
      %dma_start3A_412 = tpu.memref_slice %arg5[%dma_start3A_411] : memref<19472xi32, #tpu.memory_space<vmem>> -> memref<19200xi32, #tpu.memory_space<vmem>>
      %dma_start3A_413 = tpu.memref_slice %arg3[%sub3A] : memref<600000xi32, #tpu.memory_space<hbm>> -> memref<19200xi32, #tpu.memory_space<hbm>>
      %dma_start3A_414 = arith.constant 0 : i32
      %dma_start3A_415 = tpu.memref_slice %arg5[%dma_start3A_414] : memref<19472xi32, #tpu.memory_space<vmem>> -> memref<19200xi32, #tpu.memory_space<vmem>>
      %dma_start3A_416 = tpu.memref_slice %arg3[%sub3A] : memref<600000xi32, #tpu.memory_space<hbm>> -> memref<19200xi32, #tpu.memory_space<hbm>>
      tpu.enqueue_dma source(%dma_start3A_416 : memref<19200xi32, #tpu.memory_space<hbm>>) target(%dma_start3A_415 : memref<19200xi32, #tpu.memory_space<vmem>>) target_semaphore(%run_scoped3A : memref<!tpu.dma_semaphore, #tpu.memory_space<semaphore_mem>>)
      %dma_wait3A_417 = arith.constant 0 : i32
      %dma_wait3A_418 = tpu.memref_slice %arg5[%dma_wait3A_417] : memref<19472xi32, #tpu.memory_space<vmem>> -> memref<19200xi32, #tpu.memory_space<vmem>>
      %dma_wait3A_419 = tpu.memref_slice %arg3[%sub3A] : memref<600000xi32, #tpu.memory_space<hbm>> -> memref<19200xi32, #tpu.memory_space<hbm>>
      %dma_wait3A_420 = arith.constant 0 : i32
      %dma_wait3A_421 = tpu.memref_slice %arg5[%dma_wait3A_420] : memref<19472xi32, #tpu.memory_space<vmem>> -> memref<19200xi32, #tpu.memory_space<vmem>>
      %dma_wait3A_422 = tpu.memref_slice %arg3[%sub3A] : memref<600000xi32, #tpu.memory_space<hbm>> -> memref<19200xi32, #tpu.memory_space<hbm>>
      tpu.wait_dma2 semaphore(%run_scoped3A : memref<!tpu.dma_semaphore, #tpu.memory_space<semaphore_mem>>) src(%dma_wait3A_422 : memref<19200xi32, #tpu.memory_space<hbm>>) dst(%dma_wait3A_421 : memref<19200xi32, #tpu.memory_space<vmem>>)
      tpu.yield
    }) : () -> ()
    %iota3A = tpu.iota {dimensions = array<i32: 0>} : vector<16xi32>
    %broadcast_in_dim3A = arith.constant 0 : i32
    %broadcast_in_dim3A_7 = vector.broadcast %broadcast_in_dim3A : i32 to vector<16xi32>
    %add3A_8 = arith.constant 1 : i32
    %add3A_9 = vector.broadcast %add3A_8 : i32 to vector<16xi32>
    %add3A_10 = arith.addi %broadcast_in_dim3A_7, %add3A_9 : vector<16xi32>
    %add3A_11 = arith.constant 2 : i32
    %add3A_12 = vector.broadcast %add3A_11 : i32 to vector<16xi32>
    %add3A_13 = arith.addi %broadcast_in_dim3A_7, %add3A_12 : vector<16xi32>
    %broadcast_in_dim3A_14 = arith.constant 0 : i32
    %broadcast_in_dim3A_15 = vector.broadcast %broadcast_in_dim3A_14 : i32 to vector<16xi32>
    %scan3A = arith.constant 0 : i32
    %scan3A_16 = arith.constant 17 : i32
    %scan3A_17 = arith.addi %scan3A, %scan3A_16 : i32
    %scan3A_18 = arith.constant 1 : i32
    scf.for %scan3A_411 = %scan3A to %scan3A_17 step %scan3A_18  : i32 {
      %mul3A_412 = arith.constant 16 : i32
      %mul3A_413 = arith.muli %scan3A_411, %mul3A_412 : i32
      %add3A_414 = arith.constant 19200 : i32
      %add3A_415 = arith.addi %add3A_414, %mul3A_413 : i32
      %add3A_416 = vector.broadcast %add3A_415 : i32 to vector<16xi32>
      %add3A_417 = arith.addi %add3A_416, %iota3A : vector<16xi32>
      tpu.vector_store_idx %arg5[%add3A_417], %broadcast_in_dim3A_15 : memref<19472xi32, #tpu.memory_space<vmem>>[vector<16xi32>], vector<16xi32>,
    }
    %scan3A_19 = arith.constant 17 : i32
    %scan3A_20 = arith.constant 0 : i32
    %scan3A_21 = arith.constant 15 : i32
    %scan3A_22 = arith.addi %scan3A_20, %scan3A_21 : i32
    %scan3A_23 = arith.constant 1 : i32
    scf.for %scan3A_411 = %scan3A_20 to %scan3A_22 step %scan3A_23  : i32 {
      %add3A_412 = arith.constant 0 : i32
      %add3A_413 = arith.addi %select_n3A, %add3A_412 : i32
      %mul3A_414 = arith.constant 128 : i32
      %mul3A_415 = arith.muli %scan3A_411, %mul3A_414 : i32
      %add3A_416 = arith.addi %add3A_413, %mul3A_415 : i32
      %mul3A_417 = arith.constant 128 : i32
      %mul3A_418 = arith.muli %scan3A_411, %mul3A_417 : i32
      %dma_start3A_419 = arith.constant 0 : i32
      %dma_start3A_420 = tpu.memref_slice %arg6[%mul3A_418, %dma_start3A_419] : memref<1920x8xf32, #tpu.memory_space<vmem>> -> memref<128x8xf32, #tpu.memory_space<vmem>>
      %dma_start3A_421 = tpu.memref_slice %arg5[%add3A_416] : memref<19472xi32, #tpu.memory_space<vmem>> -> memref<128xi32, #tpu.memory_space<vmem>>
      %dma_start3A_422 = arith.constant 0 : i32
      %dma_start3A_423 = arith.constant 0 : i32
      %dma_start3A_424 = tpu.memref_slice %arg2[%dma_start3A_422, %dma_start3A_423] : memref<100000x8xf32, #tpu.memory_space<hbm>> -> memref<100000x8xf32, #tpu.memory_space<hbm>>
      tpu.enqueue_indirect_dma source(%dma_start3A_424 : memref<100000x8xf32, #tpu.memory_space<hbm>>) target(%dma_start3A_420 : memref<128x8xf32, #tpu.memory_space<vmem>>) offsets(%dma_start3A_421 : memref<128xi32, #tpu.memory_space<vmem>>) semaphore(%arg10 : memref<!tpu.dma_semaphore, #tpu.memory_space<semaphore_mem>>)
    }
    %scan3A_24 = arith.constant 15 : i32
    %scan3A_25 = arith.constant 0 : i32
    %scan3A_26 = arith.constant 15 : i32
    %scan3A_27 = arith.addi %scan3A_25, %scan3A_26 : i32
    %scan3A_28 = arith.constant 1 : i32
    scf.for %scan3A_411 = %scan3A_25 to %scan3A_27 step %scan3A_28  : i32 {
      %add3A_412 = arith.constant 1920 : i32
      %add3A_413 = arith.addi %select_n3A, %add3A_412 : i32
      %mul3A_414 = arith.constant 128 : i32
      %mul3A_415 = arith.muli %scan3A_411, %mul3A_414 : i32
      %add3A_416 = arith.addi %add3A_413, %mul3A_415 : i32
      %mul3A_417 = arith.constant 128 : i32
      %mul3A_418 = arith.muli %scan3A_411, %mul3A_417 : i32
      %dma_start3A_419 = arith.constant 0 : i32
      %dma_start3A_420 = tpu.memref_slice %arg7[%mul3A_418, %dma_start3A_419] : memref<1920x8xf32, #tpu.memory_space<vmem>> -> memref<128x8xf32, #tpu.memory_space<vmem>>
      %dma_start3A_421 = tpu.memref_slice %arg5[%add3A_416] : memref<19472xi32, #tpu.memory_space<vmem>> -> memref<128xi32, #tpu.memory_space<vmem>>
      %dma_start3A_422 = arith.constant 0 : i32
      %dma_start3A_423 = arith.constant 0 : i32
      %dma_start3A_424 = tpu.memref_slice %arg2[%dma_start3A_422, %dma_start3A_423] : memref<100000x8xf32, #tpu.memory_space<hbm>> -> memref<100000x8xf32, #tpu.memory_space<hbm>>
      tpu.enqueue_indirect_dma source(%dma_start3A_424 : memref<100000x8xf32, #tpu.memory_space<hbm>>) target(%dma_start3A_420 : memref<128x8xf32, #tpu.memory_space<vmem>>) offsets(%dma_start3A_421 : memref<128xi32, #tpu.memory_space<vmem>>) semaphore(%arg11 : memref<!tpu.dma_semaphore, #tpu.memory_space<semaphore_mem>>)
    }
    %scan3A_29 = arith.constant 15 : i32
    %scan3A_30 = arith.constant 0 : i32
    %scan3A_31 = arith.constant 15 : i32
    %scan3A_32 = arith.addi %scan3A_30, %scan3A_31 : i32
    %scan3A_33 = arith.constant 1 : i32
    scf.for %scan3A_411 = %scan3A_30 to %scan3A_32 step %scan3A_33  : i32 {
      %add3A_412 = arith.constant 0 : i32
      %add3A_413 = arith.addi %select_n3A, %add3A_412 : i32
      %mul3A_414 = arith.constant 128 : i32
      %mul3A_415 = arith.muli %scan3A_411, %mul3A_414 : i32
      %add3A_416 = arith.addi %add3A_413, %mul3A_415 : i32
      %mul3A_417 = arith.constant 128 : i32
      %mul3A_418 = arith.muli %scan3A_411, %mul3A_417 : i32
      %dma_wait3A_419 = arith.constant 0 : i32
      %dma_wait3A_420 = tpu.memref_slice %arg6[%mul3A_418, %dma_wait3A_419] : memref<1920x8xf32, #tpu.memory_space<vmem>> -> memref<128x8xf32, #tpu.memory_space<vmem>>
      %dma_wait3A_421 = tpu.memref_slice %arg5[%add3A_416] : memref<19472xi32, #tpu.memory_space<vmem>> -> memref<128xi32, #tpu.memory_space<vmem>>
      %dma_wait3A_422 = arith.constant 0 : i32
      %dma_wait3A_423 = arith.constant 0 : i32
      %dma_wait3A_424 = tpu.memref_slice %arg2[%dma_wait3A_422, %dma_wait3A_423] : memref<100000x8xf32, #tpu.memory_space<hbm>> -> memref<100000x8xf32, #tpu.memory_space<hbm>>
      tpu.wait_indirect_dma semaphore(%arg10 : memref<!tpu.dma_semaphore, #tpu.memory_space<semaphore_mem>>) src(%dma_wait3A_424 : memref<100000x8xf32, #tpu.memory_space<hbm>>) dst(%dma_wait3A_420 : memref<128x8xf32, #tpu.memory_space<vmem>>)
    }
    %scan3A_34 = arith.constant 15 : i32
    %scan3A_35 = arith.constant 0 : i32
    %scan3A_36 = arith.constant 40 : i32
    %scan3A_37 = arith.addi %scan3A_35, %scan3A_36 : i32
    %scan3A_38 = arith.constant 1 : i32
    scf.for %scan3A_411 = %scan3A_35 to %scan3A_37 step %scan3A_38  : i32 {
      %mul3A_412 = arith.constant 16 : i32
      %mul3A_413 = arith.muli %scan3A_411, %mul3A_412 : i32
      %add3A_414 = vector.broadcast %mul3A_413 : i32 to vector<16xi32>
      %add3A_415 = arith.addi %add3A_414, %iota3A : vector<16xi32>
      %mul3A_416 = arith.constant 3 : i32
      %mul3A_417 = vector.broadcast %mul3A_416 : i32 to vector<16xi32>
      %mul3A_418 = arith.muli %add3A_415, %mul3A_417 : vector<16xi32>
      %gather3A = tpu.vector_load_idx %arg6[%mul3A_418, %broadcast_in_dim3A_7] : memref<1920x8xf32, #tpu.memory_space<vmem>>[vector<16xi32>, vector<16xi32>], vector<16xf32>,
      %gather3A_419 = tpu.vector_load_idx %arg6[%mul3A_418, %add3A_10] : memref<1920x8xf32, #tpu.memory_space<vmem>>[vector<16xi32>, vector<16xi32>], vector<16xf32>,
      %gather3A_420 = tpu.vector_load_idx %arg6[%mul3A_418, %add3A_13] : memref<1920x8xf32, #tpu.memory_space<vmem>>[vector<16xi32>, vector<16xi32>], vector<16xf32>,
      %add3A_421 = arith.constant 1 : i32
      %add3A_422 = vector.broadcast %add3A_421 : i32 to vector<16xi32>
      %add3A_423 = arith.addi %mul3A_418, %add3A_422 : vector<16xi32>
      %gather3A_424 = tpu.vector_load_idx %arg6[%add3A_423, %broadcast_in_dim3A_7] : memref<1920x8xf32, #tpu.memory_space<vmem>>[vector<16xi32>, vector<16xi32>], vector<16xf32>,
      %add3A_425 = arith.constant 1 : i32
      %add3A_426 = vector.broadcast %add3A_425 : i32 to vector<16xi32>
      %add3A_427 = arith.addi %mul3A_418, %add3A_426 : vector<16xi32>
      %gather3A_428 = tpu.vector_load_idx %arg6[%add3A_427, %add3A_10] : memref<1920x8xf32, #tpu.memory_space<vmem>>[vector<16xi32>, vector<16xi32>], vector<16xf32>,
      %add3A_429 = arith.constant 1 : i32
      %add3A_430 = vector.broadcast %add3A_429 : i32 to vector<16xi32>
      %add3A_431 = arith.addi %mul3A_418, %add3A_430 : vector<16xi32>
      %gather3A_432 = tpu.vector_load_idx %arg6[%add3A_431, %add3A_13] : memref<1920x8xf32, #tpu.memory_space<vmem>>[vector<16xi32>, vector<16xi32>], vector<16xf32>,
      %add3A_433 = arith.constant 2 : i32
      %add3A_434 = vector.broadcast %add3A_433 : i32 to vector<16xi32>
      %add3A_435 = arith.addi %mul3A_418, %add3A_434 : vector<16xi32>
      %gather3A_436 = tpu.vector_load_idx %arg6[%add3A_435, %broadcast_in_dim3A_7] : memref<1920x8xf32, #tpu.memory_space<vmem>>[vector<16xi32>, vector<16xi32>], vector<16xf32>,
      %add3A_437 = arith.constant 2 : i32
      %add3A_438 = vector.broadcast %add3A_437 : i32 to vector<16xi32>
      %add3A_439 = arith.addi %mul3A_418, %add3A_438 : vector<16xi32>
      %gather3A_440 = tpu.vector_load_idx %arg6[%add3A_439, %add3A_10] : memref<1920x8xf32, #tpu.memory_space<vmem>>[vector<16xi32>, vector<16xi32>], vector<16xf32>,
      %add3A_441 = arith.constant 2 : i32
      %add3A_442 = vector.broadcast %add3A_441 : i32 to vector<16xi32>
      %add3A_443 = arith.addi %mul3A_418, %add3A_442 : vector<16xi32>
      %gather3A_444 = tpu.vector_load_idx %arg6[%add3A_443, %add3A_13] : memref<1920x8xf32, #tpu.memory_space<vmem>>[vector<16xi32>, vector<16xi32>], vector<16xf32>,
      %sub3A_445 = arith.subf %gather3A_424, %gather3A : vector<16xf32>
      %sub3A_446 = arith.subf %gather3A_428, %gather3A_419 : vector<16xf32>
      %sub3A_447 = arith.subf %gather3A_432, %gather3A_420 : vector<16xf32>
      %sub3A_448 = arith.subf %gather3A_436, %gather3A : vector<16xf32>
      %sub3A_449 = arith.subf %gather3A_440, %gather3A_419 : vector<16xf32>
      %sub3A_450 = arith.subf %gather3A_444, %gather3A_420 : vector<16xf32>
      %mul3A_451 = arith.mulf %sub3A_446, %sub3A_450 : vector<16xf32>
      %mul3A_452 = arith.mulf %sub3A_447, %sub3A_449 : vector<16xf32>
      %sub3A_453 = arith.subf %mul3A_451, %mul3A_452 : vector<16xf32>
      %mul3A_454 = arith.mulf %sub3A_447, %sub3A_448 : vector<16xf32>
      %mul3A_455 = arith.mulf %sub3A_445, %sub3A_450 : vector<16xf32>
      %sub3A_456 = arith.subf %mul3A_454, %mul3A_455 : vector<16xf32>
      %mul3A_457 = arith.mulf %sub3A_445, %sub3A_449 : vector<16xf32>
      %mul3A_458 = arith.mulf %sub3A_446, %sub3A_448 : vector<16xf32>
      %sub3A_459 = arith.subf %mul3A_457, %mul3A_458 : vector<16xf32>
      %mul3A_460 = arith.mulf %sub3A_453, %sub3A_453 : vector<16xf32>
      %mul3A_461 = arith.mulf %sub3A_456, %sub3A_456 : vector<16xf32>
      %add3A_462 = arith.addf %mul3A_460, %mul3A_461 : vector<16xf32>
      %mul3A_463 = arith.mulf %sub3A_459, %sub3A_459 : vector<16xf32>
      %add3A_464 = arith.addf %add3A_462, %mul3A_463 : vector<16xf32>
      %bitcast3A = vector.bitcast %add3A_464 : vector<16xf32> to vector<16xi32>
      %shift_right_logical3A = arith.constant 1 : i32
      %shift_right_logical3A_465 = vector.broadcast %shift_right_logical3A : i32 to vector<16xi32>
      %shift_right_logical3A_466 = arith.shrui %bitcast3A, %shift_right_logical3A_465 : vector<16xi32>
      %sub3A_467 = arith.constant 1597463007 : i32
      %sub3A_468 = vector.broadcast %sub3A_467 : i32 to vector<16xi32>
      %sub3A_469 = arith.subi %sub3A_468, %shift_right_logical3A_466 : vector<16xi32>
      %bitcast3A_470 = vector.bitcast %sub3A_469 : vector<16xi32> to vector<16xf32>
      %mul3A_471 = arith.constant 5.000000e-01 : f32
      %mul3A_472 = vector.broadcast %mul3A_471 : f32 to vector<16xf32>
      %mul3A_473 = arith.mulf %mul3A_472, %add3A_464 : vector<16xf32>
      %mul3A_474 = arith.mulf %mul3A_473, %bitcast3A_470 : vector<16xf32>
      %mul3A_475 = arith.mulf %mul3A_474, %bitcast3A_470 : vector<16xf32>
      %sub3A_476 = arith.constant 1.500000e+00 : f32
      %sub3A_477 = vector.broadcast %sub3A_476 : f32 to vector<16xf32>
      %sub3A_478 = arith.subf %sub3A_477, %mul3A_475 : vector<16xf32>
      %mul3A_479 = arith.mulf %bitcast3A_470, %sub3A_478 : vector<16xf32>
      %mul3A_480 = arith.mulf %mul3A_473, %mul3A_479 : vector<16xf32>
      %mul3A_481 = arith.mulf %mul3A_480, %mul3A_479 : vector<16xf32>
      %sub3A_482 = arith.constant 1.500000e+00 : f32
      %sub3A_483 = vector.broadcast %sub3A_482 : f32 to vector<16xf32>
      %sub3A_484 = arith.subf %sub3A_483, %mul3A_481 : vector<16xf32>
      %mul3A_485 = arith.mulf %mul3A_479, %sub3A_484 : vector<16xf32>
      %mul3A_486 = arith.mulf %mul3A_473, %mul3A_485 : vector<16xf32>
      %mul3A_487 = arith.mulf %mul3A_486, %mul3A_485 : vector<16xf32>
      %sub3A_488 = arith.constant 1.500000e+00 : f32
      %sub3A_489 = vector.broadcast %sub3A_488 : f32 to vector<16xf32>
      %sub3A_490 = arith.subf %sub3A_489, %mul3A_487 : vector<16xf32>
      %mul3A_491 = arith.mulf %mul3A_485, %sub3A_490 : vector<16xf32>
      %mul3A_492 = arith.mulf %add3A_464, %mul3A_491 : vector<16xf32>
      %max3A = arith.constant 9.99999997E-7 : f32
      %max3A_493 = vector.broadcast %max3A : f32 to vector<16xf32>
      %max3A_494 = arith.maximumf %mul3A_492, %max3A_493 : vector<16xf32>
      %div3A = arith.constant 1.000000e+00 : f32
      %div3A_495 = vector.broadcast %div3A : f32 to vector<16xf32>
      %div3A_496 = arith.divf %div3A_495, %max3A_494 : vector<16xf32>
      %mul3A_497 = arith.mulf %sub3A_453, %div3A_496 : vector<16xf32>
      tpu.vector_store_idx %arg8[%add3A_415, %broadcast_in_dim3A_7], %mul3A_497 : memref<640x3xf32, #tpu.memory_space<vmem>>[vector<16xi32>, vector<16xi32>], vector<16xf32>,
      %mul3A_498 = arith.mulf %sub3A_456, %div3A_496 : vector<16xf32>
      tpu.vector_store_idx %arg8[%add3A_415, %add3A_10], %mul3A_498 : memref<640x3xf32, #tpu.memory_space<vmem>>[vector<16xi32>, vector<16xi32>], vector<16xf32>,
      %mul3A_499 = arith.mulf %sub3A_459, %div3A_496 : vector<16xf32>
      tpu.vector_store_idx %arg8[%add3A_415, %add3A_13], %mul3A_499 : memref<640x3xf32, #tpu.memory_space<vmem>>[vector<16xi32>, vector<16xi32>], vector<16xf32>,
    }
    %scan3A_39 = arith.constant 40 : i32
    %add3A_40 = arith.constant 0 : i32
    %add3A_41 = arith.addi %mul3A_2, %add3A_40 : i32
    %dma_start3A = arith.constant 0 : i32
    %dma_start3A_42 = arith.constant 0 : i32
    %dma_start3A_43 = tpu.memref_slice %arg8[%dma_start3A, %dma_start3A_42] : memref<640x3xf32, #tpu.memory_space<vmem>> -> memref<640x3xf32, #tpu.memory_space<vmem>>
    %dma_start3A_44 = arith.constant 0 : i32
    %dma_start3A_45 = tpu.memref_slice %arg4[%add3A_41, %dma_start3A_44] : memref<200000x3xf32, #tpu.memory_space<hbm>> -> memref<640x3xf32, #tpu.memory_space<hbm>>
    %dma_start3A_46 = arith.constant 0 : i32
    %dma_start3A_47 = tpu.memref_slice %arg4[%add3A_41, %dma_start3A_46] : memref<200000x3xf32, #tpu.memory_space<hbm>> -> memref<640x3xf32, #tpu.memory_space<hbm>>
    %dma_start3A_48 = arith.constant 0 : i32
    %dma_start3A_49 = arith.constant 0 : i32
    %dma_start3A_50 = tpu.memref_slice %arg8[%dma_start3A_48, %dma_start3A_49] : memref<640x3xf32, #tpu.memory_space<vmem>> -> memref<640x3xf32, #tpu.memory_space<vmem>>
    tpu.enqueue_dma source(%dma_start3A_50 : memref<640x3xf32, #tpu.memory_space<vmem>>) target(%dma_start3A_47 : memref<640x3xf32, #tpu.memory_space<hbm>>) target_semaphore(%arg12 : memref<!tpu.dma_semaphore, #tpu.memory_space<semaphore_mem>>)
    %scan3A_51 = arith.constant 0 : i32
    %scan3A_52 = arith.constant 15 : i32
    %scan3A_53 = arith.addi %scan3A_51, %scan3A_52 : i32
    %scan3A_54 = arith.constant 1 : i32
    scf.for %scan3A_411 = %scan3A_51 to %scan3A_53 step %scan3A_54  : i32 {
      %add3A_412 = arith.constant 3840 : i32
      %add3A_413 = arith.addi %select_n3A, %add3A_412 : i32
      %mul3A_414 = arith.constant 128 : i32
      %mul3A_415 = arith.muli %scan3A_411, %mul3A_414 : i32
      %add3A_416 = arith.addi %add3A_413, %mul3A_415 : i32
      %mul3A_417 = arith.constant 128 : i32
      %mul3A_418 = arith.muli %scan3A_411, %mul3A_417 : i32
      %dma_start3A_419 = arith.constant 0 : i32
      %dma_start3A_420 = tpu.memref_slice %arg6[%mul3A_418, %dma_start3A_419] : memref<1920x8xf32, #tpu.memory_space<vmem>> -> memref<128x8xf32, #tpu.memory_space<vmem>>
      %dma_start3A_421 = tpu.memref_slice %arg5[%add3A_416] : memref<19472xi32, #tpu.memory_space<vmem>> -> memref<128xi32, #tpu.memory_space<vmem>>
      %dma_start3A_422 = arith.constant 0 : i32
      %dma_start3A_423 = arith.constant 0 : i32
      %dma_start3A_424 = tpu.memref_slice %arg2[%dma_start3A_422, %dma_start3A_423] : memref<100000x8xf32, #tpu.memory_space<hbm>> -> memref<100000x8xf32, #tpu.memory_space<hbm>>
      tpu.enqueue_indirect_dma source(%dma_start3A_424 : memref<100000x8xf32, #tpu.memory_space<hbm>>) target(%dma_start3A_420 : memref<128x8xf32, #tpu.memory_space<vmem>>) offsets(%dma_start3A_421 : memref<128xi32, #tpu.memory_space<vmem>>) semaphore(%arg10 : memref<!tpu.dma_semaphore, #tpu.memory_space<semaphore_mem>>)
    }
    %scan3A_55 = arith.constant 15 : i32
    %scan3A_56 = arith.constant 0 : i32
    %scan3A_57 = arith.constant 15 : i32
    %scan3A_58 = arith.addi %scan3A_56, %scan3A_57 : i32
    %scan3A_59 = arith.constant 1 : i32
    scf.for %scan3A_411 = %scan3A_56 to %scan3A_58 step %scan3A_59  : i32 {
      %add3A_412 = arith.constant 1920 : i32
      %add3A_413 = arith.addi %select_n3A, %add3A_412 : i32
      %mul3A_414 = arith.constant 128 : i32
      %mul3A_415 = arith.muli %scan3A_411, %mul3A_414 : i32
      %add3A_416 = arith.addi %add3A_413, %mul3A_415 : i32
      %mul3A_417 = arith.constant 128 : i32
      %mul3A_418 = arith.muli %scan3A_411, %mul3A_417 : i32
      %dma_wait3A_419 = arith.constant 0 : i32
      %dma_wait3A_420 = tpu.memref_slice %arg7[%mul3A_418, %dma_wait3A_419] : memref<1920x8xf32, #tpu.memory_space<vmem>> -> memref<128x8xf32, #tpu.memory_space<vmem>>
      %dma_wait3A_421 = tpu.memref_slice %arg5[%add3A_416] : memref<19472xi32, #tpu.memory_space<vmem>> -> memref<128xi32, #tpu.memory_space<vmem>>
      %dma_wait3A_422 = arith.constant 0 : i32
      %dma_wait3A_423 = arith.constant 0 : i32
      %dma_wait3A_424 = tpu.memref_slice %arg2[%dma_wait3A_422, %dma_wait3A_423] : memref<100000x8xf32, #tpu.memory_space<hbm>> -> memref<100000x8xf32, #tpu.memory_space<hbm>>
      tpu.wait_indirect_dma semaphore(%arg11 : memref<!tpu.dma_semaphore, #tpu.memory_space<semaphore_mem>>) src(%dma_wait3A_424 : memref<100000x8xf32, #tpu.memory_space<hbm>>) dst(%dma_wait3A_420 : memref<128x8xf32, #tpu.memory_space<vmem>>)
    }
    %scan3A_60 = arith.constant 15 : i32
    %scan3A_61 = arith.constant 0 : i32
    %scan3A_62 = arith.constant 40 : i32
    %scan3A_63 = arith.addi %scan3A_61, %scan3A_62 : i32
    %scan3A_64 = arith.constant 1 : i32
    scf.for %scan3A_411 = %scan3A_61 to %scan3A_63 step %scan3A_64  : i32 {
      %mul3A_412 = arith.constant 16 : i32
      %mul3A_413 = arith.muli %scan3A_411, %mul3A_412 : i32
      %add3A_414 = vector.broadcast %mul3A_413 : i32 to vector<16xi32>
      %add3A_415 = arith.addi %add3A_414, %iota3A : vector<16xi32>
      %mul3A_416 = arith.constant 3 : i32
      %mul3A_417 = vector.broadcast %mul3A_416 : i32 to vector<16xi32>
      %mul3A_418 = arith.muli %add3A_415, %mul3A_417 : vector<16xi32>
      %gather3A = tpu.vector_load_idx %arg7[%mul3A_418, %broadcast_in_dim3A_7] : memref<1920x8xf32, #tpu.memory_space<vmem>>[vector<16xi32>, vector<16xi32>], vector<16xf32>,
      %gather3A_419 = tpu.vector_load_idx %arg7[%mul3A_418, %add3A_10] : memref<1920x8xf32, #tpu.memory_space<vmem>>[vector<16xi32>, vector<16xi32>], vector<16xf32>,
      %gather3A_420 = tpu.vector_load_idx %arg7[%mul3A_418, %add3A_13] : memref<1920x8xf32, #tpu.memory_space<vmem>>[vector<16xi32>, vector<16xi32>], vector<16xf32>,
      %add3A_421 = arith.constant 1 : i32
      %add3A_422 = vector.broadcast %add3A_421 : i32 to vector<16xi32>
      %add3A_423 = arith.addi %mul3A_418, %add3A_422 : vector<16xi32>
      %gather3A_424 = tpu.vector_load_idx %arg7[%add3A_423, %broadcast_in_dim3A_7] : memref<1920x8xf32, #tpu.memory_space<vmem>>[vector<16xi32>, vector<16xi32>], vector<16xf32>,
      %add3A_425 = arith.constant 1 : i32
      %add3A_426 = vector.broadcast %add3A_425 : i32 to vector<16xi32>
      %add3A_427 = arith.addi %mul3A_418, %add3A_426 : vector<16xi32>
      %gather3A_428 = tpu.vector_load_idx %arg7[%add3A_427, %add3A_10] : memref<1920x8xf32, #tpu.memory_space<vmem>>[vector<16xi32>, vector<16xi32>], vector<16xf32>,
      %add3A_429 = arith.constant 1 : i32
      %add3A_430 = vector.broadcast %add3A_429 : i32 to vector<16xi32>
      %add3A_431 = arith.addi %mul3A_418, %add3A_430 : vector<16xi32>
      %gather3A_432 = tpu.vector_load_idx %arg7[%add3A_431, %add3A_13] : memref<1920x8xf32, #tpu.memory_space<vmem>>[vector<16xi32>, vector<16xi32>], vector<16xf32>,
      %add3A_433 = arith.constant 2 : i32
      %add3A_434 = vector.broadcast %add3A_433 : i32 to vector<16xi32>
      %add3A_435 = arith.addi %mul3A_418, %add3A_434 : vector<16xi32>
      %gather3A_436 = tpu.vector_load_idx %arg7[%add3A_435, %broadcast_in_dim3A_7] : memref<1920x8xf32, #tpu.memory_space<vmem>>[vector<16xi32>, vector<16xi32>], vector<16xf32>,
      %add3A_437 = arith.constant 2 : i32
      %add3A_438 = vector.broadcast %add3A_437 : i32 to vector<16xi32>
      %add3A_439 = arith.addi %mul3A_418, %add3A_438 : vector<16xi32>
      %gather3A_440 = tpu.vector_load_idx %arg7[%add3A_439, %add3A_10] : memref<1920x8xf32, #tpu.memory_space<vmem>>[vector<16xi32>, vector<16xi32>], vector<16xf32>,
      %add3A_441 = arith.constant 2 : i32
      %add3A_442 = vector.broadcast %add3A_441 : i32 to vector<16xi32>
      %add3A_443 = arith.addi %mul3A_418, %add3A_442 : vector<16xi32>
      %gather3A_444 = tpu.vector_load_idx %arg7[%add3A_443, %add3A_13] : memref<1920x8xf32, #tpu.memory_space<vmem>>[vector<16xi32>, vector<16xi32>], vector<16xf32>,
      %sub3A_445 = arith.subf %gather3A_424, %gather3A : vector<16xf32>
      %sub3A_446 = arith.subf %gather3A_428, %gather3A_419 : vector<16xf32>
      %sub3A_447 = arith.subf %gather3A_432, %gather3A_420 : vector<16xf32>
      %sub3A_448 = arith.subf %gather3A_436, %gather3A : vector<16xf32>
      %sub3A_449 = arith.subf %gather3A_440, %gather3A_419 : vector<16xf32>
      %sub3A_450 = arith.subf %gather3A_444, %gather3A_420 : vector<16xf32>
      %mul3A_451 = arith.mulf %sub3A_446, %sub3A_450 : vector<16xf32>
      %mul3A_452 = arith.mulf %sub3A_447, %sub3A_449 : vector<16xf32>
      %sub3A_453 = arith.subf %mul3A_451, %mul3A_452 : vector<16xf32>
      %mul3A_454 = arith.mulf %sub3A_447, %sub3A_448 : vector<16xf32>
      %mul3A_455 = arith.mulf %sub3A_445, %sub3A_450 : vector<16xf32>
      %sub3A_456 = arith.subf %mul3A_454, %mul3A_455 : vector<16xf32>
      %mul3A_457 = arith.mulf %sub3A_445, %sub3A_449 : vector<16xf32>
      %mul3A_458 = arith.mulf %sub3A_446, %sub3A_448 : vector<16xf32>
      %sub3A_459 = arith.subf %mul3A_457, %mul3A_458 : vector<16xf32>
      %mul3A_460 = arith.mulf %sub3A_453, %sub3A_453 : vector<16xf32>
      %mul3A_461 = arith.mulf %sub3A_456, %sub3A_456 : vector<16xf32>
      %add3A_462 = arith.addf %mul3A_460, %mul3A_461 : vector<16xf32>
      %mul3A_463 = arith.mulf %sub3A_459, %sub3A_459 : vector<16xf32>
      %add3A_464 = arith.addf %add3A_462, %mul3A_463 : vector<16xf32>
      %bitcast3A = vector.bitcast %add3A_464 : vector<16xf32> to vector<16xi32>
      %shift_right_logical3A = arith.constant 1 : i32
      %shift_right_logical3A_465 = vector.broadcast %shift_right_logical3A : i32 to vector<16xi32>
      %shift_right_logical3A_466 = arith.shrui %bitcast3A, %shift_right_logical3A_465 : vector<16xi32>
      %sub3A_467 = arith.constant 1597463007 : i32
      %sub3A_468 = vector.broadcast %sub3A_467 : i32 to vector<16xi32>
      %sub3A_469 = arith.subi %sub3A_468, %shift_right_logical3A_466 : vector<16xi32>
      %bitcast3A_470 = vector.bitcast %sub3A_469 : vector<16xi32> to vector<16xf32>
      %mul3A_471 = arith.constant 5.000000e-01 : f32
      %mul3A_472 = vector.broadcast %mul3A_471 : f32 to vector<16xf32>
      %mul3A_473 = arith.mulf %mul3A_472, %add3A_464 : vector<16xf32>
      %mul3A_474 = arith.mulf %mul3A_473, %bitcast3A_470 : vector<16xf32>
      %mul3A_475 = arith.mulf %mul3A_474, %bitcast3A_470 : vector<16xf32>
      %sub3A_476 = arith.constant 1.500000e+00 : f32
      %sub3A_477 = vector.broadcast %sub3A_476 : f32 to vector<16xf32>
      %sub3A_478 = arith.subf %sub3A_477, %mul3A_475 : vector<16xf32>
      %mul3A_479 = arith.mulf %bitcast3A_470, %sub3A_478 : vector<16xf32>
      %mul3A_480 = arith.mulf %mul3A_473, %mul3A_479 : vector<16xf32>
      %mul3A_481 = arith.mulf %mul3A_480, %mul3A_479 : vector<16xf32>
      %sub3A_482 = arith.constant 1.500000e+00 : f32
      %sub3A_483 = vector.broadcast %sub3A_482 : f32 to vector<16xf32>
      %sub3A_484 = arith.subf %sub3A_483, %mul3A_481 : vector<16xf32>
      %mul3A_485 = arith.mulf %mul3A_479, %sub3A_484 : vector<16xf32>
      %mul3A_486 = arith.mulf %mul3A_473, %mul3A_485 : vector<16xf32>
      %mul3A_487 = arith.mulf %mul3A_486, %mul3A_485 : vector<16xf32>
      %sub3A_488 = arith.constant 1.500000e+00 : f32
      %sub3A_489 = vector.broadcast %sub3A_488 : f32 to vector<16xf32>
      %sub3A_490 = arith.subf %sub3A_489, %mul3A_487 : vector<16xf32>
      %mul3A_491 = arith.mulf %mul3A_485, %sub3A_490 : vector<16xf32>
      %mul3A_492 = arith.mulf %add3A_464, %mul3A_491 : vector<16xf32>
      %max3A = arith.constant 9.99999997E-7 : f32
      %max3A_493 = vector.broadcast %max3A : f32 to vector<16xf32>
      %max3A_494 = arith.maximumf %mul3A_492, %max3A_493 : vector<16xf32>
      %div3A = arith.constant 1.000000e+00 : f32
      %div3A_495 = vector.broadcast %div3A : f32 to vector<16xf32>
      %div3A_496 = arith.divf %div3A_495, %max3A_494 : vector<16xf32>
      %mul3A_497 = arith.mulf %sub3A_453, %div3A_496 : vector<16xf32>
      tpu.vector_store_idx %arg9[%add3A_415, %broadcast_in_dim3A_7], %mul3A_497 : memref<640x3xf32, #tpu.memory_space<vmem>>[vector<16xi32>, vector<16xi32>], vector<16xf32>,
      %mul3A_498 = arith.mulf %sub3A_456, %div3A_496 : vector<16xf32>
      tpu.vector_store_idx %arg9[%add3A_415, %add3A_10], %mul3A_498 : memref<640x3xf32, #tpu.memory_space<vmem>>[vector<16xi32>, vector<16xi32>], vector<16xf32>,
      %mul3A_499 = arith.mulf %sub3A_459, %div3A_496 : vector<16xf32>
      tpu.vector_store_idx %arg9[%add3A_415, %add3A_13], %mul3A_499 : memref<640x3xf32, #tpu.memory_space<vmem>>[vector<16xi32>, vector<16xi32>], vector<16xf32>,
    }
    %scan3A_65 = arith.constant 40 : i32
    %add3A_66 = arith.constant 640 : i32
    %add3A_67 = arith.addi %mul3A_2, %add3A_66 : i32
    %dma_start3A_68 = arith.constant 0 : i32
    %dma_start3A_69 = arith.constant 0 : i32
    %dma_start3A_70 = tpu.memref_slice %arg9[%dma_start3A_68, %dma_start3A_69] : memref<640x3xf32, #tpu.memory_space<vmem>> -> memref<640x3xf32, #tpu.memory_space<vmem>>
    %dma_start3A_71 = arith.constant 0 : i32
    %dma_start3A_72 = tpu.memref_slice %arg4[%add3A_67, %dma_start3A_71] : memref<200000x3xf32, #tpu.memory_space<hbm>> -> memref<640x3xf32, #tpu.memory_space<hbm>>
    %dma_start3A_73 = arith.constant 0 : i32
    %dma_start3A_74 = tpu.memref_slice %arg4[%add3A_67, %dma_start3A_73] : memref<200000x3xf32, #tpu.memory_space<hbm>> -> memref<640x3xf32, #tpu.memory_space<hbm>>
    %dma_start3A_75 = arith.constant 0 : i32
    %dma_start3A_76 = arith.constant 0 : i32
    %dma_start3A_77 = tpu.memref_slice %arg9[%dma_start3A_75, %dma_start3A_76] : memref<640x3xf32, #tpu.memory_space<vmem>> -> memref<640x3xf32, #tpu.memory_space<vmem>>
    tpu.enqueue_dma source(%dma_start3A_77 : memref<640x3xf32, #tpu.memory_space<vmem>>) target(%dma_start3A_74 : memref<640x3xf32, #tpu.memory_space<hbm>>) target_semaphore(%arg13 : memref<!tpu.dma_semaphore, #tpu.memory_space<semaphore_mem>>)
    %scan3A_78 = arith.constant 0 : i32
    %scan3A_79 = arith.constant 15 : i32
    %scan3A_80 = arith.addi %scan3A_78, %scan3A_79 : i32
    %scan3A_81 = arith.constant 1 : i32
    scf.for %scan3A_411 = %scan3A_78 to %scan3A_80 step %scan3A_81  : i32 {
      %add3A_412 = arith.constant 5760 : i32
      %add3A_413 = arith.addi %select_n3A, %add3A_412 : i32
      %mul3A_414 = arith.constant 128 : i32
      %mul3A_415 = arith.muli %scan3A_411, %mul3A_414 : i32
      %add3A_416 = arith.addi %add3A_413, %mul3A_415 : i32
      %mul3A_417 = arith.constant 128 : i32
      %mul3A_418 = arith.muli %scan3A_411, %mul3A_417 : i32
      %dma_start3A_419 = arith.constant 0 : i32
      %dma_start3A_420 = tpu.memref_slice %arg7[%mul3A_418, %dma_start3A_419] : memref<1920x8xf32, #tpu.memory_space<vmem>> -> memref<128x8xf32, #tpu.memory_space<vmem>>
      %dma_start3A_421 = tpu.memref_slice %arg5[%add3A_416] : memref<19472xi32, #tpu.memory_space<vmem>> -> memref<128xi32, #tpu.memory_space<vmem>>
      %dma_start3A_422 = arith.constant 0 : i32
      %dma_start3A_423 = arith.constant 0 : i32
      %dma_start3A_424 = tpu.memref_slice %arg2[%dma_start3A_422, %dma_start3A_423] : memref<100000x8xf32, #tpu.memory_space<hbm>> -> memref<100000x8xf32, #tpu.memory_space<hbm>>
      tpu.enqueue_indirect_dma source(%dma_start3A_424 : memref<100000x8xf32, #tpu.memory_space<hbm>>) target(%dma_start3A_420 : memref<128x8xf32, #tpu.memory_space<vmem>>) offsets(%dma_start3A_421 : memref<128xi32, #tpu.memory_space<vmem>>) semaphore(%arg11 : memref<!tpu.dma_semaphore, #tpu.memory_space<semaphore_mem>>)
    }
    %scan3A_82 = arith.constant 15 : i32
    %scan3A_83 = arith.constant 0 : i32
    %scan3A_84 = arith.constant 15 : i32
    %scan3A_85 = arith.addi %scan3A_83, %scan3A_84 : i32
    %scan3A_86 = arith.constant 1 : i32
    scf.for %scan3A_411 = %scan3A_83 to %scan3A_85 step %scan3A_86  : i32 {
      %add3A_412 = arith.constant 3840 : i32
      %add3A_413 = arith.addi %select_n3A, %add3A_412 : i32
      %mul3A_414 = arith.constant 128 : i32
      %mul3A_415 = arith.muli %scan3A_411, %mul3A_414 : i32
      %add3A_416 = arith.addi %add3A_413, %mul3A_415 : i32
      %mul3A_417 = arith.constant 128 : i32
      %mul3A_418 = arith.muli %scan3A_411, %mul3A_417 : i32
      %dma_wait3A_419 = arith.constant 0 : i32
      %dma_wait3A_420 = tpu.memref_slice %arg6[%mul3A_418, %dma_wait3A_419] : memref<1920x8xf32, #tpu.memory_space<vmem>> -> memref<128x8xf32, #tpu.memory_space<vmem>>
      %dma_wait3A_421 = tpu.memref_slice %arg5[%add3A_416] : memref<19472xi32, #tpu.memory_space<vmem>> -> memref<128xi32, #tpu.memory_space<vmem>>
      %dma_wait3A_422 = arith.constant 0 : i32
      %dma_wait3A_423 = arith.constant 0 : i32
      %dma_wait3A_424 = tpu.memref_slice %arg2[%dma_wait3A_422, %dma_wait3A_423] : memref<100000x8xf32, #tpu.memory_space<hbm>> -> memref<100000x8xf32, #tpu.memory_space<hbm>>
      tpu.wait_indirect_dma semaphore(%arg10 : memref<!tpu.dma_semaphore, #tpu.memory_space<semaphore_mem>>) src(%dma_wait3A_424 : memref<100000x8xf32, #tpu.memory_space<hbm>>) dst(%dma_wait3A_420 : memref<128x8xf32, #tpu.memory_space<vmem>>)
    }
    %scan3A_87 = arith.constant 15 : i32
    %add3A_88 = arith.constant 0 : i32
    %add3A_89 = arith.addi %mul3A_2, %add3A_88 : i32
    %dma_wait3A = arith.constant 0 : i32
    %dma_wait3A_90 = arith.constant 0 : i32
    %dma_wait3A_91 = tpu.memref_slice %arg8[%dma_wait3A, %dma_wait3A_90] : memref<640x3xf32, #tpu.memory_space<vmem>> -> memref<640x3xf32, #tpu.memory_space<vmem>>
    %dma_wait3A_92 = arith.constant 0 : i32
    %dma_wait3A_93 = tpu.memref_slice %arg4[%add3A_89, %dma_wait3A_92] : memref<200000x3xf32, #tpu.memory_space<hbm>> -> memref<640x3xf32, #tpu.memory_space<hbm>>
    %dma_wait3A_94 = arith.constant 0 : i32
    %dma_wait3A_95 = tpu.memref_slice %arg4[%add3A_89, %dma_wait3A_94] : memref<200000x3xf32, #tpu.memory_space<hbm>> -> memref<640x3xf32, #tpu.memory_space<hbm>>
    %dma_wait3A_96 = arith.constant 0 : i32
    %dma_wait3A_97 = arith.constant 0 : i32
    %dma_wait3A_98 = tpu.memref_slice %arg8[%dma_wait3A_96, %dma_wait3A_97] : memref<640x3xf32, #tpu.memory_space<vmem>> -> memref<640x3xf32, #tpu.memory_space<vmem>>
    tpu.wait_dma2 semaphore(%arg12 : memref<!tpu.dma_semaphore, #tpu.memory_space<semaphore_mem>>) src(%dma_wait3A_98 : memref<640x3xf32, #tpu.memory_space<vmem>>) dst(%dma_wait3A_95 : memref<640x3xf32, #tpu.memory_space<hbm>>)
    %scan3A_99 = arith.constant 0 : i32
    %scan3A_100 = arith.constant 40 : i32
    %scan3A_101 = arith.addi %scan3A_99, %scan3A_100 : i32
    %scan3A_102 = arith.constant 1 : i32
    scf.for %scan3A_411 = %scan3A_99 to %scan3A_101 step %scan3A_102  : i32 {
      %mul3A_412 = arith.constant 16 : i32
      %mul3A_413 = arith.muli %scan3A_411, %mul3A_412 : i32
      %add3A_414 = vector.broadcast %mul3A_413 : i32 to vector<16xi32>
      %add3A_415 = arith.addi %add3A_414, %iota3A : vector<16xi32>
      %mul3A_416 = arith.constant 3 : i32
      %mul3A_417 = vector.broadcast %mul3A_416 : i32 to vector<16xi32>
      %mul3A_418 = arith.muli %add3A_415, %mul3A_417 : vector<16xi32>
      %gather3A = tpu.vector_load_idx %arg6[%mul3A_418, %broadcast_in_dim3A_7] : memref<1920x8xf32, #tpu.memory_space<vmem>>[vector<16xi32>, vector<16xi32>], vector<16xf32>,
      %gather3A_419 = tpu.vector_load_idx %arg6[%mul3A_418, %add3A_10] : memref<1920x8xf32, #tpu.memory_space<vmem>>[vector<16xi32>, vector<16xi32>], vector<16xf32>,
      %gather3A_420 = tpu.vector_load_idx %arg6[%mul3A_418, %add3A_13] : memref<1920x8xf32, #tpu.memory_space<vmem>>[vector<16xi32>, vector<16xi32>], vector<16xf32>,
      %add3A_421 = arith.constant 1 : i32
      %add3A_422 = vector.broadcast %add3A_421 : i32 to vector<16xi32>
      %add3A_423 = arith.addi %mul3A_418, %add3A_422 : vector<16xi32>
      %gather3A_424 = tpu.vector_load_idx %arg6[%add3A_423, %broadcast_in_dim3A_7] : memref<1920x8xf32, #tpu.memory_space<vmem>>[vector<16xi32>, vector<16xi32>], vector<16xf32>,
      %add3A_425 = arith.constant 1 : i32
      %add3A_426 = vector.broadcast %add3A_425 : i32 to vector<16xi32>
      %add3A_427 = arith.addi %mul3A_418, %add3A_426 : vector<16xi32>
      %gather3A_428 = tpu.vector_load_idx %arg6[%add3A_427, %add3A_10] : memref<1920x8xf32, #tpu.memory_space<vmem>>[vector<16xi32>, vector<16xi32>], vector<16xf32>,
      %add3A_429 = arith.constant 1 : i32
      %add3A_430 = vector.broadcast %add3A_429 : i32 to vector<16xi32>
      %add3A_431 = arith.addi %mul3A_418, %add3A_430 : vector<16xi32>
      %gather3A_432 = tpu.vector_load_idx %arg6[%add3A_431, %add3A_13] : memref<1920x8xf32, #tpu.memory_space<vmem>>[vector<16xi32>, vector<16xi32>], vector<16xf32>,
      %add3A_433 = arith.constant 2 : i32
      %add3A_434 = vector.broadcast %add3A_433 : i32 to vector<16xi32>
      %add3A_435 = arith.addi %mul3A_418, %add3A_434 : vector<16xi32>
      %gather3A_436 = tpu.vector_load_idx %arg6[%add3A_435, %broadcast_in_dim3A_7] : memref<1920x8xf32, #tpu.memory_space<vmem>>[vector<16xi32>, vector<16xi32>], vector<16xf32>,
      %add3A_437 = arith.constant 2 : i32
      %add3A_438 = vector.broadcast %add3A_437 : i32 to vector<16xi32>
      %add3A_439 = arith.addi %mul3A_418, %add3A_438 : vector<16xi32>
      %gather3A_440 = tpu.vector_load_idx %arg6[%add3A_439, %add3A_10] : memref<1920x8xf32, #tpu.memory_space<vmem>>[vector<16xi32>, vector<16xi32>], vector<16xf32>,
      %add3A_441 = arith.constant 2 : i32
      %add3A_442 = vector.broadcast %add3A_441 : i32 to vector<16xi32>
      %add3A_443 = arith.addi %mul3A_418, %add3A_442 : vector<16xi32>
      %gather3A_444 = tpu.vector_load_idx %arg6[%add3A_443, %add3A_13] : memref<1920x8xf32, #tpu.memory_space<vmem>>[vector<16xi32>, vector<16xi32>], vector<16xf32>,
      %sub3A_445 = arith.subf %gather3A_424, %gather3A : vector<16xf32>
      %sub3A_446 = arith.subf %gather3A_428, %gather3A_419 : vector<16xf32>
      %sub3A_447 = arith.subf %gather3A_432, %gather3A_420 : vector<16xf32>
      %sub3A_448 = arith.subf %gather3A_436, %gather3A : vector<16xf32>
      %sub3A_449 = arith.subf %gather3A_440, %gather3A_419 : vector<16xf32>
      %sub3A_450 = arith.subf %gather3A_444, %gather3A_420 : vector<16xf32>
      %mul3A_451 = arith.mulf %sub3A_446, %sub3A_450 : vector<16xf32>
      %mul3A_452 = arith.mulf %sub3A_447, %sub3A_449 : vector<16xf32>
      %sub3A_453 = arith.subf %mul3A_451, %mul3A_452 : vector<16xf32>
      %mul3A_454 = arith.mulf %sub3A_447, %sub3A_448 : vector<16xf32>
      %mul3A_455 = arith.mulf %sub3A_445, %sub3A_450 : vector<16xf32>
      %sub3A_456 = arith.subf %mul3A_454, %mul3A_455 : vector<16xf32>
      %mul3A_457 = arith.mulf %sub3A_445, %sub3A_449 : vector<16xf32>
      %mul3A_458 = arith.mulf %sub3A_446, %sub3A_448 : vector<16xf32>
      %sub3A_459 = arith.subf %mul3A_457, %mul3A_458 : vector<16xf32>
      %mul3A_460 = arith.mulf %sub3A_453, %sub3A_453 : vector<16xf32>
      %mul3A_461 = arith.mulf %sub3A_456, %sub3A_456 : vector<16xf32>
      %add3A_462 = arith.addf %mul3A_460, %mul3A_461 : vector<16xf32>
      %mul3A_463 = arith.mulf %sub3A_459, %sub3A_459 : vector<16xf32>
      %add3A_464 = arith.addf %add3A_462, %mul3A_463 : vector<16xf32>
      %bitcast3A = vector.bitcast %add3A_464 : vector<16xf32> to vector<16xi32>
      %shift_right_logical3A = arith.constant 1 : i32
      %shift_right_logical3A_465 = vector.broadcast %shift_right_logical3A : i32 to vector<16xi32>
      %shift_right_logical3A_466 = arith.shrui %bitcast3A, %shift_right_logical3A_465 : vector<16xi32>
      %sub3A_467 = arith.constant 1597463007 : i32
      %sub3A_468 = vector.broadcast %sub3A_467 : i32 to vector<16xi32>
      %sub3A_469 = arith.subi %sub3A_468, %shift_right_logical3A_466 : vector<16xi32>
      %bitcast3A_470 = vector.bitcast %sub3A_469 : vector<16xi32> to vector<16xf32>
      %mul3A_471 = arith.constant 5.000000e-01 : f32
      %mul3A_472 = vector.broadcast %mul3A_471 : f32 to vector<16xf32>
      %mul3A_473 = arith.mulf %mul3A_472, %add3A_464 : vector<16xf32>
      %mul3A_474 = arith.mulf %mul3A_473, %bitcast3A_470 : vector<16xf32>
      %mul3A_475 = arith.mulf %mul3A_474, %bitcast3A_470 : vector<16xf32>
      %sub3A_476 = arith.constant 1.500000e+00 : f32
      %sub3A_477 = vector.broadcast %sub3A_476 : f32 to vector<16xf32>
      %sub3A_478 = arith.subf %sub3A_477, %mul3A_475 : vector<16xf32>
      %mul3A_479 = arith.mulf %bitcast3A_470, %sub3A_478 : vector<16xf32>
      %mul3A_480 = arith.mulf %mul3A_473, %mul3A_479 : vector<16xf32>
      %mul3A_481 = arith.mulf %mul3A_480, %mul3A_479 : vector<16xf32>
      %sub3A_482 = arith.constant 1.500000e+00 : f32
      %sub3A_483 = vector.broadcast %sub3A_482 : f32 to vector<16xf32>
      %sub3A_484 = arith.subf %sub3A_483, %mul3A_481 : vector<16xf32>
      %mul3A_485 = arith.mulf %mul3A_479, %sub3A_484 : vector<16xf32>
      %mul3A_486 = arith.mulf %mul3A_473, %mul3A_485 : vector<16xf32>
      %mul3A_487 = arith.mulf %mul3A_486, %mul3A_485 : vector<16xf32>
      %sub3A_488 = arith.constant 1.500000e+00 : f32
      %sub3A_489 = vector.broadcast %sub3A_488 : f32 to vector<16xf32>
      %sub3A_490 = arith.subf %sub3A_489, %mul3A_487 : vector<16xf32>
      %mul3A_491 = arith.mulf %mul3A_485, %sub3A_490 : vector<16xf32>
      %mul3A_492 = arith.mulf %add3A_464, %mul3A_491 : vector<16xf32>
      %max3A = arith.constant 9.99999997E-7 : f32
      %max3A_493 = vector.broadcast %max3A : f32 to vector<16xf32>
      %max3A_494 = arith.maximumf %mul3A_492, %max3A_493 : vector<16xf32>
      %div3A = arith.constant 1.000000e+00 : f32
      %div3A_495 = vector.broadcast %div3A : f32 to vector<16xf32>
      %div3A_496 = arith.divf %div3A_495, %max3A_494 : vector<16xf32>
      %mul3A_497 = arith.mulf %sub3A_453, %div3A_496 : vector<16xf32>
      tpu.vector_store_idx %arg8[%add3A_415, %broadcast_in_dim3A_7], %mul3A_497 : memref<640x3xf32, #tpu.memory_space<vmem>>[vector<16xi32>, vector<16xi32>], vector<16xf32>,
      %mul3A_498 = arith.mulf %sub3A_456, %div3A_496 : vector<16xf32>
      tpu.vector_store_idx %arg8[%add3A_415, %add3A_10], %mul3A_498 : memref<640x3xf32, #tpu.memory_space<vmem>>[vector<16xi32>, vector<16xi32>], vector<16xf32>,
      %mul3A_499 = arith.mulf %sub3A_459, %div3A_496 : vector<16xf32>
      tpu.vector_store_idx %arg8[%add3A_415, %add3A_13], %mul3A_499 : memref<640x3xf32, #tpu.memory_space<vmem>>[vector<16xi32>, vector<16xi32>], vector<16xf32>,
    }
    %scan3A_103 = arith.constant 40 : i32
    %add3A_104 = arith.constant 1280 : i32
    %add3A_105 = arith.addi %mul3A_2, %add3A_104 : i32
    %dma_start3A_106 = arith.constant 0 : i32
    %dma_start3A_107 = arith.constant 0 : i32
    %dma_start3A_108 = tpu.memref_slice %arg8[%dma_start3A_106, %dma_start3A_107] : memref<640x3xf32, #tpu.memory_space<vmem>> -> memref<640x3xf32, #tpu.memory_space<vmem>>
    %dma_start3A_109 = arith.constant 0 : i32
    %dma_start3A_110 = tpu.memref_slice %arg4[%add3A_105, %dma_start3A_109] : memref<200000x3xf32, #tpu.memory_space<hbm>> -> memref<640x3xf32, #tpu.memory_space<hbm>>
    %dma_start3A_111 = arith.constant 0 : i32
    %dma_start3A_112 = tpu.memref_slice %arg4[%add3A_105, %dma_start3A_111] : memref<200000x3xf32, #tpu.memory_space<hbm>> -> memref<640x3xf32, #tpu.memory_space<hbm>>
    %dma_start3A_113 = arith.constant 0 : i32
    %dma_start3A_114 = arith.constant 0 : i32
    %dma_start3A_115 = tpu.memref_slice %arg8[%dma_start3A_113, %dma_start3A_114] : memref<640x3xf32, #tpu.memory_space<vmem>> -> memref<640x3xf32, #tpu.memory_space<vmem>>
    tpu.enqueue_dma source(%dma_start3A_115 : memref<640x3xf32, #tpu.memory_space<vmem>>) target(%dma_start3A_112 : memref<640x3xf32, #tpu.memory_space<hbm>>) target_semaphore(%arg12 : memref<!tpu.dma_semaphore, #tpu.memory_space<semaphore_mem>>)
    %scan3A_116 = arith.constant 0 : i32
    %scan3A_117 = arith.constant 15 : i32
    %scan3A_118 = arith.addi %scan3A_116, %scan3A_117 : i32
    %scan3A_119 = arith.constant 1 : i32
    scf.for %scan3A_411 = %scan3A_116 to %scan3A_118 step %scan3A_119  : i32 {
      %add3A_412 = arith.constant 7680 : i32
      %add3A_413 = arith.addi %select_n3A, %add3A_412 : i32
      %mul3A_414 = arith.constant 128 : i32
      %mul3A_415 = arith.muli %scan3A_411, %mul3A_414 : i32
      %add3A_416 = arith.addi %add3A_413, %mul3A_415 : i32
      %mul3A_417 = arith.constant 128 : i32
      %mul3A_418 = arith.muli %scan3A_411, %mul3A_417 : i32
      %dma_start3A_419 = arith.constant 0 : i32
      %dma_start3A_420 = tpu.memref_slice %arg6[%mul3A_418, %dma_start3A_419] : memref<1920x8xf32, #tpu.memory_space<vmem>> -> memref<128x8xf32, #tpu.memory_space<vmem>>
      %dma_start3A_421 = tpu.memref_slice %arg5[%add3A_416] : memref<19472xi32, #tpu.memory_space<vmem>> -> memref<128xi32, #tpu.memory_space<vmem>>
      %dma_start3A_422 = arith.constant 0 : i32
      %dma_start3A_423 = arith.constant 0 : i32
      %dma_start3A_424 = tpu.memref_slice %arg2[%dma_start3A_422, %dma_start3A_423] : memref<100000x8xf32, #tpu.memory_space<hbm>> -> memref<100000x8xf32, #tpu.memory_space<hbm>>
      tpu.enqueue_indirect_dma source(%dma_start3A_424 : memref<100000x8xf32, #tpu.memory_space<hbm>>) target(%dma_start3A_420 : memref<128x8xf32, #tpu.memory_space<vmem>>) offsets(%dma_start3A_421 : memref<128xi32, #tpu.memory_space<vmem>>) semaphore(%arg10 : memref<!tpu.dma_semaphore, #tpu.memory_space<semaphore_mem>>)
    }
    %scan3A_120 = arith.constant 15 : i32
    %scan3A_121 = arith.constant 0 : i32
    %scan3A_122 = arith.constant 15 : i32
    %scan3A_123 = arith.addi %scan3A_121, %scan3A_122 : i32
    %scan3A_124 = arith.constant 1 : i32
    scf.for %scan3A_411 = %scan3A_121 to %scan3A_123 step %scan3A_124  : i32 {
      %add3A_412 = arith.constant 5760 : i32
      %add3A_413 = arith.addi %select_n3A, %add3A_412 : i32
      %mul3A_414 = arith.constant 128 : i32
      %mul3A_415 = arith.muli %scan3A_411, %mul3A_414 : i32
      %add3A_416 = arith.addi %add3A_413, %mul3A_415 : i32
      %mul3A_417 = arith.constant 128 : i32
      %mul3A_418 = arith.muli %scan3A_411, %mul3A_417 : i32
      %dma_wait3A_419 = arith.constant 0 : i32
      %dma_wait3A_420 = tpu.memref_slice %arg7[%mul3A_418, %dma_wait3A_419] : memref<1920x8xf32, #tpu.memory_space<vmem>> -> memref<128x8xf32, #tpu.memory_space<vmem>>
      %dma_wait3A_421 = tpu.memref_slice %arg5[%add3A_416] : memref<19472xi32, #tpu.memory_space<vmem>> -> memref<128xi32, #tpu.memory_space<vmem>>
      %dma_wait3A_422 = arith.constant 0 : i32
      %dma_wait3A_423 = arith.constant 0 : i32
      %dma_wait3A_424 = tpu.memref_slice %arg2[%dma_wait3A_422, %dma_wait3A_423] : memref<100000x8xf32, #tpu.memory_space<hbm>> -> memref<100000x8xf32, #tpu.memory_space<hbm>>
      tpu.wait_indirect_dma semaphore(%arg11 : memref<!tpu.dma_semaphore, #tpu.memory_space<semaphore_mem>>) src(%dma_wait3A_424 : memref<100000x8xf32, #tpu.memory_space<hbm>>) dst(%dma_wait3A_420 : memref<128x8xf32, #tpu.memory_space<vmem>>)
    }
    %scan3A_125 = arith.constant 15 : i32
    %add3A_126 = arith.constant 640 : i32
    %add3A_127 = arith.addi %mul3A_2, %add3A_126 : i32
    %dma_wait3A_128 = arith.constant 0 : i32
    %dma_wait3A_129 = arith.constant 0 : i32
    %dma_wait3A_130 = tpu.memref_slice %arg9[%dma_wait3A_128, %dma_wait3A_129] : memref<640x3xf32, #tpu.memory_space<vmem>> -> memref<640x3xf32, #tpu.memory_space<vmem>>
    %dma_wait3A_131 = arith.constant 0 : i32
    %dma_wait3A_132 = tpu.memref_slice %arg4[%add3A_127, %dma_wait3A_131] : memref<200000x3xf32, #tpu.memory_space<hbm>> -> memref<640x3xf32, #tpu.memory_space<hbm>>
    %dma_wait3A_133 = arith.constant 0 : i32
    %dma_wait3A_134 = tpu.memref_slice %arg4[%add3A_127, %dma_wait3A_133] : memref<200000x3xf32, #tpu.memory_space<hbm>> -> memref<640x3xf32, #tpu.memory_space<hbm>>
    %dma_wait3A_135 = arith.constant 0 : i32
    %dma_wait3A_136 = arith.constant 0 : i32
    %dma_wait3A_137 = tpu.memref_slice %arg9[%dma_wait3A_135, %dma_wait3A_136] : memref<640x3xf32, #tpu.memory_space<vmem>> -> memref<640x3xf32, #tpu.memory_space<vmem>>
    tpu.wait_dma2 semaphore(%arg13 : memref<!tpu.dma_semaphore, #tpu.memory_space<semaphore_mem>>) src(%dma_wait3A_137 : memref<640x3xf32, #tpu.memory_space<vmem>>) dst(%dma_wait3A_134 : memref<640x3xf32, #tpu.memory_space<hbm>>)
    %scan3A_138 = arith.constant 0 : i32
    %scan3A_139 = arith.constant 40 : i32
    %scan3A_140 = arith.addi %scan3A_138, %scan3A_139 : i32
    %scan3A_141 = arith.constant 1 : i32
    scf.for %scan3A_411 = %scan3A_138 to %scan3A_140 step %scan3A_141  : i32 {
      %mul3A_412 = arith.constant 16 : i32
      %mul3A_413 = arith.muli %scan3A_411, %mul3A_412 : i32
      %add3A_414 = vector.broadcast %mul3A_413 : i32 to vector<16xi32>
      %add3A_415 = arith.addi %add3A_414, %iota3A : vector<16xi32>
      %mul3A_416 = arith.constant 3 : i32
      %mul3A_417 = vector.broadcast %mul3A_416 : i32 to vector<16xi32>
      %mul3A_418 = arith.muli %add3A_415, %mul3A_417 : vector<16xi32>
      %gather3A = tpu.vector_load_idx %arg7[%mul3A_418, %broadcast_in_dim3A_7] : memref<1920x8xf32, #tpu.memory_space<vmem>>[vector<16xi32>, vector<16xi32>], vector<16xf32>,
      %gather3A_419 = tpu.vector_load_idx %arg7[%mul3A_418, %add3A_10] : memref<1920x8xf32, #tpu.memory_space<vmem>>[vector<16xi32>, vector<16xi32>], vector<16xf32>,
      %gather3A_420 = tpu.vector_load_idx %arg7[%mul3A_418, %add3A_13] : memref<1920x8xf32, #tpu.memory_space<vmem>>[vector<16xi32>, vector<16xi32>], vector<16xf32>,
      %add3A_421 = arith.constant 1 : i32
      %add3A_422 = vector.broadcast %add3A_421 : i32 to vector<16xi32>
      %add3A_423 = arith.addi %mul3A_418, %add3A_422 : vector<16xi32>
      %gather3A_424 = tpu.vector_load_idx %arg7[%add3A_423, %broadcast_in_dim3A_7] : memref<1920x8xf32, #tpu.memory_space<vmem>>[vector<16xi32>, vector<16xi32>], vector<16xf32>,
      %add3A_425 = arith.constant 1 : i32
      %add3A_426 = vector.broadcast %add3A_425 : i32 to vector<16xi32>
      %add3A_427 = arith.addi %mul3A_418, %add3A_426 : vector<16xi32>
      %gather3A_428 = tpu.vector_load_idx %arg7[%add3A_427, %add3A_10] : memref<1920x8xf32, #tpu.memory_space<vmem>>[vector<16xi32>, vector<16xi32>], vector<16xf32>,
      %add3A_429 = arith.constant 1 : i32
      %add3A_430 = vector.broadcast %add3A_429 : i32 to vector<16xi32>
      %add3A_431 = arith.addi %mul3A_418, %add3A_430 : vector<16xi32>
      %gather3A_432 = tpu.vector_load_idx %arg7[%add3A_431, %add3A_13] : memref<1920x8xf32, #tpu.memory_space<vmem>>[vector<16xi32>, vector<16xi32>], vector<16xf32>,
      %add3A_433 = arith.constant 2 : i32
      %add3A_434 = vector.broadcast %add3A_433 : i32 to vector<16xi32>
      %add3A_435 = arith.addi %mul3A_418, %add3A_434 : vector<16xi32>
      %gather3A_436 = tpu.vector_load_idx %arg7[%add3A_435, %broadcast_in_dim3A_7] : memref<1920x8xf32, #tpu.memory_space<vmem>>[vector<16xi32>, vector<16xi32>], vector<16xf32>,
      %add3A_437 = arith.constant 2 : i32
      %add3A_438 = vector.broadcast %add3A_437 : i32 to vector<16xi32>
      %add3A_439 = arith.addi %mul3A_418, %add3A_438 : vector<16xi32>
      %gather3A_440 = tpu.vector_load_idx %arg7[%add3A_439, %add3A_10] : memref<1920x8xf32, #tpu.memory_space<vmem>>[vector<16xi32>, vector<16xi32>], vector<16xf32>,
      %add3A_441 = arith.constant 2 : i32
      %add3A_442 = vector.broadcast %add3A_441 : i32 to vector<16xi32>
      %add3A_443 = arith.addi %mul3A_418, %add3A_442 : vector<16xi32>
      %gather3A_444 = tpu.vector_load_idx %arg7[%add3A_443, %add3A_13] : memref<1920x8xf32, #tpu.memory_space<vmem>>[vector<16xi32>, vector<16xi32>], vector<16xf32>,
      %sub3A_445 = arith.subf %gather3A_424, %gather3A : vector<16xf32>
      %sub3A_446 = arith.subf %gather3A_428, %gather3A_419 : vector<16xf32>
      %sub3A_447 = arith.subf %gather3A_432, %gather3A_420 : vector<16xf32>
      %sub3A_448 = arith.subf %gather3A_436, %gather3A : vector<16xf32>
      %sub3A_449 = arith.subf %gather3A_440, %gather3A_419 : vector<16xf32>
      %sub3A_450 = arith.subf %gather3A_444, %gather3A_420 : vector<16xf32>
      %mul3A_451 = arith.mulf %sub3A_446, %sub3A_450 : vector<16xf32>
      %mul3A_452 = arith.mulf %sub3A_447, %sub3A_449 : vector<16xf32>
      %sub3A_453 = arith.subf %mul3A_451, %mul3A_452 : vector<16xf32>
      %mul3A_454 = arith.mulf %sub3A_447, %sub3A_448 : vector<16xf32>
      %mul3A_455 = arith.mulf %sub3A_445, %sub3A_450 : vector<16xf32>
      %sub3A_456 = arith.subf %mul3A_454, %mul3A_455 : vector<16xf32>
      %mul3A_457 = arith.mulf %sub3A_445, %sub3A_449 : vector<16xf32>
      %mul3A_458 = arith.mulf %sub3A_446, %sub3A_448 : vector<16xf32>
      %sub3A_459 = arith.subf %mul3A_457, %mul3A_458 : vector<16xf32>
      %mul3A_460 = arith.mulf %sub3A_453, %sub3A_453 : vector<16xf32>
      %mul3A_461 = arith.mulf %sub3A_456, %sub3A_456 : vector<16xf32>
      %add3A_462 = arith.addf %mul3A_460, %mul3A_461 : vector<16xf32>
      %mul3A_463 = arith.mulf %sub3A_459, %sub3A_459 : vector<16xf32>
      %add3A_464 = arith.addf %add3A_462, %mul3A_463 : vector<16xf32>
      %bitcast3A = vector.bitcast %add3A_464 : vector<16xf32> to vector<16xi32>
      %shift_right_logical3A = arith.constant 1 : i32
      %shift_right_logical3A_465 = vector.broadcast %shift_right_logical3A : i32 to vector<16xi32>
      %shift_right_logical3A_466 = arith.shrui %bitcast3A, %shift_right_logical3A_465 : vector<16xi32>
      %sub3A_467 = arith.constant 1597463007 : i32
      %sub3A_468 = vector.broadcast %sub3A_467 : i32 to vector<16xi32>
      %sub3A_469 = arith.subi %sub3A_468, %shift_right_logical3A_466 : vector<16xi32>
      %bitcast3A_470 = vector.bitcast %sub3A_469 : vector<16xi32> to vector<16xf32>
      %mul3A_471 = arith.constant 5.000000e-01 : f32
      %mul3A_472 = vector.broadcast %mul3A_471 : f32 to vector<16xf32>
      %mul3A_473 = arith.mulf %mul3A_472, %add3A_464 : vector<16xf32>
      %mul3A_474 = arith.mulf %mul3A_473, %bitcast3A_470 : vector<16xf32>
      %mul3A_475 = arith.mulf %mul3A_474, %bitcast3A_470 : vector<16xf32>
      %sub3A_476 = arith.constant 1.500000e+00 : f32
      %sub3A_477 = vector.broadcast %sub3A_476 : f32 to vector<16xf32>
      %sub3A_478 = arith.subf %sub3A_477, %mul3A_475 : vector<16xf32>
      %mul3A_479 = arith.mulf %bitcast3A_470, %sub3A_478 : vector<16xf32>
      %mul3A_480 = arith.mulf %mul3A_473, %mul3A_479 : vector<16xf32>
      %mul3A_481 = arith.mulf %mul3A_480, %mul3A_479 : vector<16xf32>
      %sub3A_482 = arith.constant 1.500000e+00 : f32
      %sub3A_483 = vector.broadcast %sub3A_482 : f32 to vector<16xf32>
      %sub3A_484 = arith.subf %sub3A_483, %mul3A_481 : vector<16xf32>
      %mul3A_485 = arith.mulf %mul3A_479, %sub3A_484 : vector<16xf32>
      %mul3A_486 = arith.mulf %mul3A_473, %mul3A_485 : vector<16xf32>
      %mul3A_487 = arith.mulf %mul3A_486, %mul3A_485 : vector<16xf32>
      %sub3A_488 = arith.constant 1.500000e+00 : f32
      %sub3A_489 = vector.broadcast %sub3A_488 : f32 to vector<16xf32>
      %sub3A_490 = arith.subf %sub3A_489, %mul3A_487 : vector<16xf32>
      %mul3A_491 = arith.mulf %mul3A_485, %sub3A_490 : vector<16xf32>
      %mul3A_492 = arith.mulf %add3A_464, %mul3A_491 : vector<16xf32>
      %max3A = arith.constant 9.99999997E-7 : f32
      %max3A_493 = vector.broadcast %max3A : f32 to vector<16xf32>
      %max3A_494 = arith.maximumf %mul3A_492, %max3A_493 : vector<16xf32>
      %div3A = arith.constant 1.000000e+00 : f32
      %div3A_495 = vector.broadcast %div3A : f32 to vector<16xf32>
      %div3A_496 = arith.divf %div3A_495, %max3A_494 : vector<16xf32>
      %mul3A_497 = arith.mulf %sub3A_453, %div3A_496 : vector<16xf32>
      tpu.vector_store_idx %arg9[%add3A_415, %broadcast_in_dim3A_7], %mul3A_497 : memref<640x3xf32, #tpu.memory_space<vmem>>[vector<16xi32>, vector<16xi32>], vector<16xf32>,
      %mul3A_498 = arith.mulf %sub3A_456, %div3A_496 : vector<16xf32>
      tpu.vector_store_idx %arg9[%add3A_415, %add3A_10], %mul3A_498 : memref<640x3xf32, #tpu.memory_space<vmem>>[vector<16xi32>, vector<16xi32>], vector<16xf32>,
      %mul3A_499 = arith.mulf %sub3A_459, %div3A_496 : vector<16xf32>
      tpu.vector_store_idx %arg9[%add3A_415, %add3A_13], %mul3A_499 : memref<640x3xf32, #tpu.memory_space<vmem>>[vector<16xi32>, vector<16xi32>], vector<16xf32>,
    }
    %scan3A_142 = arith.constant 40 : i32
    %add3A_143 = arith.constant 1920 : i32
    %add3A_144 = arith.addi %mul3A_2, %add3A_143 : i32
    %dma_start3A_145 = arith.constant 0 : i32
    %dma_start3A_146 = arith.constant 0 : i32
    %dma_start3A_147 = tpu.memref_slice %arg9[%dma_start3A_145, %dma_start3A_146] : memref<640x3xf32, #tpu.memory_space<vmem>> -> memref<640x3xf32, #tpu.memory_space<vmem>>
    %dma_start3A_148 = arith.constant 0 : i32
    %dma_start3A_149 = tpu.memref_slice %arg4[%add3A_144, %dma_start3A_148] : memref<200000x3xf32, #tpu.memory_space<hbm>> -> memref<640x3xf32, #tpu.memory_space<hbm>>
    %dma_start3A_150 = arith.constant 0 : i32
    %dma_start3A_151 = tpu.memref_slice %arg4[%add3A_144, %dma_start3A_150] : memref<200000x3xf32, #tpu.memory_space<hbm>> -> memref<640x3xf32, #tpu.memory_space<hbm>>
    %dma_start3A_152 = arith.constant 0 : i32
    %dma_start3A_153 = arith.constant 0 : i32
    %dma_start3A_154 = tpu.memref_slice %arg9[%dma_start3A_152, %dma_start3A_153] : memref<640x3xf32, #tpu.memory_space<vmem>> -> memref<640x3xf32, #tpu.memory_space<vmem>>
    tpu.enqueue_dma source(%dma_start3A_154 : memref<640x3xf32, #tpu.memory_space<vmem>>) target(%dma_start3A_151 : memref<640x3xf32, #tpu.memory_space<hbm>>) target_semaphore(%arg13 : memref<!tpu.dma_semaphore, #tpu.memory_space<semaphore_mem>>)
    %scan3A_155 = arith.constant 0 : i32
    %scan3A_156 = arith.constant 15 : i32
    %scan3A_157 = arith.addi %scan3A_155, %scan3A_156 : i32
    %scan3A_158 = arith.constant 1 : i32
    scf.for %scan3A_411 = %scan3A_155 to %scan3A_157 step %scan3A_158  : i32 {
      %add3A_412 = arith.constant 9600 : i32
      %add3A_413 = arith.addi %select_n3A, %add3A_412 : i32
      %mul3A_414 = arith.constant 128 : i32
      %mul3A_415 = arith.muli %scan3A_411, %mul3A_414 : i32
      %add3A_416 = arith.addi %add3A_413, %mul3A_415 : i32
      %mul3A_417 = arith.constant 128 : i32
      %mul3A_418 = arith.muli %scan3A_411, %mul3A_417 : i32
      %dma_start3A_419 = arith.constant 0 : i32
      %dma_start3A_420 = tpu.memref_slice %arg7[%mul3A_418, %dma_start3A_419] : memref<1920x8xf32, #tpu.memory_space<vmem>> -> memref<128x8xf32, #tpu.memory_space<vmem>>
      %dma_start3A_421 = tpu.memref_slice %arg5[%add3A_416] : memref<19472xi32, #tpu.memory_space<vmem>> -> memref<128xi32, #tpu.memory_space<vmem>>
      %dma_start3A_422 = arith.constant 0 : i32
      %dma_start3A_423 = arith.constant 0 : i32
      %dma_start3A_424 = tpu.memref_slice %arg2[%dma_start3A_422, %dma_start3A_423] : memref<100000x8xf32, #tpu.memory_space<hbm>> -> memref<100000x8xf32, #tpu.memory_space<hbm>>
      tpu.enqueue_indirect_dma source(%dma_start3A_424 : memref<100000x8xf32, #tpu.memory_space<hbm>>) target(%dma_start3A_420 : memref<128x8xf32, #tpu.memory_space<vmem>>) offsets(%dma_start3A_421 : memref<128xi32, #tpu.memory_space<vmem>>) semaphore(%arg11 : memref<!tpu.dma_semaphore, #tpu.memory_space<semaphore_mem>>)
    }
    %scan3A_159 = arith.constant 15 : i32
    %scan3A_160 = arith.constant 0 : i32
    %scan3A_161 = arith.constant 15 : i32
    %scan3A_162 = arith.addi %scan3A_160, %scan3A_161 : i32
    %scan3A_163 = arith.constant 1 : i32
    scf.for %scan3A_411 = %scan3A_160 to %scan3A_162 step %scan3A_163  : i32 {
      %add3A_412 = arith.constant 7680 : i32
      %add3A_413 = arith.addi %select_n3A, %add3A_412 : i32
      %mul3A_414 = arith.constant 128 : i32
      %mul3A_415 = arith.muli %scan3A_411, %mul3A_414 : i32
      %add3A_416 = arith.addi %add3A_413, %mul3A_415 : i32
      %mul3A_417 = arith.constant 128 : i32
      %mul3A_418 = arith.muli %scan3A_411, %mul3A_417 : i32
      %dma_wait3A_419 = arith.constant 0 : i32
      %dma_wait3A_420 = tpu.memref_slice %arg6[%mul3A_418, %dma_wait3A_419] : memref<1920x8xf32, #tpu.memory_space<vmem>> -> memref<128x8xf32, #tpu.memory_space<vmem>>
      %dma_wait3A_421 = tpu.memref_slice %arg5[%add3A_416] : memref<19472xi32, #tpu.memory_space<vmem>> -> memref<128xi32, #tpu.memory_space<vmem>>
      %dma_wait3A_422 = arith.constant 0 : i32
      %dma_wait3A_423 = arith.constant 0 : i32
      %dma_wait3A_424 = tpu.memref_slice %arg2[%dma_wait3A_422, %dma_wait3A_423] : memref<100000x8xf32, #tpu.memory_space<hbm>> -> memref<100000x8xf32, #tpu.memory_space<hbm>>
      tpu.wait_indirect_dma semaphore(%arg10 : memref<!tpu.dma_semaphore, #tpu.memory_space<semaphore_mem>>) src(%dma_wait3A_424 : memref<100000x8xf32, #tpu.memory_space<hbm>>) dst(%dma_wait3A_420 : memref<128x8xf32, #tpu.memory_space<vmem>>)
    }
    %scan3A_164 = arith.constant 15 : i32
    %add3A_165 = arith.constant 1280 : i32
    %add3A_166 = arith.addi %mul3A_2, %add3A_165 : i32
    %dma_wait3A_167 = arith.constant 0 : i32
    %dma_wait3A_168 = arith.constant 0 : i32
    %dma_wait3A_169 = tpu.memref_slice %arg8[%dma_wait3A_167, %dma_wait3A_168] : memref<640x3xf32, #tpu.memory_space<vmem>> -> memref<640x3xf32, #tpu.memory_space<vmem>>
    %dma_wait3A_170 = arith.constant 0 : i32
    %dma_wait3A_171 = tpu.memref_slice %arg4[%add3A_166, %dma_wait3A_170] : memref<200000x3xf32, #tpu.memory_space<hbm>> -> memref<640x3xf32, #tpu.memory_space<hbm>>
    %dma_wait3A_172 = arith.constant 0 : i32
    %dma_wait3A_173 = tpu.memref_slice %arg4[%add3A_166, %dma_wait3A_172] : memref<200000x3xf32, #tpu.memory_space<hbm>> -> memref<640x3xf32, #tpu.memory_space<hbm>>
    %dma_wait3A_174 = arith.constant 0 : i32
    %dma_wait3A_175 = arith.constant 0 : i32
    %dma_wait3A_176 = tpu.memref_slice %arg8[%dma_wait3A_174, %dma_wait3A_175] : memref<640x3xf32, #tpu.memory_space<vmem>> -> memref<640x3xf32, #tpu.memory_space<vmem>>
    tpu.wait_dma2 semaphore(%arg12 : memref<!tpu.dma_semaphore, #tpu.memory_space<semaphore_mem>>) src(%dma_wait3A_176 : memref<640x3xf32, #tpu.memory_space<vmem>>) dst(%dma_wait3A_173 : memref<640x3xf32, #tpu.memory_space<hbm>>)
    %scan3A_177 = arith.constant 0 : i32
    %scan3A_178 = arith.constant 40 : i32
    %scan3A_179 = arith.addi %scan3A_177, %scan3A_178 : i32
    %scan3A_180 = arith.constant 1 : i32
    scf.for %scan3A_411 = %scan3A_177 to %scan3A_179 step %scan3A_180  : i32 {
      %mul3A_412 = arith.constant 16 : i32
      %mul3A_413 = arith.muli %scan3A_411, %mul3A_412 : i32
      %add3A_414 = vector.broadcast %mul3A_413 : i32 to vector<16xi32>
      %add3A_415 = arith.addi %add3A_414, %iota3A : vector<16xi32>
      %mul3A_416 = arith.constant 3 : i32
      %mul3A_417 = vector.broadcast %mul3A_416 : i32 to vector<16xi32>
      %mul3A_418 = arith.muli %add3A_415, %mul3A_417 : vector<16xi32>
      %gather3A = tpu.vector_load_idx %arg6[%mul3A_418, %broadcast_in_dim3A_7] : memref<1920x8xf32, #tpu.memory_space<vmem>>[vector<16xi32>, vector<16xi32>], vector<16xf32>,
      %gather3A_419 = tpu.vector_load_idx %arg6[%mul3A_418, %add3A_10] : memref<1920x8xf32, #tpu.memory_space<vmem>>[vector<16xi32>, vector<16xi32>], vector<16xf32>,
      %gather3A_420 = tpu.vector_load_idx %arg6[%mul3A_418, %add3A_13] : memref<1920x8xf32, #tpu.memory_space<vmem>>[vector<16xi32>, vector<16xi32>], vector<16xf32>,
      %add3A_421 = arith.constant 1 : i32
      %add3A_422 = vector.broadcast %add3A_421 : i32 to vector<16xi32>
      %add3A_423 = arith.addi %mul3A_418, %add3A_422 : vector<16xi32>
      %gather3A_424 = tpu.vector_load_idx %arg6[%add3A_423, %broadcast_in_dim3A_7] : memref<1920x8xf32, #tpu.memory_space<vmem>>[vector<16xi32>, vector<16xi32>], vector<16xf32>,
      %add3A_425 = arith.constant 1 : i32
      %add3A_426 = vector.broadcast %add3A_425 : i32 to vector<16xi32>
      %add3A_427 = arith.addi %mul3A_418, %add3A_426 : vector<16xi32>
      %gather3A_428 = tpu.vector_load_idx %arg6[%add3A_427, %add3A_10] : memref<1920x8xf32, #tpu.memory_space<vmem>>[vector<16xi32>, vector<16xi32>], vector<16xf32>,
      %add3A_429 = arith.constant 1 : i32
      %add3A_430 = vector.broadcast %add3A_429 : i32 to vector<16xi32>
      %add3A_431 = arith.addi %mul3A_418, %add3A_430 : vector<16xi32>
      %gather3A_432 = tpu.vector_load_idx %arg6[%add3A_431, %add3A_13] : memref<1920x8xf32, #tpu.memory_space<vmem>>[vector<16xi32>, vector<16xi32>], vector<16xf32>,
      %add3A_433 = arith.constant 2 : i32
      %add3A_434 = vector.broadcast %add3A_433 : i32 to vector<16xi32>
      %add3A_435 = arith.addi %mul3A_418, %add3A_434 : vector<16xi32>
      %gather3A_436 = tpu.vector_load_idx %arg6[%add3A_435, %broadcast_in_dim3A_7] : memref<1920x8xf32, #tpu.memory_space<vmem>>[vector<16xi32>, vector<16xi32>], vector<16xf32>,
      %add3A_437 = arith.constant 2 : i32
      %add3A_438 = vector.broadcast %add3A_437 : i32 to vector<16xi32>
      %add3A_439 = arith.addi %mul3A_418, %add3A_438 : vector<16xi32>
      %gather3A_440 = tpu.vector_load_idx %arg6[%add3A_439, %add3A_10] : memref<1920x8xf32, #tpu.memory_space<vmem>>[vector<16xi32>, vector<16xi32>], vector<16xf32>,
      %add3A_441 = arith.constant 2 : i32
      %add3A_442 = vector.broadcast %add3A_441 : i32 to vector<16xi32>
      %add3A_443 = arith.addi %mul3A_418, %add3A_442 : vector<16xi32>
      %gather3A_444 = tpu.vector_load_idx %arg6[%add3A_443, %add3A_13] : memref<1920x8xf32, #tpu.memory_space<vmem>>[vector<16xi32>, vector<16xi32>], vector<16xf32>,
      %sub3A_445 = arith.subf %gather3A_424, %gather3A : vector<16xf32>
      %sub3A_446 = arith.subf %gather3A_428, %gather3A_419 : vector<16xf32>
      %sub3A_447 = arith.subf %gather3A_432, %gather3A_420 : vector<16xf32>
      %sub3A_448 = arith.subf %gather3A_436, %gather3A : vector<16xf32>
      %sub3A_449 = arith.subf %gather3A_440, %gather3A_419 : vector<16xf32>
      %sub3A_450 = arith.subf %gather3A_444, %gather3A_420 : vector<16xf32>
      %mul3A_451 = arith.mulf %sub3A_446, %sub3A_450 : vector<16xf32>
      %mul3A_452 = arith.mulf %sub3A_447, %sub3A_449 : vector<16xf32>
      %sub3A_453 = arith.subf %mul3A_451, %mul3A_452 : vector<16xf32>
      %mul3A_454 = arith.mulf %sub3A_447, %sub3A_448 : vector<16xf32>
      %mul3A_455 = arith.mulf %sub3A_445, %sub3A_450 : vector<16xf32>
      %sub3A_456 = arith.subf %mul3A_454, %mul3A_455 : vector<16xf32>
      %mul3A_457 = arith.mulf %sub3A_445, %sub3A_449 : vector<16xf32>
      %mul3A_458 = arith.mulf %sub3A_446, %sub3A_448 : vector<16xf32>
      %sub3A_459 = arith.subf %mul3A_457, %mul3A_458 : vector<16xf32>
      %mul3A_460 = arith.mulf %sub3A_453, %sub3A_453 : vector<16xf32>
      %mul3A_461 = arith.mulf %sub3A_456, %sub3A_456 : vector<16xf32>
      %add3A_462 = arith.addf %mul3A_460, %mul3A_461 : vector<16xf32>
      %mul3A_463 = arith.mulf %sub3A_459, %sub3A_459 : vector<16xf32>
      %add3A_464 = arith.addf %add3A_462, %mul3A_463 : vector<16xf32>
      %bitcast3A = vector.bitcast %add3A_464 : vector<16xf32> to vector<16xi32>
      %shift_right_logical3A = arith.constant 1 : i32
      %shift_right_logical3A_465 = vector.broadcast %shift_right_logical3A : i32 to vector<16xi32>
      %shift_right_logical3A_466 = arith.shrui %bitcast3A, %shift_right_logical3A_465 : vector<16xi32>
      %sub3A_467 = arith.constant 1597463007 : i32
      %sub3A_468 = vector.broadcast %sub3A_467 : i32 to vector<16xi32>
      %sub3A_469 = arith.subi %sub3A_468, %shift_right_logical3A_466 : vector<16xi32>
      %bitcast3A_470 = vector.bitcast %sub3A_469 : vector<16xi32> to vector<16xf32>
      %mul3A_471 = arith.constant 5.000000e-01 : f32
      %mul3A_472 = vector.broadcast %mul3A_471 : f32 to vector<16xf32>
      %mul3A_473 = arith.mulf %mul3A_472, %add3A_464 : vector<16xf32>
      %mul3A_474 = arith.mulf %mul3A_473, %bitcast3A_470 : vector<16xf32>
      %mul3A_475 = arith.mulf %mul3A_474, %bitcast3A_470 : vector<16xf32>
      %sub3A_476 = arith.constant 1.500000e+00 : f32
      %sub3A_477 = vector.broadcast %sub3A_476 : f32 to vector<16xf32>
      %sub3A_478 = arith.subf %sub3A_477, %mul3A_475 : vector<16xf32>
      %mul3A_479 = arith.mulf %bitcast3A_470, %sub3A_478 : vector<16xf32>
      %mul3A_480 = arith.mulf %mul3A_473, %mul3A_479 : vector<16xf32>
      %mul3A_481 = arith.mulf %mul3A_480, %mul3A_479 : vector<16xf32>
      %sub3A_482 = arith.constant 1.500000e+00 : f32
      %sub3A_483 = vector.broadcast %sub3A_482 : f32 to vector<16xf32>
      %sub3A_484 = arith.subf %sub3A_483, %mul3A_481 : vector<16xf32>
      %mul3A_485 = arith.mulf %mul3A_479, %sub3A_484 : vector<16xf32>
      %mul3A_486 = arith.mulf %mul3A_473, %mul3A_485 : vector<16xf32>
      %mul3A_487 = arith.mulf %mul3A_486, %mul3A_485 : vector<16xf32>
      %sub3A_488 = arith.constant 1.500000e+00 : f32
      %sub3A_489 = vector.broadcast %sub3A_488 : f32 to vector<16xf32>
      %sub3A_490 = arith.subf %sub3A_489, %mul3A_487 : vector<16xf32>
      %mul3A_491 = arith.mulf %mul3A_485, %sub3A_490 : vector<16xf32>
      %mul3A_492 = arith.mulf %add3A_464, %mul3A_491 : vector<16xf32>
      %max3A = arith.constant 9.99999997E-7 : f32
      %max3A_493 = vector.broadcast %max3A : f32 to vector<16xf32>
      %max3A_494 = arith.maximumf %mul3A_492, %max3A_493 : vector<16xf32>
      %div3A = arith.constant 1.000000e+00 : f32
      %div3A_495 = vector.broadcast %div3A : f32 to vector<16xf32>
      %div3A_496 = arith.divf %div3A_495, %max3A_494 : vector<16xf32>
      %mul3A_497 = arith.mulf %sub3A_453, %div3A_496 : vector<16xf32>
      tpu.vector_store_idx %arg8[%add3A_415, %broadcast_in_dim3A_7], %mul3A_497 : memref<640x3xf32, #tpu.memory_space<vmem>>[vector<16xi32>, vector<16xi32>], vector<16xf32>,
      %mul3A_498 = arith.mulf %sub3A_456, %div3A_496 : vector<16xf32>
      tpu.vector_store_idx %arg8[%add3A_415, %add3A_10], %mul3A_498 : memref<640x3xf32, #tpu.memory_space<vmem>>[vector<16xi32>, vector<16xi32>], vector<16xf32>,
      %mul3A_499 = arith.mulf %sub3A_459, %div3A_496 : vector<16xf32>
      tpu.vector_store_idx %arg8[%add3A_415, %add3A_13], %mul3A_499 : memref<640x3xf32, #tpu.memory_space<vmem>>[vector<16xi32>, vector<16xi32>], vector<16xf32>,
    }
    %scan3A_181 = arith.constant 40 : i32
    %add3A_182 = arith.constant 2560 : i32
    %add3A_183 = arith.addi %mul3A_2, %add3A_182 : i32
    %dma_start3A_184 = arith.constant 0 : i32
    %dma_start3A_185 = arith.constant 0 : i32
    %dma_start3A_186 = tpu.memref_slice %arg8[%dma_start3A_184, %dma_start3A_185] : memref<640x3xf32, #tpu.memory_space<vmem>> -> memref<640x3xf32, #tpu.memory_space<vmem>>
    %dma_start3A_187 = arith.constant 0 : i32
    %dma_start3A_188 = tpu.memref_slice %arg4[%add3A_183, %dma_start3A_187] : memref<200000x3xf32, #tpu.memory_space<hbm>> -> memref<640x3xf32, #tpu.memory_space<hbm>>
    %dma_start3A_189 = arith.constant 0 : i32
    %dma_start3A_190 = tpu.memref_slice %arg4[%add3A_183, %dma_start3A_189] : memref<200000x3xf32, #tpu.memory_space<hbm>> -> memref<640x3xf32, #tpu.memory_space<hbm>>
    %dma_start3A_191 = arith.constant 0 : i32
    %dma_start3A_192 = arith.constant 0 : i32
    %dma_start3A_193 = tpu.memref_slice %arg8[%dma_start3A_191, %dma_start3A_192] : memref<640x3xf32, #tpu.memory_space<vmem>> -> memref<640x3xf32, #tpu.memory_space<vmem>>
    tpu.enqueue_dma source(%dma_start3A_193 : memref<640x3xf32, #tpu.memory_space<vmem>>) target(%dma_start3A_190 : memref<640x3xf32, #tpu.memory_space<hbm>>) target_semaphore(%arg12 : memref<!tpu.dma_semaphore, #tpu.memory_space<semaphore_mem>>)
    %scan3A_194 = arith.constant 0 : i32
    %scan3A_195 = arith.constant 15 : i32
    %scan3A_196 = arith.addi %scan3A_194, %scan3A_195 : i32
    %scan3A_197 = arith.constant 1 : i32
    scf.for %scan3A_411 = %scan3A_194 to %scan3A_196 step %scan3A_197  : i32 {
      %add3A_412 = arith.constant 11520 : i32
      %add3A_413 = arith.addi %select_n3A, %add3A_412 : i32
      %mul3A_414 = arith.constant 128 : i32
      %mul3A_415 = arith.muli %scan3A_411, %mul3A_414 : i32
      %add3A_416 = arith.addi %add3A_413, %mul3A_415 : i32
      %mul3A_417 = arith.constant 128 : i32
      %mul3A_418 = arith.muli %scan3A_411, %mul3A_417 : i32
      %dma_start3A_419 = arith.constant 0 : i32
      %dma_start3A_420 = tpu.memref_slice %arg6[%mul3A_418, %dma_start3A_419] : memref<1920x8xf32, #tpu.memory_space<vmem>> -> memref<128x8xf32, #tpu.memory_space<vmem>>
      %dma_start3A_421 = tpu.memref_slice %arg5[%add3A_416] : memref<19472xi32, #tpu.memory_space<vmem>> -> memref<128xi32, #tpu.memory_space<vmem>>
      %dma_start3A_422 = arith.constant 0 : i32
      %dma_start3A_423 = arith.constant 0 : i32
      %dma_start3A_424 = tpu.memref_slice %arg2[%dma_start3A_422, %dma_start3A_423] : memref<100000x8xf32, #tpu.memory_space<hbm>> -> memref<100000x8xf32, #tpu.memory_space<hbm>>
      tpu.enqueue_indirect_dma source(%dma_start3A_424 : memref<100000x8xf32, #tpu.memory_space<hbm>>) target(%dma_start3A_420 : memref<128x8xf32, #tpu.memory_space<vmem>>) offsets(%dma_start3A_421 : memref<128xi32, #tpu.memory_space<vmem>>) semaphore(%arg10 : memref<!tpu.dma_semaphore, #tpu.memory_space<semaphore_mem>>)
    }
    %scan3A_198 = arith.constant 15 : i32
    %scan3A_199 = arith.constant 0 : i32
    %scan3A_200 = arith.constant 15 : i32
    %scan3A_201 = arith.addi %scan3A_199, %scan3A_200 : i32
    %scan3A_202 = arith.constant 1 : i32
    scf.for %scan3A_411 = %scan3A_199 to %scan3A_201 step %scan3A_202  : i32 {
      %add3A_412 = arith.constant 9600 : i32
      %add3A_413 = arith.addi %select_n3A, %add3A_412 : i32
      %mul3A_414 = arith.constant 128 : i32
      %mul3A_415 = arith.muli %scan3A_411, %mul3A_414 : i32
      %add3A_416 = arith.addi %add3A_413, %mul3A_415 : i32
      %mul3A_417 = arith.constant 128 : i32
      %mul3A_418 = arith.muli %scan3A_411, %mul3A_417 : i32
      %dma_wait3A_419 = arith.constant 0 : i32
      %dma_wait3A_420 = tpu.memref_slice %arg7[%mul3A_418, %dma_wait3A_419] : memref<1920x8xf32, #tpu.memory_space<vmem>> -> memref<128x8xf32, #tpu.memory_space<vmem>>
      %dma_wait3A_421 = tpu.memref_slice %arg5[%add3A_416] : memref<19472xi32, #tpu.memory_space<vmem>> -> memref<128xi32, #tpu.memory_space<vmem>>
      %dma_wait3A_422 = arith.constant 0 : i32
      %dma_wait3A_423 = arith.constant 0 : i32
      %dma_wait3A_424 = tpu.memref_slice %arg2[%dma_wait3A_422, %dma_wait3A_423] : memref<100000x8xf32, #tpu.memory_space<hbm>> -> memref<100000x8xf32, #tpu.memory_space<hbm>>
      tpu.wait_indirect_dma semaphore(%arg11 : memref<!tpu.dma_semaphore, #tpu.memory_space<semaphore_mem>>) src(%dma_wait3A_424 : memref<100000x8xf32, #tpu.memory_space<hbm>>) dst(%dma_wait3A_420 : memref<128x8xf32, #tpu.memory_space<vmem>>)
    }
    %scan3A_203 = arith.constant 15 : i32
    %add3A_204 = arith.constant 1920 : i32
    %add3A_205 = arith.addi %mul3A_2, %add3A_204 : i32
    %dma_wait3A_206 = arith.constant 0 : i32
    %dma_wait3A_207 = arith.constant 0 : i32
    %dma_wait3A_208 = tpu.memref_slice %arg9[%dma_wait3A_206, %dma_wait3A_207] : memref<640x3xf32, #tpu.memory_space<vmem>> -> memref<640x3xf32, #tpu.memory_space<vmem>>
    %dma_wait3A_209 = arith.constant 0 : i32
    %dma_wait3A_210 = tpu.memref_slice %arg4[%add3A_205, %dma_wait3A_209] : memref<200000x3xf32, #tpu.memory_space<hbm>> -> memref<640x3xf32, #tpu.memory_space<hbm>>
    %dma_wait3A_211 = arith.constant 0 : i32
    %dma_wait3A_212 = tpu.memref_slice %arg4[%add3A_205, %dma_wait3A_211] : memref<200000x3xf32, #tpu.memory_space<hbm>> -> memref<640x3xf32, #tpu.memory_space<hbm>>
    %dma_wait3A_213 = arith.constant 0 : i32
    %dma_wait3A_214 = arith.constant 0 : i32
    %dma_wait3A_215 = tpu.memref_slice %arg9[%dma_wait3A_213, %dma_wait3A_214] : memref<640x3xf32, #tpu.memory_space<vmem>> -> memref<640x3xf32, #tpu.memory_space<vmem>>
    tpu.wait_dma2 semaphore(%arg13 : memref<!tpu.dma_semaphore, #tpu.memory_space<semaphore_mem>>) src(%dma_wait3A_215 : memref<640x3xf32, #tpu.memory_space<vmem>>) dst(%dma_wait3A_212 : memref<640x3xf32, #tpu.memory_space<hbm>>)
    %scan3A_216 = arith.constant 0 : i32
    %scan3A_217 = arith.constant 40 : i32
    %scan3A_218 = arith.addi %scan3A_216, %scan3A_217 : i32
    %scan3A_219 = arith.constant 1 : i32
    scf.for %scan3A_411 = %scan3A_216 to %scan3A_218 step %scan3A_219  : i32 {
      %mul3A_412 = arith.constant 16 : i32
      %mul3A_413 = arith.muli %scan3A_411, %mul3A_412 : i32
      %add3A_414 = vector.broadcast %mul3A_413 : i32 to vector<16xi32>
      %add3A_415 = arith.addi %add3A_414, %iota3A : vector<16xi32>
      %mul3A_416 = arith.constant 3 : i32
      %mul3A_417 = vector.broadcast %mul3A_416 : i32 to vector<16xi32>
      %mul3A_418 = arith.muli %add3A_415, %mul3A_417 : vector<16xi32>
      %gather3A = tpu.vector_load_idx %arg7[%mul3A_418, %broadcast_in_dim3A_7] : memref<1920x8xf32, #tpu.memory_space<vmem>>[vector<16xi32>, vector<16xi32>], vector<16xf32>,
      %gather3A_419 = tpu.vector_load_idx %arg7[%mul3A_418, %add3A_10] : memref<1920x8xf32, #tpu.memory_space<vmem>>[vector<16xi32>, vector<16xi32>], vector<16xf32>,
      %gather3A_420 = tpu.vector_load_idx %arg7[%mul3A_418, %add3A_13] : memref<1920x8xf32, #tpu.memory_space<vmem>>[vector<16xi32>, vector<16xi32>], vector<16xf32>,
      %add3A_421 = arith.constant 1 : i32
      %add3A_422 = vector.broadcast %add3A_421 : i32 to vector<16xi32>
      %add3A_423 = arith.addi %mul3A_418, %add3A_422 : vector<16xi32>
      %gather3A_424 = tpu.vector_load_idx %arg7[%add3A_423, %broadcast_in_dim3A_7] : memref<1920x8xf32, #tpu.memory_space<vmem>>[vector<16xi32>, vector<16xi32>], vector<16xf32>,
      %add3A_425 = arith.constant 1 : i32
      %add3A_426 = vector.broadcast %add3A_425 : i32 to vector<16xi32>
      %add3A_427 = arith.addi %mul3A_418, %add3A_426 : vector<16xi32>
      %gather3A_428 = tpu.vector_load_idx %arg7[%add3A_427, %add3A_10] : memref<1920x8xf32, #tpu.memory_space<vmem>>[vector<16xi32>, vector<16xi32>], vector<16xf32>,
      %add3A_429 = arith.constant 1 : i32
      %add3A_430 = vector.broadcast %add3A_429 : i32 to vector<16xi32>
      %add3A_431 = arith.addi %mul3A_418, %add3A_430 : vector<16xi32>
      %gather3A_432 = tpu.vector_load_idx %arg7[%add3A_431, %add3A_13] : memref<1920x8xf32, #tpu.memory_space<vmem>>[vector<16xi32>, vector<16xi32>], vector<16xf32>,
      %add3A_433 = arith.constant 2 : i32
      %add3A_434 = vector.broadcast %add3A_433 : i32 to vector<16xi32>
      %add3A_435 = arith.addi %mul3A_418, %add3A_434 : vector<16xi32>
      %gather3A_436 = tpu.vector_load_idx %arg7[%add3A_435, %broadcast_in_dim3A_7] : memref<1920x8xf32, #tpu.memory_space<vmem>>[vector<16xi32>, vector<16xi32>], vector<16xf32>,
      %add3A_437 = arith.constant 2 : i32
      %add3A_438 = vector.broadcast %add3A_437 : i32 to vector<16xi32>
      %add3A_439 = arith.addi %mul3A_418, %add3A_438 : vector<16xi32>
      %gather3A_440 = tpu.vector_load_idx %arg7[%add3A_439, %add3A_10] : memref<1920x8xf32, #tpu.memory_space<vmem>>[vector<16xi32>, vector<16xi32>], vector<16xf32>,
      %add3A_441 = arith.constant 2 : i32
      %add3A_442 = vector.broadcast %add3A_441 : i32 to vector<16xi32>
      %add3A_443 = arith.addi %mul3A_418, %add3A_442 : vector<16xi32>
      %gather3A_444 = tpu.vector_load_idx %arg7[%add3A_443, %add3A_13] : memref<1920x8xf32, #tpu.memory_space<vmem>>[vector<16xi32>, vector<16xi32>], vector<16xf32>,
      %sub3A_445 = arith.subf %gather3A_424, %gather3A : vector<16xf32>
      %sub3A_446 = arith.subf %gather3A_428, %gather3A_419 : vector<16xf32>
      %sub3A_447 = arith.subf %gather3A_432, %gather3A_420 : vector<16xf32>
      %sub3A_448 = arith.subf %gather3A_436, %gather3A : vector<16xf32>
      %sub3A_449 = arith.subf %gather3A_440, %gather3A_419 : vector<16xf32>
      %sub3A_450 = arith.subf %gather3A_444, %gather3A_420 : vector<16xf32>
      %mul3A_451 = arith.mulf %sub3A_446, %sub3A_450 : vector<16xf32>
      %mul3A_452 = arith.mulf %sub3A_447, %sub3A_449 : vector<16xf32>
      %sub3A_453 = arith.subf %mul3A_451, %mul3A_452 : vector<16xf32>
      %mul3A_454 = arith.mulf %sub3A_447, %sub3A_448 : vector<16xf32>
      %mul3A_455 = arith.mulf %sub3A_445, %sub3A_450 : vector<16xf32>
      %sub3A_456 = arith.subf %mul3A_454, %mul3A_455 : vector<16xf32>
      %mul3A_457 = arith.mulf %sub3A_445, %sub3A_449 : vector<16xf32>
      %mul3A_458 = arith.mulf %sub3A_446, %sub3A_448 : vector<16xf32>
      %sub3A_459 = arith.subf %mul3A_457, %mul3A_458 : vector<16xf32>
      %mul3A_460 = arith.mulf %sub3A_453, %sub3A_453 : vector<16xf32>
      %mul3A_461 = arith.mulf %sub3A_456, %sub3A_456 : vector<16xf32>
      %add3A_462 = arith.addf %mul3A_460, %mul3A_461 : vector<16xf32>
      %mul3A_463 = arith.mulf %sub3A_459, %sub3A_459 : vector<16xf32>
      %add3A_464 = arith.addf %add3A_462, %mul3A_463 : vector<16xf32>
      %bitcast3A = vector.bitcast %add3A_464 : vector<16xf32> to vector<16xi32>
      %shift_right_logical3A = arith.constant 1 : i32
      %shift_right_logical3A_465 = vector.broadcast %shift_right_logical3A : i32 to vector<16xi32>
      %shift_right_logical3A_466 = arith.shrui %bitcast3A, %shift_right_logical3A_465 : vector<16xi32>
      %sub3A_467 = arith.constant 1597463007 : i32
      %sub3A_468 = vector.broadcast %sub3A_467 : i32 to vector<16xi32>
      %sub3A_469 = arith.subi %sub3A_468, %shift_right_logical3A_466 : vector<16xi32>
      %bitcast3A_470 = vector.bitcast %sub3A_469 : vector<16xi32> to vector<16xf32>
      %mul3A_471 = arith.constant 5.000000e-01 : f32
      %mul3A_472 = vector.broadcast %mul3A_471 : f32 to vector<16xf32>
      %mul3A_473 = arith.mulf %mul3A_472, %add3A_464 : vector<16xf32>
      %mul3A_474 = arith.mulf %mul3A_473, %bitcast3A_470 : vector<16xf32>
      %mul3A_475 = arith.mulf %mul3A_474, %bitcast3A_470 : vector<16xf32>
      %sub3A_476 = arith.constant 1.500000e+00 : f32
      %sub3A_477 = vector.broadcast %sub3A_476 : f32 to vector<16xf32>
      %sub3A_478 = arith.subf %sub3A_477, %mul3A_475 : vector<16xf32>
      %mul3A_479 = arith.mulf %bitcast3A_470, %sub3A_478 : vector<16xf32>
      %mul3A_480 = arith.mulf %mul3A_473, %mul3A_479 : vector<16xf32>
      %mul3A_481 = arith.mulf %mul3A_480, %mul3A_479 : vector<16xf32>
      %sub3A_482 = arith.constant 1.500000e+00 : f32
      %sub3A_483 = vector.broadcast %sub3A_482 : f32 to vector<16xf32>
      %sub3A_484 = arith.subf %sub3A_483, %mul3A_481 : vector<16xf32>
      %mul3A_485 = arith.mulf %mul3A_479, %sub3A_484 : vector<16xf32>
      %mul3A_486 = arith.mulf %mul3A_473, %mul3A_485 : vector<16xf32>
      %mul3A_487 = arith.mulf %mul3A_486, %mul3A_485 : vector<16xf32>
      %sub3A_488 = arith.constant 1.500000e+00 : f32
      %sub3A_489 = vector.broadcast %sub3A_488 : f32 to vector<16xf32>
      %sub3A_490 = arith.subf %sub3A_489, %mul3A_487 : vector<16xf32>
      %mul3A_491 = arith.mulf %mul3A_485, %sub3A_490 : vector<16xf32>
      %mul3A_492 = arith.mulf %add3A_464, %mul3A_491 : vector<16xf32>
      %max3A = arith.constant 9.99999997E-7 : f32
      %max3A_493 = vector.broadcast %max3A : f32 to vector<16xf32>
      %max3A_494 = arith.maximumf %mul3A_492, %max3A_493 : vector<16xf32>
      %div3A = arith.constant 1.000000e+00 : f32
      %div3A_495 = vector.broadcast %div3A : f32 to vector<16xf32>
      %div3A_496 = arith.divf %div3A_495, %max3A_494 : vector<16xf32>
      %mul3A_497 = arith.mulf %sub3A_453, %div3A_496 : vector<16xf32>
      tpu.vector_store_idx %arg9[%add3A_415, %broadcast_in_dim3A_7], %mul3A_497 : memref<640x3xf32, #tpu.memory_space<vmem>>[vector<16xi32>, vector<16xi32>], vector<16xf32>,
      %mul3A_498 = arith.mulf %sub3A_456, %div3A_496 : vector<16xf32>
      tpu.vector_store_idx %arg9[%add3A_415, %add3A_10], %mul3A_498 : memref<640x3xf32, #tpu.memory_space<vmem>>[vector<16xi32>, vector<16xi32>], vector<16xf32>,
      %mul3A_499 = arith.mulf %sub3A_459, %div3A_496 : vector<16xf32>
      tpu.vector_store_idx %arg9[%add3A_415, %add3A_13], %mul3A_499 : memref<640x3xf32, #tpu.memory_space<vmem>>[vector<16xi32>, vector<16xi32>], vector<16xf32>,
    }
    %scan3A_220 = arith.constant 40 : i32
    %add3A_221 = arith.constant 3200 : i32
    %add3A_222 = arith.addi %mul3A_2, %add3A_221 : i32
    %dma_start3A_223 = arith.constant 0 : i32
    %dma_start3A_224 = arith.constant 0 : i32
    %dma_start3A_225 = tpu.memref_slice %arg9[%dma_start3A_223, %dma_start3A_224] : memref<640x3xf32, #tpu.memory_space<vmem>> -> memref<640x3xf32, #tpu.memory_space<vmem>>
    %dma_start3A_226 = arith.constant 0 : i32
    %dma_start3A_227 = tpu.memref_slice %arg4[%add3A_222, %dma_start3A_226] : memref<200000x3xf32, #tpu.memory_space<hbm>> -> memref<640x3xf32, #tpu.memory_space<hbm>>
    %dma_start3A_228 = arith.constant 0 : i32
    %dma_start3A_229 = tpu.memref_slice %arg4[%add3A_222, %dma_start3A_228] : memref<200000x3xf32, #tpu.memory_space<hbm>> -> memref<640x3xf32, #tpu.memory_space<hbm>>
    %dma_start3A_230 = arith.constant 0 : i32
    %dma_start3A_231 = arith.constant 0 : i32
    %dma_start3A_232 = tpu.memref_slice %arg9[%dma_start3A_230, %dma_start3A_231] : memref<640x3xf32, #tpu.memory_space<vmem>> -> memref<640x3xf32, #tpu.memory_space<vmem>>
    tpu.enqueue_dma source(%dma_start3A_232 : memref<640x3xf32, #tpu.memory_space<vmem>>) target(%dma_start3A_229 : memref<640x3xf32, #tpu.memory_space<hbm>>) target_semaphore(%arg13 : memref<!tpu.dma_semaphore, #tpu.memory_space<semaphore_mem>>)
    %scan3A_233 = arith.constant 0 : i32
    %scan3A_234 = arith.constant 15 : i32
    %scan3A_235 = arith.addi %scan3A_233, %scan3A_234 : i32
    %scan3A_236 = arith.constant 1 : i32
    scf.for %scan3A_411 = %scan3A_233 to %scan3A_235 step %scan3A_236  : i32 {
      %add3A_412 = arith.constant 13440 : i32
      %add3A_413 = arith.addi %select_n3A, %add3A_412 : i32
      %mul3A_414 = arith.constant 128 : i32
      %mul3A_415 = arith.muli %scan3A_411, %mul3A_414 : i32
      %add3A_416 = arith.addi %add3A_413, %mul3A_415 : i32
      %mul3A_417 = arith.constant 128 : i32
      %mul3A_418 = arith.muli %scan3A_411, %mul3A_417 : i32
      %dma_start3A_419 = arith.constant 0 : i32
      %dma_start3A_420 = tpu.memref_slice %arg7[%mul3A_418, %dma_start3A_419] : memref<1920x8xf32, #tpu.memory_space<vmem>> -> memref<128x8xf32, #tpu.memory_space<vmem>>
      %dma_start3A_421 = tpu.memref_slice %arg5[%add3A_416] : memref<19472xi32, #tpu.memory_space<vmem>> -> memref<128xi32, #tpu.memory_space<vmem>>
      %dma_start3A_422 = arith.constant 0 : i32
      %dma_start3A_423 = arith.constant 0 : i32
      %dma_start3A_424 = tpu.memref_slice %arg2[%dma_start3A_422, %dma_start3A_423] : memref<100000x8xf32, #tpu.memory_space<hbm>> -> memref<100000x8xf32, #tpu.memory_space<hbm>>
      tpu.enqueue_indirect_dma source(%dma_start3A_424 : memref<100000x8xf32, #tpu.memory_space<hbm>>) target(%dma_start3A_420 : memref<128x8xf32, #tpu.memory_space<vmem>>) offsets(%dma_start3A_421 : memref<128xi32, #tpu.memory_space<vmem>>) semaphore(%arg11 : memref<!tpu.dma_semaphore, #tpu.memory_space<semaphore_mem>>)
    }
    %scan3A_237 = arith.constant 15 : i32
    %scan3A_238 = arith.constant 0 : i32
    %scan3A_239 = arith.constant 15 : i32
    %scan3A_240 = arith.addi %scan3A_238, %scan3A_239 : i32
    %scan3A_241 = arith.constant 1 : i32
    scf.for %scan3A_411 = %scan3A_238 to %scan3A_240 step %scan3A_241  : i32 {
      %add3A_412 = arith.constant 11520 : i32
      %add3A_413 = arith.addi %select_n3A, %add3A_412 : i32
      %mul3A_414 = arith.constant 128 : i32
      %mul3A_415 = arith.muli %scan3A_411, %mul3A_414 : i32
      %add3A_416 = arith.addi %add3A_413, %mul3A_415 : i32
      %mul3A_417 = arith.constant 128 : i32
      %mul3A_418 = arith.muli %scan3A_411, %mul3A_417 : i32
      %dma_wait3A_419 = arith.constant 0 : i32
      %dma_wait3A_420 = tpu.memref_slice %arg6[%mul3A_418, %dma_wait3A_419] : memref<1920x8xf32, #tpu.memory_space<vmem>> -> memref<128x8xf32, #tpu.memory_space<vmem>>
      %dma_wait3A_421 = tpu.memref_slice %arg5[%add3A_416] : memref<19472xi32, #tpu.memory_space<vmem>> -> memref<128xi32, #tpu.memory_space<vmem>>
      %dma_wait3A_422 = arith.constant 0 : i32
      %dma_wait3A_423 = arith.constant 0 : i32
      %dma_wait3A_424 = tpu.memref_slice %arg2[%dma_wait3A_422, %dma_wait3A_423] : memref<100000x8xf32, #tpu.memory_space<hbm>> -> memref<100000x8xf32, #tpu.memory_space<hbm>>
      tpu.wait_indirect_dma semaphore(%arg10 : memref<!tpu.dma_semaphore, #tpu.memory_space<semaphore_mem>>) src(%dma_wait3A_424 : memref<100000x8xf32, #tpu.memory_space<hbm>>) dst(%dma_wait3A_420 : memref<128x8xf32, #tpu.memory_space<vmem>>)
    }
    %scan3A_242 = arith.constant 15 : i32
    %add3A_243 = arith.constant 2560 : i32
    %add3A_244 = arith.addi %mul3A_2, %add3A_243 : i32
    %dma_wait3A_245 = arith.constant 0 : i32
    %dma_wait3A_246 = arith.constant 0 : i32
    %dma_wait3A_247 = tpu.memref_slice %arg8[%dma_wait3A_245, %dma_wait3A_246] : memref<640x3xf32, #tpu.memory_space<vmem>> -> memref<640x3xf32, #tpu.memory_space<vmem>>
    %dma_wait3A_248 = arith.constant 0 : i32
    %dma_wait3A_249 = tpu.memref_slice %arg4[%add3A_244, %dma_wait3A_248] : memref<200000x3xf32, #tpu.memory_space<hbm>> -> memref<640x3xf32, #tpu.memory_space<hbm>>
    %dma_wait3A_250 = arith.constant 0 : i32
    %dma_wait3A_251 = tpu.memref_slice %arg4[%add3A_244, %dma_wait3A_250] : memref<200000x3xf32, #tpu.memory_space<hbm>> -> memref<640x3xf32, #tpu.memory_space<hbm>>
    %dma_wait3A_252 = arith.constant 0 : i32
    %dma_wait3A_253 = arith.constant 0 : i32
    %dma_wait3A_254 = tpu.memref_slice %arg8[%dma_wait3A_252, %dma_wait3A_253] : memref<640x3xf32, #tpu.memory_space<vmem>> -> memref<640x3xf32, #tpu.memory_space<vmem>>
    tpu.wait_dma2 semaphore(%arg12 : memref<!tpu.dma_semaphore, #tpu.memory_space<semaphore_mem>>) src(%dma_wait3A_254 : memref<640x3xf32, #tpu.memory_space<vmem>>) dst(%dma_wait3A_251 : memref<640x3xf32, #tpu.memory_space<hbm>>)
    %scan3A_255 = arith.constant 0 : i32
    %scan3A_256 = arith.constant 40 : i32
    %scan3A_257 = arith.addi %scan3A_255, %scan3A_256 : i32
    %scan3A_258 = arith.constant 1 : i32
    scf.for %scan3A_411 = %scan3A_255 to %scan3A_257 step %scan3A_258  : i32 {
      %mul3A_412 = arith.constant 16 : i32
      %mul3A_413 = arith.muli %scan3A_411, %mul3A_412 : i32
      %add3A_414 = vector.broadcast %mul3A_413 : i32 to vector<16xi32>
      %add3A_415 = arith.addi %add3A_414, %iota3A : vector<16xi32>
      %mul3A_416 = arith.constant 3 : i32
      %mul3A_417 = vector.broadcast %mul3A_416 : i32 to vector<16xi32>
      %mul3A_418 = arith.muli %add3A_415, %mul3A_417 : vector<16xi32>
      %gather3A = tpu.vector_load_idx %arg6[%mul3A_418, %broadcast_in_dim3A_7] : memref<1920x8xf32, #tpu.memory_space<vmem>>[vector<16xi32>, vector<16xi32>], vector<16xf32>,
      %gather3A_419 = tpu.vector_load_idx %arg6[%mul3A_418, %add3A_10] : memref<1920x8xf32, #tpu.memory_space<vmem>>[vector<16xi32>, vector<16xi32>], vector<16xf32>,
      %gather3A_420 = tpu.vector_load_idx %arg6[%mul3A_418, %add3A_13] : memref<1920x8xf32, #tpu.memory_space<vmem>>[vector<16xi32>, vector<16xi32>], vector<16xf32>,
      %add3A_421 = arith.constant 1 : i32
      %add3A_422 = vector.broadcast %add3A_421 : i32 to vector<16xi32>
      %add3A_423 = arith.addi %mul3A_418, %add3A_422 : vector<16xi32>
      %gather3A_424 = tpu.vector_load_idx %arg6[%add3A_423, %broadcast_in_dim3A_7] : memref<1920x8xf32, #tpu.memory_space<vmem>>[vector<16xi32>, vector<16xi32>], vector<16xf32>,
      %add3A_425 = arith.constant 1 : i32
      %add3A_426 = vector.broadcast %add3A_425 : i32 to vector<16xi32>
      %add3A_427 = arith.addi %mul3A_418, %add3A_426 : vector<16xi32>
      %gather3A_428 = tpu.vector_load_idx %arg6[%add3A_427, %add3A_10] : memref<1920x8xf32, #tpu.memory_space<vmem>>[vector<16xi32>, vector<16xi32>], vector<16xf32>,
      %add3A_429 = arith.constant 1 : i32
      %add3A_430 = vector.broadcast %add3A_429 : i32 to vector<16xi32>
      %add3A_431 = arith.addi %mul3A_418, %add3A_430 : vector<16xi32>
      %gather3A_432 = tpu.vector_load_idx %arg6[%add3A_431, %add3A_13] : memref<1920x8xf32, #tpu.memory_space<vmem>>[vector<16xi32>, vector<16xi32>], vector<16xf32>,
      %add3A_433 = arith.constant 2 : i32
      %add3A_434 = vector.broadcast %add3A_433 : i32 to vector<16xi32>
      %add3A_435 = arith.addi %mul3A_418, %add3A_434 : vector<16xi32>
      %gather3A_436 = tpu.vector_load_idx %arg6[%add3A_435, %broadcast_in_dim3A_7] : memref<1920x8xf32, #tpu.memory_space<vmem>>[vector<16xi32>, vector<16xi32>], vector<16xf32>,
      %add3A_437 = arith.constant 2 : i32
      %add3A_438 = vector.broadcast %add3A_437 : i32 to vector<16xi32>
      %add3A_439 = arith.addi %mul3A_418, %add3A_438 : vector<16xi32>
      %gather3A_440 = tpu.vector_load_idx %arg6[%add3A_439, %add3A_10] : memref<1920x8xf32, #tpu.memory_space<vmem>>[vector<16xi32>, vector<16xi32>], vector<16xf32>,
      %add3A_441 = arith.constant 2 : i32
      %add3A_442 = vector.broadcast %add3A_441 : i32 to vector<16xi32>
      %add3A_443 = arith.addi %mul3A_418, %add3A_442 : vector<16xi32>
      %gather3A_444 = tpu.vector_load_idx %arg6[%add3A_443, %add3A_13] : memref<1920x8xf32, #tpu.memory_space<vmem>>[vector<16xi32>, vector<16xi32>], vector<16xf32>,
      %sub3A_445 = arith.subf %gather3A_424, %gather3A : vector<16xf32>
      %sub3A_446 = arith.subf %gather3A_428, %gather3A_419 : vector<16xf32>
      %sub3A_447 = arith.subf %gather3A_432, %gather3A_420 : vector<16xf32>
      %sub3A_448 = arith.subf %gather3A_436, %gather3A : vector<16xf32>
      %sub3A_449 = arith.subf %gather3A_440, %gather3A_419 : vector<16xf32>
      %sub3A_450 = arith.subf %gather3A_444, %gather3A_420 : vector<16xf32>
      %mul3A_451 = arith.mulf %sub3A_446, %sub3A_450 : vector<16xf32>
      %mul3A_452 = arith.mulf %sub3A_447, %sub3A_449 : vector<16xf32>
      %sub3A_453 = arith.subf %mul3A_451, %mul3A_452 : vector<16xf32>
      %mul3A_454 = arith.mulf %sub3A_447, %sub3A_448 : vector<16xf32>
      %mul3A_455 = arith.mulf %sub3A_445, %sub3A_450 : vector<16xf32>
      %sub3A_456 = arith.subf %mul3A_454, %mul3A_455 : vector<16xf32>
      %mul3A_457 = arith.mulf %sub3A_445, %sub3A_449 : vector<16xf32>
      %mul3A_458 = arith.mulf %sub3A_446, %sub3A_448 : vector<16xf32>
      %sub3A_459 = arith.subf %mul3A_457, %mul3A_458 : vector<16xf32>
      %mul3A_460 = arith.mulf %sub3A_453, %sub3A_453 : vector<16xf32>
      %mul3A_461 = arith.mulf %sub3A_456, %sub3A_456 : vector<16xf32>
      %add3A_462 = arith.addf %mul3A_460, %mul3A_461 : vector<16xf32>
      %mul3A_463 = arith.mulf %sub3A_459, %sub3A_459 : vector<16xf32>
      %add3A_464 = arith.addf %add3A_462, %mul3A_463 : vector<16xf32>
      %bitcast3A = vector.bitcast %add3A_464 : vector<16xf32> to vector<16xi32>
      %shift_right_logical3A = arith.constant 1 : i32
      %shift_right_logical3A_465 = vector.broadcast %shift_right_logical3A : i32 to vector<16xi32>
      %shift_right_logical3A_466 = arith.shrui %bitcast3A, %shift_right_logical3A_465 : vector<16xi32>
      %sub3A_467 = arith.constant 1597463007 : i32
      %sub3A_468 = vector.broadcast %sub3A_467 : i32 to vector<16xi32>
      %sub3A_469 = arith.subi %sub3A_468, %shift_right_logical3A_466 : vector<16xi32>
      %bitcast3A_470 = vector.bitcast %sub3A_469 : vector<16xi32> to vector<16xf32>
      %mul3A_471 = arith.constant 5.000000e-01 : f32
      %mul3A_472 = vector.broadcast %mul3A_471 : f32 to vector<16xf32>
      %mul3A_473 = arith.mulf %mul3A_472, %add3A_464 : vector<16xf32>
      %mul3A_474 = arith.mulf %mul3A_473, %bitcast3A_470 : vector<16xf32>
      %mul3A_475 = arith.mulf %mul3A_474, %bitcast3A_470 : vector<16xf32>
      %sub3A_476 = arith.constant 1.500000e+00 : f32
      %sub3A_477 = vector.broadcast %sub3A_476 : f32 to vector<16xf32>
      %sub3A_478 = arith.subf %sub3A_477, %mul3A_475 : vector<16xf32>
      %mul3A_479 = arith.mulf %bitcast3A_470, %sub3A_478 : vector<16xf32>
      %mul3A_480 = arith.mulf %mul3A_473, %mul3A_479 : vector<16xf32>
      %mul3A_481 = arith.mulf %mul3A_480, %mul3A_479 : vector<16xf32>
      %sub3A_482 = arith.constant 1.500000e+00 : f32
      %sub3A_483 = vector.broadcast %sub3A_482 : f32 to vector<16xf32>
      %sub3A_484 = arith.subf %sub3A_483, %mul3A_481 : vector<16xf32>
      %mul3A_485 = arith.mulf %mul3A_479, %sub3A_484 : vector<16xf32>
      %mul3A_486 = arith.mulf %mul3A_473, %mul3A_485 : vector<16xf32>
      %mul3A_487 = arith.mulf %mul3A_486, %mul3A_485 : vector<16xf32>
      %sub3A_488 = arith.constant 1.500000e+00 : f32
      %sub3A_489 = vector.broadcast %sub3A_488 : f32 to vector<16xf32>
      %sub3A_490 = arith.subf %sub3A_489, %mul3A_487 : vector<16xf32>
      %mul3A_491 = arith.mulf %mul3A_485, %sub3A_490 : vector<16xf32>
      %mul3A_492 = arith.mulf %add3A_464, %mul3A_491 : vector<16xf32>
      %max3A = arith.constant 9.99999997E-7 : f32
      %max3A_493 = vector.broadcast %max3A : f32 to vector<16xf32>
      %max3A_494 = arith.maximumf %mul3A_492, %max3A_493 : vector<16xf32>
      %div3A = arith.constant 1.000000e+00 : f32
      %div3A_495 = vector.broadcast %div3A : f32 to vector<16xf32>
      %div3A_496 = arith.divf %div3A_495, %max3A_494 : vector<16xf32>
      %mul3A_497 = arith.mulf %sub3A_453, %div3A_496 : vector<16xf32>
      tpu.vector_store_idx %arg8[%add3A_415, %broadcast_in_dim3A_7], %mul3A_497 : memref<640x3xf32, #tpu.memory_space<vmem>>[vector<16xi32>, vector<16xi32>], vector<16xf32>,
      %mul3A_498 = arith.mulf %sub3A_456, %div3A_496 : vector<16xf32>
      tpu.vector_store_idx %arg8[%add3A_415, %add3A_10], %mul3A_498 : memref<640x3xf32, #tpu.memory_space<vmem>>[vector<16xi32>, vector<16xi32>], vector<16xf32>,
      %mul3A_499 = arith.mulf %sub3A_459, %div3A_496 : vector<16xf32>
      tpu.vector_store_idx %arg8[%add3A_415, %add3A_13], %mul3A_499 : memref<640x3xf32, #tpu.memory_space<vmem>>[vector<16xi32>, vector<16xi32>], vector<16xf32>,
    }
    %scan3A_259 = arith.constant 40 : i32
    %add3A_260 = arith.constant 3840 : i32
    %add3A_261 = arith.addi %mul3A_2, %add3A_260 : i32
    %dma_start3A_262 = arith.constant 0 : i32
    %dma_start3A_263 = arith.constant 0 : i32
    %dma_start3A_264 = tpu.memref_slice %arg8[%dma_start3A_262, %dma_start3A_263] : memref<640x3xf32, #tpu.memory_space<vmem>> -> memref<640x3xf32, #tpu.memory_space<vmem>>
    %dma_start3A_265 = arith.constant 0 : i32
    %dma_start3A_266 = tpu.memref_slice %arg4[%add3A_261, %dma_start3A_265] : memref<200000x3xf32, #tpu.memory_space<hbm>> -> memref<640x3xf32, #tpu.memory_space<hbm>>
    %dma_start3A_267 = arith.constant 0 : i32
    %dma_start3A_268 = tpu.memref_slice %arg4[%add3A_261, %dma_start3A_267] : memref<200000x3xf32, #tpu.memory_space<hbm>> -> memref<640x3xf32, #tpu.memory_space<hbm>>
    %dma_start3A_269 = arith.constant 0 : i32
    %dma_start3A_270 = arith.constant 0 : i32
    %dma_start3A_271 = tpu.memref_slice %arg8[%dma_start3A_269, %dma_start3A_270] : memref<640x3xf32, #tpu.memory_space<vmem>> -> memref<640x3xf32, #tpu.memory_space<vmem>>
    tpu.enqueue_dma source(%dma_start3A_271 : memref<640x3xf32, #tpu.memory_space<vmem>>) target(%dma_start3A_268 : memref<640x3xf32, #tpu.memory_space<hbm>>) target_semaphore(%arg12 : memref<!tpu.dma_semaphore, #tpu.memory_space<semaphore_mem>>)
    %scan3A_272 = arith.constant 0 : i32
    %scan3A_273 = arith.constant 15 : i32
    %scan3A_274 = arith.addi %scan3A_272, %scan3A_273 : i32
    %scan3A_275 = arith.constant 1 : i32
    scf.for %scan3A_411 = %scan3A_272 to %scan3A_274 step %scan3A_275  : i32 {
      %add3A_412 = arith.constant 15360 : i32
      %add3A_413 = arith.addi %select_n3A, %add3A_412 : i32
      %mul3A_414 = arith.constant 128 : i32
      %mul3A_415 = arith.muli %scan3A_411, %mul3A_414 : i32
      %add3A_416 = arith.addi %add3A_413, %mul3A_415 : i32
      %mul3A_417 = arith.constant 128 : i32
      %mul3A_418 = arith.muli %scan3A_411, %mul3A_417 : i32
      %dma_start3A_419 = arith.constant 0 : i32
      %dma_start3A_420 = tpu.memref_slice %arg6[%mul3A_418, %dma_start3A_419] : memref<1920x8xf32, #tpu.memory_space<vmem>> -> memref<128x8xf32, #tpu.memory_space<vmem>>
      %dma_start3A_421 = tpu.memref_slice %arg5[%add3A_416] : memref<19472xi32, #tpu.memory_space<vmem>> -> memref<128xi32, #tpu.memory_space<vmem>>
      %dma_start3A_422 = arith.constant 0 : i32
      %dma_start3A_423 = arith.constant 0 : i32
      %dma_start3A_424 = tpu.memref_slice %arg2[%dma_start3A_422, %dma_start3A_423] : memref<100000x8xf32, #tpu.memory_space<hbm>> -> memref<100000x8xf32, #tpu.memory_space<hbm>>
      tpu.enqueue_indirect_dma source(%dma_start3A_424 : memref<100000x8xf32, #tpu.memory_space<hbm>>) target(%dma_start3A_420 : memref<128x8xf32, #tpu.memory_space<vmem>>) offsets(%dma_start3A_421 : memref<128xi32, #tpu.memory_space<vmem>>) semaphore(%arg10 : memref<!tpu.dma_semaphore, #tpu.memory_space<semaphore_mem>>)
    }
    %scan3A_276 = arith.constant 15 : i32
    %scan3A_277 = arith.constant 0 : i32
    %scan3A_278 = arith.constant 15 : i32
    %scan3A_279 = arith.addi %scan3A_277, %scan3A_278 : i32
    %scan3A_280 = arith.constant 1 : i32
    scf.for %scan3A_411 = %scan3A_277 to %scan3A_279 step %scan3A_280  : i32 {
      %add3A_412 = arith.constant 13440 : i32
      %add3A_413 = arith.addi %select_n3A, %add3A_412 : i32
      %mul3A_414 = arith.constant 128 : i32
      %mul3A_415 = arith.muli %scan3A_411, %mul3A_414 : i32
      %add3A_416 = arith.addi %add3A_413, %mul3A_415 : i32
      %mul3A_417 = arith.constant 128 : i32
      %mul3A_418 = arith.muli %scan3A_411, %mul3A_417 : i32
      %dma_wait3A_419 = arith.constant 0 : i32
      %dma_wait3A_420 = tpu.memref_slice %arg7[%mul3A_418, %dma_wait3A_419] : memref<1920x8xf32, #tpu.memory_space<vmem>> -> memref<128x8xf32, #tpu.memory_space<vmem>>
      %dma_wait3A_421 = tpu.memref_slice %arg5[%add3A_416] : memref<19472xi32, #tpu.memory_space<vmem>> -> memref<128xi32, #tpu.memory_space<vmem>>
      %dma_wait3A_422 = arith.constant 0 : i32
      %dma_wait3A_423 = arith.constant 0 : i32
      %dma_wait3A_424 = tpu.memref_slice %arg2[%dma_wait3A_422, %dma_wait3A_423] : memref<100000x8xf32, #tpu.memory_space<hbm>> -> memref<100000x8xf32, #tpu.memory_space<hbm>>
      tpu.wait_indirect_dma semaphore(%arg11 : memref<!tpu.dma_semaphore, #tpu.memory_space<semaphore_mem>>) src(%dma_wait3A_424 : memref<100000x8xf32, #tpu.memory_space<hbm>>) dst(%dma_wait3A_420 : memref<128x8xf32, #tpu.memory_space<vmem>>)
    }
    %scan3A_281 = arith.constant 15 : i32
    %add3A_282 = arith.constant 3200 : i32
    %add3A_283 = arith.addi %mul3A_2, %add3A_282 : i32
    %dma_wait3A_284 = arith.constant 0 : i32
    %dma_wait3A_285 = arith.constant 0 : i32
    %dma_wait3A_286 = tpu.memref_slice %arg9[%dma_wait3A_284, %dma_wait3A_285] : memref<640x3xf32, #tpu.memory_space<vmem>> -> memref<640x3xf32, #tpu.memory_space<vmem>>
    %dma_wait3A_287 = arith.constant 0 : i32
    %dma_wait3A_288 = tpu.memref_slice %arg4[%add3A_283, %dma_wait3A_287] : memref<200000x3xf32, #tpu.memory_space<hbm>> -> memref<640x3xf32, #tpu.memory_space<hbm>>
    %dma_wait3A_289 = arith.constant 0 : i32
    %dma_wait3A_290 = tpu.memref_slice %arg4[%add3A_283, %dma_wait3A_289] : memref<200000x3xf32, #tpu.memory_space<hbm>> -> memref<640x3xf32, #tpu.memory_space<hbm>>
    %dma_wait3A_291 = arith.constant 0 : i32
    %dma_wait3A_292 = arith.constant 0 : i32
    %dma_wait3A_293 = tpu.memref_slice %arg9[%dma_wait3A_291, %dma_wait3A_292] : memref<640x3xf32, #tpu.memory_space<vmem>> -> memref<640x3xf32, #tpu.memory_space<vmem>>
    tpu.wait_dma2 semaphore(%arg13 : memref<!tpu.dma_semaphore, #tpu.memory_space<semaphore_mem>>) src(%dma_wait3A_293 : memref<640x3xf32, #tpu.memory_space<vmem>>) dst(%dma_wait3A_290 : memref<640x3xf32, #tpu.memory_space<hbm>>)
    %scan3A_294 = arith.constant 0 : i32
    %scan3A_295 = arith.constant 40 : i32
    %scan3A_296 = arith.addi %scan3A_294, %scan3A_295 : i32
    %scan3A_297 = arith.constant 1 : i32
    scf.for %scan3A_411 = %scan3A_294 to %scan3A_296 step %scan3A_297  : i32 {
      %mul3A_412 = arith.constant 16 : i32
      %mul3A_413 = arith.muli %scan3A_411, %mul3A_412 : i32
      %add3A_414 = vector.broadcast %mul3A_413 : i32 to vector<16xi32>
      %add3A_415 = arith.addi %add3A_414, %iota3A : vector<16xi32>
      %mul3A_416 = arith.constant 3 : i32
      %mul3A_417 = vector.broadcast %mul3A_416 : i32 to vector<16xi32>
      %mul3A_418 = arith.muli %add3A_415, %mul3A_417 : vector<16xi32>
      %gather3A = tpu.vector_load_idx %arg7[%mul3A_418, %broadcast_in_dim3A_7] : memref<1920x8xf32, #tpu.memory_space<vmem>>[vector<16xi32>, vector<16xi32>], vector<16xf32>,
      %gather3A_419 = tpu.vector_load_idx %arg7[%mul3A_418, %add3A_10] : memref<1920x8xf32, #tpu.memory_space<vmem>>[vector<16xi32>, vector<16xi32>], vector<16xf32>,
      %gather3A_420 = tpu.vector_load_idx %arg7[%mul3A_418, %add3A_13] : memref<1920x8xf32, #tpu.memory_space<vmem>>[vector<16xi32>, vector<16xi32>], vector<16xf32>,
      %add3A_421 = arith.constant 1 : i32
      %add3A_422 = vector.broadcast %add3A_421 : i32 to vector<16xi32>
      %add3A_423 = arith.addi %mul3A_418, %add3A_422 : vector<16xi32>
      %gather3A_424 = tpu.vector_load_idx %arg7[%add3A_423, %broadcast_in_dim3A_7] : memref<1920x8xf32, #tpu.memory_space<vmem>>[vector<16xi32>, vector<16xi32>], vector<16xf32>,
      %add3A_425 = arith.constant 1 : i32
      %add3A_426 = vector.broadcast %add3A_425 : i32 to vector<16xi32>
      %add3A_427 = arith.addi %mul3A_418, %add3A_426 : vector<16xi32>
      %gather3A_428 = tpu.vector_load_idx %arg7[%add3A_427, %add3A_10] : memref<1920x8xf32, #tpu.memory_space<vmem>>[vector<16xi32>, vector<16xi32>], vector<16xf32>,
      %add3A_429 = arith.constant 1 : i32
      %add3A_430 = vector.broadcast %add3A_429 : i32 to vector<16xi32>
      %add3A_431 = arith.addi %mul3A_418, %add3A_430 : vector<16xi32>
      %gather3A_432 = tpu.vector_load_idx %arg7[%add3A_431, %add3A_13] : memref<1920x8xf32, #tpu.memory_space<vmem>>[vector<16xi32>, vector<16xi32>], vector<16xf32>,
      %add3A_433 = arith.constant 2 : i32
      %add3A_434 = vector.broadcast %add3A_433 : i32 to vector<16xi32>
      %add3A_435 = arith.addi %mul3A_418, %add3A_434 : vector<16xi32>
      %gather3A_436 = tpu.vector_load_idx %arg7[%add3A_435, %broadcast_in_dim3A_7] : memref<1920x8xf32, #tpu.memory_space<vmem>>[vector<16xi32>, vector<16xi32>], vector<16xf32>,
      %add3A_437 = arith.constant 2 : i32
      %add3A_438 = vector.broadcast %add3A_437 : i32 to vector<16xi32>
      %add3A_439 = arith.addi %mul3A_418, %add3A_438 : vector<16xi32>
      %gather3A_440 = tpu.vector_load_idx %arg7[%add3A_439, %add3A_10] : memref<1920x8xf32, #tpu.memory_space<vmem>>[vector<16xi32>, vector<16xi32>], vector<16xf32>,
      %add3A_441 = arith.constant 2 : i32
      %add3A_442 = vector.broadcast %add3A_441 : i32 to vector<16xi32>
      %add3A_443 = arith.addi %mul3A_418, %add3A_442 : vector<16xi32>
      %gather3A_444 = tpu.vector_load_idx %arg7[%add3A_443, %add3A_13] : memref<1920x8xf32, #tpu.memory_space<vmem>>[vector<16xi32>, vector<16xi32>], vector<16xf32>,
      %sub3A_445 = arith.subf %gather3A_424, %gather3A : vector<16xf32>
      %sub3A_446 = arith.subf %gather3A_428, %gather3A_419 : vector<16xf32>
      %sub3A_447 = arith.subf %gather3A_432, %gather3A_420 : vector<16xf32>
      %sub3A_448 = arith.subf %gather3A_436, %gather3A : vector<16xf32>
      %sub3A_449 = arith.subf %gather3A_440, %gather3A_419 : vector<16xf32>
      %sub3A_450 = arith.subf %gather3A_444, %gather3A_420 : vector<16xf32>
      %mul3A_451 = arith.mulf %sub3A_446, %sub3A_450 : vector<16xf32>
      %mul3A_452 = arith.mulf %sub3A_447, %sub3A_449 : vector<16xf32>
      %sub3A_453 = arith.subf %mul3A_451, %mul3A_452 : vector<16xf32>
      %mul3A_454 = arith.mulf %sub3A_447, %sub3A_448 : vector<16xf32>
      %mul3A_455 = arith.mulf %sub3A_445, %sub3A_450 : vector<16xf32>
      %sub3A_456 = arith.subf %mul3A_454, %mul3A_455 : vector<16xf32>
      %mul3A_457 = arith.mulf %sub3A_445, %sub3A_449 : vector<16xf32>
      %mul3A_458 = arith.mulf %sub3A_446, %sub3A_448 : vector<16xf32>
      %sub3A_459 = arith.subf %mul3A_457, %mul3A_458 : vector<16xf32>
      %mul3A_460 = arith.mulf %sub3A_453, %sub3A_453 : vector<16xf32>
      %mul3A_461 = arith.mulf %sub3A_456, %sub3A_456 : vector<16xf32>
      %add3A_462 = arith.addf %mul3A_460, %mul3A_461 : vector<16xf32>
      %mul3A_463 = arith.mulf %sub3A_459, %sub3A_459 : vector<16xf32>
      %add3A_464 = arith.addf %add3A_462, %mul3A_463 : vector<16xf32>
      %bitcast3A = vector.bitcast %add3A_464 : vector<16xf32> to vector<16xi32>
      %shift_right_logical3A = arith.constant 1 : i32
      %shift_right_logical3A_465 = vector.broadcast %shift_right_logical3A : i32 to vector<16xi32>
      %shift_right_logical3A_466 = arith.shrui %bitcast3A, %shift_right_logical3A_465 : vector<16xi32>
      %sub3A_467 = arith.constant 1597463007 : i32
      %sub3A_468 = vector.broadcast %sub3A_467 : i32 to vector<16xi32>
      %sub3A_469 = arith.subi %sub3A_468, %shift_right_logical3A_466 : vector<16xi32>
      %bitcast3A_470 = vector.bitcast %sub3A_469 : vector<16xi32> to vector<16xf32>
      %mul3A_471 = arith.constant 5.000000e-01 : f32
      %mul3A_472 = vector.broadcast %mul3A_471 : f32 to vector<16xf32>
      %mul3A_473 = arith.mulf %mul3A_472, %add3A_464 : vector<16xf32>
      %mul3A_474 = arith.mulf %mul3A_473, %bitcast3A_470 : vector<16xf32>
      %mul3A_475 = arith.mulf %mul3A_474, %bitcast3A_470 : vector<16xf32>
      %sub3A_476 = arith.constant 1.500000e+00 : f32
      %sub3A_477 = vector.broadcast %sub3A_476 : f32 to vector<16xf32>
      %sub3A_478 = arith.subf %sub3A_477, %mul3A_475 : vector<16xf32>
      %mul3A_479 = arith.mulf %bitcast3A_470, %sub3A_478 : vector<16xf32>
      %mul3A_480 = arith.mulf %mul3A_473, %mul3A_479 : vector<16xf32>
      %mul3A_481 = arith.mulf %mul3A_480, %mul3A_479 : vector<16xf32>
      %sub3A_482 = arith.constant 1.500000e+00 : f32
      %sub3A_483 = vector.broadcast %sub3A_482 : f32 to vector<16xf32>
      %sub3A_484 = arith.subf %sub3A_483, %mul3A_481 : vector<16xf32>
      %mul3A_485 = arith.mulf %mul3A_479, %sub3A_484 : vector<16xf32>
      %mul3A_486 = arith.mulf %mul3A_473, %mul3A_485 : vector<16xf32>
      %mul3A_487 = arith.mulf %mul3A_486, %mul3A_485 : vector<16xf32>
      %sub3A_488 = arith.constant 1.500000e+00 : f32
      %sub3A_489 = vector.broadcast %sub3A_488 : f32 to vector<16xf32>
      %sub3A_490 = arith.subf %sub3A_489, %mul3A_487 : vector<16xf32>
      %mul3A_491 = arith.mulf %mul3A_485, %sub3A_490 : vector<16xf32>
      %mul3A_492 = arith.mulf %add3A_464, %mul3A_491 : vector<16xf32>
      %max3A = arith.constant 9.99999997E-7 : f32
      %max3A_493 = vector.broadcast %max3A : f32 to vector<16xf32>
      %max3A_494 = arith.maximumf %mul3A_492, %max3A_493 : vector<16xf32>
      %div3A = arith.constant 1.000000e+00 : f32
      %div3A_495 = vector.broadcast %div3A : f32 to vector<16xf32>
      %div3A_496 = arith.divf %div3A_495, %max3A_494 : vector<16xf32>
      %mul3A_497 = arith.mulf %sub3A_453, %div3A_496 : vector<16xf32>
      tpu.vector_store_idx %arg9[%add3A_415, %broadcast_in_dim3A_7], %mul3A_497 : memref<640x3xf32, #tpu.memory_space<vmem>>[vector<16xi32>, vector<16xi32>], vector<16xf32>,
      %mul3A_498 = arith.mulf %sub3A_456, %div3A_496 : vector<16xf32>
      tpu.vector_store_idx %arg9[%add3A_415, %add3A_10], %mul3A_498 : memref<640x3xf32, #tpu.memory_space<vmem>>[vector<16xi32>, vector<16xi32>], vector<16xf32>,
      %mul3A_499 = arith.mulf %sub3A_459, %div3A_496 : vector<16xf32>
      tpu.vector_store_idx %arg9[%add3A_415, %add3A_13], %mul3A_499 : memref<640x3xf32, #tpu.memory_space<vmem>>[vector<16xi32>, vector<16xi32>], vector<16xf32>,
    }
    %scan3A_298 = arith.constant 40 : i32
    %add3A_299 = arith.constant 4480 : i32
    %add3A_300 = arith.addi %mul3A_2, %add3A_299 : i32
    %dma_start3A_301 = arith.constant 0 : i32
    %dma_start3A_302 = arith.constant 0 : i32
    %dma_start3A_303 = tpu.memref_slice %arg9[%dma_start3A_301, %dma_start3A_302] : memref<640x3xf32, #tpu.memory_space<vmem>> -> memref<640x3xf32, #tpu.memory_space<vmem>>
    %dma_start3A_304 = arith.constant 0 : i32
    %dma_start3A_305 = tpu.memref_slice %arg4[%add3A_300, %dma_start3A_304] : memref<200000x3xf32, #tpu.memory_space<hbm>> -> memref<640x3xf32, #tpu.memory_space<hbm>>
    %dma_start3A_306 = arith.constant 0 : i32
    %dma_start3A_307 = tpu.memref_slice %arg4[%add3A_300, %dma_start3A_306] : memref<200000x3xf32, #tpu.memory_space<hbm>> -> memref<640x3xf32, #tpu.memory_space<hbm>>
    %dma_start3A_308 = arith.constant 0 : i32
    %dma_start3A_309 = arith.constant 0 : i32
    %dma_start3A_310 = tpu.memref_slice %arg9[%dma_start3A_308, %dma_start3A_309] : memref<640x3xf32, #tpu.memory_space<vmem>> -> memref<640x3xf32, #tpu.memory_space<vmem>>
    tpu.enqueue_dma source(%dma_start3A_310 : memref<640x3xf32, #tpu.memory_space<vmem>>) target(%dma_start3A_307 : memref<640x3xf32, #tpu.memory_space<hbm>>) target_semaphore(%arg13 : memref<!tpu.dma_semaphore, #tpu.memory_space<semaphore_mem>>)
    %scan3A_311 = arith.constant 0 : i32
    %scan3A_312 = arith.constant 15 : i32
    %scan3A_313 = arith.addi %scan3A_311, %scan3A_312 : i32
    %scan3A_314 = arith.constant 1 : i32
    scf.for %scan3A_411 = %scan3A_311 to %scan3A_313 step %scan3A_314  : i32 {
      %add3A_412 = arith.constant 17280 : i32
      %add3A_413 = arith.addi %select_n3A, %add3A_412 : i32
      %mul3A_414 = arith.constant 128 : i32
      %mul3A_415 = arith.muli %scan3A_411, %mul3A_414 : i32
      %add3A_416 = arith.addi %add3A_413, %mul3A_415 : i32
      %mul3A_417 = arith.constant 128 : i32
      %mul3A_418 = arith.muli %scan3A_411, %mul3A_417 : i32
      %dma_start3A_419 = arith.constant 0 : i32
      %dma_start3A_420 = tpu.memref_slice %arg7[%mul3A_418, %dma_start3A_419] : memref<1920x8xf32, #tpu.memory_space<vmem>> -> memref<128x8xf32, #tpu.memory_space<vmem>>
      %dma_start3A_421 = tpu.memref_slice %arg5[%add3A_416] : memref<19472xi32, #tpu.memory_space<vmem>> -> memref<128xi32, #tpu.memory_space<vmem>>
      %dma_start3A_422 = arith.constant 0 : i32
      %dma_start3A_423 = arith.constant 0 : i32
      %dma_start3A_424 = tpu.memref_slice %arg2[%dma_start3A_422, %dma_start3A_423] : memref<100000x8xf32, #tpu.memory_space<hbm>> -> memref<100000x8xf32, #tpu.memory_space<hbm>>
      tpu.enqueue_indirect_dma source(%dma_start3A_424 : memref<100000x8xf32, #tpu.memory_space<hbm>>) target(%dma_start3A_420 : memref<128x8xf32, #tpu.memory_space<vmem>>) offsets(%dma_start3A_421 : memref<128xi32, #tpu.memory_space<vmem>>) semaphore(%arg11 : memref<!tpu.dma_semaphore, #tpu.memory_space<semaphore_mem>>)
    }
    %scan3A_315 = arith.constant 15 : i32
    %scan3A_316 = arith.constant 0 : i32
    %scan3A_317 = arith.constant 15 : i32
    %scan3A_318 = arith.addi %scan3A_316, %scan3A_317 : i32
    %scan3A_319 = arith.constant 1 : i32
    scf.for %scan3A_411 = %scan3A_316 to %scan3A_318 step %scan3A_319  : i32 {
      %add3A_412 = arith.constant 15360 : i32
      %add3A_413 = arith.addi %select_n3A, %add3A_412 : i32
      %mul3A_414 = arith.constant 128 : i32
      %mul3A_415 = arith.muli %scan3A_411, %mul3A_414 : i32
      %add3A_416 = arith.addi %add3A_413, %mul3A_415 : i32
      %mul3A_417 = arith.constant 128 : i32
      %mul3A_418 = arith.muli %scan3A_411, %mul3A_417 : i32
      %dma_wait3A_419 = arith.constant 0 : i32
      %dma_wait3A_420 = tpu.memref_slice %arg6[%mul3A_418, %dma_wait3A_419] : memref<1920x8xf32, #tpu.memory_space<vmem>> -> memref<128x8xf32, #tpu.memory_space<vmem>>
      %dma_wait3A_421 = tpu.memref_slice %arg5[%add3A_416] : memref<19472xi32, #tpu.memory_space<vmem>> -> memref<128xi32, #tpu.memory_space<vmem>>
      %dma_wait3A_422 = arith.constant 0 : i32
      %dma_wait3A_423 = arith.constant 0 : i32
      %dma_wait3A_424 = tpu.memref_slice %arg2[%dma_wait3A_422, %dma_wait3A_423] : memref<100000x8xf32, #tpu.memory_space<hbm>> -> memref<100000x8xf32, #tpu.memory_space<hbm>>
      tpu.wait_indirect_dma semaphore(%arg10 : memref<!tpu.dma_semaphore, #tpu.memory_space<semaphore_mem>>) src(%dma_wait3A_424 : memref<100000x8xf32, #tpu.memory_space<hbm>>) dst(%dma_wait3A_420 : memref<128x8xf32, #tpu.memory_space<vmem>>)
    }
    %scan3A_320 = arith.constant 15 : i32
    %add3A_321 = arith.constant 3840 : i32
    %add3A_322 = arith.addi %mul3A_2, %add3A_321 : i32
    %dma_wait3A_323 = arith.constant 0 : i32
    %dma_wait3A_324 = arith.constant 0 : i32
    %dma_wait3A_325 = tpu.memref_slice %arg8[%dma_wait3A_323, %dma_wait3A_324] : memref<640x3xf32, #tpu.memory_space<vmem>> -> memref<640x3xf32, #tpu.memory_space<vmem>>
    %dma_wait3A_326 = arith.constant 0 : i32
    %dma_wait3A_327 = tpu.memref_slice %arg4[%add3A_322, %dma_wait3A_326] : memref<200000x3xf32, #tpu.memory_space<hbm>> -> memref<640x3xf32, #tpu.memory_space<hbm>>
    %dma_wait3A_328 = arith.constant 0 : i32
    %dma_wait3A_329 = tpu.memref_slice %arg4[%add3A_322, %dma_wait3A_328] : memref<200000x3xf32, #tpu.memory_space<hbm>> -> memref<640x3xf32, #tpu.memory_space<hbm>>
    %dma_wait3A_330 = arith.constant 0 : i32
    %dma_wait3A_331 = arith.constant 0 : i32
    %dma_wait3A_332 = tpu.memref_slice %arg8[%dma_wait3A_330, %dma_wait3A_331] : memref<640x3xf32, #tpu.memory_space<vmem>> -> memref<640x3xf32, #tpu.memory_space<vmem>>
    tpu.wait_dma2 semaphore(%arg12 : memref<!tpu.dma_semaphore, #tpu.memory_space<semaphore_mem>>) src(%dma_wait3A_332 : memref<640x3xf32, #tpu.memory_space<vmem>>) dst(%dma_wait3A_329 : memref<640x3xf32, #tpu.memory_space<hbm>>)
    %scan3A_333 = arith.constant 0 : i32
    %scan3A_334 = arith.constant 40 : i32
    %scan3A_335 = arith.addi %scan3A_333, %scan3A_334 : i32
    %scan3A_336 = arith.constant 1 : i32
    scf.for %scan3A_411 = %scan3A_333 to %scan3A_335 step %scan3A_336  : i32 {
      %mul3A_412 = arith.constant 16 : i32
      %mul3A_413 = arith.muli %scan3A_411, %mul3A_412 : i32
      %add3A_414 = vector.broadcast %mul3A_413 : i32 to vector<16xi32>
      %add3A_415 = arith.addi %add3A_414, %iota3A : vector<16xi32>
      %mul3A_416 = arith.constant 3 : i32
      %mul3A_417 = vector.broadcast %mul3A_416 : i32 to vector<16xi32>
      %mul3A_418 = arith.muli %add3A_415, %mul3A_417 : vector<16xi32>
      %gather3A = tpu.vector_load_idx %arg6[%mul3A_418, %broadcast_in_dim3A_7] : memref<1920x8xf32, #tpu.memory_space<vmem>>[vector<16xi32>, vector<16xi32>], vector<16xf32>,
      %gather3A_419 = tpu.vector_load_idx %arg6[%mul3A_418, %add3A_10] : memref<1920x8xf32, #tpu.memory_space<vmem>>[vector<16xi32>, vector<16xi32>], vector<16xf32>,
      %gather3A_420 = tpu.vector_load_idx %arg6[%mul3A_418, %add3A_13] : memref<1920x8xf32, #tpu.memory_space<vmem>>[vector<16xi32>, vector<16xi32>], vector<16xf32>,
      %add3A_421 = arith.constant 1 : i32
      %add3A_422 = vector.broadcast %add3A_421 : i32 to vector<16xi32>
      %add3A_423 = arith.addi %mul3A_418, %add3A_422 : vector<16xi32>
      %gather3A_424 = tpu.vector_load_idx %arg6[%add3A_423, %broadcast_in_dim3A_7] : memref<1920x8xf32, #tpu.memory_space<vmem>>[vector<16xi32>, vector<16xi32>], vector<16xf32>,
      %add3A_425 = arith.constant 1 : i32
      %add3A_426 = vector.broadcast %add3A_425 : i32 to vector<16xi32>
      %add3A_427 = arith.addi %mul3A_418, %add3A_426 : vector<16xi32>
      %gather3A_428 = tpu.vector_load_idx %arg6[%add3A_427, %add3A_10] : memref<1920x8xf32, #tpu.memory_space<vmem>>[vector<16xi32>, vector<16xi32>], vector<16xf32>,
      %add3A_429 = arith.constant 1 : i32
      %add3A_430 = vector.broadcast %add3A_429 : i32 to vector<16xi32>
      %add3A_431 = arith.addi %mul3A_418, %add3A_430 : vector<16xi32>
      %gather3A_432 = tpu.vector_load_idx %arg6[%add3A_431, %add3A_13] : memref<1920x8xf32, #tpu.memory_space<vmem>>[vector<16xi32>, vector<16xi32>], vector<16xf32>,
      %add3A_433 = arith.constant 2 : i32
      %add3A_434 = vector.broadcast %add3A_433 : i32 to vector<16xi32>
      %add3A_435 = arith.addi %mul3A_418, %add3A_434 : vector<16xi32>
      %gather3A_436 = tpu.vector_load_idx %arg6[%add3A_435, %broadcast_in_dim3A_7] : memref<1920x8xf32, #tpu.memory_space<vmem>>[vector<16xi32>, vector<16xi32>], vector<16xf32>,
      %add3A_437 = arith.constant 2 : i32
      %add3A_438 = vector.broadcast %add3A_437 : i32 to vector<16xi32>
      %add3A_439 = arith.addi %mul3A_418, %add3A_438 : vector<16xi32>
      %gather3A_440 = tpu.vector_load_idx %arg6[%add3A_439, %add3A_10] : memref<1920x8xf32, #tpu.memory_space<vmem>>[vector<16xi32>, vector<16xi32>], vector<16xf32>,
      %add3A_441 = arith.constant 2 : i32
      %add3A_442 = vector.broadcast %add3A_441 : i32 to vector<16xi32>
      %add3A_443 = arith.addi %mul3A_418, %add3A_442 : vector<16xi32>
      %gather3A_444 = tpu.vector_load_idx %arg6[%add3A_443, %add3A_13] : memref<1920x8xf32, #tpu.memory_space<vmem>>[vector<16xi32>, vector<16xi32>], vector<16xf32>,
      %sub3A_445 = arith.subf %gather3A_424, %gather3A : vector<16xf32>
      %sub3A_446 = arith.subf %gather3A_428, %gather3A_419 : vector<16xf32>
      %sub3A_447 = arith.subf %gather3A_432, %gather3A_420 : vector<16xf32>
      %sub3A_448 = arith.subf %gather3A_436, %gather3A : vector<16xf32>
      %sub3A_449 = arith.subf %gather3A_440, %gather3A_419 : vector<16xf32>
      %sub3A_450 = arith.subf %gather3A_444, %gather3A_420 : vector<16xf32>
      %mul3A_451 = arith.mulf %sub3A_446, %sub3A_450 : vector<16xf32>
      %mul3A_452 = arith.mulf %sub3A_447, %sub3A_449 : vector<16xf32>
      %sub3A_453 = arith.subf %mul3A_451, %mul3A_452 : vector<16xf32>
      %mul3A_454 = arith.mulf %sub3A_447, %sub3A_448 : vector<16xf32>
      %mul3A_455 = arith.mulf %sub3A_445, %sub3A_450 : vector<16xf32>
      %sub3A_456 = arith.subf %mul3A_454, %mul3A_455 : vector<16xf32>
      %mul3A_457 = arith.mulf %sub3A_445, %sub3A_449 : vector<16xf32>
      %mul3A_458 = arith.mulf %sub3A_446, %sub3A_448 : vector<16xf32>
      %sub3A_459 = arith.subf %mul3A_457, %mul3A_458 : vector<16xf32>
      %mul3A_460 = arith.mulf %sub3A_453, %sub3A_453 : vector<16xf32>
      %mul3A_461 = arith.mulf %sub3A_456, %sub3A_456 : vector<16xf32>
      %add3A_462 = arith.addf %mul3A_460, %mul3A_461 : vector<16xf32>
      %mul3A_463 = arith.mulf %sub3A_459, %sub3A_459 : vector<16xf32>
      %add3A_464 = arith.addf %add3A_462, %mul3A_463 : vector<16xf32>
      %bitcast3A = vector.bitcast %add3A_464 : vector<16xf32> to vector<16xi32>
      %shift_right_logical3A = arith.constant 1 : i32
      %shift_right_logical3A_465 = vector.broadcast %shift_right_logical3A : i32 to vector<16xi32>
      %shift_right_logical3A_466 = arith.shrui %bitcast3A, %shift_right_logical3A_465 : vector<16xi32>
      %sub3A_467 = arith.constant 1597463007 : i32
      %sub3A_468 = vector.broadcast %sub3A_467 : i32 to vector<16xi32>
      %sub3A_469 = arith.subi %sub3A_468, %shift_right_logical3A_466 : vector<16xi32>
      %bitcast3A_470 = vector.bitcast %sub3A_469 : vector<16xi32> to vector<16xf32>
      %mul3A_471 = arith.constant 5.000000e-01 : f32
      %mul3A_472 = vector.broadcast %mul3A_471 : f32 to vector<16xf32>
      %mul3A_473 = arith.mulf %mul3A_472, %add3A_464 : vector<16xf32>
      %mul3A_474 = arith.mulf %mul3A_473, %bitcast3A_470 : vector<16xf32>
      %mul3A_475 = arith.mulf %mul3A_474, %bitcast3A_470 : vector<16xf32>
      %sub3A_476 = arith.constant 1.500000e+00 : f32
      %sub3A_477 = vector.broadcast %sub3A_476 : f32 to vector<16xf32>
      %sub3A_478 = arith.subf %sub3A_477, %mul3A_475 : vector<16xf32>
      %mul3A_479 = arith.mulf %bitcast3A_470, %sub3A_478 : vector<16xf32>
      %mul3A_480 = arith.mulf %mul3A_473, %mul3A_479 : vector<16xf32>
      %mul3A_481 = arith.mulf %mul3A_480, %mul3A_479 : vector<16xf32>
      %sub3A_482 = arith.constant 1.500000e+00 : f32
      %sub3A_483 = vector.broadcast %sub3A_482 : f32 to vector<16xf32>
      %sub3A_484 = arith.subf %sub3A_483, %mul3A_481 : vector<16xf32>
      %mul3A_485 = arith.mulf %mul3A_479, %sub3A_484 : vector<16xf32>
      %mul3A_486 = arith.mulf %mul3A_473, %mul3A_485 : vector<16xf32>
      %mul3A_487 = arith.mulf %mul3A_486, %mul3A_485 : vector<16xf32>
      %sub3A_488 = arith.constant 1.500000e+00 : f32
      %sub3A_489 = vector.broadcast %sub3A_488 : f32 to vector<16xf32>
      %sub3A_490 = arith.subf %sub3A_489, %mul3A_487 : vector<16xf32>
      %mul3A_491 = arith.mulf %mul3A_485, %sub3A_490 : vector<16xf32>
      %mul3A_492 = arith.mulf %add3A_464, %mul3A_491 : vector<16xf32>
      %max3A = arith.constant 9.99999997E-7 : f32
      %max3A_493 = vector.broadcast %max3A : f32 to vector<16xf32>
      %max3A_494 = arith.maximumf %mul3A_492, %max3A_493 : vector<16xf32>
      %div3A = arith.constant 1.000000e+00 : f32
      %div3A_495 = vector.broadcast %div3A : f32 to vector<16xf32>
      %div3A_496 = arith.divf %div3A_495, %max3A_494 : vector<16xf32>
      %mul3A_497 = arith.mulf %sub3A_453, %div3A_496 : vector<16xf32>
      tpu.vector_store_idx %arg8[%add3A_415, %broadcast_in_dim3A_7], %mul3A_497 : memref<640x3xf32, #tpu.memory_space<vmem>>[vector<16xi32>, vector<16xi32>], vector<16xf32>,
      %mul3A_498 = arith.mulf %sub3A_456, %div3A_496 : vector<16xf32>
      tpu.vector_store_idx %arg8[%add3A_415, %add3A_10], %mul3A_498 : memref<640x3xf32, #tpu.memory_space<vmem>>[vector<16xi32>, vector<16xi32>], vector<16xf32>,
      %mul3A_499 = arith.mulf %sub3A_459, %div3A_496 : vector<16xf32>
      tpu.vector_store_idx %arg8[%add3A_415, %add3A_13], %mul3A_499 : memref<640x3xf32, #tpu.memory_space<vmem>>[vector<16xi32>, vector<16xi32>], vector<16xf32>,
    }
    %scan3A_337 = arith.constant 40 : i32
    %add3A_338 = arith.constant 5120 : i32
    %add3A_339 = arith.addi %mul3A_2, %add3A_338 : i32
    %dma_start3A_340 = arith.constant 0 : i32
    %dma_start3A_341 = arith.constant 0 : i32
    %dma_start3A_342 = tpu.memref_slice %arg8[%dma_start3A_340, %dma_start3A_341] : memref<640x3xf32, #tpu.memory_space<vmem>> -> memref<640x3xf32, #tpu.memory_space<vmem>>
    %dma_start3A_343 = arith.constant 0 : i32
    %dma_start3A_344 = tpu.memref_slice %arg4[%add3A_339, %dma_start3A_343] : memref<200000x3xf32, #tpu.memory_space<hbm>> -> memref<640x3xf32, #tpu.memory_space<hbm>>
    %dma_start3A_345 = arith.constant 0 : i32
    %dma_start3A_346 = tpu.memref_slice %arg4[%add3A_339, %dma_start3A_345] : memref<200000x3xf32, #tpu.memory_space<hbm>> -> memref<640x3xf32, #tpu.memory_space<hbm>>
    %dma_start3A_347 = arith.constant 0 : i32
    %dma_start3A_348 = arith.constant 0 : i32
    %dma_start3A_349 = tpu.memref_slice %arg8[%dma_start3A_347, %dma_start3A_348] : memref<640x3xf32, #tpu.memory_space<vmem>> -> memref<640x3xf32, #tpu.memory_space<vmem>>
    tpu.enqueue_dma source(%dma_start3A_349 : memref<640x3xf32, #tpu.memory_space<vmem>>) target(%dma_start3A_346 : memref<640x3xf32, #tpu.memory_space<hbm>>) target_semaphore(%arg12 : memref<!tpu.dma_semaphore, #tpu.memory_space<semaphore_mem>>)
    %scan3A_350 = arith.constant 0 : i32
    %scan3A_351 = arith.constant 15 : i32
    %scan3A_352 = arith.addi %scan3A_350, %scan3A_351 : i32
    %scan3A_353 = arith.constant 1 : i32
    scf.for %scan3A_411 = %scan3A_350 to %scan3A_352 step %scan3A_353  : i32 {
      %add3A_412 = arith.constant 17280 : i32
      %add3A_413 = arith.addi %select_n3A, %add3A_412 : i32
      %mul3A_414 = arith.constant 128 : i32
      %mul3A_415 = arith.muli %scan3A_411, %mul3A_414 : i32
      %add3A_416 = arith.addi %add3A_413, %mul3A_415 : i32
      %mul3A_417 = arith.constant 128 : i32
      %mul3A_418 = arith.muli %scan3A_411, %mul3A_417 : i32
      %dma_wait3A_419 = arith.constant 0 : i32
      %dma_wait3A_420 = tpu.memref_slice %arg7[%mul3A_418, %dma_wait3A_419] : memref<1920x8xf32, #tpu.memory_space<vmem>> -> memref<128x8xf32, #tpu.memory_space<vmem>>
      %dma_wait3A_421 = tpu.memref_slice %arg5[%add3A_416] : memref<19472xi32, #tpu.memory_space<vmem>> -> memref<128xi32, #tpu.memory_space<vmem>>
      %dma_wait3A_422 = arith.constant 0 : i32
      %dma_wait3A_423 = arith.constant 0 : i32
      %dma_wait3A_424 = tpu.memref_slice %arg2[%dma_wait3A_422, %dma_wait3A_423] : memref<100000x8xf32, #tpu.memory_space<hbm>> -> memref<100000x8xf32, #tpu.memory_space<hbm>>
      tpu.wait_indirect_dma semaphore(%arg11 : memref<!tpu.dma_semaphore, #tpu.memory_space<semaphore_mem>>) src(%dma_wait3A_424 : memref<100000x8xf32, #tpu.memory_space<hbm>>) dst(%dma_wait3A_420 : memref<128x8xf32, #tpu.memory_space<vmem>>)
    }
    %scan3A_354 = arith.constant 15 : i32
    %add3A_355 = arith.constant 4480 : i32
    %add3A_356 = arith.addi %mul3A_2, %add3A_355 : i32
    %dma_wait3A_357 = arith.constant 0 : i32
    %dma_wait3A_358 = arith.constant 0 : i32
    %dma_wait3A_359 = tpu.memref_slice %arg9[%dma_wait3A_357, %dma_wait3A_358] : memref<640x3xf32, #tpu.memory_space<vmem>> -> memref<640x3xf32, #tpu.memory_space<vmem>>
    %dma_wait3A_360 = arith.constant 0 : i32
    %dma_wait3A_361 = tpu.memref_slice %arg4[%add3A_356, %dma_wait3A_360] : memref<200000x3xf32, #tpu.memory_space<hbm>> -> memref<640x3xf32, #tpu.memory_space<hbm>>
    %dma_wait3A_362 = arith.constant 0 : i32
    %dma_wait3A_363 = tpu.memref_slice %arg4[%add3A_356, %dma_wait3A_362] : memref<200000x3xf32, #tpu.memory_space<hbm>> -> memref<640x3xf32, #tpu.memory_space<hbm>>
    %dma_wait3A_364 = arith.constant 0 : i32
    %dma_wait3A_365 = arith.constant 0 : i32
    %dma_wait3A_366 = tpu.memref_slice %arg9[%dma_wait3A_364, %dma_wait3A_365] : memref<640x3xf32, #tpu.memory_space<vmem>> -> memref<640x3xf32, #tpu.memory_space<vmem>>
    tpu.wait_dma2 semaphore(%arg13 : memref<!tpu.dma_semaphore, #tpu.memory_space<semaphore_mem>>) src(%dma_wait3A_366 : memref<640x3xf32, #tpu.memory_space<vmem>>) dst(%dma_wait3A_363 : memref<640x3xf32, #tpu.memory_space<hbm>>)
    %scan3A_367 = arith.constant 0 : i32
    %scan3A_368 = arith.constant 40 : i32
    %scan3A_369 = arith.addi %scan3A_367, %scan3A_368 : i32
    %scan3A_370 = arith.constant 1 : i32
    scf.for %scan3A_411 = %scan3A_367 to %scan3A_369 step %scan3A_370  : i32 {
      %mul3A_412 = arith.constant 16 : i32
      %mul3A_413 = arith.muli %scan3A_411, %mul3A_412 : i32
      %add3A_414 = vector.broadcast %mul3A_413 : i32 to vector<16xi32>
      %add3A_415 = arith.addi %add3A_414, %iota3A : vector<16xi32>
      %mul3A_416 = arith.constant 3 : i32
      %mul3A_417 = vector.broadcast %mul3A_416 : i32 to vector<16xi32>
      %mul3A_418 = arith.muli %add3A_415, %mul3A_417 : vector<16xi32>
      %gather3A = tpu.vector_load_idx %arg7[%mul3A_418, %broadcast_in_dim3A_7] : memref<1920x8xf32, #tpu.memory_space<vmem>>[vector<16xi32>, vector<16xi32>], vector<16xf32>,
      %gather3A_419 = tpu.vector_load_idx %arg7[%mul3A_418, %add3A_10] : memref<1920x8xf32, #tpu.memory_space<vmem>>[vector<16xi32>, vector<16xi32>], vector<16xf32>,
      %gather3A_420 = tpu.vector_load_idx %arg7[%mul3A_418, %add3A_13] : memref<1920x8xf32, #tpu.memory_space<vmem>>[vector<16xi32>, vector<16xi32>], vector<16xf32>,
      %add3A_421 = arith.constant 1 : i32
      %add3A_422 = vector.broadcast %add3A_421 : i32 to vector<16xi32>
      %add3A_423 = arith.addi %mul3A_418, %add3A_422 : vector<16xi32>
      %gather3A_424 = tpu.vector_load_idx %arg7[%add3A_423, %broadcast_in_dim3A_7] : memref<1920x8xf32, #tpu.memory_space<vmem>>[vector<16xi32>, vector<16xi32>], vector<16xf32>,
      %add3A_425 = arith.constant 1 : i32
      %add3A_426 = vector.broadcast %add3A_425 : i32 to vector<16xi32>
      %add3A_427 = arith.addi %mul3A_418, %add3A_426 : vector<16xi32>
      %gather3A_428 = tpu.vector_load_idx %arg7[%add3A_427, %add3A_10] : memref<1920x8xf32, #tpu.memory_space<vmem>>[vector<16xi32>, vector<16xi32>], vector<16xf32>,
      %add3A_429 = arith.constant 1 : i32
      %add3A_430 = vector.broadcast %add3A_429 : i32 to vector<16xi32>
      %add3A_431 = arith.addi %mul3A_418, %add3A_430 : vector<16xi32>
      %gather3A_432 = tpu.vector_load_idx %arg7[%add3A_431, %add3A_13] : memref<1920x8xf32, #tpu.memory_space<vmem>>[vector<16xi32>, vector<16xi32>], vector<16xf32>,
      %add3A_433 = arith.constant 2 : i32
      %add3A_434 = vector.broadcast %add3A_433 : i32 to vector<16xi32>
      %add3A_435 = arith.addi %mul3A_418, %add3A_434 : vector<16xi32>
      %gather3A_436 = tpu.vector_load_idx %arg7[%add3A_435, %broadcast_in_dim3A_7] : memref<1920x8xf32, #tpu.memory_space<vmem>>[vector<16xi32>, vector<16xi32>], vector<16xf32>,
      %add3A_437 = arith.constant 2 : i32
      %add3A_438 = vector.broadcast %add3A_437 : i32 to vector<16xi32>
      %add3A_439 = arith.addi %mul3A_418, %add3A_438 : vector<16xi32>
      %gather3A_440 = tpu.vector_load_idx %arg7[%add3A_439, %add3A_10] : memref<1920x8xf32, #tpu.memory_space<vmem>>[vector<16xi32>, vector<16xi32>], vector<16xf32>,
      %add3A_441 = arith.constant 2 : i32
      %add3A_442 = vector.broadcast %add3A_441 : i32 to vector<16xi32>
      %add3A_443 = arith.addi %mul3A_418, %add3A_442 : vector<16xi32>
      %gather3A_444 = tpu.vector_load_idx %arg7[%add3A_443, %add3A_13] : memref<1920x8xf32, #tpu.memory_space<vmem>>[vector<16xi32>, vector<16xi32>], vector<16xf32>,
      %sub3A_445 = arith.subf %gather3A_424, %gather3A : vector<16xf32>
      %sub3A_446 = arith.subf %gather3A_428, %gather3A_419 : vector<16xf32>
      %sub3A_447 = arith.subf %gather3A_432, %gather3A_420 : vector<16xf32>
      %sub3A_448 = arith.subf %gather3A_436, %gather3A : vector<16xf32>
      %sub3A_449 = arith.subf %gather3A_440, %gather3A_419 : vector<16xf32>
      %sub3A_450 = arith.subf %gather3A_444, %gather3A_420 : vector<16xf32>
      %mul3A_451 = arith.mulf %sub3A_446, %sub3A_450 : vector<16xf32>
      %mul3A_452 = arith.mulf %sub3A_447, %sub3A_449 : vector<16xf32>
      %sub3A_453 = arith.subf %mul3A_451, %mul3A_452 : vector<16xf32>
      %mul3A_454 = arith.mulf %sub3A_447, %sub3A_448 : vector<16xf32>
      %mul3A_455 = arith.mulf %sub3A_445, %sub3A_450 : vector<16xf32>
      %sub3A_456 = arith.subf %mul3A_454, %mul3A_455 : vector<16xf32>
      %mul3A_457 = arith.mulf %sub3A_445, %sub3A_449 : vector<16xf32>
      %mul3A_458 = arith.mulf %sub3A_446, %sub3A_448 : vector<16xf32>
      %sub3A_459 = arith.subf %mul3A_457, %mul3A_458 : vector<16xf32>
      %mul3A_460 = arith.mulf %sub3A_453, %sub3A_453 : vector<16xf32>
      %mul3A_461 = arith.mulf %sub3A_456, %sub3A_456 : vector<16xf32>
      %add3A_462 = arith.addf %mul3A_460, %mul3A_461 : vector<16xf32>
      %mul3A_463 = arith.mulf %sub3A_459, %sub3A_459 : vector<16xf32>
      %add3A_464 = arith.addf %add3A_462, %mul3A_463 : vector<16xf32>
      %bitcast3A = vector.bitcast %add3A_464 : vector<16xf32> to vector<16xi32>
      %shift_right_logical3A = arith.constant 1 : i32
      %shift_right_logical3A_465 = vector.broadcast %shift_right_logical3A : i32 to vector<16xi32>
      %shift_right_logical3A_466 = arith.shrui %bitcast3A, %shift_right_logical3A_465 : vector<16xi32>
      %sub3A_467 = arith.constant 1597463007 : i32
      %sub3A_468 = vector.broadcast %sub3A_467 : i32 to vector<16xi32>
      %sub3A_469 = arith.subi %sub3A_468, %shift_right_logical3A_466 : vector<16xi32>
      %bitcast3A_470 = vector.bitcast %sub3A_469 : vector<16xi32> to vector<16xf32>
      %mul3A_471 = arith.constant 5.000000e-01 : f32
      %mul3A_472 = vector.broadcast %mul3A_471 : f32 to vector<16xf32>
      %mul3A_473 = arith.mulf %mul3A_472, %add3A_464 : vector<16xf32>
      %mul3A_474 = arith.mulf %mul3A_473, %bitcast3A_470 : vector<16xf32>
      %mul3A_475 = arith.mulf %mul3A_474, %bitcast3A_470 : vector<16xf32>
      %sub3A_476 = arith.constant 1.500000e+00 : f32
      %sub3A_477 = vector.broadcast %sub3A_476 : f32 to vector<16xf32>
      %sub3A_478 = arith.subf %sub3A_477, %mul3A_475 : vector<16xf32>
      %mul3A_479 = arith.mulf %bitcast3A_470, %sub3A_478 : vector<16xf32>
      %mul3A_480 = arith.mulf %mul3A_473, %mul3A_479 : vector<16xf32>
      %mul3A_481 = arith.mulf %mul3A_480, %mul3A_479 : vector<16xf32>
      %sub3A_482 = arith.constant 1.500000e+00 : f32
      %sub3A_483 = vector.broadcast %sub3A_482 : f32 to vector<16xf32>
      %sub3A_484 = arith.subf %sub3A_483, %mul3A_481 : vector<16xf32>
      %mul3A_485 = arith.mulf %mul3A_479, %sub3A_484 : vector<16xf32>
      %mul3A_486 = arith.mulf %mul3A_473, %mul3A_485 : vector<16xf32>
      %mul3A_487 = arith.mulf %mul3A_486, %mul3A_485 : vector<16xf32>
      %sub3A_488 = arith.constant 1.500000e+00 : f32
      %sub3A_489 = vector.broadcast %sub3A_488 : f32 to vector<16xf32>
      %sub3A_490 = arith.subf %sub3A_489, %mul3A_487 : vector<16xf32>
      %mul3A_491 = arith.mulf %mul3A_485, %sub3A_490 : vector<16xf32>
      %mul3A_492 = arith.mulf %add3A_464, %mul3A_491 : vector<16xf32>
      %max3A = arith.constant 9.99999997E-7 : f32
      %max3A_493 = vector.broadcast %max3A : f32 to vector<16xf32>
      %max3A_494 = arith.maximumf %mul3A_492, %max3A_493 : vector<16xf32>
      %div3A = arith.constant 1.000000e+00 : f32
      %div3A_495 = vector.broadcast %div3A : f32 to vector<16xf32>
      %div3A_496 = arith.divf %div3A_495, %max3A_494 : vector<16xf32>
      %mul3A_497 = arith.mulf %sub3A_453, %div3A_496 : vector<16xf32>
      tpu.vector_store_idx %arg9[%add3A_415, %broadcast_in_dim3A_7], %mul3A_497 : memref<640x3xf32, #tpu.memory_space<vmem>>[vector<16xi32>, vector<16xi32>], vector<16xf32>,
      %mul3A_498 = arith.mulf %sub3A_456, %div3A_496 : vector<16xf32>
      tpu.vector_store_idx %arg9[%add3A_415, %add3A_10], %mul3A_498 : memref<640x3xf32, #tpu.memory_space<vmem>>[vector<16xi32>, vector<16xi32>], vector<16xf32>,
      %mul3A_499 = arith.mulf %sub3A_459, %div3A_496 : vector<16xf32>
      tpu.vector_store_idx %arg9[%add3A_415, %add3A_13], %mul3A_499 : memref<640x3xf32, #tpu.memory_space<vmem>>[vector<16xi32>, vector<16xi32>], vector<16xf32>,
    }
    %scan3A_371 = arith.constant 40 : i32
    %add3A_372 = arith.constant 5760 : i32
    %add3A_373 = arith.addi %mul3A_2, %add3A_372 : i32
    %dma_start3A_374 = arith.constant 0 : i32
    %dma_start3A_375 = arith.constant 0 : i32
    %dma_start3A_376 = tpu.memref_slice %arg9[%dma_start3A_374, %dma_start3A_375] : memref<640x3xf32, #tpu.memory_space<vmem>> -> memref<488x3xf32, #tpu.memory_space<vmem>>
    %dma_start3A_377 = arith.constant 0 : i32
    %dma_start3A_378 = tpu.memref_slice %arg4[%add3A_373, %dma_start3A_377] : memref<200000x3xf32, #tpu.memory_space<hbm>> -> memref<488x3xf32, #tpu.memory_space<hbm>>
    %dma_start3A_379 = arith.constant 0 : i32
    %dma_start3A_380 = tpu.memref_slice %arg4[%add3A_373, %dma_start3A_379] : memref<200000x3xf32, #tpu.memory_space<hbm>> -> memref<488x3xf32, #tpu.memory_space<hbm>>
    %dma_start3A_381 = arith.constant 0 : i32
    %dma_start3A_382 = arith.constant 0 : i32
    %dma_start3A_383 = tpu.memref_slice %arg9[%dma_start3A_381, %dma_start3A_382] : memref<640x3xf32, #tpu.memory_space<vmem>> -> memref<488x3xf32, #tpu.memory_space<vmem>>
    tpu.enqueue_dma source(%dma_start3A_383 : memref<488x3xf32, #tpu.memory_space<vmem>>) target(%dma_start3A_380 : memref<488x3xf32, #tpu.memory_space<hbm>>) target_semaphore(%arg13 : memref<!tpu.dma_semaphore, #tpu.memory_space<semaphore_mem>>)
    %add3A_384 = arith.constant 5120 : i32
    %add3A_385 = arith.addi %mul3A_2, %add3A_384 : i32
    %dma_wait3A_386 = arith.constant 0 : i32
    %dma_wait3A_387 = arith.constant 0 : i32
    %dma_wait3A_388 = tpu.memref_slice %arg8[%dma_wait3A_386, %dma_wait3A_387] : memref<640x3xf32, #tpu.memory_space<vmem>> -> memref<640x3xf32, #tpu.memory_space<vmem>>
    %dma_wait3A_389 = arith.constant 0 : i32
    %dma_wait3A_390 = tpu.memref_slice %arg4[%add3A_385, %dma_wait3A_389] : memref<200000x3xf32, #tpu.memory_space<hbm>> -> memref<640x3xf32, #tpu.memory_space<hbm>>
    %dma_wait3A_391 = arith.constant 0 : i32
    %dma_wait3A_392 = tpu.memref_slice %arg4[%add3A_385, %dma_wait3A_391] : memref<200000x3xf32, #tpu.memory_space<hbm>> -> memref<640x3xf32, #tpu.memory_space<hbm>>
    %dma_wait3A_393 = arith.constant 0 : i32
    %dma_wait3A_394 = arith.constant 0 : i32
    %dma_wait3A_395 = tpu.memref_slice %arg8[%dma_wait3A_393, %dma_wait3A_394] : memref<640x3xf32, #tpu.memory_space<vmem>> -> memref<640x3xf32, #tpu.memory_space<vmem>>
    tpu.wait_dma2 semaphore(%arg12 : memref<!tpu.dma_semaphore, #tpu.memory_space<semaphore_mem>>) src(%dma_wait3A_395 : memref<640x3xf32, #tpu.memory_space<vmem>>) dst(%dma_wait3A_392 : memref<640x3xf32, #tpu.memory_space<hbm>>)
    %add3A_396 = arith.constant 5760 : i32
    %add3A_397 = arith.addi %mul3A_2, %add3A_396 : i32
    %dma_wait3A_398 = arith.constant 0 : i32
    %dma_wait3A_399 = arith.constant 0 : i32
    %dma_wait3A_400 = tpu.memref_slice %arg9[%dma_wait3A_398, %dma_wait3A_399] : memref<640x3xf32, #tpu.memory_space<vmem>> -> memref<488x3xf32, #tpu.memory_space<vmem>>
    %dma_wait3A_401 = arith.constant 0 : i32
    %dma_wait3A_402 = tpu.memref_slice %arg4[%add3A_397, %dma_wait3A_401] : memref<200000x3xf32, #tpu.memory_space<hbm>> -> memref<488x3xf32, #tpu.memory_space<hbm>>
    %dma_wait3A_403 = arith.constant 0 : i32
    %dma_wait3A_404 = tpu.memref_slice %arg4[%add3A_397, %dma_wait3A_403] : memref<200000x3xf32, #tpu.memory_space<hbm>> -> memref<488x3xf32, #tpu.memory_space<hbm>>
    %dma_wait3A_405 = arith.constant 0 : i32
    %dma_wait3A_406 = arith.constant 0 : i32
    %dma_wait3A_407 = tpu.memref_slice %arg9[%dma_wait3A_405, %dma_wait3A_406] : memref<640x3xf32, #tpu.memory_space<vmem>> -> memref<488x3xf32, #tpu.memory_space<vmem>>
    tpu.wait_dma2 semaphore(%arg13 : memref<!tpu.dma_semaphore, #tpu.memory_space<semaphore_mem>>) src(%dma_wait3A_407 : memref<488x3xf32, #tpu.memory_space<vmem>>) dst(%dma_wait3A_404 : memref<488x3xf32, #tpu.memory_space<hbm>>)
    %eq3A_408 = arith.constant 31 : i32
    %eq3A_409 = arith.cmpi eq, %add3A, %eq3A_408 : i32
    %convert_element_type3A = arith.extui %eq3A_409 : i1 to i32
    %cond3A = arith.constant 0 : i32
    %cond3A_410 = arith.cmpi ne, %convert_element_type3A, %cond3A : i32
    scf.if %cond3A_410 {
      %add3A_411 = arith.constant 6248 : i32
      %add3A_412 = arith.addi %mul3A_2, %add3A_411 : i32
      "tpu.region"() ({
        %run_scoped3A = tpu.sem_alloc : memref<!tpu.dma_semaphore, #tpu.memory_space<semaphore_mem>>
        %dma_start3A_413 = arith.constant 488 : i32
        %dma_start3A_414 = arith.constant 0 : i32
        %dma_start3A_415 = tpu.memref_slice %arg9[%dma_start3A_413, %dma_start3A_414] : memref<640x3xf32, #tpu.memory_space<vmem>> -> memref<64x3xf32, #tpu.memory_space<vmem>>
        %dma_start3A_416 = arith.constant 0 : i32
        %dma_start3A_417 = tpu.memref_slice %arg4[%add3A_412, %dma_start3A_416] : memref<200000x3xf32, #tpu.memory_space<hbm>> -> memref<64x3xf32, #tpu.memory_space<hbm>>
        %dma_start3A_418 = arith.constant 0 : i32
        %dma_start3A_419 = tpu.memref_slice %arg4[%add3A_412, %dma_start3A_418] : memref<200000x3xf32, #tpu.memory_space<hbm>> -> memref<64x3xf32, #tpu.memory_space<hbm>>
        %dma_start3A_420 = arith.constant 488 : i32
        %dma_start3A_421 = arith.constant 0 : i32
        %dma_start3A_422 = tpu.memref_slice %arg9[%dma_start3A_420, %dma_start3A_421] : memref<640x3xf32, #tpu.memory_space<vmem>> -> memref<64x3xf32, #tpu.memory_space<vmem>>
        tpu.enqueue_dma source(%dma_start3A_422 : memref<64x3xf32, #tpu.memory_space<vmem>>) target(%dma_start3A_419 : memref<64x3xf32, #tpu.memory_space<hbm>>) target_semaphore(%run_scoped3A : memref<!tpu.dma_semaphore, #tpu.memory_space<semaphore_mem>>)
        %dma_wait3A_423 = arith.constant 488 : i32
        %dma_wait3A_424 = arith.constant 0 : i32
        %dma_wait3A_425 = tpu.memref_slice %arg9[%dma_wait3A_423, %dma_wait3A_424] : memref<640x3xf32, #tpu.memory_space<vmem>> -> memref<64x3xf32, #tpu.memory_space<vmem>>
        %dma_wait3A_426 = arith.constant 0 : i32
        %dma_wait3A_427 = tpu.memref_slice %arg4[%add3A_412, %dma_wait3A_426] : memref<200000x3xf32, #tpu.memory_space<hbm>> -> memref<64x3xf32, #tpu.memory_space<hbm>>
        %dma_wait3A_428 = arith.constant 0 : i32
        %dma_wait3A_429 = tpu.memref_slice %arg4[%add3A_412, %dma_wait3A_428] : memref<200000x3xf32, #tpu.memory_space<hbm>> -> memref<64x3xf32, #tpu.memory_space<hbm>>
        %dma_wait3A_430 = arith.constant 488 : i32
        %dma_wait3A_431 = arith.constant 0 : i32
        %dma_wait3A_432 = tpu.memref_slice %arg9[%dma_wait3A_430, %dma_wait3A_431] : memref<640x3xf32, #tpu.memory_space<vmem>> -> memref<64x3xf32, #tpu.memory_space<vmem>>
        tpu.wait_dma2 semaphore(%run_scoped3A : memref<!tpu.dma_semaphore, #tpu.memory_space<semaphore_mem>>) src(%dma_wait3A_432 : memref<64x3xf32, #tpu.memory_space<vmem>>) dst(%dma_wait3A_429 : memref<64x3xf32, #tpu.memory_space<hbm>>)
        tpu.yield
      }) : () -> ()
    } else {
    }
    return
  }
}

</mosaic_0001>

<sc_bundles>
// kernel: kernel.3.cloned.1.call-start
scs
__scs_entry_jumppad:
0x0: {  	(pc) =	sbr.rel $0x88, $3  }
0x1: {  	(tag) =	ssettag $0x0;
	lr =	simm.s32 $0x1  }
0x2: {  	[smem:$0x3F9F] =	sst lr;
	_ =	strace $0xD0000000  }
0x3: {  	_ = 	snop  }
0x4: {  	_ = 	snop  }
0x5: {  	_ = 	snop  }
0x6: {  	_ = 	snop  }
0x7: {  	_ = 	snop  }
__scs_overlays_trampoline_lowered:
0x8: {  	[smem:$0x3FAE] =	sst s0  }
0x9: {  	[smem:$0x3FAF] =	sst s1  }
0xa: {  	[smem:$0x3FB0] =	sst s2  }
0xb: {  	[smem:$0x3FB1] =	sst s3  }
0xc: {  	[smem:$0x3FB2] =	sst s4  }
0xd: {  	[smem:$0x3FB3] =	sst s5  }
0xe: {  	[smem:$0x3FB4] =	sst s6  }
0xf: {  	[smem:$0x3FB5] =	sst s7  }
0x10: {  	[smem:$0x3FB6] =	sst s8  }
0x11: {  	[smem:$0x3FB7] =	sst s9;
	s0 =	simm.s32 @!p0 $0x0  }
0x12: {  	s1 =	sld [smem:$0x3F9D];
	s0 =	simm.s32 @p0 $0x1  }
0x13: {  	[smem:$0x3FB8] =	sst s0;
	s0 =	simm.s32 @!p1 $0x0  }
0x14: {  	s2 =	sld [smem:$0x3F9C];
	s0 =	simm.s32 @p1 $0x1  }
0x15: {  	[smem:$0x3FB9] =	sst s0;
	s0 =	simm.s32 @!p2 $0x0  }
0x16: {  	s3 =	sld [smem:$0x3FDB];
	s0 =	simm.s32 @p2 $0x1  }
0x17: {  	s4 =	simm.s32 $0x1BF5;
	[smem:$0x3FBB] =	sst s0  }
0x18: {  	s0 =	sld [smem:$0x3F9E];
	_ =	swait.ge [sflag:s4], $0x0  }
0x19: {  	s7 =	sld [smem:$0x3F9F]  }
0x1a: {  	s8 =	sadd.s32 $0xFFFFE003, lr  }
0x1b: {  	s9 =	sadd.s32 $0xFFFFFEF7, lr;
	s5 =	simm.s32 $0xFFFFFFFF;
	p2 =	slt.u32 s8, $0xFFFFF086  }
0x1c: {  	p1 =	slt.u32 s9, $0xF7A;
	s5 =	simm.s32 @!p2 $0x0  }
0x1d: {  	s5 =	simm.s32 @p1 $0x1;
	p0 =	seq.s32 s7, s2  }
0x1e: {  	s7 =	smul.u32 @!p0 $0xF7A, s2;
	p2 =	seq.s32 @!p0 s5, $0x0  }
0x1f: {  	s9 =	smul.u32 $0xF7A, s1;
	s8 =	simm.s32 @!p0 $0x1BF5;
	p2 =	por !p2, p0  }
0x20: {  	[sflag:s8] =	ssyncset.s32 @!p0 $0xFFFFF086;
	s6 =	sadd.s32 @!p0 s3, s7;
	s7 =	simm.s32 @!p0 $0x108  }
0x21: {  	s3 =	sadd.s32 s3, s9;
	s6 =	sadd.s32 @!p0 $0x88, s6;
	s7 =	simm.s32 @p2 $0x1082  }
0x22: {  	[simem:s7], [sflag:s8] =	dma.local @!p0 [hbm:s6], $0xF7A  }
0x23: {  	s9 =	sor.u32 $0xD0000000, s2;
	s6 =	simm.s32 $0x108;
	_ =	swait.ge @!p0 [sflag:s8], $0x0  }
0x24: {  	s3 =	sadd.s32 $0x88, s3;
	s6 =	simm.s32 @!p1 $0x1082;
	[sflag:s4] =	ssyncset.s32 $0xFFFFF086  }
0x25: {  	[simem:s6], [sflag:s4] =	dma.local [hbm:s3], $0xF7A  }
0x26: {  	[smem:$0x3F9F] =	sst s1;
	(tag) =	ssettag s2;
	_ =	strace s9  }
0x27: {  	s1 =	sld [smem:$0x3FAF]  }
0x28: {  	s2 =	sld [smem:$0x3FB0]  }
0x29: {  	s4 =	sld [smem:$0x3FB2]  }
0x2a: {  	p0 =	seq.s32 s5, $0x0;
	s5 =	sld [smem:$0x3FB3]  }
0x2b: {  	s6 =	sld [smem:$0x3FB4]  }
0x2c: {  	s7 =	sld [smem:$0x3FB5]  }
0x2d: {  	s3 =	simm.s32 $0x108;
	s8 =	sld [smem:$0x3FB6]  }
0x2e: {  	s3 =	simm.s32 @!p0 $0x1082;
	s9 =	sld [smem:$0x3FB7]  }
0x2f: {  	lr =	sadd.s32 s0, s3;
	s0 =	sld [smem:$0x3FAE]  }
0x30: {  	s3 =	sld [smem:$0x3FB1]  }
0x31: {  	[smem:$0x3FBA] =	sst s10  }
0x32: {  	s10 =	sld [smem:$0x3FB8];
	_ =	sdelay $0x3  }
0x33: {  	p0 =	seq.s32 s10, $0x1;
	s10 =	sld [smem:$0x3FBA];
	_ =	sdelay $0x3  }
0x34: {  	[smem:$0x3FBA] =	sst s10  }
0x35: {  	s10 =	sld [smem:$0x3FB9];
	_ =	sdelay $0x3  }
0x36: {  	p1 =	seq.s32 s10, $0x1;
	s10 =	sld [smem:$0x3FBA];
	_ =	sdelay $0x3  }
0x37: {  	[smem:$0x3FBA] =	sst s10  }
0x38: {  	s10 =	sld [smem:$0x3FBB]  }
0x39: {  	_ = 	snop;
	(pc) =	sbr.ind lr, $3  }
0x3a: {  	_ = 	snop  }
0x3b: {  	_ = 	snop  }
0x3c: {  	p2 =	seq.s32 s10, $0x1;
	s10 =	sld [smem:$0x3FBA]  }
0x3d: {  	_ =	shalt  }
0x3e: {  	_ =	shalt  }
0x3f: {  	_ =	shalt  }
0x40: {  	_ =	shalt  }
0x41: {  	_ =	shalt  }
0x42: {  	_ =	shalt  }
0x43: {  	_ =	shalt  }
0x44: {  	_ =	shalt  }
0x45: {  	_ =	shalt  }
0x46: {  	_ =	shalt  }
0x47: {  	_ =	shalt  }
0x48: {  	_ =	shalt  }
0x49: {  	_ =	shalt  }
0x4a: {  	_ =	shalt  }
0x4b: {  	_ =	shalt  }
0x4c: {  	_ =	shalt  }
0x4d: {  	_ =	shalt  }
0x4e: {  	_ =	shalt  }
0x4f: {  	_ =	shalt  }
0x50: {  	_ =	shalt  }
0x51: {  	_ =	shalt  }
0x52: {  	_ =	shalt  }
0x53: {  	_ =	shalt  }
0x54: {  	_ =	shalt  }
0x55: {  	_ =	shalt  }
0x56: {  	_ =	shalt  }
0x57: {  	_ =	shalt  }
0x58: {  	_ =	shalt  }
0x59: {  	_ =	shalt  }
0x5a: {  	_ =	shalt  }
0x5b: {  	_ =	shalt  }
0x5c: {  	_ =	shalt  }
0x5d: {  	_ =	shalt  }
0x5e: {  	_ =	shalt  }
0x5f: {  	_ =	shalt  }
0x60: {  	_ =	shalt  }
0x61: {  	_ =	shalt  }
0x62: {  	_ =	shalt  }
0x63: {  	_ =	shalt  }
0x64: {  	_ =	shalt  }
0x65: {  	_ =	shalt  }
0x66: {  	_ =	shalt  }
0x67: {  	_ =	shalt  }
0x68: {  	_ =	shalt  }
0x69: {  	_ =	shalt  }
0x6a: {  	_ =	shalt  }
0x6b: {  	_ =	shalt  }
0x6c: {  	_ =	shalt  }
0x6d: {  	_ =	shalt  }
0x6e: {  	_ =	shalt  }
0x6f: {  	_ =	shalt  }
0x70: {  	_ =	shalt  }
0x71: {  	_ =	shalt  }
0x72: {  	_ =	shalt  }
0x73: {  	_ =	shalt  }
0x74: {  	_ =	shalt  }
0x75: {  	_ =	shalt  }
0x76: {  	_ =	shalt  }
0x77: {  	_ =	shalt  }
0x78: {  	_ =	shalt  }
0x79: {  	_ =	shalt  }
0x7a: {  	_ =	shalt  }
0x7b: {  	_ =	shalt  }
0x7c: {  	_ =	shalt  }
0x7d: {  	_ =	shalt  }
0x7e: {  	_ =	shalt  }
0x7f: {  	_ =	shalt  }
0x80: {  	_ =	shalt  }
0x81: {  	_ =	shalt  }
0x82: {  	_ =	shalt  }
0x83: {  	_ =	shalt  }
0x84: {  	_ =	shalt  }
0x85: {  	_ =	shalt  }
0x86: {  	_ =	shalt  }
0x87: {  	_ =	shalt  }
.Lfunc_end0:
.L_simem_size_0:
called_computation_lowered:
.L_overlay_start_0:
0x88: {  	s2 =	sld [smem:$0x3FD9]  }
0x89: {  	s3 =	sld [smem:$0x3FFE];
	_ =	sdelay $0x1  }
0x8a: {  	s1 =	srdreg.scid  }
0x8b: {  	s0 =	sand.u32 $0x1, s1  }
0x8c: {  	s17 =	sshll.u32 s0, $0xA;
	s2 =	sadd.s32 s3, s2  }
0x8d: {  	s2 =	sadd.s32 s2, s17  }
0x8e: {  	[smem:$0x3FC6] =	sst s2  }
0x8f: {  	_ = 	snop  }
0x90: {  	s2 =	sld [smem:$0x3FD0];
	(tm) =	ssettm $0x1  }
0x91: {  	s18 =	sld [smem:$0x3FFB];
	_ =	sdelay $0x3  }
0x92: {  	_ =	strace s18  }
0x93: {  	s3 =	sld [smem:$0x3FFC];
	_ =	sdelay $0x3  }
0x94: {  	_ =	strace s3  }
0x95: {  	s3 =	sld [smem:$0x3FFD];
	_ =	sdelay $0x3  }
0x96: {  	_ =	strace s3  }
0x97: {  	_ =	strace $0x8FFFFFFF  }
0x98: {  	s19 =	sld [smem:$0x3FDB];
	_ =	sdelay $0x1  }
0x99: {  	s4 =	simm.s32 $_scs_section_size  }
0x9a: {  	s5 =	simm.s32 $_size__tile_overlayer_lowered;
	s6 =	simm.s32 $_tile_overlayer_lowered  }
0x9b: {  	s22 =	simm.s32 $0x1BFF;
	s21 =	sshll.u32 s6, $0x1;
	s3 =	sadd.s32 s4, s19  }
0x9c: {  	s7 =	simm.s32 $0x0;
	s20 =	sshll.u32 s5, $0x1;
	s5 =	sadd.s32 s21, s3  }
0x9d: {  	[timem:s7], [sflag:s22] =	dma.local [hbm:s5], s20  }
0x9e: {  	_ =	swait.ge [sflag:s22], s20  }
0x9f: {  	s4 =	ssub.s32 $0x0, s20;
	[sflag:s22] =	ssyncset.done $0x0  }
0xa0: {  	[sflag:s22] =	ssyncadd.s32 s4;
	_ =	sdelay $0x1  }
0xa1: {  	s23 =	simm.s32 $0x1B8B  }
0xa2: {  	_ =	swait.ge [sflag:s23], $0x1  }
0xa3: {  	[sflag:s23] =	ssyncset.done $0x0  }
0xa4: {  	s25 =	simm.s32 $0x1B8E;
	s24 =	sld [smem:$0x3FFE];
	[sflag:s23] =	ssyncadd.s32 $0xFFFFFFFF  }
0xa5: {  	s26 =	simm.s32 $execute0_lowered;
	[smem:$0x3FD2] =	sst s25  }
0xa6: {  	s5 =	sshll.u32 s26, $0x1;
	_ =	strace $0x80000046;
	[dreg:$0x1] =	wrdreg $0xFFFFFFFF  }
0xa7: {  	s28 =	simm.s32 $_size_execute0_lowered;
	s3 =	sadd.s32 s3, s5;
	[dreg:$0x0] =	wrdreg $0x0  }
0xa8: {  	s5 =	sshll.u32 s28, $0x1;
	[dreg:$0x2] =	wrdreg s3  }
0xa9: {  	[dreg:$0x3] =	wrdreg s5  }
0xaa: {  	[dreg:$0x4] =	wrdreg $0xC0  }
0xab: {  	_ =	task [dreg:s7], $0x5FFFF  }
0xac: {  	[dreg:$0x1] =	wrdreg $0xFFFFFFFF  }
0xad: {  	[dreg:$0x0] =	wrdreg $0x60  }
0xae: {  	[dreg:$0x2] =	wrdreg s24  }
0xaf: {  	[dreg:$0x3] =	wrdreg s2  }
0xb0: {  	[dreg:$0x4] =	wrdreg $0x9  }
0xb1: {  	_ =	task.clear_ibuf [dreg:s7], $0x5FFFF;
	_ =	strace $0x90000046  }
0xb2: {  	s29 =	simm.s32 $0x9;
	_ =	strace $0x80000048  }
0xb3: {  	_ =	swait.ge [sflag:s29], $0x1  }
0xb4: {  	[sflag:s29] =	ssyncadd.s32 $0xFFFFFFFF  }
0xb5: {  	_ =	strace $0x90000048  }
0xb6: {  	_ =	sfence  }
0xb7: {  	s30 =	sld [smem:$0x0];
	_ =	sdelay $0x2  }
0xb8: {  	s31 =	sshll.u32 s1, $0xD;
	s1 =	sshrl.u32 s1, $0x2  }
0xb9: {  	s3 =	sand.u32 $0x4000, s31;
	s1 =	sadd.s32 s1, s30  }
0xba: {  	s0 =	sor.u32 s3, s0;
	s1 =	sshll.u32 s1, $0x11  }
0xbb: {  	s0 =	sor.u32 s1, s0  }
0xbc: {  	s0 =	sadd.s32 $0x8F2B, s0  }
0xbd: {  	[sflag:s0] =	ssyncadd.remote.s32 $0x1  }
0xbe: {  	_ =	sfence.sel $0xFFFF  }
0xbf: {  	[dreg:$0x0] =	wrdreg $0xFFFFFFFF;
	(pc) =	sbr.abs _section_cstart, $3  }
0xc0: {  	[dreg:$0x1] =	wrdreg $0xFFFFFFFF  }
0xc1: {  	_ =	task.clear_ibuf [dreg:s7], $0x2FFFF;
	_ =	strace $0x9FFFFFFF  }
0xc2: {  	(tm) =	ssettm $0x7FFFFFFF  }
0xc3: {  	_ =	shalt  }
tec
execute0_lowered:
.L_overlay_start_1:
0x0: {  	(tag) =	ssettag $0x1  }
0x1: {  	s0 =	rddreg [dreg:$0x0]  }
0x2: {  	s1 =	rddreg [dreg:$0x1]  }
0x3: {  	s3 =	srdreg.scid;
	s4 =	stileid.u32  }
0x4: {  	s2 =	simm.s32 $0x0;
	s5 =	sand.u32 $0x1, s3;
	s4 =	sshll.u32 s4, $0x1  }
0x5: {  	[smem:$0x7FF] =	sst s2;
	s3 =	sadd.s32 $0x600, s0;
	s6 =	sor.u32 s5, s4  }
0x6: {  	s8 =	sadd.s32 $0x18E00, s0;
	s4 =	simm.s32 $0x108;
	p0 =	seq.s32 s6, $0x1F  }
0x7: {  	s0 =	sadd.s32 $0x49B00, s0;
	s22 =	smul.u32 $0x1868, s6;
	s4 =	simm.s32 @!p0 $0x0  }
0x8: {  	_ =	strace $0x80000047;
	[dreg:$0x16] =	wrdreg s0;
	s23 =	sadd.s32 $0x780, s4  }
0x9: {  	s10 =	smul.u32 $0xC340, s6;
	s25 =	sadd.s32 s8, s22;
	[dreg:$0x4] =	wrdreg s23  }
0xa: {  	s26 =	sadd.s32 $0xF00, s4;
	[dreg:$0x5] =	wrdreg s25  }
0xb: {  	s24 =	sshrl.u32 s10, $0x3;
	s10 =	sor.u32 $0x1680, s4;
	[dreg:$0x6] =	wrdreg s26  }
0xc: {  	s12 =	sor.u32 $0x1E00, s4;
	[dreg:$0x8] =	wrdreg s10  }
0xd: {  	s5 =	ssub.s32 $0x2, s5;
	s14 =	sadd.s32 $0x2580, s4;
	[dreg:$0xa] =	wrdreg s12  }
0xe: {  	s7 =	smul.u32 $0x4938, s6;
	s16 =	sadd.s32 $0x2D00, s4;
	[dreg:$0xc] =	wrdreg s14  }
0xf: {  	s9 =	sshrl.u32 s5, $0x1;
	s18 =	sor.u32 $0x3480, s4;
	[dreg:$0xe] =	wrdreg s16  }
0x10: {  	s5 =	ssub.s32 s5, s9;
	s20 =	sor.u32 $0x3C00, s4;
	[dreg:$0x10] =	wrdreg s18  }
0x11: {  	p0 =	sne.s32 s6, $0x1F;
	s6 =	sor.u32 $0x280, s4;
	[dreg:$0x12] =	wrdreg s20  }
0x12: {  	s23 =	smax.u32 s5, $0x1;
	[dreg:$0x1d] =	wrdreg s6  }
0x13: {  	s25 =	sor.u32 $0x80, s4;
	[dreg:$0x17] =	wrdreg s23  }
0x14: {  	s26 =	sadd.s32 $0x100, s4;
	[dreg:$0x19] =	wrdreg s25  }
0x15: {  	s5 =	sor.u32 $0x200, s4;
	[dreg:$0x1a] =	wrdreg s26  }
0x16: {  	s10 =	sor.u32 $0x480, s4;
	[dreg:$0x1c] =	wrdreg s5  }
0x17: {  	s12 =	sadd.s32 $0x580, s4;
	[smem:$0x77A] =	sst s10  }
0x18: {  	s14 =	sor.u32 $0x680, s4;
	[smem:$0x77C] =	sst s12  }
0x19: {  	s16 =	sor.u32 $0x800, s4;
	[smem:$0x77E] =	sst s14  }
0x1a: {  	s18 =	sadd.s32 $0x900, s4;
	[smem:$0x780] =	sst s16  }
0x1b: {  	s7 =	ssub.s32 s7, s4;
	s20 =	sor.u32 $0xA00, s4;
	[smem:$0x782] =	sst s18  }
0x1c: {  	s7 =	sshrl.u32 s7, $0x3;
	s6 =	sor.u32 $0xE80, s4;
	[smem:$0x784] =	sst s20  }
0x1d: {  	s1 =	sadd.s32 s1, s7;
	[smem:$0x78D] =	sst s6  }
0x1e: {  	s7 =	sadd.s32 $0x300, s4;
	[dreg:$0x3] =	wrdreg s1  }
0x1f: {  	s23 =	sadd.s32 $0xB80, s4;
	[dreg:$0x1e] =	wrdreg s7  }
0x20: {  	s25 =	sor.u32 $0xC80, s4;
	[smem:$0x787] =	sst s23  }
0x21: {  	s26 =	sadd.s32 $0xD00, s4;
	[smem:$0x789] =	sst s25  }
0x22: {  	s5 =	sor.u32 $0xE00, s4;
	[smem:$0x78A] =	sst s26  }
0x23: {  	s10 =	sadd.s32 $0x1100, s4;
	[smem:$0x78C] =	sst s5  }
0x24: {  	s12 =	sor.u32 $0x1200, s4;
	[smem:$0x791] =	sst s10  }
0x25: {  	s14 =	sadd.s32 $0x1300, s4;
	[smem:$0x793] =	sst s12  }
0x26: {  	s16 =	sor.u32 $0x1400, s4;
	[smem:$0x795] =	sst s14  }
0x27: {  	s18 =	sadd.s32 $0x1500, s4;
	[smem:$0x797] =	sst s16  }
0x28: {  	s20 =	sor.u32 $0x1600, s4;
	[smem:$0x799] =	sst s18  }
0x29: {  	s6 =	sadd.s32 $0x1B00, s4;
	[smem:$0x79B] =	sst s20  }
0x2a: {  	s1 =	sadd.s32 s8, s24;
	s24 =	sadd.s32 $0x4380, s4;
	[smem:$0x7A4] =	sst s6  }
0x2b: {  	s8 =	sadd.s32 $0x380, s4;
	[dreg:$0x18] =	wrdreg s24  }
0x2c: {  	s7 =	sadd.s32 $0xF80, s4;
	[dreg:$0x1f] =	wrdreg s8  }
0x2d: {  	s23 =	sor.u32 $0x1800, s4;
	[smem:$0x78E] =	sst s7  }
0x2e: {  	s25 =	sadd.s32 $0x1900, s4;
	[smem:$0x79E] =	sst s23  }
0x2f: {  	s26 =	sadd.s32 $0x1980, s4;
	[smem:$0x7A0] =	sst s25  }
0x30: {  	s5 =	sor.u32 $0x1A80, s4;
	[smem:$0x7A1] =	sst s26  }
0x31: {  	s10 =	sadd.s32 $0x1D00, s4;
	[smem:$0x7A3] =	sst s5  }
0x32: {  	s12 =	sor.u32 $0x1E80, s4;
	[smem:$0x7A8] =	sst s10  }
0x33: {  	s14 =	sadd.s32 $0x1F80, s4;
	[smem:$0x7AA] =	sst s12  }
0x34: {  	s16 =	sor.u32 $0x2080, s4;
	[smem:$0x7AC] =	sst s14  }
0x35: {  	s18 =	sadd.s32 $0x2180, s4;
	[smem:$0x7AE] =	sst s16  }
0x36: {  	s20 =	sor.u32 $0x2280, s4;
	[smem:$0x7B0] =	sst s18  }
0x37: {  	s6 =	sadd.s32 $0x2780, s4;
	[smem:$0x7B2] =	sst s20  }
0x38: {  	s9 =	sadd.s32 $0x280, s1;
	[smem:$0x7BB] =	sst s6  }
0x39: {  	s11 =	sadd.s32 $0x500, s1;
	[dreg:$0x7] =	wrdreg s9  }
0x3a: {  	s13 =	sadd.s32 $0x780, s1;
	[dreg:$0x9] =	wrdreg s11  }
0x3b: {  	s15 =	sadd.s32 $0xA00, s1;
	[dreg:$0xb] =	wrdreg s13  }
0x3c: {  	s17 =	sadd.s32 $0xC80, s1;
	[dreg:$0xd] =	wrdreg s15  }
0x3d: {  	s19 =	sadd.s32 $0xF00, s1;
	[dreg:$0xf] =	wrdreg s17  }
0x3e: {  	s21 =	sadd.s32 $0x1180, s1;
	[dreg:$0x11] =	wrdreg s19  }
0x3f: {  	s22 =	sadd.s32 $0x1400, s1;
	[dreg:$0x13] =	wrdreg s21  }
0x40: {  	s1 =	sadd.s32 $0x1680, s1;
	[dreg:$0x14] =	wrdreg s22  }
0x41: {  	s24 =	sor.u32 $0xC00, s4;
	[dreg:$0x15] =	wrdreg s1  }
0x42: {  	s8 =	sor.u32 $0x1000, s4;
	[smem:$0x788] =	sst s24  }
0x43: {  	s7 =	sadd.s32 $0x1B80, s4;
	[smem:$0x78F] =	sst s8  }
0x44: {  	s23 =	sor.u32 $0x2400, s4;
	[smem:$0x7A5] =	sst s7  }
0x45: {  	s25 =	sadd.s32 $0x2500, s4;
	[smem:$0x7B5] =	sst s23  }
0x46: {  	s26 =	sor.u32 $0x2600, s4;
	[smem:$0x7B7] =	sst s25  }
0x47: {  	s5 =	sadd.s32 $0x2700, s4;
	[smem:$0x7B8] =	sst s26  }
0x48: {  	s10 =	sadd.s32 $0x2980, s4;
	[smem:$0x7BA] =	sst s5  }
0x49: {  	s12 =	sor.u32 $0x2A80, s4;
	[smem:$0x7BF] =	sst s10  }
0x4a: {  	s14 =	sadd.s32 $0x2B80, s4;
	[smem:$0x7C1] =	sst s12  }
0x4b: {  	s16 =	sor.u32 $0x2C80, s4;
	[smem:$0x7C3] =	sst s14  }
0x4c: {  	s18 =	sor.u32 $0x2E00, s4;
	[smem:$0x7C5] =	sst s16  }
0x4d: {  	s20 =	sadd.s32 $0x2F00, s4;
	[smem:$0x7C7] =	sst s18  }
0x4e: {  	s6 =	sadd.s32 $0x3380, s4;
	[smem:$0x7C9] =	sst s20  }
0x4f: {  	s1 =	sadd.s32 $0x180, s4;
	[smem:$0x7D2] =	sst s6  }
0x50: {  	s9 =	sor.u32 $0x400, s4;
	[dreg:$0x1b] =	wrdreg s1  }
0x51: {  	s11 =	sadd.s32 $0x500, s4;
	[smem:$0x779] =	sst s9  }
0x52: {  	s13 =	sor.u32 $0x600, s4;
	[smem:$0x77B] =	sst s11  }
0x53: {  	s15 =	sadd.s32 $0x700, s4;
	[smem:$0x77D] =	sst s13  }
0x54: {  	s17 =	sor.u32 $0x880, s4;
	[smem:$0x77F] =	sst s15  }
0x55: {  	s19 =	sadd.s32 $0x980, s4;
	[smem:$0x781] =	sst s17  }
0x56: {  	s21 =	sor.u32 $0xA80, s4;
	[smem:$0x783] =	sst s19  }
0x57: {  	s22 =	sadd.s32 $0xB00, s4;
	[smem:$0x785] =	sst s21  }
0x58: {  	s24 =	sor.u32 $0x1880, s4;
	[smem:$0x786] =	sst s22  }
0x59: {  	s8 =	sor.u32 $0x1C00, s4;
	[smem:$0x79F] =	sst s24  }
0x5a: {  	s7 =	sor.u32 $0x2800, s4;
	[smem:$0x7A6] =	sst s8  }
0x5b: {  	s23 =	sor.u32 $0x3080, s4;
	[smem:$0x7BC] =	sst s7  }
0x5c: {  	s25 =	sadd.s32 $0x3180, s4;
	[smem:$0x7CC] =	sst s23  }
0x5d: {  	s26 =	sor.u32 $0x3200, s4;
	[smem:$0x7CE] =	sst s25  }
0x5e: {  	s5 =	sadd.s32 $0x3300, s4;
	[smem:$0x7CF] =	sst s26  }
0x5f: {  	s10 =	sor.u32 $0x3600, s4;
	[smem:$0x7D1] =	sst s5  }
0x60: {  	s12 =	sadd.s32 $0x3700, s4;
	[smem:$0x7D6] =	sst s10  }
0x61: {  	s14 =	sor.u32 $0x3800, s4;
	[smem:$0x7D8] =	sst s12  }
0x62: {  	s16 =	sadd.s32 $0x3900, s4;
	[smem:$0x7DA] =	sst s14  }
0x63: {  	s18 =	sor.u32 $0x3A00, s4;
	[smem:$0x7DC] =	sst s16  }
0x64: {  	s20 =	sadd.s32 $0x3B00, s4;
	[smem:$0x7DE] =	sst s18  }
0x65: {  	s6 =	sor.u32 $0x4000, s4;
	[smem:$0x7E0] =	sst s20  }
0x66: {  	s1 =	sadd.s32 $0xD80, s4;
	[smem:$0x7E9] =	sst s6  }
0x67: {  	s9 =	sor.u32 $0x1080, s4;
	[smem:$0x78B] =	sst s1  }
0x68: {  	s11 =	sadd.s32 $0x1180, s4;
	[smem:$0x790] =	sst s9  }
0x69: {  	s13 =	sor.u32 $0x1280, s4;
	[smem:$0x792] =	sst s11  }
0x6a: {  	s15 =	sadd.s32 $0x1380, s4;
	[smem:$0x794] =	sst s13  }
0x6b: {  	s17 =	sor.u32 $0x1480, s4;
	[smem:$0x796] =	sst s15  }
0x6c: {  	s19 =	sadd.s32 $0x1580, s4;
	[smem:$0x798] =	sst s17  }
0x6d: {  	s21 =	sadd.s32 $0x1700, s4;
	[smem:$0x79A] =	sst s19  }
0x6e: {  	s22 =	sadd.s32 $0x1780, s4;
	[smem:$0x79C] =	sst s21  }
0x6f: {  	s24 =	sor.u32 $0x2480, s4;
	[smem:$0x79D] =	sst s22  }
0x70: {  	s8 =	sor.u32 $0x2880, s4;
	[smem:$0x7B6] =	sst s24  }
0x71: {  	s7 =	sor.u32 $0x3400, s4;
	[smem:$0x7BD] =	sst s8  }
0x72: {  	s23 =	sadd.s32 $0x3D00, s4;
	[smem:$0x7D3] =	sst s7  }
0x73: {  	s25 =	sor.u32 $0x3E00, s4;
	[smem:$0x7E3] =	sst s23  }
0x74: {  	s26 =	sor.u32 $0x3E80, s4;
	[smem:$0x7E5] =	sst s25  }
0x75: {  	s5 =	sadd.s32 $0x3F80, s4;
	[smem:$0x7E6] =	sst s26  }
0x76: {  	s10 =	sor.u32 $0x4200, s4;
	[smem:$0x7E8] =	sst s5  }
0x77: {  	s12 =	sadd.s32 $0x4300, s4;
	[smem:$0x7ED] =	sst s10  }
0x78: {  	s14 =	sor.u32 $0x4480, s4;
	[smem:$0x7EF] =	sst s12  }
0x79: {  	s16 =	sadd.s32 $0x4580, s4;
	[smem:$0x7F1] =	sst s14  }
0x7a: {  	s18 =	sor.u32 $0x4680, s4;
	[smem:$0x7F3] =	sst s16  }
0x7b: {  	s20 =	sadd.s32 $0x4780, s4;
	[smem:$0x7F5] =	sst s18  }
0x7c: {  	s1 =	sor.u32 $0x1A00, s4;
	[smem:$0x7F7] =	sst s20  }
0x7d: {  	s9 =	sor.u32 $0x1C80, s4;
	[smem:$0x7A2] =	sst s1  }
0x7e: {  	s11 =	sadd.s32 $0x1D80, s4;
	[smem:$0x7A7] =	sst s9  }
0x7f: {  	s13 =	sadd.s32 $0x1F00, s4;
	[smem:$0x7A9] =	sst s11  }
0x80: {  	s15 =	sor.u32 $0x2000, s4;
	[smem:$0x7AB] =	sst s13  }
0x81: {  	s17 =	sadd.s32 $0x2100, s4;
	[smem:$0x7AD] =	sst s15  }
0x82: {  	s19 =	sor.u32 $0x2200, s4;
	[smem:$0x7AF] =	sst s17  }
0x83: {  	s21 =	sadd.s32 $0x2300, s4;
	[smem:$0x7B1] =	sst s19  }
0x84: {  	s22 =	sadd.s32 $0x2380, s4;
	[smem:$0x7B3] =	sst s21  }
0x85: {  	s24 =	sadd.s32 $0x3100, s4;
	[smem:$0x7B4] =	sst s22  }
0x86: {  	s8 =	sadd.s32 $0x3500, s4;
	[smem:$0x7CD] =	sst s24  }
0x87: {  	s7 =	sor.u32 $0x4080, s4;
	[smem:$0x7D4] =	sst s8  }
0x88: {  	s23 =	sadd.s32 $0x4900, s4;
	[smem:$0x7EA] =	sst s7  }
0x89: {  	s25 =	sor.u32 $0x4A00, s4;
	[smem:$0x7FA] =	sst s23  }
0x8a: {  	s26 =	sor.u32 $0x4A80, s4;
	[smem:$0x7FC] =	sst s25  }
0x8b: {  	s1 =	sor.u32 $0x2680, s4;
	[smem:$0x7FD] =	sst s26  }
0x8c: {  	s9 =	sadd.s32 $0x2900, s4;
	[smem:$0x7B9] =	sst s1  }
0x8d: {  	s11 =	sor.u32 $0x2A00, s4;
	[smem:$0x7BE] =	sst s9  }
0x8e: {  	s13 =	sadd.s32 $0x2B00, s4;
	[smem:$0x7C0] =	sst s11  }
0x8f: {  	s15 =	sor.u32 $0x2C00, s4;
	[smem:$0x7C2] =	sst s13  }
0x90: {  	s17 =	sadd.s32 $0x2D80, s4;
	[smem:$0x7C4] =	sst s15  }
0x91: {  	s19 =	sor.u32 $0x2E80, s4;
	[smem:$0x7C6] =	sst s17  }
0x92: {  	s21 =	sadd.s32 $0x2F80, s4;
	[smem:$0x7C8] =	sst s19  }
0x93: {  	s22 =	sor.u32 $0x3000, s4;
	[smem:$0x7CA] =	sst s21  }
0x94: {  	s24 =	sadd.s32 $0x3D80, s4;
	[smem:$0x7CB] =	sst s22  }
0x95: {  	s8 =	sadd.s32 $0x4100, s4;
	[smem:$0x7E4] =	sst s24  }
0x96: {  	s1 =	sor.u32 $0x3280, s4;
	[smem:$0x7EB] =	sst s8  }
0x97: {  	s9 =	sadd.s32 $0x3580, s4;
	[smem:$0x7D0] =	sst s1  }
0x98: {  	s29 =	simm.s32 $0x80;
	s11 =	sor.u32 $0x3680, s4;
	[smem:$0x7D5] =	sst s9  }
0x99: {  	s30 =	simm.s32 $0x4C10;
	s13 =	sadd.s32 $0x3780, s4;
	[smem:$0x7D7] =	sst s11  }
0x9a: {  	s28 =	simm.s32 $0xB410;
	s15 =	sor.u32 $0x3880, s4;
	[smem:$0x7D9] =	sst s13  }
0x9b: {  	s31 =	simm.s32 $0xB810;
	s17 =	sadd.s32 $0x3980, s4;
	[smem:$0x7DB] =	sst s15  }
0x9c: {  	s0 =	simm.s32 $0xBC10;
	s19 =	sor.u32 $0x3A80, s4;
	[smem:$0x7DD] =	sst s17  }
0x9d: {  	s6 =	simm.s32 $0xC410;
	s21 =	sadd.s32 $0x3B80, s4;
	[smem:$0x7DF] =	sst s19  }
0x9e: {  	s14 =	simm.s32 $0x5010;
	s22 =	sor.u32 $0x3C80, s4;
	[smem:$0x7E1] =	sst s21  }
0x9f: {  	s16 =	simm.s32 $0x8810;
	s24 =	sadd.s32 $0x4980, s4;
	[smem:$0x7E2] =	sst s22  }
0xa0: {  	s18 =	simm.s32 $0x9010;
	s1 =	sadd.s32 $0x3F00, s4;
	[smem:$0x7FB] =	sst s24  }
0xa1: {  	s20 =	simm.s32 $0x9810;
	s9 =	sadd.s32 $0x4180, s4;
	[smem:$0x7E7] =	sst s1  }
0xa2: {  	s5 =	simm.s32 $0x1;
	s11 =	sor.u32 $0x4280, s4;
	[smem:$0x7EC] =	sst s9  }
0xa3: {  	s10 =	simm.s32 $0x4;
	s13 =	sor.u32 $0x4400, s4;
	[smem:$0x7EE] =	sst s11  }
0xa4: {  	s23 =	simm.s32 $0xA410;
	s15 =	sadd.s32 $0x4500, s4;
	[smem:$0x7F0] =	sst s13  }
0xa5: {  	s25 =	simm.s32 $0xAC10;
	s17 =	sor.u32 $0x4600, s4;
	[smem:$0x7F2] =	sst s15  }
0xa6: {  	s26 =	simm.s32 $0xB010;
	s19 =	sadd.s32 $0x4700, s4;
	[smem:$0x7F4] =	sst s17  }
0xa7: {  	s7 =	simm.s32 $0x2;
	s21 =	sor.u32 $0x4800, s4;
	[smem:$0x7F6] =	sst s19  }
0xa8: {  	s8 =	simm.s32 $0xD810;
	s22 =	sor.u32 $0x4880, s4;
	[smem:$0x7F8] =	sst s21  }
0xa9: {  	s24 =	simm.s32 $0xA810;
	[smem:$0x7F9] =	sst s22;
	s17 =	simm.s32 $0x8C10  }
0xaa: {  	s19 =	simm.s32 $0x9410;
	s21 =	simm.s32 $0x9C10;
	s22 =	simm.s32 $0xA010  }
0xab: {  	v0 =	vlaneseq.u32;
	v1 =	vimm.s32 $0x0;
	s1 =	simm.s32 $0xC010;
	s9 =	simm.s32 $0x3;
	s11 =	simm.s32 $0x0  }
.LBB2_1:
0xac: {  	s12 =	rddreg [dreg:$0x3];
	s15 =	simm.s32 $0x5  }
0xad: {  	[tilespmem:s2], [sflag:$0x5] =	stream.linear.gather [hbm4b:s12+s2], $0x4B00, $0x38;
	[tilespmem:$0xEC10] =	vst v63  }
0xae: {  	_ =	swait.ge [sflag:s15], $0x4B00  }
0xaf: {  	s13 =	simm.s32 $0x4B00;
	[sflag:s15] =	ssyncset.done $0x0  }
0xb0: {  	s12 =	simm.s32 $0x4B10;
	v2 =	vor.u32 s13, v0;
	[sflag:s15] =	ssyncadd.s32 $0xFFFFB500  }
.LBB2_2:
0xb1: {  	p1 =	sne.s32 s12, $0x4C00  }
.Ltmp0:
0xb2: {  	_ = 	snop;
	(pc) =	sbr.rel @p1 .LBB2_2-.Ltmp0, $3  }
0xb3: {  	_ =	sdelay $0x1  }
0xb4: {  	[tilespmem:v2+s2+$0x0] =	vst.idx.msk $0xffff, v1;
	s13 =	smov.u32 s12;
	s12 =	sadd.s32 $0x10, s12  }
0xb5: {  	v2 =	vor.u32 s13, v0  }
0xb6: {  	_ =	sdelay $0x3  }
0xb7: {  	[tilespmem:v2+s2+$0x0] =	vst.idx.msk $0xffff, v1  }
0xb8: {  	[tilespmem:s30], [sflag:$0x1] =	stream.indirect.gather [hbm4b:s3+s29], $0x8, s4, s29, $0xb8;
	[tilespmem:$0xEC10] =	vst v63  }
0xb9: {  	s12 =	rddreg [dreg:$0x19]  }
0xba: {  	[tilespmem:s14], [sflag:$0x1] =	stream.indirect.gather [hbm4b:s3+s29], $0x8, s12, s29, $0xb8;
	[tilespmem:$0xEC10] =	vst v63  }
0xbb: {  	s15 =	rddreg [dreg:$0x1a];
	s13 =	simm.s32 $0x5410  }
0xbc: {  	[tilespmem:s13], [sflag:$0x1] =	stream.indirect.gather [hbm4b:s3+s29], $0x8, s15, s29, $0xb8;
	[tilespmem:$0xEC10] =	vst v63  }
0xbd: {  	s13 =	rddreg [dreg:$0x1b];
	s15 =	simm.s32 $0x5810  }
0xbe: {  	[tilespmem:s15], [sflag:$0x1] =	stream.indirect.gather [hbm4b:s3+s29], $0x8, s13, s29, $0xb8;
	[tilespmem:$0xEC10] =	vst v63  }
0xbf: {  	s13 =	rddreg [dreg:$0x1c];
	s15 =	simm.s32 $0x5C10  }
0xc0: {  	[tilespmem:s15], [sflag:$0x1] =	stream.indirect.gather [hbm4b:s3+s29], $0x8, s13, s29, $0xb8;
	[tilespmem:$0xEC10] =	vst v63  }
0xc1: {  	s13 =	rddreg [dreg:$0x1d];
	s15 =	simm.s32 $0x6010  }
0xc2: {  	[tilespmem:s15], [sflag:$0x1] =	stream.indirect.gather [hbm4b:s3+s29], $0x8, s13, s29, $0xb8;
	[tilespmem:$0xEC10] =	vst v63  }
0xc3: {  	s13 =	rddreg [dreg:$0x1e];
	s15 =	simm.s32 $0x6410  }
0xc4: {  	[tilespmem:s15], [sflag:$0x1] =	stream.indirect.gather [hbm4b:s3+s29], $0x8, s13, s29, $0xb8;
	[tilespmem:$0xEC10] =	vst v63  }
0xc5: {  	s13 =	rddreg [dreg:$0x1f];
	s15 =	simm.s32 $0x6810  }
0xc6: {  	[tilespmem:s15], [sflag:$0x1] =	stream.indirect.gather [hbm4b:s3+s29], $0x8, s13, s29, $0xb8;
	[tilespmem:$0xEC10] =	vst v63  }
0xc7: {  	s13 =	sld [smem:$0x779];
	_ =	sdelay $0x1  }
0xc8: {  	s15 =	simm.s32 $0x6C10  }
0xc9: {  	[tilespmem:s15], [sflag:$0x1] =	stream.indirect.gather [hbm4b:s3+s29], $0x8, s13, s29, $0xb8;
	[tilespmem:$0xEC10] =	vst v63  }
0xca: {  	s13 =	sld [smem:$0x77A];
	_ =	sdelay $0x1  }
0xcb: {  	s15 =	simm.s32 $0x7010  }
0xcc: {  	[tilespmem:s15], [sflag:$0x1] =	stream.indirect.gather [hbm4b:s3+s29], $0x8, s13, s29, $0xb8;
	[tilespmem:$0xEC10] =	vst v63  }
0xcd: {  	s13 =	sld [smem:$0x77B];
	_ =	sdelay $0x1  }
0xce: {  	s15 =	simm.s32 $0x7410  }
0xcf: {  	[tilespmem:s15], [sflag:$0x1] =	stream.indirect.gather [hbm4b:s3+s29], $0x8, s13, s29, $0xb8;
	[tilespmem:$0xEC10] =	vst v63  }
0xd0: {  	s13 =	sld [smem:$0x77C];
	_ =	sdelay $0x1  }
0xd1: {  	s15 =	simm.s32 $0x7810  }
0xd2: {  	[tilespmem:s15], [sflag:$0x1] =	stream.indirect.gather [hbm4b:s3+s29], $0x8, s13, s29, $0xb8;
	[tilespmem:$0xEC10] =	vst v63  }
0xd3: {  	s13 =	sld [smem:$0x77D];
	_ =	sdelay $0x1  }
0xd4: {  	s15 =	simm.s32 $0x7C10  }
0xd5: {  	[tilespmem:s15], [sflag:$0x1] =	stream.indirect.gather [hbm4b:s3+s29], $0x8, s13, s29, $0xb8;
	[tilespmem:$0xEC10] =	vst v63  }
0xd6: {  	s13 =	sld [smem:$0x77E];
	_ =	sdelay $0x1  }
0xd7: {  	s15 =	simm.s32 $0x8010  }
0xd8: {  	[tilespmem:s15], [sflag:$0x1] =	stream.indirect.gather [hbm4b:s3+s29], $0x8, s13, s29, $0xb8;
	[tilespmem:$0xEC10] =	vst v63  }
0xd9: {  	s13 =	sld [smem:$0x77F];
	_ =	sdelay $0x1  }
0xda: {  	s15 =	simm.s32 $0x8410  }
0xdb: {  	[tilespmem:s15], [sflag:$0x1] =	stream.indirect.gather [hbm4b:s3+s29], $0x8, s13, s29, $0xb8;
	[tilespmem:$0xEC10] =	vst v63  }
0xdc: {  	s13 =	rddreg [dreg:$0x4]  }
0xdd: {  	s15 =	sld [smem:$0x780]  }
0xde: {  	[tilespmem:s16], [sflag:$0x2] =	stream.indirect.gather [hbm4b:s3+s29], $0x8, s13, s29, $0xb8;
	[tilespmem:$0xEC10] =	vst v63  }
0xdf: {  	s13 =	sld [smem:$0x781]  }
0xe0: {  	[tilespmem:s17], [sflag:$0x2] =	stream.indirect.gather [hbm4b:s3+s29], $0x8, s15, s29, $0xb8;
	[tilespmem:$0xEC10] =	vst v63  }
0xe1: {  	s15 =	sld [smem:$0x782]  }
0xe2: {  	[tilespmem:s18], [sflag:$0x2] =	stream.indirect.gather [hbm4b:s3+s29], $0x8, s13, s29, $0xb8;
	[tilespmem:$0xEC10] =	vst v63  }
0xe3: {  	s13 =	sld [smem:$0x783]  }
0xe4: {  	[tilespmem:s19], [sflag:$0x2] =	stream.indirect.gather [hbm4b:s3+s29], $0x8, s15, s29, $0xb8;
	[tilespmem:$0xEC10] =	vst v63  }
0xe5: {  	s15 =	sld [smem:$0x784]  }
0xe6: {  	[tilespmem:s20], [sflag:$0x2] =	stream.indirect.gather [hbm4b:s3+s29], $0x8, s13, s29, $0xb8;
	[tilespmem:$0xEC10] =	vst v63  }
0xe7: {  	s13 =	sld [smem:$0x785]  }
0xe8: {  	[tilespmem:s21], [sflag:$0x2] =	stream.indirect.gather [hbm4b:s3+s29], $0x8, s15, s29, $0xb8;
	[tilespmem:$0xEC10] =	vst v63  }
0xe9: {  	s15 =	sld [smem:$0x786]  }
0xea: {  	[tilespmem:s22], [sflag:$0x2] =	stream.indirect.gather [hbm4b:s3+s29], $0x8, s13, s29, $0xb8;
	[tilespmem:$0xEC10] =	vst v63  }
0xeb: {  	s13 =	sld [smem:$0x787]  }
0xec: {  	[tilespmem:s23], [sflag:$0x2] =	stream.indirect.gather [hbm4b:s3+s29], $0x8, s15, s29, $0xb8;
	[tilespmem:$0xEC10] =	vst v63  }
0xed: {  	s15 =	sld [smem:$0x788]  }
0xee: {  	[tilespmem:s24], [sflag:$0x2] =	stream.indirect.gather [hbm4b:s3+s29], $0x8, s13, s29, $0xb8;
	[tilespmem:$0xEC10] =	vst v63  }
0xef: {  	s13 =	sld [smem:$0x789]  }
0xf0: {  	[tilespmem:s25], [sflag:$0x2] =	stream.indirect.gather [hbm4b:s3+s29], $0x8, s15, s29, $0xb8;
	[tilespmem:$0xEC10] =	vst v63  }
0xf1: {  	s15 =	sld [smem:$0x78A]  }
0xf2: {  	[tilespmem:s26], [sflag:$0x2] =	stream.indirect.gather [hbm4b:s3+s29], $0x8, s13, s29, $0xb8;
	[tilespmem:$0xEC10] =	vst v63  }
0xf3: {  	s13 =	sld [smem:$0x78B]  }
0xf4: {  	[tilespmem:s28], [sflag:$0x2] =	stream.indirect.gather [hbm4b:s3+s29], $0x8, s15, s29, $0xb8;
	[tilespmem:$0xEC10] =	vst v63  }
0xf5: {  	s15 =	sld [smem:$0x78C]  }
0xf6: {  	[tilespmem:s31], [sflag:$0x2] =	stream.indirect.gather [hbm4b:s3+s29], $0x8, s13, s29, $0xb8;
	[tilespmem:$0xEC10] =	vst v63  }
0xf7: {  	s13 =	sld [smem:$0x78D]  }
0xf8: {  	[tilespmem:s0], [sflag:$0x2] =	stream.indirect.gather [hbm4b:s3+s29], $0x8, s15, s29, $0xb8;
	[tilespmem:$0xEC10] =	vst v63  }
0xf9: {  	_ = 	snop  }
0xfa: {  	[tilespmem:s1], [sflag:$0x2] =	stream.indirect.gather [hbm4b:s3+s29], $0x8, s13, s29, $0xb8;
	[tilespmem:$0xEC10] =	vst v63  }
0xfb: {  	_ =	swait.ge [sflag:s5], $0x400  }
0xfc: {  	[sflag:s5] =	ssyncset.done $0x0  }
0xfd: {  	[sflag:s5] =	ssyncadd.s32 $0xFFFFFC00  }
0xfe: {  	_ =	swait.ge [sflag:s5], $0x400  }
0xff: {  	[sflag:s5] =	ssyncset.done $0x0  }
0x100: {  	[sflag:s5] =	ssyncadd.s32 $0xFFFFFC00  }
0x101: {  	_ =	swait.ge [sflag:s5], $0x400  }
0x102: {  	[sflag:s5] =	ssyncset.done $0x0  }
0x103: {  	[sflag:s5] =	ssyncadd.s32 $0xFFFFFC00  }
0x104: {  	_ =	swait.ge [sflag:s5], $0x400  }
0x105: {  	[sflag:s5] =	ssyncset.done $0x0  }
0x106: {  	[sflag:s5] =	ssyncadd.s32 $0xFFFFFC00  }
0x107: {  	_ =	swait.ge [sflag:s5], $0x400  }
0x108: {  	[sflag:s5] =	ssyncset.done $0x0  }
0x109: {  	[sflag:s5] =	ssyncadd.s32 $0xFFFFFC00  }
0x10a: {  	_ =	swait.ge [sflag:s5], $0x400  }
0x10b: {  	[sflag:s5] =	ssyncset.done $0x0  }
0x10c: {  	[sflag:s5] =	ssyncadd.s32 $0xFFFFFC00  }
0x10d: {  	_ =	swait.ge [sflag:s5], $0x400  }
0x10e: {  	[sflag:s5] =	ssyncset.done $0x0  }
0x10f: {  	[sflag:s5] =	ssyncadd.s32 $0xFFFFFC00  }
0x110: {  	_ =	swait.ge [sflag:s5], $0x400  }
0x111: {  	[sflag:s5] =	ssyncset.done $0x0  }
0x112: {  	[sflag:s5] =	ssyncadd.s32 $0xFFFFFC00  }
0x113: {  	_ =	swait.ge [sflag:s5], $0x400  }
0x114: {  	[sflag:s5] =	ssyncset.done $0x0  }
0x115: {  	[sflag:s5] =	ssyncadd.s32 $0xFFFFFC00  }
0x116: {  	_ =	swait.ge [sflag:s5], $0x400  }
0x117: {  	[sflag:s5] =	ssyncset.done $0x0  }
0x118: {  	[sflag:s5] =	ssyncadd.s32 $0xFFFFFC00  }
0x119: {  	_ =	swait.ge [sflag:s5], $0x400  }
0x11a: {  	[sflag:s5] =	ssyncset.done $0x0  }
0x11b: {  	[sflag:s5] =	ssyncadd.s32 $0xFFFFFC00  }
0x11c: {  	_ =	swait.ge [sflag:s5], $0x400  }
0x11d: {  	[sflag:s5] =	ssyncset.done $0x0  }
0x11e: {  	[sflag:s5] =	ssyncadd.s32 $0xFFFFFC00  }
0x11f: {  	_ =	swait.ge [sflag:s5], $0x400  }
0x120: {  	s15 =	simm.s32 $0x0;
	[sflag:s5] =	ssyncset.done $0x0  }
0x121: {  	v2 =	vor.u32 s15, v0;
	[sflag:s5] =	ssyncadd.s32 $0xFFFFFC00  }
0x122: {  	v3 =	vmul.u32 $0x18, v2;
	_ =	swait.ge [sflag:s5], $0x400  }
0x123: {  	[sflag:s5] =	ssyncset.done $0x0  }
0x124: {  	v4 =	vor.u32 $0x1, v3;
	[sflag:s5] =	ssyncadd.s32 $0xFFFFFC00  }
0x125: {  	v5 =	vadd.s32 $0x12, v3;
	_ =	swait.ge [sflag:s5], $0x400  }
0x126: {  	v6 =	vor.u32 $0x2, v3;
	[sflag:s5] =	ssyncset.done $0x0  }
0x127: {  	v7 =	vadd.s32 $0x11, v3;
	[sflag:s5] =	ssyncadd.s32 $0xFFFFFC00  }
0x128: {  	v9 =	vadd.s32 $0xA, v3;
	v8 =	vld.idx.msk [tilespmem:v3+s30+$0x0], $0xffff  }
0x129: {  	v10 =	vadd.s32 $0x8, v3;
	v4 =	vld.idx.msk [tilespmem:v4+s30+$0x0], $0xffff  }
0x12a: {  	v11 =	vadd.s32 $0x9, v3;
	v5 =	vld.idx.msk [tilespmem:v5+s30+$0x0], $0xffff  }
0x12b: {  	v3 =	vadd.s32 $0x10, v3;
	v6 =	vld.idx.msk [tilespmem:v6+s30+$0x0], $0xffff  }
0x12c: {  	v7 =	vld.idx.msk [tilespmem:v7+s30+$0x0], $0xffff  }
0x12d: {  	v9 =	vld.idx.msk [tilespmem:v9+s30+$0x0], $0xffff  }
0x12e: {  	v10 =	vld.idx.msk [tilespmem:v10+s30+$0x0], $0xffff  }
0x12f: {  	v11 =	vld.idx.msk [tilespmem:v11+s30+$0x0], $0xffff  }
0x130: {  	v3 =	vld.idx.msk [tilespmem:v3+s30+$0x0], $0xffff;
	_ =	sdelay $0x2  }
0x131: {  	v9 =	vsub.f32 v9, v6;
	v7 =	vsub.f32 v7, v4  }
0x132: {  	v10 =	vsub.f32 v10, v8;
	v5 =	vsub.f32 v5, v6  }
0x133: {  	v4 =	vsub.f32 v11, v4;
	v3 =	vsub.f32 v3, v8  }
0x134: {  	v6 =	vmul.f32 v7, v9;
	v8 =	vmul.f32 v5, v10  }
0x135: {  	v5 =	vmul.f32 v5, v4;
	v9 =	vmul.f32 v3, v9  }
0x136: {  	v7 =	vmul.f32 v7, v10  }
0x137: {  	v3 =	vmul.f32 v3, v4;
	v4 =	vsub.f32 v5, v6;
	v5 =	vsub.f32 v9, v8;
	_ =	sdelay $0x1  }
0x138: {  	v3 =	vsub.f32 v7, v3;
	v6 =	vmul.f32 v4, v4;
	v7 =	vmul.f32 v5, v5;
	_ =	sdelay $0x1  }
0x139: {  	v8 =	vmul.f32 v3, v3;
	v6 =	vadd.f32 v7, v6;
	_ =	sdelay $0x1  }
0x13a: {  	v6 =	vadd.f32 v6, v8;
	_ =	sdelay $0x1  }
0x13b: {  	v7 =	vshrl.u32 v6, $0x1;
	v8 =	vmul.f32 $5.000000000e-01, v6  }
0x13c: {  	v7 =	vsub.s32 $0x5F3759DF, v7  }
0x13d: {  	v63 =	vmul.f32 v7, v8;
	_ =	sdelay $0x1  }
0x13e: {  	v9 =	vmul.f32 v7, v63;
	_ =	sdelay $0x1  }
0x13f: {  	v9 =	vsub.f32 $1.500000000e+00, v9;
	_ =	sdelay $0x1  }
0x140: {  	v7 =	vmul.f32 v7, v9;
	_ =	sdelay $0x1  }
0x141: {  	v9 =	vmul.f32 v7, v8;
	_ =	sdelay $0x1  }
0x142: {  	v9 =	vmul.f32 v9, v7;
	_ =	sdelay $0x1  }
0x143: {  	v9 =	vsub.f32 $1.500000000e+00, v9;
	_ =	sdelay $0x1  }
0x144: {  	v7 =	vmul.f32 v9, v7;
	_ =	sdelay $0x1  }
0x145: {  	v8 =	vmul.f32 v7, v8;
	_ =	sdelay $0x1  }
0x146: {  	v8 =	vmul.f32 v8, v7;
	_ =	sdelay $0x1  }
0x147: {  	v8 =	vsub.f32 $1.500000000e+00, v8;
	_ =	sdelay $0x1  }
0x148: {  	v7 =	vmul.f32 v8, v7;
	_ =	sdelay $0x1  }
0x149: {  	v6 =	vmul.f32 v7, v6;
	_ =	sdelay $0x1  }
0x14a: {  	v6 =	vmax.f32 v6, $9.999999970e-07  }
0x14b: {  	(erf) = vrcp.f32 v6;
	_ =	sdelay $0x5  }
0x14c: {  	s12 =	simm.s32 $0x10;
	v6 =	vshll.u32 v2, $0x3  }
.LBB2_4:
0x14d: {  	p1 =	sne.s32 s12, $0x270;
	v7 =	vor.u32 $0x1, v6;
	s13 =	smov.u32 s12;
	s12 =	sadd.s32 $0x10, s12  }
0x14e: {  	v8 =	vor.u32 $0x2, v6;
	v2 =	vor.u32 s13, v0  }
0x14f: {  	v9 =	vmul.u32 $0x18, v2;
	v10 =	vpop (erf)  }
0x150: {  	v4 =	vmul.f32 v10, v4;
	v5 =	vmul.f32 v10, v5  }
0x151: {  	v3 =	vmul.f32 v10, v3;
	v11 =	vor.u32 $0x1, v9;
	v12 =	vor.u32 $0x2, v9  }
0x152: {  	v10 =	vadd.s32 $0x8, v9;
	v13 =	vadd.s32 $0x9, v9;
	v14 =	vadd.s32 $0x12, v9;
	[tilespmem:v6+s6+$0x0] =	vst.idx.msk $0xffff, v4  }
0x153: {  	v4 =	vadd.s32 $0x10, v9;
	v6 =	vadd.s32 $0x11, v9;
	[tilespmem:v7+s6+$0x0] =	vst.idx.msk $0xffff, v5  }
0x154: {  	[tilespmem:v8+s6+$0x0] =	vst.idx.msk $0xffff, v3  }
0x155: {  	v5 =	vadd.s32 $0xA, v9;
	v3 =	vld.idx.msk [tilespmem:v9+s30+$0x0], $0xffff  }
0x156: {  	v7 =	vld.idx.msk [tilespmem:v11+s30+$0x0], $0xffff  }
0x157: {  	v8 =	vld.idx.msk [tilespmem:v14+s30+$0x0], $0xffff  }
0x158: {  	v9 =	vld.idx.msk [tilespmem:v12+s30+$0x0], $0xffff  }
0x159: {  	v6 =	vld.idx.msk [tilespmem:v6+s30+$0x0], $0xffff  }
0x15a: {  	v5 =	vld.idx.msk [tilespmem:v5+s30+$0x0], $0xffff  }
0x15b: {  	v10 =	vld.idx.msk [tilespmem:v10+s30+$0x0], $0xffff  }
0x15c: {  	v11 =	vld.idx.msk [tilespmem:v13+s30+$0x0], $0xffff  }
0x15d: {  	v4 =	vld.idx.msk [tilespmem:v4+s30+$0x0], $0xffff;
	_ =	sdelay $0x2  }
0x15e: {  	v6 =	vsub.f32 v6, v7;
	v5 =	vsub.f32 v5, v9  }
0x15f: {  	v8 =	vsub.f32 v8, v9;
	v10 =	vsub.f32 v10, v3  }
0x160: {  	v7 =	vsub.f32 v11, v7;
	v9 =	vmul.f32 v6, v5  }
0x161: {  	v3 =	vsub.f32 v4, v3;
	v11 =	vmul.f32 v8, v10;
	v6 =	vmul.f32 v6, v10  }
0x162: {  	v4 =	vmul.f32 v8, v7  }
0x163: {  	v5 =	vmul.f32 v3, v5;
	v3 =	vmul.f32 v3, v7  }
0x164: {  	v4 =	vsub.f32 v4, v9  }
0x165: {  	v5 =	vsub.f32 v5, v11;
	v3 =	vsub.f32 v6, v3  }
0x166: {  	v6 =	vmul.f32 v4, v4  }
0x167: {  	v7 =	vmul.f32 v5, v5  }
0x168: {  	v8 =	vmul.f32 v3, v3  }
0x169: {  	v6 =	vadd.f32 v7, v6;
	_ =	sdelay $0x1  }
0x16a: {  	v6 =	vadd.f32 v6, v8;
	_ =	sdelay $0x1  }
0x16b: {  	v7 =	vshrl.u32 v6, $0x1;
	v8 =	vmul.f32 $5.000000000e-01, v6  }
0x16c: {  	v7 =	vsub.s32 $0x5F3759DF, v7  }
0x16d: {  	v9 =	vmul.f32 v7, v8;
	_ =	sdelay $0x1  }
0x16e: {  	v9 =	vmul.f32 v7, v9;
	_ =	sdelay $0x1  }
0x16f: {  	v9 =	vsub.f32 $1.500000000e+00, v9;
	_ =	sdelay $0x1  }
0x170: {  	v7 =	vmul.f32 v7, v9;
	_ =	sdelay $0x1  }
0x171: {  	v9 =	vmul.f32 v7, v8;
	_ =	sdelay $0x1  }
0x172: {  	v9 =	vmul.f32 v9, v7;
	_ =	sdelay $0x1  }
0x173: {  	v9 =	vsub.f32 $1.500000000e+00, v9;
	_ =	sdelay $0x1  }
0x174: {  	v7 =	vmul.f32 v9, v7;
	_ =	sdelay $0x1  }
0x175: {  	v8 =	vmul.f32 v7, v8;
	_ =	sdelay $0x1  }
0x176: {  	v8 =	vmul.f32 v8, v7;
	_ =	sdelay $0x1  }
0x177: {  	v8 =	vsub.f32 $1.500000000e+00, v8;
	_ =	sdelay $0x1  }
0x178: {  	v7 =	vmul.f32 v8, v7;
	_ =	sdelay $0x1  }
0x179: {  	v6 =	vmul.f32 v7, v6;
	_ =	sdelay $0x1  }
0x17a: {  	v6 =	vmax.f32 v6, $9.999999970e-07  }
0x17b: {  	(erf) = vrcp.f32 v6;
	_ =	sdelay $0x1  }
.Ltmp1:
0x17c: {  	(pc) =	sbr.rel @p1 .LBB2_4-.Ltmp1, $2  }
0x17d: {  	_ =	sdelay $0x2  }
0x17e: {  	v6 =	vshll.u32 v2, $0x3  }
0x17f: {  	_ = 	snop  }
0x180: {  	v2 =	vor.u32 $0x1, v6  }
0x181: {  	v7 =	vor.u32 $0x2, v6;
	v8 =	vpop (erf)  }
0x182: {  	v4 =	vmul.f32 v8, v4  }
0x183: {  	v5 =	vmul.f32 v8, v5  }
0x184: {  	v3 =	vmul.f32 v8, v3;
	[tilespmem:v6+s6+$0x0] =	vst.idx.msk $0xffff, v4  }
0x185: {  	[tilespmem:v2+s6+$0x0] =	vst.idx.msk $0xffff, v5  }
0x186: {  	s12 =	simm.s32 $0x0;
	s13 =	rddreg [dreg:$0x5];
	[tilespmem:v7+s6+$0x0] =	vst.idx.msk $0xffff, v3  }
0x187: {  	[hbm4b:s13+s12] =	stream.linear.scatter [tilespmem:s6], [sflag:$0x3], $0x1400, $0x38;
	[tilespmem:$0xEC10] =	vst v63  }
0x188: {  	s15 =	rddreg [dreg:$0x6]  }
0x189: {  	[tilespmem:s30], [sflag:$0x1] =	stream.indirect.gather [hbm4b:s3+s29], $0x8, s15, s29, $0xb8;
	[tilespmem:$0xEC10] =	vst v63  }
0x18a: {  	s15 =	sld [smem:$0x78E];
	_ =	sdelay $0x1  }
0x18b: {  	s13 =	sld [smem:$0x78F]  }
0x18c: {  	[tilespmem:s14], [sflag:$0x1] =	stream.indirect.gather [hbm4b:s3+s29], $0x8, s15, s29, $0xb8;
	[tilespmem:$0xEC10] =	vst v63  }
0x18d: {  	s15 =	simm.s32 $0x5410  }
0x18e: {  	[tilespmem:s15], [sflag:$0x1] =	stream.indirect.gather [hbm4b:s3+s29], $0x8, s13, s29, $0xb8;
	[tilespmem:$0xEC10] =	vst v63  }
0x18f: {  	s13 =	sld [smem:$0x790];
	_ =	sdelay $0x1  }
0x190: {  	s15 =	simm.s32 $0x5810  }
0x191: {  	[tilespmem:s15], [sflag:$0x1] =	stream.indirect.gather [hbm4b:s3+s29], $0x8, s13, s29, $0xb8;
	[tilespmem:$0xEC10] =	vst v63  }
0x192: {  	s13 =	sld [smem:$0x791];
	_ =	sdelay $0x1  }
0x193: {  	s15 =	simm.s32 $0x5C10  }
0x194: {  	[tilespmem:s15], [sflag:$0x1] =	stream.indirect.gather [hbm4b:s3+s29], $0x8, s13, s29, $0xb8;
	[tilespmem:$0xEC10] =	vst v63  }
0x195: {  	s13 =	sld [smem:$0x792];
	_ =	sdelay $0x1  }
0x196: {  	s15 =	simm.s32 $0x6010  }
0x197: {  	[tilespmem:s15], [sflag:$0x1] =	stream.indirect.gather [hbm4b:s3+s29], $0x8, s13, s29, $0xb8;
	[tilespmem:$0xEC10] =	vst v63  }
0x198: {  	s13 =	sld [smem:$0x793];
	_ =	sdelay $0x1  }
0x199: {  	s15 =	simm.s32 $0x6410  }
0x19a: {  	[tilespmem:s15], [sflag:$0x1] =	stream.indirect.gather [hbm4b:s3+s29], $0x8, s13, s29, $0xb8;
	[tilespmem:$0xEC10] =	vst v63  }
0x19b: {  	s13 =	sld [smem:$0x794];
	_ =	sdelay $0x1  }
0x19c: {  	s15 =	simm.s32 $0x6810  }
0x19d: {  	[tilespmem:s15], [sflag:$0x1] =	stream.indirect.gather [hbm4b:s3+s29], $0x8, s13, s29, $0xb8;
	[tilespmem:$0xEC10] =	vst v63  }
0x19e: {  	s13 =	sld [smem:$0x795];
	_ =	sdelay $0x1  }
0x19f: {  	s15 =	simm.s32 $0x6C10  }
0x1a0: {  	[tilespmem:s15], [sflag:$0x1] =	stream.indirect.gather [hbm4b:s3+s29], $0x8, s13, s29, $0xb8;
	[tilespmem:$0xEC10] =	vst v63  }
0x1a1: {  	s13 =	sld [smem:$0x796];
	_ =	sdelay $0x1  }
0x1a2: {  	s15 =	simm.s32 $0x7010  }
0x1a3: {  	[tilespmem:s15], [sflag:$0x1] =	stream.indirect.gather [hbm4b:s3+s29], $0x8, s13, s29, $0xb8;
	[tilespmem:$0xEC10] =	vst v63  }
0x1a4: {  	s13 =	sld [smem:$0x797];
	_ =	sdelay $0x1  }
0x1a5: {  	s15 =	simm.s32 $0x7410  }
0x1a6: {  	[tilespmem:s15], [sflag:$0x1] =	stream.indirect.gather [hbm4b:s3+s29], $0x8, s13, s29, $0xb8;
	[tilespmem:$0xEC10] =	vst v63  }
0x1a7: {  	s13 =	sld [smem:$0x798];
	_ =	sdelay $0x1  }
0x1a8: {  	s15 =	simm.s32 $0x7810  }
0x1a9: {  	[tilespmem:s15], [sflag:$0x1] =	stream.indirect.gather [hbm4b:s3+s29], $0x8, s13, s29, $0xb8;
	[tilespmem:$0xEC10] =	vst v63  }
0x1aa: {  	s13 =	sld [smem:$0x799];
	_ =	sdelay $0x1  }
0x1ab: {  	s15 =	simm.s32 $0x7C10  }
0x1ac: {  	[tilespmem:s15], [sflag:$0x1] =	stream.indirect.gather [hbm4b:s3+s29], $0x8, s13, s29, $0xb8;
	[tilespmem:$0xEC10] =	vst v63  }
0x1ad: {  	s13 =	sld [smem:$0x79A];
	_ =	sdelay $0x1  }
0x1ae: {  	s15 =	simm.s32 $0x8010  }
0x1af: {  	[tilespmem:s15], [sflag:$0x1] =	stream.indirect.gather [hbm4b:s3+s29], $0x8, s13, s29, $0xb8;
	[tilespmem:$0xEC10] =	vst v63  }
0x1b0: {  	s13 =	sld [smem:$0x79B];
	_ =	sdelay $0x1  }
0x1b1: {  	s15 =	simm.s32 $0x8410  }
0x1b2: {  	[tilespmem:s15], [sflag:$0x1] =	stream.indirect.gather [hbm4b:s3+s29], $0x8, s13, s29, $0xb8;
	[tilespmem:$0xEC10] =	vst v63  }
0x1b3: {  	_ =	swait.ge [sflag:s7], $0x400  }
0x1b4: {  	[sflag:s7] =	ssyncset.done $0x0  }
0x1b5: {  	[sflag:s7] =	ssyncadd.s32 $0xFFFFFC00  }
0x1b6: {  	_ =	swait.ge [sflag:s7], $0x400  }
0x1b7: {  	[sflag:s7] =	ssyncset.done $0x0  }
0x1b8: {  	[sflag:s7] =	ssyncadd.s32 $0xFFFFFC00  }
0x1b9: {  	_ =	swait.ge [sflag:s7], $0x400  }
0x1ba: {  	[sflag:s7] =	ssyncset.done $0x0  }
0x1bb: {  	[sflag:s7] =	ssyncadd.s32 $0xFFFFFC00  }
0x1bc: {  	_ =	swait.ge [sflag:s7], $0x400  }
0x1bd: {  	[sflag:s7] =	ssyncset.done $0x0  }
0x1be: {  	[sflag:s7] =	ssyncadd.s32 $0xFFFFFC00  }
0x1bf: {  	_ =	swait.ge [sflag:s7], $0x400  }
0x1c0: {  	[sflag:s7] =	ssyncset.done $0x0  }
0x1c1: {  	[sflag:s7] =	ssyncadd.s32 $0xFFFFFC00  }
0x1c2: {  	_ =	swait.ge [sflag:s7], $0x400  }
0x1c3: {  	[sflag:s7] =	ssyncset.done $0x0  }
0x1c4: {  	[sflag:s7] =	ssyncadd.s32 $0xFFFFFC00  }
0x1c5: {  	_ =	swait.ge [sflag:s7], $0x400  }
0x1c6: {  	[sflag:s7] =	ssyncset.done $0x0  }
0x1c7: {  	[sflag:s7] =	ssyncadd.s32 $0xFFFFFC00  }
0x1c8: {  	_ =	swait.ge [sflag:s7], $0x400  }
0x1c9: {  	[sflag:s7] =	ssyncset.done $0x0  }
0x1ca: {  	[sflag:s7] =	ssyncadd.s32 $0xFFFFFC00  }
0x1cb: {  	_ =	swait.ge [sflag:s7], $0x400  }
0x1cc: {  	[sflag:s7] =	ssyncset.done $0x0  }
0x1cd: {  	[sflag:s7] =	ssyncadd.s32 $0xFFFFFC00  }
0x1ce: {  	_ =	swait.ge [sflag:s7], $0x400  }
0x1cf: {  	[sflag:s7] =	ssyncset.done $0x0  }
0x1d0: {  	[sflag:s7] =	ssyncadd.s32 $0xFFFFFC00  }
0x1d1: {  	_ =	swait.ge [sflag:s7], $0x400  }
0x1d2: {  	[sflag:s7] =	ssyncset.done $0x0  }
0x1d3: {  	[sflag:s7] =	ssyncadd.s32 $0xFFFFFC00  }
0x1d4: {  	_ =	swait.ge [sflag:s7], $0x400  }
0x1d5: {  	[sflag:s7] =	ssyncset.done $0x0  }
0x1d6: {  	[sflag:s7] =	ssyncadd.s32 $0xFFFFFC00  }
0x1d7: {  	_ =	swait.ge [sflag:s7], $0x400  }
0x1d8: {  	[sflag:s7] =	ssyncset.done $0x0  }
0x1d9: {  	v2 =	vor.u32 s12, v0;
	[sflag:s7] =	ssyncadd.s32 $0xFFFFFC00  }
0x1da: {  	v3 =	vmul.u32 $0x18, v2;
	_ =	swait.ge [sflag:s7], $0x400  }
0x1db: {  	[sflag:s7] =	ssyncset.done $0x0  }
0x1dc: {  	v4 =	vor.u32 $0x1, v3;
	[sflag:s7] =	ssyncadd.s32 $0xFFFFFC00  }
0x1dd: {  	v5 =	vadd.s32 $0x12, v3;
	_ =	swait.ge [sflag:s7], $0x400  }
0x1de: {  	v6 =	vor.u32 $0x2, v3;
	[sflag:s7] =	ssyncset.done $0x0  }
0x1df: {  	v7 =	vadd.s32 $0x11, v3;
	[sflag:s7] =	ssyncadd.s32 $0xFFFFFC00  }
0x1e0: {  	v9 =	vadd.s32 $0xA, v3;
	v8 =	vld.idx.msk [tilespmem:v3+s16+$0x0], $0xffff  }
0x1e1: {  	v10 =	vadd.s32 $0x8, v3;
	v4 =	vld.idx.msk [tilespmem:v4+s16+$0x0], $0xffff  }
0x1e2: {  	v11 =	vadd.s32 $0x9, v3;
	v5 =	vld.idx.msk [tilespmem:v5+s16+$0x0], $0xffff  }
0x1e3: {  	v3 =	vadd.s32 $0x10, v3;
	v6 =	vld.idx.msk [tilespmem:v6+s16+$0x0], $0xffff  }
0x1e4: {  	v7 =	vld.idx.msk [tilespmem:v7+s16+$0x0], $0xffff  }
0x1e5: {  	v9 =	vld.idx.msk [tilespmem:v9+s16+$0x0], $0xffff  }
0x1e6: {  	v10 =	vld.idx.msk [tilespmem:v10+s16+$0x0], $0xffff  }
0x1e7: {  	v11 =	vld.idx.msk [tilespmem:v11+s16+$0x0], $0xffff  }
0x1e8: {  	v3 =	vld.idx.msk [tilespmem:v3+s16+$0x0], $0xffff;
	_ =	sdelay $0x2  }
0x1e9: {  	v9 =	vsub.f32 v9, v6;
	v7 =	vsub.f32 v7, v4  }
0x1ea: {  	v10 =	vsub.f32 v10, v8;
	v5 =	vsub.f32 v5, v6  }
0x1eb: {  	v4 =	vsub.f32 v11, v4;
	v3 =	vsub.f32 v3, v8  }
0x1ec: {  	v6 =	vmul.f32 v7, v9;
	v8 =	vmul.f32 v5, v10  }
0x1ed: {  	v5 =	vmul.f32 v5, v4;
	v9 =	vmul.f32 v3, v9  }
0x1ee: {  	v7 =	vmul.f32 v7, v10  }
0x1ef: {  	v3 =	vmul.f32 v3, v4;
	v4 =	vsub.f32 v5, v6;
	v5 =	vsub.f32 v9, v8;
	_ =	sdelay $0x1  }
0x1f0: {  	v3 =	vsub.f32 v7, v3;
	v6 =	vmul.f32 v4, v4;
	v7 =	vmul.f32 v5, v5;
	_ =	sdelay $0x1  }
0x1f1: {  	v8 =	vmul.f32 v3, v3;
	v6 =	vadd.f32 v7, v6;
	_ =	sdelay $0x1  }
0x1f2: {  	v6 =	vadd.f32 v6, v8;
	_ =	sdelay $0x1  }
0x1f3: {  	v7 =	vshrl.u32 v6, $0x1;
	v8 =	vmul.f32 $5.000000000e-01, v6  }
0x1f4: {  	v7 =	vsub.s32 $0x5F3759DF, v7  }
0x1f5: {  	v63 =	vmul.f32 v7, v8;
	_ =	sdelay $0x1  }
0x1f6: {  	v9 =	vmul.f32 v7, v63;
	_ =	sdelay $0x1  }
0x1f7: {  	v9 =	vsub.f32 $1.500000000e+00, v9;
	_ =	sdelay $0x1  }
0x1f8: {  	v7 =	vmul.f32 v7, v9;
	_ =	sdelay $0x1  }
0x1f9: {  	v9 =	vmul.f32 v7, v8;
	_ =	sdelay $0x1  }
0x1fa: {  	v9 =	vmul.f32 v9, v7;
	_ =	sdelay $0x1  }
0x1fb: {  	v9 =	vsub.f32 $1.500000000e+00, v9;
	_ =	sdelay $0x1  }
0x1fc: {  	v7 =	vmul.f32 v9, v7;
	_ =	sdelay $0x1  }
0x1fd: {  	v8 =	vmul.f32 v7, v8;
	_ =	sdelay $0x1  }
0x1fe: {  	v8 =	vmul.f32 v8, v7;
	_ =	sdelay $0x1  }
0x1ff: {  	v8 =	vsub.f32 $1.500000000e+00, v8;
	_ =	sdelay $0x1  }
0x200: {  	v7 =	vmul.f32 v8, v7;
	_ =	sdelay $0x1  }
0x201: {  	v6 =	vmul.f32 v7, v6;
	_ =	sdelay $0x1  }
0x202: {  	v6 =	vmax.f32 v6, $9.999999970e-07  }
0x203: {  	(erf) = vrcp.f32 v6;
	_ =	sdelay $0x5  }
0x204: {  	s12 =	simm.s32 $0x10;
	v6 =	vshll.u32 v2, $0x3  }
.LBB2_6:
0x205: {  	p1 =	sne.s32 s12, $0x270;
	v7 =	vor.u32 $0x1, v6;
	s13 =	smov.u32 s12;
	s12 =	sadd.s32 $0x10, s12  }
0x206: {  	v8 =	vor.u32 $0x2, v6;
	v2 =	vor.u32 s13, v0  }
0x207: {  	v9 =	vmul.u32 $0x18, v2;
	v10 =	vpop (erf)  }
0x208: {  	v4 =	vmul.f32 v10, v4;
	v5 =	vmul.f32 v10, v5  }
0x209: {  	v3 =	vmul.f32 v10, v3;
	v11 =	vor.u32 $0x1, v9;
	v12 =	vor.u32 $0x2, v9  }
0x20a: {  	v10 =	vadd.s32 $0x8, v9;
	v13 =	vadd.s32 $0x9, v9;
	v14 =	vadd.s32 $0x12, v9;
	[tilespmem:v6+s8+$0x0] =	vst.idx.msk $0xffff, v4  }
0x20b: {  	v4 =	vadd.s32 $0x10, v9;
	v6 =	vadd.s32 $0x11, v9;
	[tilespmem:v7+s8+$0x0] =	vst.idx.msk $0xffff, v5  }
0x20c: {  	[tilespmem:v8+s8+$0x0] =	vst.idx.msk $0xffff, v3  }
0x20d: {  	v5 =	vadd.s32 $0xA, v9;
	v3 =	vld.idx.msk [tilespmem:v9+s16+$0x0], $0xffff  }
0x20e: {  	v7 =	vld.idx.msk [tilespmem:v11+s16+$0x0], $0xffff  }
0x20f: {  	v8 =	vld.idx.msk [tilespmem:v14+s16+$0x0], $0xffff  }
0x210: {  	v9 =	vld.idx.msk [tilespmem:v12+s16+$0x0], $0xffff  }
0x211: {  	v6 =	vld.idx.msk [tilespmem:v6+s16+$0x0], $0xffff  }
0x212: {  	v5 =	vld.idx.msk [tilespmem:v5+s16+$0x0], $0xffff  }
0x213: {  	v10 =	vld.idx.msk [tilespmem:v10+s16+$0x0], $0xffff  }
0x214: {  	v11 =	vld.idx.msk [tilespmem:v13+s16+$0x0], $0xffff  }
0x215: {  	v4 =	vld.idx.msk [tilespmem:v4+s16+$0x0], $0xffff;
	_ =	sdelay $0x2  }
0x216: {  	v6 =	vsub.f32 v6, v7;
	v5 =	vsub.f32 v5, v9  }
0x217: {  	v8 =	vsub.f32 v8, v9;
	v10 =	vsub.f32 v10, v3  }
0x218: {  	v7 =	vsub.f32 v11, v7;
	v9 =	vmul.f32 v6, v5  }
0x219: {  	v3 =	vsub.f32 v4, v3;
	v11 =	vmul.f32 v8, v10;
	v6 =	vmul.f32 v6, v10  }
0x21a: {  	v4 =	vmul.f32 v8, v7  }
0x21b: {  	v5 =	vmul.f32 v3, v5;
	v3 =	vmul.f32 v3, v7  }
0x21c: {  	v4 =	vsub.f32 v4, v9  }
0x21d: {  	v5 =	vsub.f32 v5, v11;
	v3 =	vsub.f32 v6, v3  }
0x21e: {  	v6 =	vmul.f32 v4, v4  }
0x21f: {  	v7 =	vmul.f32 v5, v5  }
0x220: {  	v8 =	vmul.f32 v3, v3  }
0x221: {  	v6 =	vadd.f32 v7, v6;
	_ =	sdelay $0x1  }
0x222: {  	v6 =	vadd.f32 v6, v8;
	_ =	sdelay $0x1  }
0x223: {  	v7 =	vshrl.u32 v6, $0x1;
	v8 =	vmul.f32 $5.000000000e-01, v6  }
0x224: {  	v7 =	vsub.s32 $0x5F3759DF, v7  }
0x225: {  	v9 =	vmul.f32 v7, v8;
	_ =	sdelay $0x1  }
0x226: {  	v9 =	vmul.f32 v7, v9;
	_ =	sdelay $0x1  }
0x227: {  	v9 =	vsub.f32 $1.500000000e+00, v9;
	_ =	sdelay $0x1  }
0x228: {  	v7 =	vmul.f32 v7, v9;
	_ =	sdelay $0x1  }
0x229: {  	v9 =	vmul.f32 v7, v8;
	_ =	sdelay $0x1  }
0x22a: {  	v9 =	vmul.f32 v9, v7;
	_ =	sdelay $0x1  }
0x22b: {  	v9 =	vsub.f32 $1.500000000e+00, v9;
	_ =	sdelay $0x1  }
0x22c: {  	v7 =	vmul.f32 v9, v7;
	_ =	sdelay $0x1  }
0x22d: {  	v8 =	vmul.f32 v7, v8;
	_ =	sdelay $0x1  }
0x22e: {  	v8 =	vmul.f32 v8, v7;
	_ =	sdelay $0x1  }
0x22f: {  	v8 =	vsub.f32 $1.500000000e+00, v8;
	_ =	sdelay $0x1  }
0x230: {  	v7 =	vmul.f32 v8, v7;
	_ =	sdelay $0x1  }
0x231: {  	v6 =	vmul.f32 v7, v6;
	_ =	sdelay $0x1  }
0x232: {  	v6 =	vmax.f32 v6, $9.999999970e-07  }
0x233: {  	(erf) = vrcp.f32 v6;
	_ =	sdelay $0x1  }
.Ltmp2:
0x234: {  	(pc) =	sbr.rel @p1 .LBB2_6-.Ltmp2, $2  }
0x235: {  	_ =	sdelay $0x2  }
0x236: {  	v6 =	vshll.u32 v2, $0x3  }
0x237: {  	_ = 	snop  }
0x238: {  	v2 =	vor.u32 $0x1, v6  }
0x239: {  	v7 =	vor.u32 $0x2, v6;
	v8 =	vpop (erf)  }
0x23a: {  	v4 =	vmul.f32 v8, v4  }
0x23b: {  	v5 =	vmul.f32 v8, v5  }
0x23c: {  	v3 =	vmul.f32 v8, v3;
	[tilespmem:v6+s8+$0x0] =	vst.idx.msk $0xffff, v4  }
0x23d: {  	[tilespmem:v2+s8+$0x0] =	vst.idx.msk $0xffff, v5  }
0x23e: {  	s12 =	simm.s32 $0x0;
	s13 =	rddreg [dreg:$0x7];
	[tilespmem:v7+s8+$0x0] =	vst.idx.msk $0xffff, v3  }
0x23f: {  	[hbm4b:s13+s12] =	stream.linear.scatter [tilespmem:s8], [sflag:$0x4], $0x1400, $0x38;
	[tilespmem:$0xEC10] =	vst v63  }
0x240: {  	s15 =	rddreg [dreg:$0x8]  }
0x241: {  	[tilespmem:s16], [sflag:$0x2] =	stream.indirect.gather [hbm4b:s3+s29], $0x8, s15, s29, $0xb8;
	[tilespmem:$0xEC10] =	vst v63  }
0x242: {  	s15 =	sld [smem:$0x79C];
	_ =	sdelay $0x2  }
0x243: {  	[tilespmem:s17], [sflag:$0x2] =	stream.indirect.gather [hbm4b:s3+s29], $0x8, s15, s29, $0xb8;
	[tilespmem:$0xEC10] =	vst v63  }
0x244: {  	s15 =	sld [smem:$0x79D];
	_ =	sdelay $0x2  }
0x245: {  	[tilespmem:s18], [sflag:$0x2] =	stream.indirect.gather [hbm4b:s3+s29], $0x8, s15, s29, $0xb8;
	[tilespmem:$0xEC10] =	vst v63  }
0x246: {  	s15 =	sld [smem:$0x79E];
	_ =	sdelay $0x2  }
0x247: {  	[tilespmem:s19], [sflag:$0x2] =	stream.indirect.gather [hbm4b:s3+s29], $0x8, s15, s29, $0xb8;
	[tilespmem:$0xEC10] =	vst v63  }
0x248: {  	s15 =	sld [smem:$0x79F];
	_ =	sdelay $0x2  }
0x249: {  	[tilespmem:s20], [sflag:$0x2] =	stream.indirect.gather [hbm4b:s3+s29], $0x8, s15, s29, $0xb8;
	[tilespmem:$0xEC10] =	vst v63  }
0x24a: {  	s15 =	sld [smem:$0x7A0];
	_ =	sdelay $0x2  }
0x24b: {  	[tilespmem:s21], [sflag:$0x2] =	stream.indirect.gather [hbm4b:s3+s29], $0x8, s15, s29, $0xb8;
	[tilespmem:$0xEC10] =	vst v63  }
0x24c: {  	s15 =	sld [smem:$0x7A1];
	_ =	sdelay $0x2  }
0x24d: {  	[tilespmem:s22], [sflag:$0x2] =	stream.indirect.gather [hbm4b:s3+s29], $0x8, s15, s29, $0xb8;
	[tilespmem:$0xEC10] =	vst v63  }
0x24e: {  	s15 =	sld [smem:$0x7A2];
	_ =	sdelay $0x2  }
0x24f: {  	[tilespmem:s23], [sflag:$0x2] =	stream.indirect.gather [hbm4b:s3+s29], $0x8, s15, s29, $0xb8;
	[tilespmem:$0xEC10] =	vst v63  }
0x250: {  	s15 =	sld [smem:$0x7A3];
	_ =	sdelay $0x2  }
0x251: {  	[tilespmem:s24], [sflag:$0x2] =	stream.indirect.gather [hbm4b:s3+s29], $0x8, s15, s29, $0xb8;
	[tilespmem:$0xEC10] =	vst v63  }
0x252: {  	s15 =	sld [smem:$0x7A4];
	_ =	sdelay $0x2  }
0x253: {  	[tilespmem:s25], [sflag:$0x2] =	stream.indirect.gather [hbm4b:s3+s29], $0x8, s15, s29, $0xb8;
	[tilespmem:$0xEC10] =	vst v63  }
0x254: {  	s15 =	sld [smem:$0x7A5];
	_ =	sdelay $0x2  }
0x255: {  	[tilespmem:s26], [sflag:$0x2] =	stream.indirect.gather [hbm4b:s3+s29], $0x8, s15, s29, $0xb8;
	[tilespmem:$0xEC10] =	vst v63  }
0x256: {  	s15 =	sld [smem:$0x7A6];
	_ =	sdelay $0x2  }
0x257: {  	[tilespmem:s28], [sflag:$0x2] =	stream.indirect.gather [hbm4b:s3+s29], $0x8, s15, s29, $0xb8;
	[tilespmem:$0xEC10] =	vst v63  }
0x258: {  	s15 =	sld [smem:$0x7A7];
	_ =	sdelay $0x2  }
0x259: {  	[tilespmem:s31], [sflag:$0x2] =	stream.indirect.gather [hbm4b:s3+s29], $0x8, s15, s29, $0xb8;
	[tilespmem:$0xEC10] =	vst v63  }
0x25a: {  	s15 =	sld [smem:$0x7A8];
	_ =	sdelay $0x2  }
0x25b: {  	[tilespmem:s0], [sflag:$0x2] =	stream.indirect.gather [hbm4b:s3+s29], $0x8, s15, s29, $0xb8;
	[tilespmem:$0xEC10] =	vst v63  }
0x25c: {  	s15 =	sld [smem:$0x7A9];
	_ =	sdelay $0x2  }
0x25d: {  	[tilespmem:s1], [sflag:$0x2] =	stream.indirect.gather [hbm4b:s3+s29], $0x8, s15, s29, $0xb8;
	[tilespmem:$0xEC10] =	vst v63  }
0x25e: {  	_ =	swait.ge [sflag:s5], $0x400  }
0x25f: {  	[sflag:s5] =	ssyncset.done $0x0  }
0x260: {  	[sflag:s5] =	ssyncadd.s32 $0xFFFFFC00  }
0x261: {  	_ =	swait.ge [sflag:s5], $0x400  }
0x262: {  	[sflag:s5] =	ssyncset.done $0x0  }
0x263: {  	[sflag:s5] =	ssyncadd.s32 $0xFFFFFC00  }
0x264: {  	_ =	swait.ge [sflag:s5], $0x400  }
0x265: {  	[sflag:s5] =	ssyncset.done $0x0  }
0x266: {  	[sflag:s5] =	ssyncadd.s32 $0xFFFFFC00  }
0x267: {  	_ =	swait.ge [sflag:s5], $0x400  }
0x268: {  	[sflag:s5] =	ssyncset.done $0x0  }
0x269: {  	[sflag:s5] =	ssyncadd.s32 $0xFFFFFC00  }
0x26a: {  	_ =	swait.ge [sflag:s5], $0x400  }
0x26b: {  	[sflag:s5] =	ssyncset.done $0x0  }
0x26c: {  	[sflag:s5] =	ssyncadd.s32 $0xFFFFFC00  }
0x26d: {  	_ =	swait.ge [sflag:s5], $0x400  }
0x26e: {  	[sflag:s5] =	ssyncset.done $0x0  }
0x26f: {  	[sflag:s5] =	ssyncadd.s32 $0xFFFFFC00  }
0x270: {  	_ =	swait.ge [sflag:s5], $0x400  }
0x271: {  	[sflag:s5] =	ssyncset.done $0x0  }
0x272: {  	[sflag:s5] =	ssyncadd.s32 $0xFFFFFC00  }
0x273: {  	_ =	swait.ge [sflag:s5], $0x400  }
0x274: {  	[sflag:s5] =	ssyncset.done $0x0  }
0x275: {  	[sflag:s5] =	ssyncadd.s32 $0xFFFFFC00  }
0x276: {  	_ =	swait.ge [sflag:s5], $0x400  }
0x277: {  	[sflag:s5] =	ssyncset.done $0x0  }
0x278: {  	[sflag:s5] =	ssyncadd.s32 $0xFFFFFC00  }
0x279: {  	_ =	swait.ge [sflag:s5], $0x400  }
0x27a: {  	[sflag:s5] =	ssyncset.done $0x0  }
0x27b: {  	[sflag:s5] =	ssyncadd.s32 $0xFFFFFC00  }
0x27c: {  	_ =	swait.ge [sflag:s5], $0x400  }
0x27d: {  	[sflag:s5] =	ssyncset.done $0x0  }
0x27e: {  	[sflag:s5] =	ssyncadd.s32 $0xFFFFFC00  }
0x27f: {  	_ =	swait.ge [sflag:s5], $0x400  }
0x280: {  	[sflag:s5] =	ssyncset.done $0x0  }
0x281: {  	[sflag:s5] =	ssyncadd.s32 $0xFFFFFC00  }
0x282: {  	_ =	swait.ge [sflag:s5], $0x400  }
0x283: {  	[sflag:s5] =	ssyncset.done $0x0  }
0x284: {  	[sflag:s5] =	ssyncadd.s32 $0xFFFFFC00  }
0x285: {  	_ =	swait.ge [sflag:s5], $0x400  }
0x286: {  	[sflag:s5] =	ssyncset.done $0x0  }
0x287: {  	v2 =	vor.u32 s12, v0;
	[sflag:s5] =	ssyncadd.s32 $0xFFFFFC00  }
0x288: {  	v3 =	vmul.u32 $0x18, v2;
	_ =	swait.ge [sflag:s5], $0x400  }
0x289: {  	[sflag:s5] =	ssyncset.done $0x0  }
0x28a: {  	v4 =	vor.u32 $0x1, v3;
	[sflag:s5] =	ssyncadd.s32 $0xFFFFFC00  }
0x28b: {  	v5 =	vadd.s32 $0x12, v3;
	_ =	swait.ge [sflag:s9], $0x1400  }
0x28c: {  	v6 =	vor.u32 $0x2, v3;
	[sflag:s9] =	ssyncset.done $0x0  }
0x28d: {  	v7 =	vadd.s32 $0x11, v3;
	[sflag:s9] =	ssyncadd.s32 $0xFFFFEC00  }
0x28e: {  	v9 =	vadd.s32 $0xA, v3;
	v8 =	vld.idx.msk [tilespmem:v3+s30+$0x0], $0xffff  }
0x28f: {  	v10 =	vadd.s32 $0x8, v3;
	v4 =	vld.idx.msk [tilespmem:v4+s30+$0x0], $0xffff  }
0x290: {  	v11 =	vadd.s32 $0x9, v3;
	v5 =	vld.idx.msk [tilespmem:v5+s30+$0x0], $0xffff  }
0x291: {  	v3 =	vadd.s32 $0x10, v3;
	v6 =	vld.idx.msk [tilespmem:v6+s30+$0x0], $0xffff  }
0x292: {  	v7 =	vld.idx.msk [tilespmem:v7+s30+$0x0], $0xffff  }
0x293: {  	v9 =	vld.idx.msk [tilespmem:v9+s30+$0x0], $0xffff  }
0x294: {  	v10 =	vld.idx.msk [tilespmem:v10+s30+$0x0], $0xffff  }
0x295: {  	v11 =	vld.idx.msk [tilespmem:v11+s30+$0x0], $0xffff  }
0x296: {  	v3 =	vld.idx.msk [tilespmem:v3+s30+$0x0], $0xffff;
	_ =	sdelay $0x2  }
0x297: {  	v9 =	vsub.f32 v9, v6;
	v7 =	vsub.f32 v7, v4  }
0x298: {  	v10 =	vsub.f32 v10, v8;
	v5 =	vsub.f32 v5, v6  }
0x299: {  	v4 =	vsub.f32 v11, v4;
	v3 =	vsub.f32 v3, v8  }
0x29a: {  	v6 =	vmul.f32 v7, v9;
	v8 =	vmul.f32 v5, v10  }
0x29b: {  	v5 =	vmul.f32 v5, v4;
	v9 =	vmul.f32 v3, v9  }
0x29c: {  	v7 =	vmul.f32 v7, v10  }
0x29d: {  	v3 =	vmul.f32 v3, v4;
	v4 =	vsub.f32 v5, v6;
	v5 =	vsub.f32 v9, v8;
	_ =	sdelay $0x1  }
0x29e: {  	v3 =	vsub.f32 v7, v3;
	v6 =	vmul.f32 v4, v4;
	v7 =	vmul.f32 v5, v5;
	_ =	sdelay $0x1  }
0x29f: {  	v8 =	vmul.f32 v3, v3;
	v6 =	vadd.f32 v7, v6;
	_ =	sdelay $0x1  }
0x2a0: {  	v6 =	vadd.f32 v6, v8;
	_ =	sdelay $0x1  }
0x2a1: {  	v7 =	vshrl.u32 v6, $0x1;
	v8 =	vmul.f32 $5.000000000e-01, v6  }
0x2a2: {  	v7 =	vsub.s32 $0x5F3759DF, v7  }
0x2a3: {  	v63 =	vmul.f32 v7, v8;
	_ =	sdelay $0x1  }
0x2a4: {  	v9 =	vmul.f32 v7, v63;
	_ =	sdelay $0x1  }
0x2a5: {  	v9 =	vsub.f32 $1.500000000e+00, v9;
	_ =	sdelay $0x1  }
0x2a6: {  	v7 =	vmul.f32 v7, v9;
	_ =	sdelay $0x1  }
0x2a7: {  	v9 =	vmul.f32 v7, v8;
	_ =	sdelay $0x1  }
0x2a8: {  	v9 =	vmul.f32 v9, v7;
	_ =	sdelay $0x1  }
0x2a9: {  	v9 =	vsub.f32 $1.500000000e+00, v9;
	_ =	sdelay $0x1  }
0x2aa: {  	v7 =	vmul.f32 v9, v7;
	_ =	sdelay $0x1  }
0x2ab: {  	v8 =	vmul.f32 v7, v8;
	_ =	sdelay $0x1  }
0x2ac: {  	v8 =	vmul.f32 v8, v7;
	_ =	sdelay $0x1  }
0x2ad: {  	v8 =	vsub.f32 $1.500000000e+00, v8;
	_ =	sdelay $0x1  }
0x2ae: {  	v7 =	vmul.f32 v8, v7;
	_ =	sdelay $0x1  }
0x2af: {  	v6 =	vmul.f32 v7, v6;
	_ =	sdelay $0x1  }
0x2b0: {  	v6 =	vmax.f32 v6, $9.999999970e-07  }
0x2b1: {  	(erf) = vrcp.f32 v6;
	_ =	sdelay $0x5  }
0x2b2: {  	s12 =	simm.s32 $0x10;
	v6 =	vshll.u32 v2, $0x3  }
.LBB2_8:
0x2b3: {  	p1 =	sne.s32 s12, $0x270;
	v7 =	vor.u32 $0x1, v6;
	s13 =	smov.u32 s12;
	s12 =	sadd.s32 $0x10, s12  }
0x2b4: {  	v8 =	vor.u32 $0x2, v6;
	v2 =	vor.u32 s13, v0  }
0x2b5: {  	v9 =	vmul.u32 $0x18, v2;
	v10 =	vpop (erf)  }
0x2b6: {  	v4 =	vmul.f32 v10, v4;
	v5 =	vmul.f32 v10, v5  }
0x2b7: {  	v3 =	vmul.f32 v10, v3;
	v11 =	vor.u32 $0x1, v9;
	v12 =	vor.u32 $0x2, v9  }
0x2b8: {  	v10 =	vadd.s32 $0x8, v9;
	v13 =	vadd.s32 $0x9, v9;
	v14 =	vadd.s32 $0x12, v9;
	[tilespmem:v6+s6+$0x0] =	vst.idx.msk $0xffff, v4  }
0x2b9: {  	v4 =	vadd.s32 $0x10, v9;
	v6 =	vadd.s32 $0x11, v9;
	[tilespmem:v7+s6+$0x0] =	vst.idx.msk $0xffff, v5  }
0x2ba: {  	[tilespmem:v8+s6+$0x0] =	vst.idx.msk $0xffff, v3  }
0x2bb: {  	v5 =	vadd.s32 $0xA, v9;
	v3 =	vld.idx.msk [tilespmem:v9+s30+$0x0], $0xffff  }
0x2bc: {  	v7 =	vld.idx.msk [tilespmem:v11+s30+$0x0], $0xffff  }
0x2bd: {  	v8 =	vld.idx.msk [tilespmem:v14+s30+$0x0], $0xffff  }
0x2be: {  	v9 =	vld.idx.msk [tilespmem:v12+s30+$0x0], $0xffff  }
0x2bf: {  	v6 =	vld.idx.msk [tilespmem:v6+s30+$0x0], $0xffff  }
0x2c0: {  	v5 =	vld.idx.msk [tilespmem:v5+s30+$0x0], $0xffff  }
0x2c1: {  	v10 =	vld.idx.msk [tilespmem:v10+s30+$0x0], $0xffff  }
0x2c2: {  	v11 =	vld.idx.msk [tilespmem:v13+s30+$0x0], $0xffff  }
0x2c3: {  	v4 =	vld.idx.msk [tilespmem:v4+s30+$0x0], $0xffff;
	_ =	sdelay $0x2  }
0x2c4: {  	v6 =	vsub.f32 v6, v7;
	v5 =	vsub.f32 v5, v9  }
0x2c5: {  	v8 =	vsub.f32 v8, v9;
	v10 =	vsub.f32 v10, v3  }
0x2c6: {  	v7 =	vsub.f32 v11, v7;
	v9 =	vmul.f32 v6, v5  }
0x2c7: {  	v3 =	vsub.f32 v4, v3;
	v11 =	vmul.f32 v8, v10;
	v6 =	vmul.f32 v6, v10  }
0x2c8: {  	v4 =	vmul.f32 v8, v7  }
0x2c9: {  	v5 =	vmul.f32 v3, v5;
	v3 =	vmul.f32 v3, v7  }
0x2ca: {  	v4 =	vsub.f32 v4, v9  }
0x2cb: {  	v5 =	vsub.f32 v5, v11;
	v3 =	vsub.f32 v6, v3  }
0x2cc: {  	v6 =	vmul.f32 v4, v4  }
0x2cd: {  	v7 =	vmul.f32 v5, v5  }
0x2ce: {  	v8 =	vmul.f32 v3, v3  }
0x2cf: {  	v6 =	vadd.f32 v7, v6;
	_ =	sdelay $0x1  }
0x2d0: {  	v6 =	vadd.f32 v6, v8;
	_ =	sdelay $0x1  }
0x2d1: {  	v7 =	vshrl.u32 v6, $0x1;
	v8 =	vmul.f32 $5.000000000e-01, v6  }
0x2d2: {  	v7 =	vsub.s32 $0x5F3759DF, v7  }
0x2d3: {  	v9 =	vmul.f32 v7, v8;
	_ =	sdelay $0x1  }
0x2d4: {  	v9 =	vmul.f32 v7, v9;
	_ =	sdelay $0x1  }
0x2d5: {  	v9 =	vsub.f32 $1.500000000e+00, v9;
	_ =	sdelay $0x1  }
0x2d6: {  	v7 =	vmul.f32 v7, v9;
	_ =	sdelay $0x1  }
0x2d7: {  	v9 =	vmul.f32 v7, v8;
	_ =	sdelay $0x1  }
0x2d8: {  	v9 =	vmul.f32 v9, v7;
	_ =	sdelay $0x1  }
0x2d9: {  	v9 =	vsub.f32 $1.500000000e+00, v9;
	_ =	sdelay $0x1  }
0x2da: {  	v7 =	vmul.f32 v9, v7;
	_ =	sdelay $0x1  }
0x2db: {  	v8 =	vmul.f32 v7, v8;
	_ =	sdelay $0x1  }
0x2dc: {  	v8 =	vmul.f32 v8, v7;
	_ =	sdelay $0x1  }
0x2dd: {  	v8 =	vsub.f32 $1.500000000e+00, v8;
	_ =	sdelay $0x1  }
0x2de: {  	v7 =	vmul.f32 v8, v7;
	_ =	sdelay $0x1  }
0x2df: {  	v6 =	vmul.f32 v7, v6;
	_ =	sdelay $0x1  }
0x2e0: {  	v6 =	vmax.f32 v6, $9.999999970e-07  }
0x2e1: {  	(erf) = vrcp.f32 v6;
	_ =	sdelay $0x1  }
.Ltmp3:
0x2e2: {  	(pc) =	sbr.rel @p1 .LBB2_8-.Ltmp3, $2  }
0x2e3: {  	_ =	sdelay $0x2  }
0x2e4: {  	v6 =	vshll.u32 v2, $0x3  }
0x2e5: {  	_ = 	snop  }
0x2e6: {  	v2 =	vor.u32 $0x1, v6  }
0x2e7: {  	v7 =	vor.u32 $0x2, v6;
	v8 =	vpop (erf)  }
0x2e8: {  	v4 =	vmul.f32 v8, v4  }
0x2e9: {  	v5 =	vmul.f32 v8, v5  }
0x2ea: {  	v3 =	vmul.f32 v8, v3;
	[tilespmem:v6+s6+$0x0] =	vst.idx.msk $0xffff, v4  }
0x2eb: {  	[tilespmem:v2+s6+$0x0] =	vst.idx.msk $0xffff, v5  }
0x2ec: {  	s12 =	simm.s32 $0x0;
	s13 =	rddreg [dreg:$0x9];
	[tilespmem:v7+s6+$0x0] =	vst.idx.msk $0xffff, v3  }
0x2ed: {  	[hbm4b:s13+s12] =	stream.linear.scatter [tilespmem:s6], [sflag:$0x3], $0x1400, $0x38;
	[tilespmem:$0xEC10] =	vst v63  }
0x2ee: {  	s15 =	rddreg [dreg:$0xa]  }
0x2ef: {  	[tilespmem:s30], [sflag:$0x1] =	stream.indirect.gather [hbm4b:s3+s29], $0x8, s15, s29, $0xb8;
	[tilespmem:$0xEC10] =	vst v63  }
0x2f0: {  	s15 =	sld [smem:$0x7AA];
	_ =	sdelay $0x1  }
0x2f1: {  	s13 =	sld [smem:$0x7AB]  }
0x2f2: {  	[tilespmem:s14], [sflag:$0x1] =	stream.indirect.gather [hbm4b:s3+s29], $0x8, s15, s29, $0xb8;
	[tilespmem:$0xEC10] =	vst v63  }
0x2f3: {  	s15 =	simm.s32 $0x5410  }
0x2f4: {  	[tilespmem:s15], [sflag:$0x1] =	stream.indirect.gather [hbm4b:s3+s29], $0x8, s13, s29, $0xb8;
	[tilespmem:$0xEC10] =	vst v63  }
0x2f5: {  	s13 =	sld [smem:$0x7AC];
	_ =	sdelay $0x1  }
0x2f6: {  	s15 =	simm.s32 $0x5810  }
0x2f7: {  	[tilespmem:s15], [sflag:$0x1] =	stream.indirect.gather [hbm4b:s3+s29], $0x8, s13, s29, $0xb8;
	[tilespmem:$0xEC10] =	vst v63  }
0x2f8: {  	s13 =	sld [smem:$0x7AD];
	_ =	sdelay $0x1  }
0x2f9: {  	s15 =	simm.s32 $0x5C10  }
0x2fa: {  	[tilespmem:s15], [sflag:$0x1] =	stream.indirect.gather [hbm4b:s3+s29], $0x8, s13, s29, $0xb8;
	[tilespmem:$0xEC10] =	vst v63  }
0x2fb: {  	s13 =	sld [smem:$0x7AE];
	_ =	sdelay $0x1  }
0x2fc: {  	s15 =	simm.s32 $0x6010  }
0x2fd: {  	[tilespmem:s15], [sflag:$0x1] =	stream.indirect.gather [hbm4b:s3+s29], $0x8, s13, s29, $0xb8;
	[tilespmem:$0xEC10] =	vst v63  }
0x2fe: {  	s13 =	sld [smem:$0x7AF];
	_ =	sdelay $0x1  }
0x2ff: {  	s15 =	simm.s32 $0x6410  }
0x300: {  	[tilespmem:s15], [sflag:$0x1] =	stream.indirect.gather [hbm4b:s3+s29], $0x8, s13, s29, $0xb8;
	[tilespmem:$0xEC10] =	vst v63  }
0x301: {  	s13 =	sld [smem:$0x7B0];
	_ =	sdelay $0x1  }
0x302: {  	s15 =	simm.s32 $0x6810  }
0x303: {  	[tilespmem:s15], [sflag:$0x1] =	stream.indirect.gather [hbm4b:s3+s29], $0x8, s13, s29, $0xb8;
	[tilespmem:$0xEC10] =	vst v63  }
0x304: {  	s13 =	sld [smem:$0x7B1];
	_ =	sdelay $0x1  }
0x305: {  	s15 =	simm.s32 $0x6C10  }
0x306: {  	[tilespmem:s15], [sflag:$0x1] =	stream.indirect.gather [hbm4b:s3+s29], $0x8, s13, s29, $0xb8;
	[tilespmem:$0xEC10] =	vst v63  }
0x307: {  	s13 =	sld [smem:$0x7B2];
	_ =	sdelay $0x1  }
0x308: {  	s15 =	simm.s32 $0x7010  }
0x309: {  	[tilespmem:s15], [sflag:$0x1] =	stream.indirect.gather [hbm4b:s3+s29], $0x8, s13, s29, $0xb8;
	[tilespmem:$0xEC10] =	vst v63  }
0x30a: {  	s13 =	sld [smem:$0x7B3];
	_ =	sdelay $0x1  }
0x30b: {  	s15 =	simm.s32 $0x7410  }
0x30c: {  	[tilespmem:s15], [sflag:$0x1] =	stream.indirect.gather [hbm4b:s3+s29], $0x8, s13, s29, $0xb8;
	[tilespmem:$0xEC10] =	vst v63  }
0x30d: {  	s13 =	sld [smem:$0x7B4];
	_ =	sdelay $0x1  }
0x30e: {  	s15 =	simm.s32 $0x7810  }
0x30f: {  	[tilespmem:s15], [sflag:$0x1] =	stream.indirect.gather [hbm4b:s3+s29], $0x8, s13, s29, $0xb8;
	[tilespmem:$0xEC10] =	vst v63  }
0x310: {  	s13 =	sld [smem:$0x7B5];
	_ =	sdelay $0x1  }
0x311: {  	s15 =	simm.s32 $0x7C10  }
0x312: {  	[tilespmem:s15], [sflag:$0x1] =	stream.indirect.gather [hbm4b:s3+s29], $0x8, s13, s29, $0xb8;
	[tilespmem:$0xEC10] =	vst v63  }
0x313: {  	s13 =	sld [smem:$0x7B6];
	_ =	sdelay $0x1  }
0x314: {  	s15 =	simm.s32 $0x8010  }
0x315: {  	[tilespmem:s15], [sflag:$0x1] =	stream.indirect.gather [hbm4b:s3+s29], $0x8, s13, s29, $0xb8;
	[tilespmem:$0xEC10] =	vst v63  }
0x316: {  	s13 =	sld [smem:$0x7B7];
	_ =	sdelay $0x1  }
0x317: {  	s15 =	simm.s32 $0x8410  }
0x318: {  	[tilespmem:s15], [sflag:$0x1] =	stream.indirect.gather [hbm4b:s3+s29], $0x8, s13, s29, $0xb8;
	[tilespmem:$0xEC10] =	vst v63  }
0x319: {  	_ =	swait.ge [sflag:s7], $0x400  }
0x31a: {  	[sflag:s7] =	ssyncset.done $0x0  }
0x31b: {  	[sflag:s7] =	ssyncadd.s32 $0xFFFFFC00  }
0x31c: {  	_ =	swait.ge [sflag:s7], $0x400  }
0x31d: {  	[sflag:s7] =	ssyncset.done $0x0  }
0x31e: {  	[sflag:s7] =	ssyncadd.s32 $0xFFFFFC00  }
0x31f: {  	_ =	swait.ge [sflag:s7], $0x400  }
0x320: {  	[sflag:s7] =	ssyncset.done $0x0  }
0x321: {  	[sflag:s7] =	ssyncadd.s32 $0xFFFFFC00  }
0x322: {  	_ =	swait.ge [sflag:s7], $0x400  }
0x323: {  	[sflag:s7] =	ssyncset.done $0x0  }
0x324: {  	[sflag:s7] =	ssyncadd.s32 $0xFFFFFC00  }
0x325: {  	_ =	swait.ge [sflag:s7], $0x400  }
0x326: {  	[sflag:s7] =	ssyncset.done $0x0  }
0x327: {  	[sflag:s7] =	ssyncadd.s32 $0xFFFFFC00  }
0x328: {  	_ =	swait.ge [sflag:s7], $0x400  }
0x329: {  	[sflag:s7] =	ssyncset.done $0x0  }
0x32a: {  	[sflag:s7] =	ssyncadd.s32 $0xFFFFFC00  }
0x32b: {  	_ =	swait.ge [sflag:s7], $0x400  }
0x32c: {  	[sflag:s7] =	ssyncset.done $0x0  }
0x32d: {  	[sflag:s7] =	ssyncadd.s32 $0xFFFFFC00  }
0x32e: {  	_ =	swait.ge [sflag:s7], $0x400  }
0x32f: {  	[sflag:s7] =	ssyncset.done $0x0  }
0x330: {  	[sflag:s7] =	ssyncadd.s32 $0xFFFFFC00  }
0x331: {  	_ =	swait.ge [sflag:s7], $0x400  }
0x332: {  	[sflag:s7] =	ssyncset.done $0x0  }
0x333: {  	[sflag:s7] =	ssyncadd.s32 $0xFFFFFC00  }
0x334: {  	_ =	swait.ge [sflag:s7], $0x400  }
0x335: {  	[sflag:s7] =	ssyncset.done $0x0  }
0x336: {  	[sflag:s7] =	ssyncadd.s32 $0xFFFFFC00  }
0x337: {  	_ =	swait.ge [sflag:s7], $0x400  }
0x338: {  	[sflag:s7] =	ssyncset.done $0x0  }
0x339: {  	[sflag:s7] =	ssyncadd.s32 $0xFFFFFC00  }
0x33a: {  	_ =	swait.ge [sflag:s7], $0x400  }
0x33b: {  	[sflag:s7] =	ssyncset.done $0x0  }
0x33c: {  	[sflag:s7] =	ssyncadd.s32 $0xFFFFFC00  }
0x33d: {  	_ =	swait.ge [sflag:s7], $0x400  }
0x33e: {  	[sflag:s7] =	ssyncset.done $0x0  }
0x33f: {  	[sflag:s7] =	ssyncadd.s32 $0xFFFFFC00  }
0x340: {  	_ =	swait.ge [sflag:s7], $0x400  }
0x341: {  	[sflag:s7] =	ssyncset.done $0x0  }
0x342: {  	v2 =	vor.u32 s12, v0;
	[sflag:s7] =	ssyncadd.s32 $0xFFFFFC00  }
0x343: {  	v3 =	vmul.u32 $0x18, v2;
	_ =	swait.ge [sflag:s7], $0x400  }
0x344: {  	[sflag:s7] =	ssyncset.done $0x0  }
0x345: {  	v4 =	vor.u32 $0x1, v3;
	[sflag:s7] =	ssyncadd.s32 $0xFFFFFC00  }
0x346: {  	v5 =	vadd.s32 $0x12, v3;
	_ =	swait.ge [sflag:s10], $0x1400  }
0x347: {  	v6 =	vor.u32 $0x2, v3;
	[sflag:s10] =	ssyncset.done $0x0  }
0x348: {  	v7 =	vadd.s32 $0x11, v3;
	[sflag:s10] =	ssyncadd.s32 $0xFFFFEC00  }
0x349: {  	v9 =	vadd.s32 $0xA, v3;
	v8 =	vld.idx.msk [tilespmem:v3+s16+$0x0], $0xffff  }
0x34a: {  	v10 =	vadd.s32 $0x8, v3;
	v4 =	vld.idx.msk [tilespmem:v4+s16+$0x0], $0xffff  }
0x34b: {  	v11 =	vadd.s32 $0x9, v3;
	v5 =	vld.idx.msk [tilespmem:v5+s16+$0x0], $0xffff  }
0x34c: {  	v3 =	vadd.s32 $0x10, v3;
	v6 =	vld.idx.msk [tilespmem:v6+s16+$0x0], $0xffff  }
0x34d: {  	v7 =	vld.idx.msk [tilespmem:v7+s16+$0x0], $0xffff  }
0x34e: {  	v9 =	vld.idx.msk [tilespmem:v9+s16+$0x0], $0xffff  }
0x34f: {  	v10 =	vld.idx.msk [tilespmem:v10+s16+$0x0], $0xffff  }
0x350: {  	v11 =	vld.idx.msk [tilespmem:v11+s16+$0x0], $0xffff  }
0x351: {  	v3 =	vld.idx.msk [tilespmem:v3+s16+$0x0], $0xffff;
	_ =	sdelay $0x2  }
0x352: {  	v9 =	vsub.f32 v9, v6;
	v7 =	vsub.f32 v7, v4  }
0x353: {  	v10 =	vsub.f32 v10, v8;
	v5 =	vsub.f32 v5, v6  }
0x354: {  	v4 =	vsub.f32 v11, v4;
	v3 =	vsub.f32 v3, v8  }
0x355: {  	v6 =	vmul.f32 v7, v9;
	v8 =	vmul.f32 v5, v10  }
0x356: {  	v5 =	vmul.f32 v5, v4;
	v9 =	vmul.f32 v3, v9  }
0x357: {  	v7 =	vmul.f32 v7, v10  }
0x358: {  	v3 =	vmul.f32 v3, v4;
	v4 =	vsub.f32 v5, v6;
	v5 =	vsub.f32 v9, v8;
	_ =	sdelay $0x1  }
0x359: {  	v3 =	vsub.f32 v7, v3;
	v6 =	vmul.f32 v4, v4;
	v7 =	vmul.f32 v5, v5;
	_ =	sdelay $0x1  }
0x35a: {  	v8 =	vmul.f32 v3, v3;
	v6 =	vadd.f32 v7, v6;
	_ =	sdelay $0x1  }
0x35b: {  	v6 =	vadd.f32 v6, v8;
	_ =	sdelay $0x1  }
0x35c: {  	v7 =	vshrl.u32 v6, $0x1;
	v8 =	vmul.f32 $5.000000000e-01, v6  }
0x35d: {  	v7 =	vsub.s32 $0x5F3759DF, v7  }
0x35e: {  	v63 =	vmul.f32 v7, v8;
	_ =	sdelay $0x1  }
0x35f: {  	v9 =	vmul.f32 v7, v63;
	_ =	sdelay $0x1  }
0x360: {  	v9 =	vsub.f32 $1.500000000e+00, v9;
	_ =	sdelay $0x1  }
0x361: {  	v7 =	vmul.f32 v7, v9;
	_ =	sdelay $0x1  }
0x362: {  	v9 =	vmul.f32 v7, v8;
	_ =	sdelay $0x1  }
0x363: {  	v9 =	vmul.f32 v9, v7;
	_ =	sdelay $0x1  }
0x364: {  	v9 =	vsub.f32 $1.500000000e+00, v9;
	_ =	sdelay $0x1  }
0x365: {  	v7 =	vmul.f32 v9, v7;
	_ =	sdelay $0x1  }
0x366: {  	v8 =	vmul.f32 v7, v8;
	_ =	sdelay $0x1  }
0x367: {  	v8 =	vmul.f32 v8, v7;
	_ =	sdelay $0x1  }
0x368: {  	v8 =	vsub.f32 $1.500000000e+00, v8;
	_ =	sdelay $0x1  }
0x369: {  	v7 =	vmul.f32 v8, v7;
	_ =	sdelay $0x1  }
0x36a: {  	v6 =	vmul.f32 v7, v6;
	_ =	sdelay $0x1  }
0x36b: {  	v6 =	vmax.f32 v6, $9.999999970e-07  }
0x36c: {  	(erf) = vrcp.f32 v6;
	_ =	sdelay $0x5  }
0x36d: {  	s12 =	simm.s32 $0x10;
	v6 =	vshll.u32 v2, $0x3  }
.LBB2_10:
0x36e: {  	p1 =	sne.s32 s12, $0x270;
	v7 =	vor.u32 $0x1, v6;
	s13 =	smov.u32 s12;
	s12 =	sadd.s32 $0x10, s12  }
0x36f: {  	v8 =	vor.u32 $0x2, v6;
	v2 =	vor.u32 s13, v0  }
0x370: {  	v9 =	vmul.u32 $0x18, v2;
	v10 =	vpop (erf)  }
0x371: {  	v4 =	vmul.f32 v10, v4;
	v5 =	vmul.f32 v10, v5  }
0x372: {  	v3 =	vmul.f32 v10, v3;
	v11 =	vor.u32 $0x1, v9;
	v12 =	vor.u32 $0x2, v9  }
0x373: {  	v10 =	vadd.s32 $0x8, v9;
	v13 =	vadd.s32 $0x9, v9;
	v14 =	vadd.s32 $0x12, v9;
	[tilespmem:v6+s8+$0x0] =	vst.idx.msk $0xffff, v4  }
0x374: {  	v4 =	vadd.s32 $0x10, v9;
	v6 =	vadd.s32 $0x11, v9;
	[tilespmem:v7+s8+$0x0] =	vst.idx.msk $0xffff, v5  }
0x375: {  	[tilespmem:v8+s8+$0x0] =	vst.idx.msk $0xffff, v3  }
0x376: {  	v5 =	vadd.s32 $0xA, v9;
	v3 =	vld.idx.msk [tilespmem:v9+s16+$0x0], $0xffff  }
0x377: {  	v7 =	vld.idx.msk [tilespmem:v11+s16+$0x0], $0xffff  }
0x378: {  	v8 =	vld.idx.msk [tilespmem:v14+s16+$0x0], $0xffff  }
0x379: {  	v9 =	vld.idx.msk [tilespmem:v12+s16+$0x0], $0xffff  }
0x37a: {  	v6 =	vld.idx.msk [tilespmem:v6+s16+$0x0], $0xffff  }
0x37b: {  	v5 =	vld.idx.msk [tilespmem:v5+s16+$0x0], $0xffff  }
0x37c: {  	v10 =	vld.idx.msk [tilespmem:v10+s16+$0x0], $0xffff  }
0x37d: {  	v11 =	vld.idx.msk [tilespmem:v13+s16+$0x0], $0xffff  }
0x37e: {  	v4 =	vld.idx.msk [tilespmem:v4+s16+$0x0], $0xffff;
	_ =	sdelay $0x2  }
0x37f: {  	v6 =	vsub.f32 v6, v7;
	v5 =	vsub.f32 v5, v9  }
0x380: {  	v8 =	vsub.f32 v8, v9;
	v10 =	vsub.f32 v10, v3  }
0x381: {  	v7 =	vsub.f32 v11, v7;
	v9 =	vmul.f32 v6, v5  }
0x382: {  	v3 =	vsub.f32 v4, v3;
	v11 =	vmul.f32 v8, v10;
	v6 =	vmul.f32 v6, v10  }
0x383: {  	v4 =	vmul.f32 v8, v7  }
0x384: {  	v5 =	vmul.f32 v3, v5;
	v3 =	vmul.f32 v3, v7  }
0x385: {  	v4 =	vsub.f32 v4, v9  }
0x386: {  	v5 =	vsub.f32 v5, v11;
	v3 =	vsub.f32 v6, v3  }
0x387: {  	v6 =	vmul.f32 v4, v4  }
0x388: {  	v7 =	vmul.f32 v5, v5  }
0x389: {  	v8 =	vmul.f32 v3, v3  }
0x38a: {  	v6 =	vadd.f32 v7, v6;
	_ =	sdelay $0x1  }
0x38b: {  	v6 =	vadd.f32 v6, v8;
	_ =	sdelay $0x1  }
0x38c: {  	v7 =	vshrl.u32 v6, $0x1;
	v8 =	vmul.f32 $5.000000000e-01, v6  }
0x38d: {  	v7 =	vsub.s32 $0x5F3759DF, v7  }
0x38e: {  	v9 =	vmul.f32 v7, v8;
	_ =	sdelay $0x1  }
0x38f: {  	v9 =	vmul.f32 v7, v9;
	_ =	sdelay $0x1  }
0x390: {  	v9 =	vsub.f32 $1.500000000e+00, v9;
	_ =	sdelay $0x1  }
0x391: {  	v7 =	vmul.f32 v7, v9;
	_ =	sdelay $0x1  }
0x392: {  	v9 =	vmul.f32 v7, v8;
	_ =	sdelay $0x1  }
0x393: {  	v9 =	vmul.f32 v9, v7;
	_ =	sdelay $0x1  }
0x394: {  	v9 =	vsub.f32 $1.500000000e+00, v9;
	_ =	sdelay $0x1  }
0x395: {  	v7 =	vmul.f32 v9, v7;
	_ =	sdelay $0x1  }
0x396: {  	v8 =	vmul.f32 v7, v8;
	_ =	sdelay $0x1  }
0x397: {  	v8 =	vmul.f32 v8, v7;
	_ =	sdelay $0x1  }
0x398: {  	v8 =	vsub.f32 $1.500000000e+00, v8;
	_ =	sdelay $0x1  }
0x399: {  	v7 =	vmul.f32 v8, v7;
	_ =	sdelay $0x1  }
0x39a: {  	v6 =	vmul.f32 v7, v6;
	_ =	sdelay $0x1  }
0x39b: {  	v6 =	vmax.f32 v6, $9.999999970e-07  }
0x39c: {  	(erf) = vrcp.f32 v6;
	_ =	sdelay $0x1  }
.Ltmp4:
0x39d: {  	(pc) =	sbr.rel @p1 .LBB2_10-.Ltmp4, $2  }
0x39e: {  	_ =	sdelay $0x2  }
0x39f: {  	v6 =	vshll.u32 v2, $0x3  }
0x3a0: {  	_ = 	snop  }
0x3a1: {  	v2 =	vor.u32 $0x1, v6  }
0x3a2: {  	v7 =	vor.u32 $0x2, v6;
	v8 =	vpop (erf)  }
0x3a3: {  	v4 =	vmul.f32 v8, v4  }
0x3a4: {  	v5 =	vmul.f32 v8, v5  }
0x3a5: {  	v3 =	vmul.f32 v8, v3;
	[tilespmem:v6+s8+$0x0] =	vst.idx.msk $0xffff, v4  }
0x3a6: {  	[tilespmem:v2+s8+$0x0] =	vst.idx.msk $0xffff, v5  }
0x3a7: {  	s12 =	simm.s32 $0x0;
	s13 =	rddreg [dreg:$0xb];
	[tilespmem:v7+s8+$0x0] =	vst.idx.msk $0xffff, v3  }
0x3a8: {  	[hbm4b:s13+s12] =	stream.linear.scatter [tilespmem:s8], [sflag:$0x4], $0x1400, $0x38;
	[tilespmem:$0xEC10] =	vst v63  }
0x3a9: {  	s15 =	rddreg [dreg:$0xc]  }
0x3aa: {  	[tilespmem:s16], [sflag:$0x2] =	stream.indirect.gather [hbm4b:s3+s29], $0x8, s15, s29, $0xb8;
	[tilespmem:$0xEC10] =	vst v63  }
0x3ab: {  	s15 =	sld [smem:$0x7B8];
	_ =	sdelay $0x2  }
0x3ac: {  	[tilespmem:s17], [sflag:$0x2] =	stream.indirect.gather [hbm4b:s3+s29], $0x8, s15, s29, $0xb8;
	[tilespmem:$0xEC10] =	vst v63  }
0x3ad: {  	s15 =	sld [smem:$0x7B9];
	_ =	sdelay $0x2  }
0x3ae: {  	[tilespmem:s18], [sflag:$0x2] =	stream.indirect.gather [hbm4b:s3+s29], $0x8, s15, s29, $0xb8;
	[tilespmem:$0xEC10] =	vst v63  }
0x3af: {  	s15 =	sld [smem:$0x7BA];
	_ =	sdelay $0x2  }
0x3b0: {  	[tilespmem:s19], [sflag:$0x2] =	stream.indirect.gather [hbm4b:s3+s29], $0x8, s15, s29, $0xb8;
	[tilespmem:$0xEC10] =	vst v63  }
0x3b1: {  	s15 =	sld [smem:$0x7BB];
	_ =	sdelay $0x2  }
0x3b2: {  	[tilespmem:s20], [sflag:$0x2] =	stream.indirect.gather [hbm4b:s3+s29], $0x8, s15, s29, $0xb8;
	[tilespmem:$0xEC10] =	vst v63  }
0x3b3: {  	s15 =	sld [smem:$0x7BC];
	_ =	sdelay $0x2  }
0x3b4: {  	[tilespmem:s21], [sflag:$0x2] =	stream.indirect.gather [hbm4b:s3+s29], $0x8, s15, s29, $0xb8;
	[tilespmem:$0xEC10] =	vst v63  }
0x3b5: {  	s15 =	sld [smem:$0x7BD];
	_ =	sdelay $0x2  }
0x3b6: {  	[tilespmem:s22], [sflag:$0x2] =	stream.indirect.gather [hbm4b:s3+s29], $0x8, s15, s29, $0xb8;
	[tilespmem:$0xEC10] =	vst v63  }
0x3b7: {  	s15 =	sld [smem:$0x7BE];
	_ =	sdelay $0x2  }
0x3b8: {  	[tilespmem:s23], [sflag:$0x2] =	stream.indirect.gather [hbm4b:s3+s29], $0x8, s15, s29, $0xb8;
	[tilespmem:$0xEC10] =	vst v63  }
0x3b9: {  	s15 =	sld [smem:$0x7BF];
	_ =	sdelay $0x2  }
0x3ba: {  	[tilespmem:s24], [sflag:$0x2] =	stream.indirect.gather [hbm4b:s3+s29], $0x8, s15, s29, $0xb8;
	[tilespmem:$0xEC10] =	vst v63  }
0x3bb: {  	s15 =	sld [smem:$0x7C0];
	_ =	sdelay $0x2  }
0x3bc: {  	[tilespmem:s25], [sflag:$0x2] =	stream.indirect.gather [hbm4b:s3+s29], $0x8, s15, s29, $0xb8;
	[tilespmem:$0xEC10] =	vst v63  }
0x3bd: {  	s15 =	sld [smem:$0x7C1];
	_ =	sdelay $0x2  }
0x3be: {  	[tilespmem:s26], [sflag:$0x2] =	stream.indirect.gather [hbm4b:s3+s29], $0x8, s15, s29, $0xb8;
	[tilespmem:$0xEC10] =	vst v63  }
0x3bf: {  	s15 =	sld [smem:$0x7C2];
	_ =	sdelay $0x2  }
0x3c0: {  	[tilespmem:s28], [sflag:$0x2] =	stream.indirect.gather [hbm4b:s3+s29], $0x8, s15, s29, $0xb8;
	[tilespmem:$0xEC10] =	vst v63  }
0x3c1: {  	s15 =	sld [smem:$0x7C3];
	_ =	sdelay $0x2  }
0x3c2: {  	[tilespmem:s31], [sflag:$0x2] =	stream.indirect.gather [hbm4b:s3+s29], $0x8, s15, s29, $0xb8;
	[tilespmem:$0xEC10] =	vst v63  }
0x3c3: {  	s15 =	sld [smem:$0x7C4];
	_ =	sdelay $0x2  }
0x3c4: {  	[tilespmem:s0], [sflag:$0x2] =	stream.indirect.gather [hbm4b:s3+s29], $0x8, s15, s29, $0xb8;
	[tilespmem:$0xEC10] =	vst v63  }
0x3c5: {  	s15 =	sld [smem:$0x7C5];
	_ =	sdelay $0x2  }
0x3c6: {  	[tilespmem:s1], [sflag:$0x2] =	stream.indirect.gather [hbm4b:s3+s29], $0x8, s15, s29, $0xb8;
	[tilespmem:$0xEC10] =	vst v63  }
0x3c7: {  	_ =	swait.ge [sflag:s5], $0x400  }
0x3c8: {  	[sflag:s5] =	ssyncset.done $0x0  }
0x3c9: {  	[sflag:s5] =	ssyncadd.s32 $0xFFFFFC00  }
0x3ca: {  	_ =	swait.ge [sflag:s5], $0x400  }
0x3cb: {  	[sflag:s5] =	ssyncset.done $0x0  }
0x3cc: {  	[sflag:s5] =	ssyncadd.s32 $0xFFFFFC00  }
0x3cd: {  	_ =	swait.ge [sflag:s5], $0x400  }
0x3ce: {  	[sflag:s5] =	ssyncset.done $0x0  }
0x3cf: {  	[sflag:s5] =	ssyncadd.s32 $0xFFFFFC00  }
0x3d0: {  	_ =	swait.ge [sflag:s5], $0x400  }
0x3d1: {  	[sflag:s5] =	ssyncset.done $0x0  }
0x3d2: {  	[sflag:s5] =	ssyncadd.s32 $0xFFFFFC00  }
0x3d3: {  	_ =	swait.ge [sflag:s5], $0x400  }
0x3d4: {  	[sflag:s5] =	ssyncset.done $0x0  }
0x3d5: {  	[sflag:s5] =	ssyncadd.s32 $0xFFFFFC00  }
0x3d6: {  	_ =	swait.ge [sflag:s5], $0x400  }
0x3d7: {  	[sflag:s5] =	ssyncset.done $0x0  }
0x3d8: {  	[sflag:s5] =	ssyncadd.s32 $0xFFFFFC00  }
0x3d9: {  	_ =	swait.ge [sflag:s5], $0x400  }
0x3da: {  	[sflag:s5] =	ssyncset.done $0x0  }
0x3db: {  	[sflag:s5] =	ssyncadd.s32 $0xFFFFFC00  }
0x3dc: {  	_ =	swait.ge [sflag:s5], $0x400  }
0x3dd: {  	[sflag:s5] =	ssyncset.done $0x0  }
0x3de: {  	[sflag:s5] =	ssyncadd.s32 $0xFFFFFC00  }
0x3df: {  	_ =	swait.ge [sflag:s5], $0x400  }
0x3e0: {  	[sflag:s5] =	ssyncset.done $0x0  }
0x3e1: {  	[sflag:s5] =	ssyncadd.s32 $0xFFFFFC00  }
0x3e2: {  	_ =	swait.ge [sflag:s5], $0x400  }
0x3e3: {  	[sflag:s5] =	ssyncset.done $0x0  }
0x3e4: {  	[sflag:s5] =	ssyncadd.s32 $0xFFFFFC00  }
0x3e5: {  	_ =	swait.ge [sflag:s5], $0x400  }
0x3e6: {  	[sflag:s5] =	ssyncset.done $0x0  }
0x3e7: {  	[sflag:s5] =	ssyncadd.s32 $0xFFFFFC00  }
0x3e8: {  	_ =	swait.ge [sflag:s5], $0x400  }
0x3e9: {  	[sflag:s5] =	ssyncset.done $0x0  }
0x3ea: {  	[sflag:s5] =	ssyncadd.s32 $0xFFFFFC00  }
0x3eb: {  	_ =	swait.ge [sflag:s5], $0x400  }
0x3ec: {  	[sflag:s5] =	ssyncset.done $0x0  }
0x3ed: {  	[sflag:s5] =	ssyncadd.s32 $0xFFFFFC00  }
0x3ee: {  	_ =	swait.ge [sflag:s5], $0x400  }
0x3ef: {  	[sflag:s5] =	ssyncset.done $0x0  }
0x3f0: {  	v2 =	vor.u32 s12, v0;
	[sflag:s5] =	ssyncadd.s32 $0xFFFFFC00  }
0x3f1: {  	v3 =	vmul.u32 $0x18, v2;
	_ =	swait.ge [sflag:s5], $0x400  }
0x3f2: {  	[sflag:s5] =	ssyncset.done $0x0  }
0x3f3: {  	v4 =	vor.u32 $0x1, v3;
	[sflag:s5] =	ssyncadd.s32 $0xFFFFFC00  }
0x3f4: {  	v5 =	vadd.s32 $0x12, v3;
	_ =	swait.ge [sflag:s9], $0x1400  }
0x3f5: {  	v6 =	vor.u32 $0x2, v3;
	[sflag:s9] =	ssyncset.done $0x0  }
0x3f6: {  	v7 =	vadd.s32 $0x11, v3;
	[sflag:s9] =	ssyncadd.s32 $0xFFFFEC00  }
0x3f7: {  	v9 =	vadd.s32 $0xA, v3;
	v8 =	vld.idx.msk [tilespmem:v3+s30+$0x0], $0xffff  }
0x3f8: {  	v10 =	vadd.s32 $0x8, v3;
	v4 =	vld.idx.msk [tilespmem:v4+s30+$0x0], $0xffff  }
0x3f9: {  	v11 =	vadd.s32 $0x9, v3;
	v5 =	vld.idx.msk [tilespmem:v5+s30+$0x0], $0xffff  }
0x3fa: {  	v3 =	vadd.s32 $0x10, v3;
	v6 =	vld.idx.msk [tilespmem:v6+s30+$0x0], $0xffff  }
0x3fb: {  	v7 =	vld.idx.msk [tilespmem:v7+s30+$0x0], $0xffff  }
0x3fc: {  	v9 =	vld.idx.msk [tilespmem:v9+s30+$0x0], $0xffff  }
0x3fd: {  	v10 =	vld.idx.msk [tilespmem:v10+s30+$0x0], $0xffff  }
0x3fe: {  	v11 =	vld.idx.msk [tilespmem:v11+s30+$0x0], $0xffff  }
0x3ff: {  	v3 =	vld.idx.msk [tilespmem:v3+s30+$0x0], $0xffff;
	_ =	sdelay $0x2  }
0x400: {  	v9 =	vsub.f32 v9, v6;
	v7 =	vsub.f32 v7, v4  }
0x401: {  	v10 =	vsub.f32 v10, v8;
	v5 =	vsub.f32 v5, v6  }
0x402: {  	v4 =	vsub.f32 v11, v4;
	v3 =	vsub.f32 v3, v8  }
0x403: {  	v6 =	vmul.f32 v7, v9;
	v8 =	vmul.f32 v5, v10  }
0x404: {  	v5 =	vmul.f32 v5, v4;
	v9 =	vmul.f32 v3, v9  }
0x405: {  	v7 =	vmul.f32 v7, v10  }
0x406: {  	v3 =	vmul.f32 v3, v4;
	v4 =	vsub.f32 v5, v6;
	v5 =	vsub.f32 v9, v8;
	_ =	sdelay $0x1  }
0x407: {  	v3 =	vsub.f32 v7, v3;
	v6 =	vmul.f32 v4, v4;
	v7 =	vmul.f32 v5, v5;
	_ =	sdelay $0x1  }
0x408: {  	v8 =	vmul.f32 v3, v3;
	v6 =	vadd.f32 v7, v6;
	_ =	sdelay $0x1  }
0x409: {  	v6 =	vadd.f32 v6, v8;
	_ =	sdelay $0x1  }
0x40a: {  	v7 =	vshrl.u32 v6, $0x1;
	v8 =	vmul.f32 $5.000000000e-01, v6  }
0x40b: {  	v7 =	vsub.s32 $0x5F3759DF, v7  }
0x40c: {  	v63 =	vmul.f32 v7, v8;
	_ =	sdelay $0x1  }
0x40d: {  	v9 =	vmul.f32 v7, v63;
	_ =	sdelay $0x1  }
0x40e: {  	v9 =	vsub.f32 $1.500000000e+00, v9;
	_ =	sdelay $0x1  }
0x40f: {  	v7 =	vmul.f32 v7, v9;
	_ =	sdelay $0x1  }
0x410: {  	v9 =	vmul.f32 v7, v8;
	_ =	sdelay $0x1  }
0x411: {  	v9 =	vmul.f32 v9, v7;
	_ =	sdelay $0x1  }
0x412: {  	v9 =	vsub.f32 $1.500000000e+00, v9;
	_ =	sdelay $0x1  }
0x413: {  	v7 =	vmul.f32 v9, v7;
	_ =	sdelay $0x1  }
0x414: {  	v8 =	vmul.f32 v7, v8;
	_ =	sdelay $0x1  }
0x415: {  	v8 =	vmul.f32 v8, v7;
	_ =	sdelay $0x1  }
0x416: {  	v8 =	vsub.f32 $1.500000000e+00, v8;
	_ =	sdelay $0x1  }
0x417: {  	v7 =	vmul.f32 v8, v7;
	_ =	sdelay $0x1  }
0x418: {  	v6 =	vmul.f32 v7, v6;
	_ =	sdelay $0x1  }
0x419: {  	v6 =	vmax.f32 v6, $9.999999970e-07  }
0x41a: {  	(erf) = vrcp.f32 v6;
	_ =	sdelay $0x5  }
0x41b: {  	s12 =	simm.s32 $0x10;
	v6 =	vshll.u32 v2, $0x3  }
.LBB2_12:
0x41c: {  	p1 =	sne.s32 s12, $0x270;
	v7 =	vor.u32 $0x1, v6;
	s13 =	smov.u32 s12;
	s12 =	sadd.s32 $0x10, s12  }
0x41d: {  	v8 =	vor.u32 $0x2, v6;
	v2 =	vor.u32 s13, v0  }
0x41e: {  	v9 =	vmul.u32 $0x18, v2;
	v10 =	vpop (erf)  }
0x41f: {  	v4 =	vmul.f32 v10, v4;
	v5 =	vmul.f32 v10, v5  }
0x420: {  	v3 =	vmul.f32 v10, v3;
	v11 =	vor.u32 $0x1, v9;
	v12 =	vor.u32 $0x2, v9  }
0x421: {  	v10 =	vadd.s32 $0x8, v9;
	v13 =	vadd.s32 $0x9, v9;
	v14 =	vadd.s32 $0x12, v9;
	[tilespmem:v6+s6+$0x0] =	vst.idx.msk $0xffff, v4  }
0x422: {  	v4 =	vadd.s32 $0x10, v9;
	v6 =	vadd.s32 $0x11, v9;
	[tilespmem:v7+s6+$0x0] =	vst.idx.msk $0xffff, v5  }
0x423: {  	[tilespmem:v8+s6+$0x0] =	vst.idx.msk $0xffff, v3  }
0x424: {  	v5 =	vadd.s32 $0xA, v9;
	v3 =	vld.idx.msk [tilespmem:v9+s30+$0x0], $0xffff  }
0x425: {  	v7 =	vld.idx.msk [tilespmem:v11+s30+$0x0], $0xffff  }
0x426: {  	v8 =	vld.idx.msk [tilespmem:v14+s30+$0x0], $0xffff  }
0x427: {  	v9 =	vld.idx.msk [tilespmem:v12+s30+$0x0], $0xffff  }
0x428: {  	v6 =	vld.idx.msk [tilespmem:v6+s30+$0x0], $0xffff  }
0x429: {  	v5 =	vld.idx.msk [tilespmem:v5+s30+$0x0], $0xffff  }
0x42a: {  	v10 =	vld.idx.msk [tilespmem:v10+s30+$0x0], $0xffff  }
0x42b: {  	v11 =	vld.idx.msk [tilespmem:v13+s30+$0x0], $0xffff  }
0x42c: {  	v4 =	vld.idx.msk [tilespmem:v4+s30+$0x0], $0xffff;
	_ =	sdelay $0x2  }
0x42d: {  	v6 =	vsub.f32 v6, v7;
	v5 =	vsub.f32 v5, v9  }
0x42e: {  	v8 =	vsub.f32 v8, v9;
	v10 =	vsub.f32 v10, v3  }
0x42f: {  	v7 =	vsub.f32 v11, v7;
	v9 =	vmul.f32 v6, v5  }
0x430: {  	v3 =	vsub.f32 v4, v3;
	v11 =	vmul.f32 v8, v10;
	v6 =	vmul.f32 v6, v10  }
0x431: {  	v4 =	vmul.f32 v8, v7  }
0x432: {  	v5 =	vmul.f32 v3, v5;
	v3 =	vmul.f32 v3, v7  }
0x433: {  	v4 =	vsub.f32 v4, v9  }
0x434: {  	v5 =	vsub.f32 v5, v11;
	v3 =	vsub.f32 v6, v3  }
0x435: {  	v6 =	vmul.f32 v4, v4  }
0x436: {  	v7 =	vmul.f32 v5, v5  }
0x437: {  	v8 =	vmul.f32 v3, v3  }
0x438: {  	v6 =	vadd.f32 v7, v6;
	_ =	sdelay $0x1  }
0x439: {  	v6 =	vadd.f32 v6, v8;
	_ =	sdelay $0x1  }
0x43a: {  	v7 =	vshrl.u32 v6, $0x1;
	v8 =	vmul.f32 $5.000000000e-01, v6  }
0x43b: {  	v7 =	vsub.s32 $0x5F3759DF, v7  }
0x43c: {  	v9 =	vmul.f32 v7, v8;
	_ =	sdelay $0x1  }
0x43d: {  	v9 =	vmul.f32 v7, v9;
	_ =	sdelay $0x1  }
0x43e: {  	v9 =	vsub.f32 $1.500000000e+00, v9;
	_ =	sdelay $0x1  }
0x43f: {  	v7 =	vmul.f32 v7, v9;
	_ =	sdelay $0x1  }
0x440: {  	v9 =	vmul.f32 v7, v8;
	_ =	sdelay $0x1  }
0x441: {  	v9 =	vmul.f32 v9, v7;
	_ =	sdelay $0x1  }
0x442: {  	v9 =	vsub.f32 $1.500000000e+00, v9;
	_ =	sdelay $0x1  }
0x443: {  	v7 =	vmul.f32 v9, v7;
	_ =	sdelay $0x1  }
0x444: {  	v8 =	vmul.f32 v7, v8;
	_ =	sdelay $0x1  }
0x445: {  	v8 =	vmul.f32 v8, v7;
	_ =	sdelay $0x1  }
0x446: {  	v8 =	vsub.f32 $1.500000000e+00, v8;
	_ =	sdelay $0x1  }
0x447: {  	v7 =	vmul.f32 v8, v7;
	_ =	sdelay $0x1  }
0x448: {  	v6 =	vmul.f32 v7, v6;
	_ =	sdelay $0x1  }
0x449: {  	v6 =	vmax.f32 v6, $9.999999970e-07  }
0x44a: {  	(erf) = vrcp.f32 v6;
	_ =	sdelay $0x1  }
.Ltmp5:
0x44b: {  	(pc) =	sbr.rel @p1 .LBB2_12-.Ltmp5, $2  }
0x44c: {  	_ =	sdelay $0x2  }
0x44d: {  	v6 =	vshll.u32 v2, $0x3  }
0x44e: {  	_ = 	snop  }
0x44f: {  	v2 =	vor.u32 $0x1, v6  }
0x450: {  	v7 =	vor.u32 $0x2, v6;
	v8 =	vpop (erf)  }
0x451: {  	v4 =	vmul.f32 v8, v4  }
0x452: {  	v5 =	vmul.f32 v8, v5  }
0x453: {  	v3 =	vmul.f32 v8, v3;
	[tilespmem:v6+s6+$0x0] =	vst.idx.msk $0xffff, v4  }
0x454: {  	[tilespmem:v2+s6+$0x0] =	vst.idx.msk $0xffff, v5  }
0x455: {  	s12 =	simm.s32 $0x0;
	s13 =	rddreg [dreg:$0xd];
	[tilespmem:v7+s6+$0x0] =	vst.idx.msk $0xffff, v3  }
0x456: {  	[hbm4b:s13+s12] =	stream.linear.scatter [tilespmem:s6], [sflag:$0x3], $0x1400, $0x38;
	[tilespmem:$0xEC10] =	vst v63  }
0x457: {  	s15 =	rddreg [dreg:$0xe]  }
0x458: {  	[tilespmem:s30], [sflag:$0x1] =	stream.indirect.gather [hbm4b:s3+s29], $0x8, s15, s29, $0xb8;
	[tilespmem:$0xEC10] =	vst v63  }
0x459: {  	s15 =	sld [smem:$0x7C6];
	_ =	sdelay $0x1  }
0x45a: {  	s13 =	sld [smem:$0x7C7]  }
0x45b: {  	[tilespmem:s14], [sflag:$0x1] =	stream.indirect.gather [hbm4b:s3+s29], $0x8, s15, s29, $0xb8;
	[tilespmem:$0xEC10] =	vst v63  }
0x45c: {  	s15 =	simm.s32 $0x5410  }
0x45d: {  	[tilespmem:s15], [sflag:$0x1] =	stream.indirect.gather [hbm4b:s3+s29], $0x8, s13, s29, $0xb8;
	[tilespmem:$0xEC10] =	vst v63  }
0x45e: {  	s13 =	sld [smem:$0x7C8];
	_ =	sdelay $0x1  }
0x45f: {  	s15 =	simm.s32 $0x5810  }
0x460: {  	[tilespmem:s15], [sflag:$0x1] =	stream.indirect.gather [hbm4b:s3+s29], $0x8, s13, s29, $0xb8;
	[tilespmem:$0xEC10] =	vst v63  }
0x461: {  	s13 =	sld [smem:$0x7C9];
	_ =	sdelay $0x1  }
0x462: {  	s15 =	simm.s32 $0x5C10  }
0x463: {  	[tilespmem:s15], [sflag:$0x1] =	stream.indirect.gather [hbm4b:s3+s29], $0x8, s13, s29, $0xb8;
	[tilespmem:$0xEC10] =	vst v63  }
0x464: {  	s13 =	sld [smem:$0x7CA];
	_ =	sdelay $0x1  }
0x465: {  	s15 =	simm.s32 $0x6010  }
0x466: {  	[tilespmem:s15], [sflag:$0x1] =	stream.indirect.gather [hbm4b:s3+s29], $0x8, s13, s29, $0xb8;
	[tilespmem:$0xEC10] =	vst v63  }
0x467: {  	s13 =	sld [smem:$0x7CB];
	_ =	sdelay $0x1  }
0x468: {  	s15 =	simm.s32 $0x6410  }
0x469: {  	[tilespmem:s15], [sflag:$0x1] =	stream.indirect.gather [hbm4b:s3+s29], $0x8, s13, s29, $0xb8;
	[tilespmem:$0xEC10] =	vst v63  }
0x46a: {  	s13 =	sld [smem:$0x7CC];
	_ =	sdelay $0x1  }
0x46b: {  	s15 =	simm.s32 $0x6810  }
0x46c: {  	[tilespmem:s15], [sflag:$0x1] =	stream.indirect.gather [hbm4b:s3+s29], $0x8, s13, s29, $0xb8;
	[tilespmem:$0xEC10] =	vst v63  }
0x46d: {  	s13 =	sld [smem:$0x7CD];
	_ =	sdelay $0x1  }
0x46e: {  	s15 =	simm.s32 $0x6C10  }
0x46f: {  	[tilespmem:s15], [sflag:$0x1] =	stream.indirect.gather [hbm4b:s3+s29], $0x8, s13, s29, $0xb8;
	[tilespmem:$0xEC10] =	vst v63  }
0x470: {  	s13 =	sld [smem:$0x7CE];
	_ =	sdelay $0x1  }
0x471: {  	s15 =	simm.s32 $0x7010  }
0x472: {  	[tilespmem:s15], [sflag:$0x1] =	stream.indirect.gather [hbm4b:s3+s29], $0x8, s13, s29, $0xb8;
	[tilespmem:$0xEC10] =	vst v63  }
0x473: {  	s13 =	sld [smem:$0x7CF];
	_ =	sdelay $0x1  }
0x474: {  	s15 =	simm.s32 $0x7410  }
0x475: {  	[tilespmem:s15], [sflag:$0x1] =	stream.indirect.gather [hbm4b:s3+s29], $0x8, s13, s29, $0xb8;
	[tilespmem:$0xEC10] =	vst v63  }
0x476: {  	s13 =	sld [smem:$0x7D0];
	_ =	sdelay $0x1  }
0x477: {  	s15 =	simm.s32 $0x7810  }
0x478: {  	[tilespmem:s15], [sflag:$0x1] =	stream.indirect.gather [hbm4b:s3+s29], $0x8, s13, s29, $0xb8;
	[tilespmem:$0xEC10] =	vst v63  }
0x479: {  	s13 =	sld [smem:$0x7D1];
	_ =	sdelay $0x1  }
0x47a: {  	s15 =	simm.s32 $0x7C10  }
0x47b: {  	[tilespmem:s15], [sflag:$0x1] =	stream.indirect.gather [hbm4b:s3+s29], $0x8, s13, s29, $0xb8;
	[tilespmem:$0xEC10] =	vst v63  }
0x47c: {  	s13 =	sld [smem:$0x7D2];
	_ =	sdelay $0x1  }
0x47d: {  	s15 =	simm.s32 $0x8010  }
0x47e: {  	[tilespmem:s15], [sflag:$0x1] =	stream.indirect.gather [hbm4b:s3+s29], $0x8, s13, s29, $0xb8;
	[tilespmem:$0xEC10] =	vst v63  }
0x47f: {  	s13 =	sld [smem:$0x7D3];
	_ =	sdelay $0x1  }
0x480: {  	s15 =	simm.s32 $0x8410  }
0x481: {  	[tilespmem:s15], [sflag:$0x1] =	stream.indirect.gather [hbm4b:s3+s29], $0x8, s13, s29, $0xb8;
	[tilespmem:$0xEC10] =	vst v63  }
0x482: {  	_ =	swait.ge [sflag:s7], $0x400  }
0x483: {  	[sflag:s7] =	ssyncset.done $0x0  }
0x484: {  	[sflag:s7] =	ssyncadd.s32 $0xFFFFFC00  }
0x485: {  	_ =	swait.ge [sflag:s7], $0x400  }
0x486: {  	[sflag:s7] =	ssyncset.done $0x0  }
0x487: {  	[sflag:s7] =	ssyncadd.s32 $0xFFFFFC00  }
0x488: {  	_ =	swait.ge [sflag:s7], $0x400  }
0x489: {  	[sflag:s7] =	ssyncset.done $0x0  }
0x48a: {  	[sflag:s7] =	ssyncadd.s32 $0xFFFFFC00  }
0x48b: {  	_ =	swait.ge [sflag:s7], $0x400  }
0x48c: {  	[sflag:s7] =	ssyncset.done $0x0  }
0x48d: {  	[sflag:s7] =	ssyncadd.s32 $0xFFFFFC00  }
0x48e: {  	_ =	swait.ge [sflag:s7], $0x400  }
0x48f: {  	[sflag:s7] =	ssyncset.done $0x0  }
0x490: {  	[sflag:s7] =	ssyncadd.s32 $0xFFFFFC00  }
0x491: {  	_ =	swait.ge [sflag:s7], $0x400  }
0x492: {  	[sflag:s7] =	ssyncset.done $0x0  }
0x493: {  	[sflag:s7] =	ssyncadd.s32 $0xFFFFFC00  }
0x494: {  	_ =	swait.ge [sflag:s7], $0x400  }
0x495: {  	[sflag:s7] =	ssyncset.done $0x0  }
0x496: {  	[sflag:s7] =	ssyncadd.s32 $0xFFFFFC00  }
0x497: {  	_ =	swait.ge [sflag:s7], $0x400  }
0x498: {  	[sflag:s7] =	ssyncset.done $0x0  }
0x499: {  	[sflag:s7] =	ssyncadd.s32 $0xFFFFFC00  }
0x49a: {  	_ =	swait.ge [sflag:s7], $0x400  }
0x49b: {  	[sflag:s7] =	ssyncset.done $0x0  }
0x49c: {  	[sflag:s7] =	ssyncadd.s32 $0xFFFFFC00  }
0x49d: {  	_ =	swait.ge [sflag:s7], $0x400  }
0x49e: {  	[sflag:s7] =	ssyncset.done $0x0  }
0x49f: {  	[sflag:s7] =	ssyncadd.s32 $0xFFFFFC00  }
0x4a0: {  	_ =	swait.ge [sflag:s7], $0x400  }
0x4a1: {  	[sflag:s7] =	ssyncset.done $0x0  }
0x4a2: {  	[sflag:s7] =	ssyncadd.s32 $0xFFFFFC00  }
0x4a3: {  	_ =	swait.ge [sflag:s7], $0x400  }
0x4a4: {  	[sflag:s7] =	ssyncset.done $0x0  }
0x4a5: {  	[sflag:s7] =	ssyncadd.s32 $0xFFFFFC00  }
0x4a6: {  	_ =	swait.ge [sflag:s7], $0x400  }
0x4a7: {  	[sflag:s7] =	ssyncset.done $0x0  }
0x4a8: {  	[sflag:s7] =	ssyncadd.s32 $0xFFFFFC00  }
0x4a9: {  	_ =	swait.ge [sflag:s7], $0x400  }
0x4aa: {  	[sflag:s7] =	ssyncset.done $0x0  }
0x4ab: {  	v2 =	vor.u32 s12, v0;
	[sflag:s7] =	ssyncadd.s32 $0xFFFFFC00  }
0x4ac: {  	v3 =	vmul.u32 $0x18, v2;
	_ =	swait.ge [sflag:s7], $0x400  }
0x4ad: {  	[sflag:s7] =	ssyncset.done $0x0  }
0x4ae: {  	v4 =	vor.u32 $0x1, v3;
	[sflag:s7] =	ssyncadd.s32 $0xFFFFFC00  }
0x4af: {  	v5 =	vadd.s32 $0x12, v3;
	_ =	swait.ge [sflag:s10], $0x1400  }
0x4b0: {  	v6 =	vor.u32 $0x2, v3;
	[sflag:s10] =	ssyncset.done $0x0  }
0x4b1: {  	v7 =	vadd.s32 $0x11, v3;
	[sflag:s10] =	ssyncadd.s32 $0xFFFFEC00  }
0x4b2: {  	v9 =	vadd.s32 $0xA, v3;
	v8 =	vld.idx.msk [tilespmem:v3+s16+$0x0], $0xffff  }
0x4b3: {  	v10 =	vadd.s32 $0x8, v3;
	v4 =	vld.idx.msk [tilespmem:v4+s16+$0x0], $0xffff  }
0x4b4: {  	v11 =	vadd.s32 $0x9, v3;
	v5 =	vld.idx.msk [tilespmem:v5+s16+$0x0], $0xffff  }
0x4b5: {  	v3 =	vadd.s32 $0x10, v3;
	v6 =	vld.idx.msk [tilespmem:v6+s16+$0x0], $0xffff  }
0x4b6: {  	v7 =	vld.idx.msk [tilespmem:v7+s16+$0x0], $0xffff  }
0x4b7: {  	v9 =	vld.idx.msk [tilespmem:v9+s16+$0x0], $0xffff  }
0x4b8: {  	v10 =	vld.idx.msk [tilespmem:v10+s16+$0x0], $0xffff  }
0x4b9: {  	v11 =	vld.idx.msk [tilespmem:v11+s16+$0x0], $0xffff  }
0x4ba: {  	v3 =	vld.idx.msk [tilespmem:v3+s16+$0x0], $0xffff;
	_ =	sdelay $0x2  }
0x4bb: {  	v9 =	vsub.f32 v9, v6;
	v7 =	vsub.f32 v7, v4  }
0x4bc: {  	v10 =	vsub.f32 v10, v8;
	v5 =	vsub.f32 v5, v6  }
0x4bd: {  	v4 =	vsub.f32 v11, v4;
	v3 =	vsub.f32 v3, v8  }
0x4be: {  	v6 =	vmul.f32 v7, v9;
	v8 =	vmul.f32 v5, v10  }
0x4bf: {  	v5 =	vmul.f32 v5, v4;
	v9 =	vmul.f32 v3, v9  }
0x4c0: {  	v7 =	vmul.f32 v7, v10  }
0x4c1: {  	v3 =	vmul.f32 v3, v4;
	v4 =	vsub.f32 v5, v6;
	v5 =	vsub.f32 v9, v8;
	_ =	sdelay $0x1  }
0x4c2: {  	v3 =	vsub.f32 v7, v3;
	v6 =	vmul.f32 v4, v4;
	v7 =	vmul.f32 v5, v5;
	_ =	sdelay $0x1  }
0x4c3: {  	v8 =	vmul.f32 v3, v3;
	v6 =	vadd.f32 v7, v6;
	_ =	sdelay $0x1  }
0x4c4: {  	v6 =	vadd.f32 v6, v8;
	_ =	sdelay $0x1  }
0x4c5: {  	v7 =	vshrl.u32 v6, $0x1;
	v8 =	vmul.f32 $5.000000000e-01, v6  }
0x4c6: {  	v7 =	vsub.s32 $0x5F3759DF, v7  }
0x4c7: {  	v63 =	vmul.f32 v7, v8;
	_ =	sdelay $0x1  }
0x4c8: {  	v9 =	vmul.f32 v7, v63;
	_ =	sdelay $0x1  }
0x4c9: {  	v9 =	vsub.f32 $1.500000000e+00, v9;
	_ =	sdelay $0x1  }
0x4ca: {  	v7 =	vmul.f32 v7, v9;
	_ =	sdelay $0x1  }
0x4cb: {  	v9 =	vmul.f32 v7, v8;
	_ =	sdelay $0x1  }
0x4cc: {  	v9 =	vmul.f32 v9, v7;
	_ =	sdelay $0x1  }
0x4cd: {  	v9 =	vsub.f32 $1.500000000e+00, v9;
	_ =	sdelay $0x1  }
0x4ce: {  	v7 =	vmul.f32 v9, v7;
	_ =	sdelay $0x1  }
0x4cf: {  	v8 =	vmul.f32 v7, v8;
	_ =	sdelay $0x1  }
0x4d0: {  	v8 =	vmul.f32 v8, v7;
	_ =	sdelay $0x1  }
0x4d1: {  	v8 =	vsub.f32 $1.500000000e+00, v8;
	_ =	sdelay $0x1  }
0x4d2: {  	v7 =	vmul.f32 v8, v7;
	_ =	sdelay $0x1  }
0x4d3: {  	v6 =	vmul.f32 v7, v6;
	_ =	sdelay $0x1  }
0x4d4: {  	v6 =	vmax.f32 v6, $9.999999970e-07  }
0x4d5: {  	(erf) = vrcp.f32 v6;
	_ =	sdelay $0x5  }
0x4d6: {  	s12 =	simm.s32 $0x10;
	v6 =	vshll.u32 v2, $0x3  }
.LBB2_14:
0x4d7: {  	p1 =	sne.s32 s12, $0x270;
	v7 =	vor.u32 $0x1, v6;
	s13 =	smov.u32 s12;
	s12 =	sadd.s32 $0x10, s12  }
0x4d8: {  	v8 =	vor.u32 $0x2, v6;
	v2 =	vor.u32 s13, v0  }
0x4d9: {  	v9 =	vmul.u32 $0x18, v2;
	v10 =	vpop (erf)  }
0x4da: {  	v4 =	vmul.f32 v10, v4;
	v5 =	vmul.f32 v10, v5  }
0x4db: {  	v3 =	vmul.f32 v10, v3;
	v11 =	vor.u32 $0x1, v9;
	v12 =	vor.u32 $0x2, v9  }
0x4dc: {  	v10 =	vadd.s32 $0x8, v9;
	v13 =	vadd.s32 $0x9, v9;
	v14 =	vadd.s32 $0x12, v9;
	[tilespmem:v6+s8+$0x0] =	vst.idx.msk $0xffff, v4  }
0x4dd: {  	v4 =	vadd.s32 $0x10, v9;
	v6 =	vadd.s32 $0x11, v9;
	[tilespmem:v7+s8+$0x0] =	vst.idx.msk $0xffff, v5  }
0x4de: {  	[tilespmem:v8+s8+$0x0] =	vst.idx.msk $0xffff, v3  }
0x4df: {  	v5 =	vadd.s32 $0xA, v9;
	v3 =	vld.idx.msk [tilespmem:v9+s16+$0x0], $0xffff  }
0x4e0: {  	v7 =	vld.idx.msk [tilespmem:v11+s16+$0x0], $0xffff  }
0x4e1: {  	v8 =	vld.idx.msk [tilespmem:v14+s16+$0x0], $0xffff  }
0x4e2: {  	v9 =	vld.idx.msk [tilespmem:v12+s16+$0x0], $0xffff  }
0x4e3: {  	v6 =	vld.idx.msk [tilespmem:v6+s16+$0x0], $0xffff  }
0x4e4: {  	v5 =	vld.idx.msk [tilespmem:v5+s16+$0x0], $0xffff  }
0x4e5: {  	v10 =	vld.idx.msk [tilespmem:v10+s16+$0x0], $0xffff  }
0x4e6: {  	v11 =	vld.idx.msk [tilespmem:v13+s16+$0x0], $0xffff  }
0x4e7: {  	v4 =	vld.idx.msk [tilespmem:v4+s16+$0x0], $0xffff;
	_ =	sdelay $0x2  }
0x4e8: {  	v6 =	vsub.f32 v6, v7;
	v5 =	vsub.f32 v5, v9  }
0x4e9: {  	v8 =	vsub.f32 v8, v9;
	v10 =	vsub.f32 v10, v3  }
0x4ea: {  	v7 =	vsub.f32 v11, v7;
	v9 =	vmul.f32 v6, v5  }
0x4eb: {  	v3 =	vsub.f32 v4, v3;
	v11 =	vmul.f32 v8, v10;
	v6 =	vmul.f32 v6, v10  }
0x4ec: {  	v4 =	vmul.f32 v8, v7  }
0x4ed: {  	v5 =	vmul.f32 v3, v5;
	v3 =	vmul.f32 v3, v7  }
0x4ee: {  	v4 =	vsub.f32 v4, v9  }
0x4ef: {  	v5 =	vsub.f32 v5, v11;
	v3 =	vsub.f32 v6, v3  }
0x4f0: {  	v6 =	vmul.f32 v4, v4  }
0x4f1: {  	v7 =	vmul.f32 v5, v5  }
0x4f2: {  	v8 =	vmul.f32 v3, v3  }
0x4f3: {  	v6 =	vadd.f32 v7, v6;
	_ =	sdelay $0x1  }
0x4f4: {  	v6 =	vadd.f32 v6, v8;
	_ =	sdelay $0x1  }
0x4f5: {  	v7 =	vshrl.u32 v6, $0x1;
	v8 =	vmul.f32 $5.000000000e-01, v6  }
0x4f6: {  	v7 =	vsub.s32 $0x5F3759DF, v7  }
0x4f7: {  	v9 =	vmul.f32 v7, v8;
	_ =	sdelay $0x1  }
0x4f8: {  	v9 =	vmul.f32 v7, v9;
	_ =	sdelay $0x1  }
0x4f9: {  	v9 =	vsub.f32 $1.500000000e+00, v9;
	_ =	sdelay $0x1  }
0x4fa: {  	v7 =	vmul.f32 v7, v9;
	_ =	sdelay $0x1  }
0x4fb: {  	v9 =	vmul.f32 v7, v8;
	_ =	sdelay $0x1  }
0x4fc: {  	v9 =	vmul.f32 v9, v7;
	_ =	sdelay $0x1  }
0x4fd: {  	v9 =	vsub.f32 $1.500000000e+00, v9;
	_ =	sdelay $0x1  }
0x4fe: {  	v7 =	vmul.f32 v9, v7;
	_ =	sdelay $0x1  }
0x4ff: {  	v8 =	vmul.f32 v7, v8;
	_ =	sdelay $0x1  }
0x500: {  	v8 =	vmul.f32 v8, v7;
	_ =	sdelay $0x1  }
0x501: {  	v8 =	vsub.f32 $1.500000000e+00, v8;
	_ =	sdelay $0x1  }
0x502: {  	v7 =	vmul.f32 v8, v7;
	_ =	sdelay $0x1  }
0x503: {  	v6 =	vmul.f32 v7, v6;
	_ =	sdelay $0x1  }
0x504: {  	v6 =	vmax.f32 v6, $9.999999970e-07  }
0x505: {  	(erf) = vrcp.f32 v6;
	_ =	sdelay $0x1  }
.Ltmp6:
0x506: {  	(pc) =	sbr.rel @p1 .LBB2_14-.Ltmp6, $2  }
0x507: {  	_ =	sdelay $0x2  }
0x508: {  	v6 =	vshll.u32 v2, $0x3  }
0x509: {  	_ = 	snop  }
0x50a: {  	v2 =	vor.u32 $0x1, v6  }
0x50b: {  	v7 =	vor.u32 $0x2, v6;
	v8 =	vpop (erf)  }
0x50c: {  	v4 =	vmul.f32 v8, v4  }
0x50d: {  	v5 =	vmul.f32 v8, v5  }
0x50e: {  	v3 =	vmul.f32 v8, v3;
	[tilespmem:v6+s8+$0x0] =	vst.idx.msk $0xffff, v4  }
0x50f: {  	[tilespmem:v2+s8+$0x0] =	vst.idx.msk $0xffff, v5  }
0x510: {  	s12 =	simm.s32 $0x0;
	s13 =	rddreg [dreg:$0xf];
	[tilespmem:v7+s8+$0x0] =	vst.idx.msk $0xffff, v3  }
0x511: {  	[hbm4b:s13+s12] =	stream.linear.scatter [tilespmem:s8], [sflag:$0x4], $0x1400, $0x38;
	[tilespmem:$0xEC10] =	vst v63  }
0x512: {  	s15 =	rddreg [dreg:$0x10]  }
0x513: {  	[tilespmem:s16], [sflag:$0x2] =	stream.indirect.gather [hbm4b:s3+s29], $0x8, s15, s29, $0xb8;
	[tilespmem:$0xEC10] =	vst v63  }
0x514: {  	s15 =	sld [smem:$0x7D4];
	_ =	sdelay $0x2  }
0x515: {  	[tilespmem:s17], [sflag:$0x2] =	stream.indirect.gather [hbm4b:s3+s29], $0x8, s15, s29, $0xb8;
	[tilespmem:$0xEC10] =	vst v63  }
0x516: {  	s15 =	sld [smem:$0x7D5];
	_ =	sdelay $0x2  }
0x517: {  	[tilespmem:s18], [sflag:$0x2] =	stream.indirect.gather [hbm4b:s3+s29], $0x8, s15, s29, $0xb8;
	[tilespmem:$0xEC10] =	vst v63  }
0x518: {  	s15 =	sld [smem:$0x7D6];
	_ =	sdelay $0x2  }
0x519: {  	[tilespmem:s19], [sflag:$0x2] =	stream.indirect.gather [hbm4b:s3+s29], $0x8, s15, s29, $0xb8;
	[tilespmem:$0xEC10] =	vst v63  }
0x51a: {  	s15 =	sld [smem:$0x7D7];
	_ =	sdelay $0x2  }
0x51b: {  	[tilespmem:s20], [sflag:$0x2] =	stream.indirect.gather [hbm4b:s3+s29], $0x8, s15, s29, $0xb8;
	[tilespmem:$0xEC10] =	vst v63  }
0x51c: {  	s15 =	sld [smem:$0x7D8];
	_ =	sdelay $0x2  }
0x51d: {  	[tilespmem:s21], [sflag:$0x2] =	stream.indirect.gather [hbm4b:s3+s29], $0x8, s15, s29, $0xb8;
	[tilespmem:$0xEC10] =	vst v63  }
0x51e: {  	s15 =	sld [smem:$0x7D9];
	_ =	sdelay $0x2  }
0x51f: {  	[tilespmem:s22], [sflag:$0x2] =	stream.indirect.gather [hbm4b:s3+s29], $0x8, s15, s29, $0xb8;
	[tilespmem:$0xEC10] =	vst v63  }
0x520: {  	s15 =	sld [smem:$0x7DA];
	_ =	sdelay $0x2  }
0x521: {  	[tilespmem:s23], [sflag:$0x2] =	stream.indirect.gather [hbm4b:s3+s29], $0x8, s15, s29, $0xb8;
	[tilespmem:$0xEC10] =	vst v63  }
0x522: {  	s15 =	sld [smem:$0x7DB];
	_ =	sdelay $0x2  }
0x523: {  	[tilespmem:s24], [sflag:$0x2] =	stream.indirect.gather [hbm4b:s3+s29], $0x8, s15, s29, $0xb8;
	[tilespmem:$0xEC10] =	vst v63  }
0x524: {  	s15 =	sld [smem:$0x7DC];
	_ =	sdelay $0x2  }
0x525: {  	[tilespmem:s25], [sflag:$0x2] =	stream.indirect.gather [hbm4b:s3+s29], $0x8, s15, s29, $0xb8;
	[tilespmem:$0xEC10] =	vst v63  }
0x526: {  	s15 =	sld [smem:$0x7DD];
	_ =	sdelay $0x2  }
0x527: {  	[tilespmem:s26], [sflag:$0x2] =	stream.indirect.gather [hbm4b:s3+s29], $0x8, s15, s29, $0xb8;
	[tilespmem:$0xEC10] =	vst v63  }
0x528: {  	s15 =	sld [smem:$0x7DE];
	_ =	sdelay $0x2  }
0x529: {  	[tilespmem:s28], [sflag:$0x2] =	stream.indirect.gather [hbm4b:s3+s29], $0x8, s15, s29, $0xb8;
	[tilespmem:$0xEC10] =	vst v63  }
0x52a: {  	s15 =	sld [smem:$0x7DF];
	_ =	sdelay $0x2  }
0x52b: {  	[tilespmem:s31], [sflag:$0x2] =	stream.indirect.gather [hbm4b:s3+s29], $0x8, s15, s29, $0xb8;
	[tilespmem:$0xEC10] =	vst v63  }
0x52c: {  	s15 =	sld [smem:$0x7E0];
	_ =	sdelay $0x2  }
0x52d: {  	[tilespmem:s0], [sflag:$0x2] =	stream.indirect.gather [hbm4b:s3+s29], $0x8, s15, s29, $0xb8;
	[tilespmem:$0xEC10] =	vst v63  }
0x52e: {  	s15 =	sld [smem:$0x7E1];
	_ =	sdelay $0x2  }
0x52f: {  	[tilespmem:s1], [sflag:$0x2] =	stream.indirect.gather [hbm4b:s3+s29], $0x8, s15, s29, $0xb8;
	[tilespmem:$0xEC10] =	vst v63  }
0x530: {  	_ =	swait.ge [sflag:s5], $0x400  }
0x531: {  	[sflag:s5] =	ssyncset.done $0x0  }
0x532: {  	[sflag:s5] =	ssyncadd.s32 $0xFFFFFC00  }
0x533: {  	_ =	swait.ge [sflag:s5], $0x400  }
0x534: {  	[sflag:s5] =	ssyncset.done $0x0  }
0x535: {  	[sflag:s5] =	ssyncadd.s32 $0xFFFFFC00  }
0x536: {  	_ =	swait.ge [sflag:s5], $0x400  }
0x537: {  	[sflag:s5] =	ssyncset.done $0x0  }
0x538: {  	[sflag:s5] =	ssyncadd.s32 $0xFFFFFC00  }
0x539: {  	_ =	swait.ge [sflag:s5], $0x400  }
0x53a: {  	[sflag:s5] =	ssyncset.done $0x0  }
0x53b: {  	[sflag:s5] =	ssyncadd.s32 $0xFFFFFC00  }
0x53c: {  	_ =	swait.ge [sflag:s5], $0x400  }
0x53d: {  	[sflag:s5] =	ssyncset.done $0x0  }
0x53e: {  	[sflag:s5] =	ssyncadd.s32 $0xFFFFFC00  }
0x53f: {  	_ =	swait.ge [sflag:s5], $0x400  }
0x540: {  	[sflag:s5] =	ssyncset.done $0x0  }
0x541: {  	[sflag:s5] =	ssyncadd.s32 $0xFFFFFC00  }
0x542: {  	_ =	swait.ge [sflag:s5], $0x400  }
0x543: {  	[sflag:s5] =	ssyncset.done $0x0  }
0x544: {  	[sflag:s5] =	ssyncadd.s32 $0xFFFFFC00  }
0x545: {  	_ =	swait.ge [sflag:s5], $0x400  }
0x546: {  	[sflag:s5] =	ssyncset.done $0x0  }
0x547: {  	[sflag:s5] =	ssyncadd.s32 $0xFFFFFC00  }
0x548: {  	_ =	swait.ge [sflag:s5], $0x400  }
0x549: {  	[sflag:s5] =	ssyncset.done $0x0  }
0x54a: {  	[sflag:s5] =	ssyncadd.s32 $0xFFFFFC00  }
0x54b: {  	_ =	swait.ge [sflag:s5], $0x400  }
0x54c: {  	[sflag:s5] =	ssyncset.done $0x0  }
0x54d: {  	[sflag:s5] =	ssyncadd.s32 $0xFFFFFC00  }
0x54e: {  	_ =	swait.ge [sflag:s5], $0x400  }
0x54f: {  	[sflag:s5] =	ssyncset.done $0x0  }
0x550: {  	[sflag:s5] =	ssyncadd.s32 $0xFFFFFC00  }
0x551: {  	_ =	swait.ge [sflag:s5], $0x400  }
0x552: {  	[sflag:s5] =	ssyncset.done $0x0  }
0x553: {  	[sflag:s5] =	ssyncadd.s32 $0xFFFFFC00  }
0x554: {  	_ =	swait.ge [sflag:s5], $0x400  }
0x555: {  	[sflag:s5] =	ssyncset.done $0x0  }
0x556: {  	[sflag:s5] =	ssyncadd.s32 $0xFFFFFC00  }
0x557: {  	_ =	swait.ge [sflag:s5], $0x400  }
0x558: {  	[sflag:s5] =	ssyncset.done $0x0  }
0x559: {  	v2 =	vor.u32 s12, v0;
	[sflag:s5] =	ssyncadd.s32 $0xFFFFFC00  }
0x55a: {  	v3 =	vmul.u32 $0x18, v2;
	_ =	swait.ge [sflag:s5], $0x400  }
0x55b: {  	[sflag:s5] =	ssyncset.done $0x0  }
0x55c: {  	v4 =	vor.u32 $0x1, v3;
	[sflag:s5] =	ssyncadd.s32 $0xFFFFFC00  }
0x55d: {  	v5 =	vadd.s32 $0x12, v3;
	_ =	swait.ge [sflag:s9], $0x1400  }
0x55e: {  	v6 =	vor.u32 $0x2, v3;
	[sflag:s9] =	ssyncset.done $0x0  }
0x55f: {  	v7 =	vadd.s32 $0x11, v3;
	[sflag:s9] =	ssyncadd.s32 $0xFFFFEC00  }
0x560: {  	v9 =	vadd.s32 $0xA, v3;
	v8 =	vld.idx.msk [tilespmem:v3+s30+$0x0], $0xffff  }
0x561: {  	v10 =	vadd.s32 $0x8, v3;
	v4 =	vld.idx.msk [tilespmem:v4+s30+$0x0], $0xffff  }
0x562: {  	v11 =	vadd.s32 $0x9, v3;
	v5 =	vld.idx.msk [tilespmem:v5+s30+$0x0], $0xffff  }
0x563: {  	v3 =	vadd.s32 $0x10, v3;
	v6 =	vld.idx.msk [tilespmem:v6+s30+$0x0], $0xffff  }
0x564: {  	v7 =	vld.idx.msk [tilespmem:v7+s30+$0x0], $0xffff  }
0x565: {  	v9 =	vld.idx.msk [tilespmem:v9+s30+$0x0], $0xffff  }
0x566: {  	v10 =	vld.idx.msk [tilespmem:v10+s30+$0x0], $0xffff  }
0x567: {  	v11 =	vld.idx.msk [tilespmem:v11+s30+$0x0], $0xffff  }
0x568: {  	v3 =	vld.idx.msk [tilespmem:v3+s30+$0x0], $0xffff;
	_ =	sdelay $0x2  }
0x569: {  	v9 =	vsub.f32 v9, v6;
	v7 =	vsub.f32 v7, v4  }
0x56a: {  	v10 =	vsub.f32 v10, v8;
	v5 =	vsub.f32 v5, v6  }
0x56b: {  	v4 =	vsub.f32 v11, v4;
	v3 =	vsub.f32 v3, v8  }
0x56c: {  	v6 =	vmul.f32 v7, v9;
	v8 =	vmul.f32 v5, v10  }
0x56d: {  	v5 =	vmul.f32 v5, v4;
	v9 =	vmul.f32 v3, v9  }
0x56e: {  	v7 =	vmul.f32 v7, v10  }
0x56f: {  	v3 =	vmul.f32 v3, v4;
	v4 =	vsub.f32 v5, v6;
	v5 =	vsub.f32 v9, v8;
	_ =	sdelay $0x1  }
0x570: {  	v3 =	vsub.f32 v7, v3;
	v6 =	vmul.f32 v4, v4;
	v7 =	vmul.f32 v5, v5;
	_ =	sdelay $0x1  }
0x571: {  	v8 =	vmul.f32 v3, v3;
	v6 =	vadd.f32 v7, v6;
	_ =	sdelay $0x1  }
0x572: {  	v6 =	vadd.f32 v6, v8;
	_ =	sdelay $0x1  }
0x573: {  	v7 =	vshrl.u32 v6, $0x1;
	v8 =	vmul.f32 $5.000000000e-01, v6  }
0x574: {  	v7 =	vsub.s32 $0x5F3759DF, v7  }
0x575: {  	v63 =	vmul.f32 v7, v8;
	_ =	sdelay $0x1  }
0x576: {  	v9 =	vmul.f32 v7, v63;
	_ =	sdelay $0x1  }
0x577: {  	v9 =	vsub.f32 $1.500000000e+00, v9;
	_ =	sdelay $0x1  }
0x578: {  	v7 =	vmul.f32 v7, v9;
	_ =	sdelay $0x1  }
0x579: {  	v9 =	vmul.f32 v7, v8;
	_ =	sdelay $0x1  }
0x57a: {  	v9 =	vmul.f32 v9, v7;
	_ =	sdelay $0x1  }
0x57b: {  	v9 =	vsub.f32 $1.500000000e+00, v9;
	_ =	sdelay $0x1  }
0x57c: {  	v7 =	vmul.f32 v9, v7;
	_ =	sdelay $0x1  }
0x57d: {  	v8 =	vmul.f32 v7, v8;
	_ =	sdelay $0x1  }
0x57e: {  	v8 =	vmul.f32 v8, v7;
	_ =	sdelay $0x1  }
0x57f: {  	v8 =	vsub.f32 $1.500000000e+00, v8;
	_ =	sdelay $0x1  }
0x580: {  	v7 =	vmul.f32 v8, v7;
	_ =	sdelay $0x1  }
0x581: {  	v6 =	vmul.f32 v7, v6;
	_ =	sdelay $0x1  }
0x582: {  	v6 =	vmax.f32 v6, $9.999999970e-07  }
0x583: {  	(erf) = vrcp.f32 v6;
	_ =	sdelay $0x5  }
0x584: {  	s12 =	simm.s32 $0x10;
	v6 =	vshll.u32 v2, $0x3  }
.LBB2_16:
0x585: {  	p1 =	sne.s32 s12, $0x270;
	v7 =	vor.u32 $0x1, v6;
	s13 =	smov.u32 s12;
	s12 =	sadd.s32 $0x10, s12  }
0x586: {  	v8 =	vor.u32 $0x2, v6;
	v2 =	vor.u32 s13, v0  }
0x587: {  	v9 =	vmul.u32 $0x18, v2;
	v10 =	vpop (erf)  }
0x588: {  	v4 =	vmul.f32 v10, v4;
	v5 =	vmul.f32 v10, v5  }
0x589: {  	v3 =	vmul.f32 v10, v3;
	v11 =	vor.u32 $0x1, v9;
	v12 =	vor.u32 $0x2, v9  }
0x58a: {  	v10 =	vadd.s32 $0x8, v9;
	v13 =	vadd.s32 $0x9, v9;
	v14 =	vadd.s32 $0x12, v9;
	[tilespmem:v6+s6+$0x0] =	vst.idx.msk $0xffff, v4  }
0x58b: {  	v4 =	vadd.s32 $0x10, v9;
	v6 =	vadd.s32 $0x11, v9;
	[tilespmem:v7+s6+$0x0] =	vst.idx.msk $0xffff, v5  }
0x58c: {  	[tilespmem:v8+s6+$0x0] =	vst.idx.msk $0xffff, v3  }
0x58d: {  	v5 =	vadd.s32 $0xA, v9;
	v3 =	vld.idx.msk [tilespmem:v9+s30+$0x0], $0xffff  }
0x58e: {  	v7 =	vld.idx.msk [tilespmem:v11+s30+$0x0], $0xffff  }
0x58f: {  	v8 =	vld.idx.msk [tilespmem:v14+s30+$0x0], $0xffff  }
0x590: {  	v9 =	vld.idx.msk [tilespmem:v12+s30+$0x0], $0xffff  }
0x591: {  	v6 =	vld.idx.msk [tilespmem:v6+s30+$0x0], $0xffff  }
0x592: {  	v5 =	vld.idx.msk [tilespmem:v5+s30+$0x0], $0xffff  }
0x593: {  	v10 =	vld.idx.msk [tilespmem:v10+s30+$0x0], $0xffff  }
0x594: {  	v11 =	vld.idx.msk [tilespmem:v13+s30+$0x0], $0xffff  }
0x595: {  	v4 =	vld.idx.msk [tilespmem:v4+s30+$0x0], $0xffff;
	_ =	sdelay $0x2  }
0x596: {  	v6 =	vsub.f32 v6, v7;
	v5 =	vsub.f32 v5, v9  }
0x597: {  	v8 =	vsub.f32 v8, v9;
	v10 =	vsub.f32 v10, v3  }
0x598: {  	v7 =	vsub.f32 v11, v7;
	v9 =	vmul.f32 v6, v5  }
0x599: {  	v3 =	vsub.f32 v4, v3;
	v11 =	vmul.f32 v8, v10;
	v6 =	vmul.f32 v6, v10  }
0x59a: {  	v4 =	vmul.f32 v8, v7  }
0x59b: {  	v5 =	vmul.f32 v3, v5;
	v3 =	vmul.f32 v3, v7  }
0x59c: {  	v4 =	vsub.f32 v4, v9  }
0x59d: {  	v5 =	vsub.f32 v5, v11;
	v3 =	vsub.f32 v6, v3  }
0x59e: {  	v6 =	vmul.f32 v4, v4  }
0x59f: {  	v7 =	vmul.f32 v5, v5  }
0x5a0: {  	v8 =	vmul.f32 v3, v3  }
0x5a1: {  	v6 =	vadd.f32 v7, v6;
	_ =	sdelay $0x1  }
0x5a2: {  	v6 =	vadd.f32 v6, v8;
	_ =	sdelay $0x1  }
0x5a3: {  	v7 =	vshrl.u32 v6, $0x1;
	v8 =	vmul.f32 $5.000000000e-01, v6  }
0x5a4: {  	v7 =	vsub.s32 $0x5F3759DF, v7  }
0x5a5: {  	v9 =	vmul.f32 v7, v8;
	_ =	sdelay $0x1  }
0x5a6: {  	v9 =	vmul.f32 v7, v9;
	_ =	sdelay $0x1  }
0x5a7: {  	v9 =	vsub.f32 $1.500000000e+00, v9;
	_ =	sdelay $0x1  }
0x5a8: {  	v7 =	vmul.f32 v7, v9;
	_ =	sdelay $0x1  }
0x5a9: {  	v9 =	vmul.f32 v7, v8;
	_ =	sdelay $0x1  }
0x5aa: {  	v9 =	vmul.f32 v9, v7;
	_ =	sdelay $0x1  }
0x5ab: {  	v9 =	vsub.f32 $1.500000000e+00, v9;
	_ =	sdelay $0x1  }
0x5ac: {  	v7 =	vmul.f32 v9, v7;
	_ =	sdelay $0x1  }
0x5ad: {  	v8 =	vmul.f32 v7, v8;
	_ =	sdelay $0x1  }
0x5ae: {  	v8 =	vmul.f32 v8, v7;
	_ =	sdelay $0x1  }
0x5af: {  	v8 =	vsub.f32 $1.500000000e+00, v8;
	_ =	sdelay $0x1  }
0x5b0: {  	v7 =	vmul.f32 v8, v7;
	_ =	sdelay $0x1  }
0x5b1: {  	v6 =	vmul.f32 v7, v6;
	_ =	sdelay $0x1  }
0x5b2: {  	v6 =	vmax.f32 v6, $9.999999970e-07  }
0x5b3: {  	(erf) = vrcp.f32 v6;
	_ =	sdelay $0x1  }
.Ltmp7:
0x5b4: {  	(pc) =	sbr.rel @p1 .LBB2_16-.Ltmp7, $2  }
0x5b5: {  	_ =	sdelay $0x2  }
0x5b6: {  	v6 =	vshll.u32 v2, $0x3  }
0x5b7: {  	_ = 	snop  }
0x5b8: {  	v2 =	vor.u32 $0x1, v6  }
0x5b9: {  	v7 =	vor.u32 $0x2, v6;
	v8 =	vpop (erf)  }
0x5ba: {  	v4 =	vmul.f32 v8, v4  }
0x5bb: {  	v5 =	vmul.f32 v8, v5  }
0x5bc: {  	v3 =	vmul.f32 v8, v3;
	[tilespmem:v6+s6+$0x0] =	vst.idx.msk $0xffff, v4  }
0x5bd: {  	[tilespmem:v2+s6+$0x0] =	vst.idx.msk $0xffff, v5  }
0x5be: {  	s12 =	simm.s32 $0x0;
	s13 =	rddreg [dreg:$0x11];
	[tilespmem:v7+s6+$0x0] =	vst.idx.msk $0xffff, v3  }
0x5bf: {  	[hbm4b:s13+s12] =	stream.linear.scatter [tilespmem:s6], [sflag:$0x3], $0x1400, $0x38;
	[tilespmem:$0xEC10] =	vst v63  }
0x5c0: {  	s15 =	rddreg [dreg:$0x12]  }
0x5c1: {  	[tilespmem:s30], [sflag:$0x1] =	stream.indirect.gather [hbm4b:s3+s29], $0x8, s15, s29, $0xb8;
	[tilespmem:$0xEC10] =	vst v63  }
0x5c2: {  	s15 =	sld [smem:$0x7E2];
	_ =	sdelay $0x2  }
0x5c3: {  	[tilespmem:s14], [sflag:$0x1] =	stream.indirect.gather [hbm4b:s3+s29], $0x8, s15, s29, $0xb8;
	[tilespmem:$0xEC10] =	vst v63  }
0x5c4: {  	s14 =	sld [smem:$0x7E3];
	_ =	sdelay $0x1  }
0x5c5: {  	s15 =	simm.s32 $0x5410  }
0x5c6: {  	[tilespmem:s15], [sflag:$0x1] =	stream.indirect.gather [hbm4b:s3+s29], $0x8, s14, s29, $0xb8;
	[tilespmem:$0xEC10] =	vst v63  }
0x5c7: {  	s14 =	sld [smem:$0x7E4];
	_ =	sdelay $0x1  }
0x5c8: {  	s15 =	simm.s32 $0x5810  }
0x5c9: {  	[tilespmem:s15], [sflag:$0x1] =	stream.indirect.gather [hbm4b:s3+s29], $0x8, s14, s29, $0xb8;
	[tilespmem:$0xEC10] =	vst v63  }
0x5ca: {  	s14 =	sld [smem:$0x7E5];
	_ =	sdelay $0x1  }
0x5cb: {  	s15 =	simm.s32 $0x5C10  }
0x5cc: {  	[tilespmem:s15], [sflag:$0x1] =	stream.indirect.gather [hbm4b:s3+s29], $0x8, s14, s29, $0xb8;
	[tilespmem:$0xEC10] =	vst v63  }
0x5cd: {  	s14 =	sld [smem:$0x7E6];
	_ =	sdelay $0x1  }
0x5ce: {  	s15 =	simm.s32 $0x6010  }
0x5cf: {  	[tilespmem:s15], [sflag:$0x1] =	stream.indirect.gather [hbm4b:s3+s29], $0x8, s14, s29, $0xb8;
	[tilespmem:$0xEC10] =	vst v63  }
0x5d0: {  	s14 =	sld [smem:$0x7E7];
	_ =	sdelay $0x1  }
0x5d1: {  	s15 =	simm.s32 $0x6410  }
0x5d2: {  	[tilespmem:s15], [sflag:$0x1] =	stream.indirect.gather [hbm4b:s3+s29], $0x8, s14, s29, $0xb8;
	[tilespmem:$0xEC10] =	vst v63  }
0x5d3: {  	s14 =	sld [smem:$0x7E8];
	_ =	sdelay $0x1  }
0x5d4: {  	s15 =	simm.s32 $0x6810  }
0x5d5: {  	[tilespmem:s15], [sflag:$0x1] =	stream.indirect.gather [hbm4b:s3+s29], $0x8, s14, s29, $0xb8;
	[tilespmem:$0xEC10] =	vst v63  }
0x5d6: {  	s14 =	sld [smem:$0x7E9];
	_ =	sdelay $0x1  }
0x5d7: {  	s15 =	simm.s32 $0x6C10  }
0x5d8: {  	[tilespmem:s15], [sflag:$0x1] =	stream.indirect.gather [hbm4b:s3+s29], $0x8, s14, s29, $0xb8;
	[tilespmem:$0xEC10] =	vst v63  }
0x5d9: {  	s14 =	sld [smem:$0x7EA];
	_ =	sdelay $0x1  }
0x5da: {  	s15 =	simm.s32 $0x7010  }
0x5db: {  	[tilespmem:s15], [sflag:$0x1] =	stream.indirect.gather [hbm4b:s3+s29], $0x8, s14, s29, $0xb8;
	[tilespmem:$0xEC10] =	vst v63  }
0x5dc: {  	s14 =	sld [smem:$0x7EB];
	_ =	sdelay $0x1  }
0x5dd: {  	s15 =	simm.s32 $0x7410  }
0x5de: {  	[tilespmem:s15], [sflag:$0x1] =	stream.indirect.gather [hbm4b:s3+s29], $0x8, s14, s29, $0xb8;
	[tilespmem:$0xEC10] =	vst v63  }
0x5df: {  	s14 =	sld [smem:$0x7EC];
	_ =	sdelay $0x1  }
0x5e0: {  	s15 =	simm.s32 $0x7810  }
0x5e1: {  	[tilespmem:s15], [sflag:$0x1] =	stream.indirect.gather [hbm4b:s3+s29], $0x8, s14, s29, $0xb8;
	[tilespmem:$0xEC10] =	vst v63  }
0x5e2: {  	s14 =	sld [smem:$0x7ED];
	_ =	sdelay $0x1  }
0x5e3: {  	s15 =	simm.s32 $0x7C10  }
0x5e4: {  	[tilespmem:s15], [sflag:$0x1] =	stream.indirect.gather [hbm4b:s3+s29], $0x8, s14, s29, $0xb8;
	[tilespmem:$0xEC10] =	vst v63  }
0x5e5: {  	s14 =	sld [smem:$0x7EE];
	_ =	sdelay $0x1  }
0x5e6: {  	s15 =	simm.s32 $0x8010  }
0x5e7: {  	[tilespmem:s15], [sflag:$0x1] =	stream.indirect.gather [hbm4b:s3+s29], $0x8, s14, s29, $0xb8;
	[tilespmem:$0xEC10] =	vst v63  }
0x5e8: {  	s14 =	sld [smem:$0x7EF];
	_ =	sdelay $0x1  }
0x5e9: {  	s15 =	simm.s32 $0x8410  }
0x5ea: {  	[tilespmem:s15], [sflag:$0x1] =	stream.indirect.gather [hbm4b:s3+s29], $0x8, s14, s29, $0xb8;
	[tilespmem:$0xEC10] =	vst v63  }
0x5eb: {  	_ =	swait.ge [sflag:s7], $0x400  }
0x5ec: {  	[sflag:s7] =	ssyncset.done $0x0  }
0x5ed: {  	[sflag:s7] =	ssyncadd.s32 $0xFFFFFC00  }
0x5ee: {  	_ =	swait.ge [sflag:s7], $0x400  }
0x5ef: {  	[sflag:s7] =	ssyncset.done $0x0  }
0x5f0: {  	[sflag:s7] =	ssyncadd.s32 $0xFFFFFC00  }
0x5f1: {  	_ =	swait.ge [sflag:s7], $0x400  }
0x5f2: {  	[sflag:s7] =	ssyncset.done $0x0  }
0x5f3: {  	[sflag:s7] =	ssyncadd.s32 $0xFFFFFC00  }
0x5f4: {  	_ =	swait.ge [sflag:s7], $0x400  }
0x5f5: {  	[sflag:s7] =	ssyncset.done $0x0  }
0x5f6: {  	[sflag:s7] =	ssyncadd.s32 $0xFFFFFC00  }
0x5f7: {  	_ =	swait.ge [sflag:s7], $0x400  }
0x5f8: {  	[sflag:s7] =	ssyncset.done $0x0  }
0x5f9: {  	[sflag:s7] =	ssyncadd.s32 $0xFFFFFC00  }
0x5fa: {  	_ =	swait.ge [sflag:s7], $0x400  }
0x5fb: {  	[sflag:s7] =	ssyncset.done $0x0  }
0x5fc: {  	[sflag:s7] =	ssyncadd.s32 $0xFFFFFC00  }
0x5fd: {  	_ =	swait.ge [sflag:s7], $0x400  }
0x5fe: {  	[sflag:s7] =	ssyncset.done $0x0  }
0x5ff: {  	[sflag:s7] =	ssyncadd.s32 $0xFFFFFC00  }
0x600: {  	_ =	swait.ge [sflag:s7], $0x400  }
0x601: {  	[sflag:s7] =	ssyncset.done $0x0  }
0x602: {  	[sflag:s7] =	ssyncadd.s32 $0xFFFFFC00  }
0x603: {  	_ =	swait.ge [sflag:s7], $0x400  }
0x604: {  	[sflag:s7] =	ssyncset.done $0x0  }
0x605: {  	[sflag:s7] =	ssyncadd.s32 $0xFFFFFC00  }
0x606: {  	_ =	swait.ge [sflag:s7], $0x400  }
0x607: {  	[sflag:s7] =	ssyncset.done $0x0  }
0x608: {  	[sflag:s7] =	ssyncadd.s32 $0xFFFFFC00  }
0x609: {  	_ =	swait.ge [sflag:s7], $0x400  }
0x60a: {  	[sflag:s7] =	ssyncset.done $0x0  }
0x60b: {  	[sflag:s7] =	ssyncadd.s32 $0xFFFFFC00  }
0x60c: {  	_ =	swait.ge [sflag:s7], $0x400  }
0x60d: {  	[sflag:s7] =	ssyncset.done $0x0  }
0x60e: {  	[sflag:s7] =	ssyncadd.s32 $0xFFFFFC00  }
0x60f: {  	_ =	swait.ge [sflag:s7], $0x400  }
0x610: {  	[sflag:s7] =	ssyncset.done $0x0  }
0x611: {  	[sflag:s7] =	ssyncadd.s32 $0xFFFFFC00  }
0x612: {  	_ =	swait.ge [sflag:s7], $0x400  }
0x613: {  	[sflag:s7] =	ssyncset.done $0x0  }
0x614: {  	v2 =	vor.u32 s12, v0;
	[sflag:s7] =	ssyncadd.s32 $0xFFFFFC00  }
0x615: {  	v3 =	vmul.u32 $0x18, v2;
	_ =	swait.ge [sflag:s7], $0x400  }
0x616: {  	[sflag:s7] =	ssyncset.done $0x0  }
0x617: {  	v4 =	vor.u32 $0x1, v3;
	[sflag:s7] =	ssyncadd.s32 $0xFFFFFC00  }
0x618: {  	v5 =	vadd.s32 $0x12, v3;
	_ =	swait.ge [sflag:s10], $0x1400  }
0x619: {  	v6 =	vor.u32 $0x2, v3;
	[sflag:s10] =	ssyncset.done $0x0  }
0x61a: {  	v7 =	vadd.s32 $0x11, v3;
	[sflag:s10] =	ssyncadd.s32 $0xFFFFEC00  }
0x61b: {  	v9 =	vadd.s32 $0xA, v3;
	v8 =	vld.idx.msk [tilespmem:v3+s16+$0x0], $0xffff  }
0x61c: {  	v10 =	vadd.s32 $0x8, v3;
	v4 =	vld.idx.msk [tilespmem:v4+s16+$0x0], $0xffff  }
0x61d: {  	v11 =	vadd.s32 $0x9, v3;
	v5 =	vld.idx.msk [tilespmem:v5+s16+$0x0], $0xffff  }
0x61e: {  	v3 =	vadd.s32 $0x10, v3;
	v6 =	vld.idx.msk [tilespmem:v6+s16+$0x0], $0xffff  }
0x61f: {  	v7 =	vld.idx.msk [tilespmem:v7+s16+$0x0], $0xffff  }
0x620: {  	v9 =	vld.idx.msk [tilespmem:v9+s16+$0x0], $0xffff  }
0x621: {  	v10 =	vld.idx.msk [tilespmem:v10+s16+$0x0], $0xffff  }
0x622: {  	v11 =	vld.idx.msk [tilespmem:v11+s16+$0x0], $0xffff  }
0x623: {  	v3 =	vld.idx.msk [tilespmem:v3+s16+$0x0], $0xffff;
	_ =	sdelay $0x2  }
0x624: {  	v9 =	vsub.f32 v9, v6;
	v7 =	vsub.f32 v7, v4  }
0x625: {  	v10 =	vsub.f32 v10, v8;
	v5 =	vsub.f32 v5, v6  }
0x626: {  	v4 =	vsub.f32 v11, v4;
	v3 =	vsub.f32 v3, v8  }
0x627: {  	v6 =	vmul.f32 v7, v9;
	v8 =	vmul.f32 v5, v10  }
0x628: {  	v5 =	vmul.f32 v5, v4;
	v9 =	vmul.f32 v3, v9  }
0x629: {  	v7 =	vmul.f32 v7, v10  }
0x62a: {  	v3 =	vmul.f32 v3, v4;
	v4 =	vsub.f32 v5, v6;
	v5 =	vsub.f32 v9, v8;
	_ =	sdelay $0x1  }
0x62b: {  	v3 =	vsub.f32 v7, v3;
	v6 =	vmul.f32 v4, v4;
	v7 =	vmul.f32 v5, v5;
	_ =	sdelay $0x1  }
0x62c: {  	v8 =	vmul.f32 v3, v3;
	v6 =	vadd.f32 v7, v6;
	_ =	sdelay $0x1  }
0x62d: {  	v6 =	vadd.f32 v6, v8;
	_ =	sdelay $0x1  }
0x62e: {  	v7 =	vshrl.u32 v6, $0x1;
	v8 =	vmul.f32 $5.000000000e-01, v6  }
0x62f: {  	v7 =	vsub.s32 $0x5F3759DF, v7  }
0x630: {  	v63 =	vmul.f32 v7, v8;
	_ =	sdelay $0x1  }
0x631: {  	v9 =	vmul.f32 v7, v63;
	_ =	sdelay $0x1  }
0x632: {  	v9 =	vsub.f32 $1.500000000e+00, v9;
	_ =	sdelay $0x1  }
0x633: {  	v7 =	vmul.f32 v7, v9;
	_ =	sdelay $0x1  }
0x634: {  	v9 =	vmul.f32 v7, v8;
	_ =	sdelay $0x1  }
0x635: {  	v9 =	vmul.f32 v9, v7;
	_ =	sdelay $0x1  }
0x636: {  	v9 =	vsub.f32 $1.500000000e+00, v9;
	_ =	sdelay $0x1  }
0x637: {  	v7 =	vmul.f32 v9, v7;
	_ =	sdelay $0x1  }
0x638: {  	v8 =	vmul.f32 v7, v8;
	_ =	sdelay $0x1  }
0x639: {  	v8 =	vmul.f32 v8, v7;
	_ =	sdelay $0x1  }
0x63a: {  	v8 =	vsub.f32 $1.500000000e+00, v8;
	_ =	sdelay $0x1  }
0x63b: {  	v7 =	vmul.f32 v8, v7;
	_ =	sdelay $0x1  }
0x63c: {  	v6 =	vmul.f32 v7, v6;
	_ =	sdelay $0x1  }
0x63d: {  	v6 =	vmax.f32 v6, $9.999999970e-07  }
0x63e: {  	(erf) = vrcp.f32 v6;
	_ =	sdelay $0x5  }
0x63f: {  	s12 =	simm.s32 $0x10;
	v6 =	vshll.u32 v2, $0x3  }
.LBB2_18:
0x640: {  	p1 =	sne.s32 s12, $0x270;
	v7 =	vor.u32 $0x1, v6;
	s13 =	smov.u32 s12;
	s12 =	sadd.s32 $0x10, s12  }
0x641: {  	v8 =	vor.u32 $0x2, v6;
	v2 =	vor.u32 s13, v0  }
0x642: {  	v9 =	vmul.u32 $0x18, v2;
	v10 =	vpop (erf)  }
0x643: {  	v4 =	vmul.f32 v10, v4;
	v5 =	vmul.f32 v10, v5  }
0x644: {  	v3 =	vmul.f32 v10, v3;
	v11 =	vor.u32 $0x1, v9;
	v12 =	vor.u32 $0x2, v9  }
0x645: {  	v10 =	vadd.s32 $0x8, v9;
	v13 =	vadd.s32 $0x9, v9;
	v14 =	vadd.s32 $0x12, v9;
	[tilespmem:v6+s8+$0x0] =	vst.idx.msk $0xffff, v4  }
0x646: {  	v4 =	vadd.s32 $0x10, v9;
	v6 =	vadd.s32 $0x11, v9;
	[tilespmem:v7+s8+$0x0] =	vst.idx.msk $0xffff, v5  }
0x647: {  	[tilespmem:v8+s8+$0x0] =	vst.idx.msk $0xffff, v3  }
0x648: {  	v5 =	vadd.s32 $0xA, v9;
	v3 =	vld.idx.msk [tilespmem:v9+s16+$0x0], $0xffff  }
0x649: {  	v7 =	vld.idx.msk [tilespmem:v11+s16+$0x0], $0xffff  }
0x64a: {  	v8 =	vld.idx.msk [tilespmem:v14+s16+$0x0], $0xffff  }
0x64b: {  	v9 =	vld.idx.msk [tilespmem:v12+s16+$0x0], $0xffff  }
0x64c: {  	v6 =	vld.idx.msk [tilespmem:v6+s16+$0x0], $0xffff  }
0x64d: {  	v5 =	vld.idx.msk [tilespmem:v5+s16+$0x0], $0xffff  }
0x64e: {  	v10 =	vld.idx.msk [tilespmem:v10+s16+$0x0], $0xffff  }
0x64f: {  	v11 =	vld.idx.msk [tilespmem:v13+s16+$0x0], $0xffff  }
0x650: {  	v4 =	vld.idx.msk [tilespmem:v4+s16+$0x0], $0xffff;
	_ =	sdelay $0x2  }
0x651: {  	v6 =	vsub.f32 v6, v7;
	v5 =	vsub.f32 v5, v9  }
0x652: {  	v8 =	vsub.f32 v8, v9;
	v10 =	vsub.f32 v10, v3  }
0x653: {  	v7 =	vsub.f32 v11, v7;
	v9 =	vmul.f32 v6, v5  }
0x654: {  	v3 =	vsub.f32 v4, v3;
	v11 =	vmul.f32 v8, v10;
	v6 =	vmul.f32 v6, v10  }
0x655: {  	v4 =	vmul.f32 v8, v7  }
0x656: {  	v5 =	vmul.f32 v3, v5;
	v3 =	vmul.f32 v3, v7  }
0x657: {  	v4 =	vsub.f32 v4, v9  }
0x658: {  	v5 =	vsub.f32 v5, v11;
	v3 =	vsub.f32 v6, v3  }
0x659: {  	v6 =	vmul.f32 v4, v4  }
0x65a: {  	v7 =	vmul.f32 v5, v5  }
0x65b: {  	v8 =	vmul.f32 v3, v3  }
0x65c: {  	v6 =	vadd.f32 v7, v6;
	_ =	sdelay $0x1  }
0x65d: {  	v6 =	vadd.f32 v6, v8;
	_ =	sdelay $0x1  }
0x65e: {  	v7 =	vshrl.u32 v6, $0x1;
	v8 =	vmul.f32 $5.000000000e-01, v6  }
0x65f: {  	v7 =	vsub.s32 $0x5F3759DF, v7  }
0x660: {  	v9 =	vmul.f32 v7, v8;
	_ =	sdelay $0x1  }
0x661: {  	v9 =	vmul.f32 v7, v9;
	_ =	sdelay $0x1  }
0x662: {  	v9 =	vsub.f32 $1.500000000e+00, v9;
	_ =	sdelay $0x1  }
0x663: {  	v7 =	vmul.f32 v7, v9;
	_ =	sdelay $0x1  }
0x664: {  	v9 =	vmul.f32 v7, v8;
	_ =	sdelay $0x1  }
0x665: {  	v9 =	vmul.f32 v9, v7;
	_ =	sdelay $0x1  }
0x666: {  	v9 =	vsub.f32 $1.500000000e+00, v9;
	_ =	sdelay $0x1  }
0x667: {  	v7 =	vmul.f32 v9, v7;
	_ =	sdelay $0x1  }
0x668: {  	v8 =	vmul.f32 v7, v8;
	_ =	sdelay $0x1  }
0x669: {  	v8 =	vmul.f32 v8, v7;
	_ =	sdelay $0x1  }
0x66a: {  	v8 =	vsub.f32 $1.500000000e+00, v8;
	_ =	sdelay $0x1  }
0x66b: {  	v7 =	vmul.f32 v8, v7;
	_ =	sdelay $0x1  }
0x66c: {  	v6 =	vmul.f32 v7, v6;
	_ =	sdelay $0x1  }
0x66d: {  	v6 =	vmax.f32 v6, $9.999999970e-07  }
0x66e: {  	(erf) = vrcp.f32 v6;
	_ =	sdelay $0x1  }
.Ltmp8:
0x66f: {  	(pc) =	sbr.rel @p1 .LBB2_18-.Ltmp8, $2  }
0x670: {  	_ =	sdelay $0x2  }
0x671: {  	v6 =	vshll.u32 v2, $0x3  }
0x672: {  	_ = 	snop  }
0x673: {  	v2 =	vor.u32 $0x1, v6  }
0x674: {  	v7 =	vor.u32 $0x2, v6;
	v8 =	vpop (erf)  }
0x675: {  	v4 =	vmul.f32 v8, v4  }
0x676: {  	v5 =	vmul.f32 v8, v5  }
0x677: {  	v3 =	vmul.f32 v8, v3;
	[tilespmem:v6+s8+$0x0] =	vst.idx.msk $0xffff, v4  }
0x678: {  	s13 =	rddreg [dreg:$0x13];
	[tilespmem:v2+s8+$0x0] =	vst.idx.msk $0xffff, v5  }
0x679: {  	s12 =	simm.s32 $0x0;
	s15 =	rddreg [dreg:$0x18];
	[tilespmem:v7+s8+$0x0] =	vst.idx.msk $0xffff, v3  }
0x67a: {  	[hbm4b:s13+s12] =	stream.linear.scatter [tilespmem:s8], [sflag:$0x4], $0x1400, $0x38;
	[tilespmem:$0xEC10] =	vst v63  }
0x67b: {  	s14 =	sld [smem:$0x7F0]  }
0x67c: {  	[tilespmem:s16], [sflag:$0x2] =	stream.indirect.gather [hbm4b:s3+s29], $0x8, s15, s29, $0xb8;
	[tilespmem:$0xEC10] =	vst v63  }
0x67d: {  	s15 =	sld [smem:$0x7F1]  }
0x67e: {  	[tilespmem:s17], [sflag:$0x2] =	stream.indirect.gather [hbm4b:s3+s29], $0x8, s14, s29, $0xb8;
	[tilespmem:$0xEC10] =	vst v63  }
0x67f: {  	s14 =	sld [smem:$0x7F2]  }
0x680: {  	[tilespmem:s18], [sflag:$0x2] =	stream.indirect.gather [hbm4b:s3+s29], $0x8, s15, s29, $0xb8;
	[tilespmem:$0xEC10] =	vst v63  }
0x681: {  	s15 =	sld [smem:$0x7F3]  }
0x682: {  	[tilespmem:s19], [sflag:$0x2] =	stream.indirect.gather [hbm4b:s3+s29], $0x8, s14, s29, $0xb8;
	[tilespmem:$0xEC10] =	vst v63  }
0x683: {  	s14 =	sld [smem:$0x7F4]  }
0x684: {  	[tilespmem:s20], [sflag:$0x2] =	stream.indirect.gather [hbm4b:s3+s29], $0x8, s15, s29, $0xb8;
	[tilespmem:$0xEC10] =	vst v63  }
0x685: {  	s15 =	sld [smem:$0x7F5]  }
0x686: {  	[tilespmem:s21], [sflag:$0x2] =	stream.indirect.gather [hbm4b:s3+s29], $0x8, s14, s29, $0xb8;
	[tilespmem:$0xEC10] =	vst v63  }
0x687: {  	s14 =	sld [smem:$0x7F6]  }
0x688: {  	[tilespmem:s22], [sflag:$0x2] =	stream.indirect.gather [hbm4b:s3+s29], $0x8, s15, s29, $0xb8;
	[tilespmem:$0xEC10] =	vst v63  }
0x689: {  	s15 =	sld [smem:$0x7F7]  }
0x68a: {  	[tilespmem:s23], [sflag:$0x2] =	stream.indirect.gather [hbm4b:s3+s29], $0x8, s14, s29, $0xb8;
	[tilespmem:$0xEC10] =	vst v63  }
0x68b: {  	s14 =	sld [smem:$0x7F8]  }
0x68c: {  	[tilespmem:s24], [sflag:$0x2] =	stream.indirect.gather [hbm4b:s3+s29], $0x8, s15, s29, $0xb8;
	[tilespmem:$0xEC10] =	vst v63  }
0x68d: {  	s15 =	sld [smem:$0x7F9]  }
0x68e: {  	[tilespmem:s25], [sflag:$0x2] =	stream.indirect.gather [hbm4b:s3+s29], $0x8, s14, s29, $0xb8;
	[tilespmem:$0xEC10] =	vst v63  }
0x68f: {  	s14 =	sld [smem:$0x7FA]  }
0x690: {  	[tilespmem:s26], [sflag:$0x2] =	stream.indirect.gather [hbm4b:s3+s29], $0x8, s15, s29, $0xb8;
	[tilespmem:$0xEC10] =	vst v63  }
0x691: {  	s15 =	sld [smem:$0x7FB]  }
0x692: {  	[tilespmem:s28], [sflag:$0x2] =	stream.indirect.gather [hbm4b:s3+s29], $0x8, s14, s29, $0xb8;
	[tilespmem:$0xEC10] =	vst v63  }
0x693: {  	s14 =	sld [smem:$0x7FC]  }
0x694: {  	[tilespmem:s31], [sflag:$0x2] =	stream.indirect.gather [hbm4b:s3+s29], $0x8, s15, s29, $0xb8;
	[tilespmem:$0xEC10] =	vst v63  }
0x695: {  	s15 =	sld [smem:$0x7FD]  }
0x696: {  	[tilespmem:s0], [sflag:$0x2] =	stream.indirect.gather [hbm4b:s3+s29], $0x8, s14, s29, $0xb8;
	[tilespmem:$0xEC10] =	vst v63  }
0x697: {  	_ = 	snop  }
0x698: {  	[tilespmem:s1], [sflag:$0x2] =	stream.indirect.gather [hbm4b:s3+s29], $0x8, s15, s29, $0xb8;
	[tilespmem:$0xEC10] =	vst v63  }
0x699: {  	_ =	swait.ge [sflag:s5], $0x400  }
0x69a: {  	[sflag:s5] =	ssyncset.done $0x0  }
0x69b: {  	[sflag:s5] =	ssyncadd.s32 $0xFFFFFC00  }
0x69c: {  	_ =	swait.ge [sflag:s5], $0x400  }
0x69d: {  	[sflag:s5] =	ssyncset.done $0x0  }
0x69e: {  	[sflag:s5] =	ssyncadd.s32 $0xFFFFFC00  }
0x69f: {  	_ =	swait.ge [sflag:s5], $0x400  }
0x6a0: {  	[sflag:s5] =	ssyncset.done $0x0  }
0x6a1: {  	[sflag:s5] =	ssyncadd.s32 $0xFFFFFC00  }
0x6a2: {  	_ =	swait.ge [sflag:s5], $0x400  }
0x6a3: {  	[sflag:s5] =	ssyncset.done $0x0  }
0x6a4: {  	[sflag:s5] =	ssyncadd.s32 $0xFFFFFC00  }
0x6a5: {  	_ =	swait.ge [sflag:s5], $0x400  }
0x6a6: {  	[sflag:s5] =	ssyncset.done $0x0  }
0x6a7: {  	[sflag:s5] =	ssyncadd.s32 $0xFFFFFC00  }
0x6a8: {  	_ =	swait.ge [sflag:s5], $0x400  }
0x6a9: {  	[sflag:s5] =	ssyncset.done $0x0  }
0x6aa: {  	[sflag:s5] =	ssyncadd.s32 $0xFFFFFC00  }
0x6ab: {  	_ =	swait.ge [sflag:s5], $0x400  }
0x6ac: {  	[sflag:s5] =	ssyncset.done $0x0  }
0x6ad: {  	[sflag:s5] =	ssyncadd.s32 $0xFFFFFC00  }
0x6ae: {  	_ =	swait.ge [sflag:s5], $0x400  }
0x6af: {  	[sflag:s5] =	ssyncset.done $0x0  }
0x6b0: {  	[sflag:s5] =	ssyncadd.s32 $0xFFFFFC00  }
0x6b1: {  	_ =	swait.ge [sflag:s5], $0x400  }
0x6b2: {  	[sflag:s5] =	ssyncset.done $0x0  }
0x6b3: {  	[sflag:s5] =	ssyncadd.s32 $0xFFFFFC00  }
0x6b4: {  	_ =	swait.ge [sflag:s5], $0x400  }
0x6b5: {  	[sflag:s5] =	ssyncset.done $0x0  }
0x6b6: {  	[sflag:s5] =	ssyncadd.s32 $0xFFFFFC00  }
0x6b7: {  	_ =	swait.ge [sflag:s5], $0x400  }
0x6b8: {  	[sflag:s5] =	ssyncset.done $0x0  }
0x6b9: {  	[sflag:s5] =	ssyncadd.s32 $0xFFFFFC00  }
0x6ba: {  	_ =	swait.ge [sflag:s5], $0x400  }
0x6bb: {  	[sflag:s5] =	ssyncset.done $0x0  }
0x6bc: {  	[sflag:s5] =	ssyncadd.s32 $0xFFFFFC00  }
0x6bd: {  	_ =	swait.ge [sflag:s5], $0x400  }
0x6be: {  	[sflag:s5] =	ssyncset.done $0x0  }
0x6bf: {  	[sflag:s5] =	ssyncadd.s32 $0xFFFFFC00  }
0x6c0: {  	_ =	swait.ge [sflag:s5], $0x400  }
0x6c1: {  	[sflag:s5] =	ssyncset.done $0x0  }
0x6c2: {  	v2 =	vor.u32 s12, v0;
	[sflag:s5] =	ssyncadd.s32 $0xFFFFFC00  }
0x6c3: {  	v3 =	vmul.u32 $0x18, v2;
	_ =	swait.ge [sflag:s5], $0x400  }
0x6c4: {  	[sflag:s5] =	ssyncset.done $0x0  }
0x6c5: {  	v4 =	vor.u32 $0x1, v3;
	[sflag:s5] =	ssyncadd.s32 $0xFFFFFC00  }
0x6c6: {  	v5 =	vadd.s32 $0x12, v3;
	_ =	swait.ge [sflag:s9], $0x1400  }
0x6c7: {  	v6 =	vor.u32 $0x2, v3;
	[sflag:s9] =	ssyncset.done $0x0  }
0x6c8: {  	v7 =	vadd.s32 $0x11, v3;
	[sflag:s9] =	ssyncadd.s32 $0xFFFFEC00  }
0x6c9: {  	v9 =	vadd.s32 $0xA, v3;
	v8 =	vld.idx.msk [tilespmem:v3+s30+$0x0], $0xffff  }
0x6ca: {  	v10 =	vadd.s32 $0x8, v3;
	v4 =	vld.idx.msk [tilespmem:v4+s30+$0x0], $0xffff  }
0x6cb: {  	v11 =	vadd.s32 $0x9, v3;
	v5 =	vld.idx.msk [tilespmem:v5+s30+$0x0], $0xffff  }
0x6cc: {  	v3 =	vadd.s32 $0x10, v3;
	v6 =	vld.idx.msk [tilespmem:v6+s30+$0x0], $0xffff  }
0x6cd: {  	v7 =	vld.idx.msk [tilespmem:v7+s30+$0x0], $0xffff  }
0x6ce: {  	v9 =	vld.idx.msk [tilespmem:v9+s30+$0x0], $0xffff  }
0x6cf: {  	v10 =	vld.idx.msk [tilespmem:v10+s30+$0x0], $0xffff  }
0x6d0: {  	v11 =	vld.idx.msk [tilespmem:v11+s30+$0x0], $0xffff  }
0x6d1: {  	v3 =	vld.idx.msk [tilespmem:v3+s30+$0x0], $0xffff;
	_ =	sdelay $0x2  }
0x6d2: {  	v9 =	vsub.f32 v9, v6;
	v7 =	vsub.f32 v7, v4  }
0x6d3: {  	v10 =	vsub.f32 v10, v8;
	v5 =	vsub.f32 v5, v6  }
0x6d4: {  	v4 =	vsub.f32 v11, v4;
	v3 =	vsub.f32 v3, v8  }
0x6d5: {  	v6 =	vmul.f32 v7, v9;
	v8 =	vmul.f32 v5, v10  }
0x6d6: {  	v5 =	vmul.f32 v5, v4;
	v9 =	vmul.f32 v3, v9  }
0x6d7: {  	v7 =	vmul.f32 v7, v10  }
0x6d8: {  	v3 =	vmul.f32 v3, v4;
	v4 =	vsub.f32 v5, v6;
	v5 =	vsub.f32 v9, v8;
	_ =	sdelay $0x1  }
0x6d9: {  	v3 =	vsub.f32 v7, v3;
	v6 =	vmul.f32 v4, v4;
	v7 =	vmul.f32 v5, v5;
	_ =	sdelay $0x1  }
0x6da: {  	v8 =	vmul.f32 v3, v3;
	v6 =	vadd.f32 v7, v6;
	_ =	sdelay $0x1  }
0x6db: {  	v6 =	vadd.f32 v6, v8;
	_ =	sdelay $0x1  }
0x6dc: {  	v7 =	vshrl.u32 v6, $0x1;
	v8 =	vmul.f32 $5.000000000e-01, v6  }
0x6dd: {  	v7 =	vsub.s32 $0x5F3759DF, v7  }
0x6de: {  	v63 =	vmul.f32 v7, v8;
	_ =	sdelay $0x1  }
0x6df: {  	v9 =	vmul.f32 v7, v63;
	_ =	sdelay $0x1  }
0x6e0: {  	v9 =	vsub.f32 $1.500000000e+00, v9;
	_ =	sdelay $0x1  }
0x6e1: {  	v7 =	vmul.f32 v7, v9;
	_ =	sdelay $0x1  }
0x6e2: {  	v9 =	vmul.f32 v7, v8;
	_ =	sdelay $0x1  }
0x6e3: {  	v9 =	vmul.f32 v9, v7;
	_ =	sdelay $0x1  }
0x6e4: {  	v9 =	vsub.f32 $1.500000000e+00, v9;
	_ =	sdelay $0x1  }
0x6e5: {  	v7 =	vmul.f32 v9, v7;
	_ =	sdelay $0x1  }
0x6e6: {  	v8 =	vmul.f32 v7, v8;
	_ =	sdelay $0x1  }
0x6e7: {  	v8 =	vmul.f32 v8, v7;
	_ =	sdelay $0x1  }
0x6e8: {  	v8 =	vsub.f32 $1.500000000e+00, v8;
	_ =	sdelay $0x1  }
0x6e9: {  	v7 =	vmul.f32 v8, v7;
	_ =	sdelay $0x1  }
0x6ea: {  	v6 =	vmul.f32 v7, v6;
	_ =	sdelay $0x1  }
0x6eb: {  	v6 =	vmax.f32 v6, $9.999999970e-07  }
0x6ec: {  	(erf) = vrcp.f32 v6;
	_ =	sdelay $0x5  }
0x6ed: {  	s12 =	simm.s32 $0x10;
	v6 =	vshll.u32 v2, $0x3  }
.LBB2_20:
0x6ee: {  	p1 =	sne.s32 s12, $0x270;
	v7 =	vor.u32 $0x1, v6;
	s13 =	smov.u32 s12;
	s12 =	sadd.s32 $0x10, s12  }
0x6ef: {  	v8 =	vor.u32 $0x2, v6;
	v2 =	vor.u32 s13, v0  }
0x6f0: {  	v9 =	vmul.u32 $0x18, v2;
	v10 =	vpop (erf)  }
0x6f1: {  	v4 =	vmul.f32 v10, v4;
	v5 =	vmul.f32 v10, v5  }
0x6f2: {  	v3 =	vmul.f32 v10, v3;
	v11 =	vor.u32 $0x1, v9;
	v12 =	vor.u32 $0x2, v9  }
0x6f3: {  	v10 =	vadd.s32 $0x8, v9;
	v13 =	vadd.s32 $0x9, v9;
	v14 =	vadd.s32 $0x12, v9;
	[tilespmem:v6+s6+$0x0] =	vst.idx.msk $0xffff, v4  }
0x6f4: {  	v4 =	vadd.s32 $0x10, v9;
	v6 =	vadd.s32 $0x11, v9;
	[tilespmem:v7+s6+$0x0] =	vst.idx.msk $0xffff, v5  }
0x6f5: {  	[tilespmem:v8+s6+$0x0] =	vst.idx.msk $0xffff, v3  }
0x6f6: {  	v5 =	vadd.s32 $0xA, v9;
	v3 =	vld.idx.msk [tilespmem:v9+s30+$0x0], $0xffff  }
0x6f7: {  	v7 =	vld.idx.msk [tilespmem:v11+s30+$0x0], $0xffff  }
0x6f8: {  	v8 =	vld.idx.msk [tilespmem:v14+s30+$0x0], $0xffff  }
0x6f9: {  	v9 =	vld.idx.msk [tilespmem:v12+s30+$0x0], $0xffff  }
0x6fa: {  	v6 =	vld.idx.msk [tilespmem:v6+s30+$0x0], $0xffff  }
0x6fb: {  	v5 =	vld.idx.msk [tilespmem:v5+s30+$0x0], $0xffff  }
0x6fc: {  	v10 =	vld.idx.msk [tilespmem:v10+s30+$0x0], $0xffff  }
0x6fd: {  	v11 =	vld.idx.msk [tilespmem:v13+s30+$0x0], $0xffff  }
0x6fe: {  	v4 =	vld.idx.msk [tilespmem:v4+s30+$0x0], $0xffff;
	_ =	sdelay $0x2  }
0x6ff: {  	v6 =	vsub.f32 v6, v7;
	v5 =	vsub.f32 v5, v9  }
0x700: {  	v8 =	vsub.f32 v8, v9;
	v10 =	vsub.f32 v10, v3  }
0x701: {  	v7 =	vsub.f32 v11, v7;
	v9 =	vmul.f32 v6, v5  }
0x702: {  	v3 =	vsub.f32 v4, v3;
	v11 =	vmul.f32 v8, v10;
	v6 =	vmul.f32 v6, v10  }
0x703: {  	v4 =	vmul.f32 v8, v7  }
0x704: {  	v5 =	vmul.f32 v3, v5;
	v3 =	vmul.f32 v3, v7  }
0x705: {  	v4 =	vsub.f32 v4, v9  }
0x706: {  	v5 =	vsub.f32 v5, v11;
	v3 =	vsub.f32 v6, v3  }
0x707: {  	v6 =	vmul.f32 v4, v4  }
0x708: {  	v7 =	vmul.f32 v5, v5  }
0x709: {  	v8 =	vmul.f32 v3, v3  }
0x70a: {  	v6 =	vadd.f32 v7, v6;
	_ =	sdelay $0x1  }
0x70b: {  	v6 =	vadd.f32 v6, v8;
	_ =	sdelay $0x1  }
0x70c: {  	v7 =	vshrl.u32 v6, $0x1;
	v8 =	vmul.f32 $5.000000000e-01, v6  }
0x70d: {  	v7 =	vsub.s32 $0x5F3759DF, v7  }
0x70e: {  	v9 =	vmul.f32 v7, v8;
	_ =	sdelay $0x1  }
0x70f: {  	v9 =	vmul.f32 v7, v9;
	_ =	sdelay $0x1  }
0x710: {  	v9 =	vsub.f32 $1.500000000e+00, v9;
	_ =	sdelay $0x1  }
0x711: {  	v7 =	vmul.f32 v7, v9;
	_ =	sdelay $0x1  }
0x712: {  	v9 =	vmul.f32 v7, v8;
	_ =	sdelay $0x1  }
0x713: {  	v9 =	vmul.f32 v9, v7;
	_ =	sdelay $0x1  }
0x714: {  	v9 =	vsub.f32 $1.500000000e+00, v9;
	_ =	sdelay $0x1  }
0x715: {  	v7 =	vmul.f32 v9, v7;
	_ =	sdelay $0x1  }
0x716: {  	v8 =	vmul.f32 v7, v8;
	_ =	sdelay $0x1  }
0x717: {  	v8 =	vmul.f32 v8, v7;
	_ =	sdelay $0x1  }
0x718: {  	v8 =	vsub.f32 $1.500000000e+00, v8;
	_ =	sdelay $0x1  }
0x719: {  	v7 =	vmul.f32 v8, v7;
	_ =	sdelay $0x1  }
0x71a: {  	v6 =	vmul.f32 v7, v6;
	_ =	sdelay $0x1  }
0x71b: {  	v6 =	vmax.f32 v6, $9.999999970e-07  }
0x71c: {  	(erf) = vrcp.f32 v6;
	_ =	sdelay $0x1  }
.Ltmp9:
0x71d: {  	(pc) =	sbr.rel @p1 .LBB2_20-.Ltmp9, $2  }
0x71e: {  	_ =	sdelay $0x2  }
0x71f: {  	v6 =	vshll.u32 v2, $0x3  }
0x720: {  	_ = 	snop  }
0x721: {  	v2 =	vor.u32 $0x1, v6  }
0x722: {  	v7 =	vor.u32 $0x2, v6;
	v8 =	vpop (erf)  }
0x723: {  	v4 =	vmul.f32 v8, v4  }
0x724: {  	v5 =	vmul.f32 v8, v5  }
0x725: {  	v3 =	vmul.f32 v8, v3;
	[tilespmem:v6+s6+$0x0] =	vst.idx.msk $0xffff, v4  }
0x726: {  	[tilespmem:v2+s6+$0x0] =	vst.idx.msk $0xffff, v5  }
0x727: {  	s12 =	simm.s32 $0x0;
	s13 =	rddreg [dreg:$0x14];
	[tilespmem:v7+s6+$0x0] =	vst.idx.msk $0xffff, v3  }
0x728: {  	[hbm4b:s13+s12] =	stream.linear.scatter [tilespmem:s6], [sflag:$0x3], $0x1400, $0x38;
	[tilespmem:$0xEC10] =	vst v63  }
0x729: {  	_ =	swait.ge [sflag:s7], $0x400  }
0x72a: {  	[sflag:s7] =	ssyncset.done $0x0  }
0x72b: {  	[sflag:s7] =	ssyncadd.s32 $0xFFFFFC00  }
0x72c: {  	_ =	swait.ge [sflag:s7], $0x400  }
0x72d: {  	[sflag:s7] =	ssyncset.done $0x0  }
0x72e: {  	[sflag:s7] =	ssyncadd.s32 $0xFFFFFC00  }
0x72f: {  	_ =	swait.ge [sflag:s7], $0x400  }
0x730: {  	[sflag:s7] =	ssyncset.done $0x0  }
0x731: {  	[sflag:s7] =	ssyncadd.s32 $0xFFFFFC00  }
0x732: {  	_ =	swait.ge [sflag:s7], $0x400  }
0x733: {  	[sflag:s7] =	ssyncset.done $0x0  }
0x734: {  	[sflag:s7] =	ssyncadd.s32 $0xFFFFFC00  }
0x735: {  	_ =	swait.ge [sflag:s7], $0x400  }
0x736: {  	[sflag:s7] =	ssyncset.done $0x0  }
0x737: {  	[sflag:s7] =	ssyncadd.s32 $0xFFFFFC00  }
0x738: {  	_ =	swait.ge [sflag:s7], $0x400  }
0x739: {  	[sflag:s7] =	ssyncset.done $0x0  }
0x73a: {  	[sflag:s7] =	ssyncadd.s32 $0xFFFFFC00  }
0x73b: {  	_ =	swait.ge [sflag:s7], $0x400  }
0x73c: {  	[sflag:s7] =	ssyncset.done $0x0  }
0x73d: {  	[sflag:s7] =	ssyncadd.s32 $0xFFFFFC00  }
0x73e: {  	_ =	swait.ge [sflag:s7], $0x400  }
0x73f: {  	[sflag:s7] =	ssyncset.done $0x0  }
0x740: {  	[sflag:s7] =	ssyncadd.s32 $0xFFFFFC00  }
0x741: {  	_ =	swait.ge [sflag:s7], $0x400  }
0x742: {  	[sflag:s7] =	ssyncset.done $0x0  }
0x743: {  	[sflag:s7] =	ssyncadd.s32 $0xFFFFFC00  }
0x744: {  	_ =	swait.ge [sflag:s7], $0x400  }
0x745: {  	[sflag:s7] =	ssyncset.done $0x0  }
0x746: {  	[sflag:s7] =	ssyncadd.s32 $0xFFFFFC00  }
0x747: {  	_ =	swait.ge [sflag:s7], $0x400  }
0x748: {  	[sflag:s7] =	ssyncset.done $0x0  }
0x749: {  	[sflag:s7] =	ssyncadd.s32 $0xFFFFFC00  }
0x74a: {  	_ =	swait.ge [sflag:s7], $0x400  }
0x74b: {  	[sflag:s7] =	ssyncset.done $0x0  }
0x74c: {  	[sflag:s7] =	ssyncadd.s32 $0xFFFFFC00  }
0x74d: {  	_ =	swait.ge [sflag:s7], $0x400  }
0x74e: {  	[sflag:s7] =	ssyncset.done $0x0  }
0x74f: {  	[sflag:s7] =	ssyncadd.s32 $0xFFFFFC00  }
0x750: {  	_ =	swait.ge [sflag:s7], $0x400  }
0x751: {  	[sflag:s7] =	ssyncset.done $0x0  }
0x752: {  	v2 =	vor.u32 s12, v0;
	[sflag:s7] =	ssyncadd.s32 $0xFFFFFC00  }
0x753: {  	v3 =	vmul.u32 $0x18, v2;
	_ =	swait.ge [sflag:s7], $0x400  }
0x754: {  	[sflag:s7] =	ssyncset.done $0x0  }
0x755: {  	v4 =	vor.u32 $0x1, v3;
	[sflag:s7] =	ssyncadd.s32 $0xFFFFFC00  }
0x756: {  	v5 =	vadd.s32 $0x12, v3;
	_ =	swait.ge [sflag:s10], $0x1400  }
0x757: {  	v6 =	vor.u32 $0x2, v3;
	[sflag:s10] =	ssyncset.done $0x0  }
0x758: {  	v7 =	vadd.s32 $0x11, v3;
	[sflag:s10] =	ssyncadd.s32 $0xFFFFEC00  }
0x759: {  	v9 =	vadd.s32 $0xA, v3;
	v8 =	vld.idx.msk [tilespmem:v3+s16+$0x0], $0xffff  }
0x75a: {  	v10 =	vadd.s32 $0x8, v3;
	v4 =	vld.idx.msk [tilespmem:v4+s16+$0x0], $0xffff  }
0x75b: {  	v11 =	vadd.s32 $0x9, v3;
	v5 =	vld.idx.msk [tilespmem:v5+s16+$0x0], $0xffff  }
0x75c: {  	v3 =	vadd.s32 $0x10, v3;
	v6 =	vld.idx.msk [tilespmem:v6+s16+$0x0], $0xffff  }
0x75d: {  	v7 =	vld.idx.msk [tilespmem:v7+s16+$0x0], $0xffff  }
0x75e: {  	v9 =	vld.idx.msk [tilespmem:v9+s16+$0x0], $0xffff  }
0x75f: {  	v10 =	vld.idx.msk [tilespmem:v10+s16+$0x0], $0xffff  }
0x760: {  	v11 =	vld.idx.msk [tilespmem:v11+s16+$0x0], $0xffff  }
0x761: {  	v3 =	vld.idx.msk [tilespmem:v3+s16+$0x0], $0xffff;
	_ =	sdelay $0x2  }
0x762: {  	v9 =	vsub.f32 v9, v6;
	v7 =	vsub.f32 v7, v4  }
0x763: {  	v10 =	vsub.f32 v10, v8;
	v5 =	vsub.f32 v5, v6  }
0x764: {  	v4 =	vsub.f32 v11, v4;
	v3 =	vsub.f32 v3, v8  }
0x765: {  	v6 =	vmul.f32 v7, v9;
	v8 =	vmul.f32 v5, v10  }
0x766: {  	v5 =	vmul.f32 v5, v4;
	v9 =	vmul.f32 v3, v9  }
0x767: {  	v7 =	vmul.f32 v7, v10  }
0x768: {  	v3 =	vmul.f32 v3, v4;
	v4 =	vsub.f32 v5, v6;
	v5 =	vsub.f32 v9, v8;
	_ =	sdelay $0x1  }
0x769: {  	v3 =	vsub.f32 v7, v3;
	v6 =	vmul.f32 v4, v4;
	v7 =	vmul.f32 v5, v5;
	_ =	sdelay $0x1  }
0x76a: {  	v8 =	vmul.f32 v3, v3;
	v6 =	vadd.f32 v7, v6;
	_ =	sdelay $0x1  }
0x76b: {  	v6 =	vadd.f32 v6, v8;
	_ =	sdelay $0x1  }
0x76c: {  	v7 =	vshrl.u32 v6, $0x1;
	v8 =	vmul.f32 $5.000000000e-01, v6  }
0x76d: {  	v7 =	vsub.s32 $0x5F3759DF, v7  }
0x76e: {  	v63 =	vmul.f32 v7, v8;
	_ =	sdelay $0x1  }
0x76f: {  	v9 =	vmul.f32 v7, v63;
	_ =	sdelay $0x1  }
0x770: {  	v9 =	vsub.f32 $1.500000000e+00, v9;
	_ =	sdelay $0x1  }
0x771: {  	v7 =	vmul.f32 v7, v9;
	_ =	sdelay $0x1  }
0x772: {  	v9 =	vmul.f32 v7, v8;
	_ =	sdelay $0x1  }
0x773: {  	v9 =	vmul.f32 v9, v7;
	_ =	sdelay $0x1  }
0x774: {  	v9 =	vsub.f32 $1.500000000e+00, v9;
	_ =	sdelay $0x1  }
0x775: {  	v7 =	vmul.f32 v9, v7;
	_ =	sdelay $0x1  }
0x776: {  	v8 =	vmul.f32 v7, v8;
	_ =	sdelay $0x1  }
0x777: {  	v8 =	vmul.f32 v8, v7;
	_ =	sdelay $0x1  }
0x778: {  	v8 =	vsub.f32 $1.500000000e+00, v8;
	_ =	sdelay $0x1  }
0x779: {  	v7 =	vmul.f32 v8, v7;
	_ =	sdelay $0x1  }
0x77a: {  	v6 =	vmul.f32 v7, v6;
	_ =	sdelay $0x1  }
0x77b: {  	v6 =	vmax.f32 v6, $9.999999970e-07  }
0x77c: {  	(erf) = vrcp.f32 v6;
	_ =	sdelay $0x5  }
0x77d: {  	s12 =	simm.s32 $0x10;
	v6 =	vshll.u32 v2, $0x3  }
.LBB2_22:
0x77e: {  	p1 =	sne.s32 s12, $0x270;
	v7 =	vor.u32 $0x1, v6;
	s13 =	smov.u32 s12;
	s12 =	sadd.s32 $0x10, s12  }
0x77f: {  	v8 =	vor.u32 $0x2, v6;
	v2 =	vor.u32 s13, v0  }
0x780: {  	v9 =	vmul.u32 $0x18, v2;
	v10 =	vpop (erf)  }
0x781: {  	v4 =	vmul.f32 v10, v4;
	v5 =	vmul.f32 v10, v5  }
0x782: {  	v3 =	vmul.f32 v10, v3;
	v11 =	vor.u32 $0x1, v9;
	v12 =	vor.u32 $0x2, v9  }
0x783: {  	v10 =	vadd.s32 $0x8, v9;
	v13 =	vadd.s32 $0x9, v9;
	v14 =	vadd.s32 $0x12, v9;
	[tilespmem:v6+s8+$0x0] =	vst.idx.msk $0xffff, v4  }
0x784: {  	v4 =	vadd.s32 $0x10, v9;
	v6 =	vadd.s32 $0x11, v9;
	[tilespmem:v7+s8+$0x0] =	vst.idx.msk $0xffff, v5  }
0x785: {  	[tilespmem:v8+s8+$0x0] =	vst.idx.msk $0xffff, v3  }
0x786: {  	v5 =	vadd.s32 $0xA, v9;
	v3 =	vld.idx.msk [tilespmem:v9+s16+$0x0], $0xffff  }
0x787: {  	v7 =	vld.idx.msk [tilespmem:v11+s16+$0x0], $0xffff  }
0x788: {  	v8 =	vld.idx.msk [tilespmem:v14+s16+$0x0], $0xffff  }
0x789: {  	v9 =	vld.idx.msk [tilespmem:v12+s16+$0x0], $0xffff  }
0x78a: {  	v6 =	vld.idx.msk [tilespmem:v6+s16+$0x0], $0xffff  }
0x78b: {  	v5 =	vld.idx.msk [tilespmem:v5+s16+$0x0], $0xffff  }
0x78c: {  	v10 =	vld.idx.msk [tilespmem:v10+s16+$0x0], $0xffff  }
0x78d: {  	v11 =	vld.idx.msk [tilespmem:v13+s16+$0x0], $0xffff  }
0x78e: {  	v4 =	vld.idx.msk [tilespmem:v4+s16+$0x0], $0xffff;
	_ =	sdelay $0x2  }
0x78f: {  	v6 =	vsub.f32 v6, v7;
	v5 =	vsub.f32 v5, v9  }
0x790: {  	v8 =	vsub.f32 v8, v9;
	v10 =	vsub.f32 v10, v3  }
0x791: {  	v7 =	vsub.f32 v11, v7;
	v9 =	vmul.f32 v6, v5  }
0x792: {  	v3 =	vsub.f32 v4, v3;
	v11 =	vmul.f32 v8, v10;
	v6 =	vmul.f32 v6, v10  }
0x793: {  	v4 =	vmul.f32 v8, v7  }
0x794: {  	v5 =	vmul.f32 v3, v5;
	v3 =	vmul.f32 v3, v7  }
0x795: {  	v4 =	vsub.f32 v4, v9  }
0x796: {  	v5 =	vsub.f32 v5, v11;
	v3 =	vsub.f32 v6, v3  }
0x797: {  	v6 =	vmul.f32 v4, v4  }
0x798: {  	v7 =	vmul.f32 v5, v5  }
0x799: {  	v8 =	vmul.f32 v3, v3  }
0x79a: {  	v6 =	vadd.f32 v7, v6;
	_ =	sdelay $0x1  }
0x79b: {  	v6 =	vadd.f32 v6, v8;
	_ =	sdelay $0x1  }
0x79c: {  	v7 =	vshrl.u32 v6, $0x1;
	v8 =	vmul.f32 $5.000000000e-01, v6  }
0x79d: {  	v7 =	vsub.s32 $0x5F3759DF, v7  }
0x79e: {  	v9 =	vmul.f32 v7, v8;
	_ =	sdelay $0x1  }
0x79f: {  	v9 =	vmul.f32 v7, v9;
	_ =	sdelay $0x1  }
0x7a0: {  	v9 =	vsub.f32 $1.500000000e+00, v9;
	_ =	sdelay $0x1  }
0x7a1: {  	v7 =	vmul.f32 v7, v9;
	_ =	sdelay $0x1  }
0x7a2: {  	v9 =	vmul.f32 v7, v8;
	_ =	sdelay $0x1  }
0x7a3: {  	v9 =	vmul.f32 v9, v7;
	_ =	sdelay $0x1  }
0x7a4: {  	v9 =	vsub.f32 $1.500000000e+00, v9;
	_ =	sdelay $0x1  }
0x7a5: {  	v7 =	vmul.f32 v9, v7;
	_ =	sdelay $0x1  }
0x7a6: {  	v8 =	vmul.f32 v7, v8;
	_ =	sdelay $0x1  }
0x7a7: {  	v8 =	vmul.f32 v8, v7;
	_ =	sdelay $0x1  }
0x7a8: {  	v8 =	vsub.f32 $1.500000000e+00, v8;
	_ =	sdelay $0x1  }
0x7a9: {  	v7 =	vmul.f32 v8, v7;
	_ =	sdelay $0x1  }
0x7aa: {  	v6 =	vmul.f32 v7, v6;
	_ =	sdelay $0x1  }
0x7ab: {  	v6 =	vmax.f32 v6, $9.999999970e-07  }
0x7ac: {  	(erf) = vrcp.f32 v6;
	_ =	sdelay $0x1  }
.Ltmp10:
0x7ad: {  	(pc) =	sbr.rel @p1 .LBB2_22-.Ltmp10, $2  }
0x7ae: {  	_ =	sdelay $0x2  }
0x7af: {  	v6 =	vshll.u32 v2, $0x3  }
0x7b0: {  	_ = 	snop  }
0x7b1: {  	v2 =	vor.u32 $0x1, v6  }
0x7b2: {  	v7 =	vor.u32 $0x2, v6;
	v8 =	vpop (erf)  }
0x7b3: {  	v4 =	vmul.f32 v8, v4  }
0x7b4: {  	v5 =	vmul.f32 v8, v5  }
0x7b5: {  	v3 =	vmul.f32 v8, v3;
	[tilespmem:v6+s8+$0x0] =	vst.idx.msk $0xffff, v4  }
0x7b6: {  	[tilespmem:v2+s8+$0x0] =	vst.idx.msk $0xffff, v5  }
0x7b7: {  	s12 =	rddreg [dreg:$0x15];
	[tilespmem:v7+s8+$0x0] =	vst.idx.msk $0xffff, v3  }
0x7b8: {  	[hbm4b:s12+s2] =	stream.linear.scatter [tilespmem:s8], [sflag:$0x4], $0xF40, $0x38;
	[tilespmem:$0xEC10] =	vst v63  }
0x7b9: {  	_ =	swait.ge [sflag:s9], $0x1400  }
0x7ba: {  	[sflag:s9] =	ssyncset.done $0x0  }
0x7bb: {  	[sflag:s9] =	ssyncadd.s32 $0xFFFFEC00  }
0x7bc: {  	_ =	swait.ge [sflag:s10], $0xF40  }
0x7bd: {  	s13 =	simm.s32 @!p0 $0xE750;
	[sflag:s10] =	ssyncset.done $0x0  }
0x7be: {  	s12 =	simm.s32 @!p0 $0x0;
	s14 =	rddreg [dreg:$0x16];
	[sflag:s10] =	ssyncadd.s32 $0xFFFFF0C0  }
0x7bf: {  	[hbm4b:s14+s12] =	stream.linear.scatter @!p0 [tilespmem:s13], [sflag:$0x5], $0x200, $0x38;
	[tilespmem:$0xEC10] =	vst v63  }
0x7c0: {  	s12 =	simm.s32 @!p0 $0x5  }
0x7c1: {  	_ =	swait.ge @!p0 [sflag:s12], $0x200  }
0x7c2: {  	s11 =	sadd.s32 $0x1, s11;
	s15 =	rddreg [dreg:$0x17]  }
0x7c3: {  	p1 =	sne.s32 s11, s15  }
.Ltmp11:
0x7c4: {  	_ = 	snop;
	(pc) =	sbr.rel @p1 .LBB2_1-.Ltmp11, $3  }
0x7c5: {  	_ =	sdelay $0x1  }
0x7c6: {  	[sflag:s12] =	ssyncset.done @!p0 $0x0  }
0x7c7: {  	s14 =	simm.s32 $0x5010;
	[sflag:s12] =	ssyncadd.s32 @!p0 $0xFFFFFE00  }
0x7c8: {  	_ =	sfence.sel $0x180000  }
0x7c9: {  	[bflag:$0x0] =	sbarrier.arrive $0xFFFF  }
0x7ca: {  	_ =	strace $0x90000047  }
0x7cb: {  	s0 =	stileid.u32;
	[bflag:$0x2] =	sbarrier.arrive $0xFFFF  }
0x7cc: {  	p0 =	sne.s32 s0, $0x0;
	s0 =	rddreg [dreg:$0x2]  }
0x7cd: {  	s0 =	sadd.s32 @!p0 $0x100000, s0  }
0x7ce: {  	[sflag:s0] =	ssyncadd.tile.s32 @!p0 $0x1;
	_ =	shalt  }
.Lfunc_end2:
_tile_overlayer_lowered:
.L_overlay_start_2:
0x7cf: {  	(tag) =	ssettag $0x2  }
0x7d0: {  	s0 =	rddreg [dreg:$0x0];
	s2 =	stileid.u32  }
0x7d1: {  	s1 =	rddreg [dreg:$0x1];
	p0 =	sne.s32 s2, $0x0  }
0x7d2: {  	s3 =	rddreg [dreg:$0x2];
	[bflag:$0x3] =	sbarrier.arrive $0xFFFF;
	s2 =	simm.s32 @!p0 $0x1C05  }
0x7d3: {  	[timem:s3], [sflag:s2] =	dma.local @!p0 [hbm:s0], s1  }
0x7d4: {  	s0 =	simm.s32 @!p0 $0x5  }
0x7d5: {  	_ =	swait.ge @!p0 [sflag:s0], s1  }
0x7d6: {  	s1 =	ssub.s32 @!p0 $0x0, s1;
	[sflag:s0] =	ssyncset.done @!p0 $0x0  }
0x7d7: {  	[sflag:s0] =	ssyncadd.s32 @!p0 s1  }
0x7d8: {  	[bflag:$0x3] =	sbarrier.arrive $0xFFFF  }
0x7d9: {  	_ =	shalt  }

</sc_bundles>
